<compile_context>
chip_gen: v7x
topology: tpu7x:2x2x1
jax: 0.10.2.dev20260603
libtpu: 0.0.44.dev20260713+nightly
codegen_flags: <defaults>
</compile_context>

<pallas_src>
import jax
import jax.numpy as jnp
from jax import lax
from jax.experimental import pallas as pl
from jax.experimental.pallas import tpu as pltpu
from jax.experimental.pallas import tpu_sc as plsc

N = 50000
E = 800000
R = 4
D_IN = 16
D_H = 32

NC = 2
NS = 16
NW = NC * NS
CHUNK = 128
E_PAD = 819200
CH_TOTAL = E_PAD // CHUNK
CH_PER_TILE = CH_TOTAL // NW
K = 5
SG = 20
NSG0 = 1
NSG1 = 1
N_ACC = 51200
ZROWS = N_ACC // NS
ZCH = ZROWS // CHUNK

EROWS_IN = E // CHUNK
PB_IN = EROWS_IN
PB_OUT = CH_TOTAL
PGRID = 1

BN = 2000
GRID_N = N // BN



def _sc_body(keys_hbm, dst_hbm, table_hbm, zeros_hbm, out_hbm,
             keysb, dstb, rows_v, agg_sh, gsem, ssem, zsem):
  c = lax.axis_index("c")
  s = lax.axis_index("s")
  tid = c * NS + s
  zbase = s * ZROWS

  pltpu.sync_copy(zeros_hbm, rows_v.at[0])

  def zgroup(i, carry):
    ds = []
    for b in range(K):
      r0 = pl.multiple_of(zbase + (i * K + b) * CHUNK, CHUNK)
      ds.append(pltpu.async_copy(rows_v.at[0], agg_sh.at[pl.ds(r0, CHUNK)],
                                 zsem))
    for d in ds:
      d.wait()
    return carry

  lax.fori_loop(0, ZCH // K, zgroup, 0)
  r0 = pl.multiple_of(zbase + (ZCH // K) * K * CHUNK, CHUNK)
  pltpu.sync_copy(rows_v.at[0], agg_sh.at[pl.ds(r0, CHUNK)])

  nsg = jnp.where(c == 0, NSG0, NSG1)
  cbase = pl.multiple_of(
      jnp.where(c == 0, s * (NSG0 * SG),
                16 * NSG0 * SG + s * (NSG1 * SG)), 8)
  plsc.subcore_barrier()

  def sg_body(sg, carry):
    i0 = pl.multiple_of(cbase + sg * SG, 8)
    pltpu.sync_copy(keys_hbm.at[pl.ds(i0, SG)], keysb)
    pltpu.sync_copy(dst_hbm.at[pl.ds(i0, SG)], dstb)

    def group_body(g, carry2):
      gds = [pltpu.async_copy(table_hbm.at[keysb.at[g * K + b]],
                              rows_v.at[b], gsem) for b in range(K)]
      for d in gds:
        d.wait()
      sds = [pltpu.async_copy(rows_v.at[b], agg_sh.at[dstb.at[g * K + b]],
                              ssem, add=True) for b in range(K)]
      for d in sds:
        d.wait()
      return carry2

    lax.fori_loop(0, SG // K, group_body, 0)
    return carry

  lax.fori_loop(0, nsg, sg_body, 0)
  plsc.subcore_barrier()

  obase = c * N_ACC + s * ZROWS

  def ogroup(i, carry):
    ds = []
    for b in range(K):
      r0 = pl.multiple_of(zbase + (i * K + b) * CHUNK, CHUNK)
      ds.append(pltpu.async_copy(agg_sh.at[pl.ds(r0, CHUNK)], rows_v.at[b],
                                 zsem))
    for d in ds:
      d.wait()
    ds = []
    for b in range(K):
      o0 = pl.multiple_of(obase + (i * K + b) * CHUNK, CHUNK)
      ds.append(pltpu.async_copy(rows_v.at[b], out_hbm.at[pl.ds(o0, CHUNK)],
                                 zsem))
    for d in ds:
      d.wait()
    return carry

  lax.fori_loop(0, ZCH // K, ogroup, 0)
  r0 = pl.multiple_of(zbase + (ZCH // K) * K * CHUNK, CHUNK)
  o0 = pl.multiple_of(obase + (ZCH // K) * K * CHUNK, CHUNK)
  pltpu.sync_copy(agg_sh.at[pl.ds(r0, CHUNK)], rows_v.at[0])
  pltpu.sync_copy(rows_v.at[0], out_hbm.at[pl.ds(o0, CHUNK)])


_sc_segsum = pl.kernel(
    _sc_body,
    out_type=jax.ShapeDtypeStruct((NC * N_ACC, D_H), jnp.float32),
    mesh=plsc.VectorSubcoreMesh(core_axis_name="c", subcore_axis_name="s"),
    scratch_types=[
        pltpu.VMEM((SG, CHUNK), jnp.int32),
        pltpu.VMEM((SG, CHUNK), jnp.int32),
        pltpu.VMEM((K, CHUNK, D_H), jnp.float32),
        pltpu.VMEM_SHARED((N_ACC, D_H), jnp.float32),
        pltpu.SemaphoreType.DMA,
        pltpu.SemaphoreType.DMA,
        pltpu.SemaphoreType.DMA,
    ],
    compiler_params=pltpu.CompilerParams(use_tc_tiling_on_sc=False),
)



def _prep_body(src_ref, dst_ref, et_ref, keys_ref, dstp_ref):
  keys = et_ref[...] * N + src_ref[...]
  pad_k = jnp.zeros((PB_OUT - PB_IN, CHUNK), jnp.int32)
  flat = jax.lax.broadcasted_iota(jnp.int32, (PB_OUT - PB_IN, CHUNK), 0) \
      * CHUNK + jax.lax.broadcasted_iota(
          jnp.int32, (PB_OUT - PB_IN, CHUNK), 1)
  pad_d = N + (flat % (N_ACC - N))
  keys_ref[...] = jnp.concatenate([keys, pad_k], axis=0)
  dstp_ref[...] = jnp.concatenate([dst_ref[...], pad_d], axis=0)


def _prep_edges(src2d, dst2d, et2d):
  return pl.pallas_call(
      _prep_body,
      grid=(PGRID,),
      in_specs=[
          pl.BlockSpec((PB_IN, CHUNK), lambda i: (i, 0)),
          pl.BlockSpec((PB_IN, CHUNK), lambda i: (i, 0)),
          pl.BlockSpec((PB_IN, CHUNK), lambda i: (i, 0)),
      ],
      out_specs=[
          pl.BlockSpec((PB_OUT, CHUNK), lambda i: (i, 0)),
          pl.BlockSpec((PB_OUT, CHUNK), lambda i: (i, 0)),
      ],
      out_shape=[
          jax.ShapeDtypeStruct((CH_TOTAL, CHUNK), jnp.int32),
          jax.ShapeDtypeStruct((CH_TOTAL, CHUNK), jnp.int32),
      ],
  )(src2d, dst2d, et2d)


def _transform1_body(x_ref, wr_ref, t_ref):
  xb = x_ref[...]
  for r in range(R):
    t_ref[r] = jnp.dot(xb, wr_ref[r], preferred_element_type=jnp.float32)


def _transform1(x, Wr1):
  return pl.pallas_call(
      _transform1_body,
      grid=(GRID_N,),
      in_specs=[
          pl.BlockSpec((BN, D_IN), lambda i: (i, 0)),
          pl.BlockSpec((R, D_IN, D_H), lambda i: (0, 0, 0)),
      ],
      out_specs=pl.BlockSpec((R, BN, D_H), lambda i: (0, i, 0)),
      out_shape=jax.ShapeDtypeStruct((R, N, D_H), jnp.float32),
  )(x, Wr1)


def _mid_body(a_ref, b_ref, x_ref, ws_ref, bias_ref, wr_ref, h_ref, t_ref):
  agg = a_ref[0] + b_ref[0]
  h = jnp.tanh(agg + jnp.dot(x_ref[...], ws_ref[...],
                             preferred_element_type=jnp.float32)
               + bias_ref[...])
  h_ref[...] = h
  for r in range(R):
    t_ref[r] = jnp.dot(h, wr_ref[r], preferred_element_type=jnp.float32)


def _layer_mid(aggp, x, Ws1, b1, Wr2):
  return pl.pallas_call(
      _mid_body,
      grid=(GRID_N,),
      in_specs=[
          pl.BlockSpec((1, BN, D_H), lambda i: (0, i, 0)),
          pl.BlockSpec((1, BN, D_H), lambda i: (1, i, 0)),
          pl.BlockSpec((BN, D_IN), lambda i: (i, 0)),
          pl.BlockSpec((D_IN, D_H), lambda i: (0, 0)),
          pl.BlockSpec((1, D_H), lambda i: (0, 0)),
          pl.BlockSpec((R, D_H, D_H), lambda i: (0, 0, 0)),
      ],
      out_specs=[
          pl.BlockSpec((BN, D_H), lambda i: (i, 0)),
          pl.BlockSpec((R, BN, D_H), lambda i: (0, i, 0)),
      ],
      out_shape=[
          jax.ShapeDtypeStruct((N, D_H), jnp.float32),
          jax.ShapeDtypeStruct((R, N, D_H), jnp.float32),
      ],
  )(aggp, aggp, x, Ws1, b1, Wr2)


def _head_body(a_ref, b_ref, h1_ref, x_ref, ws_ref, bias_ref,
               wi1a_ref, wi1b_ref, bi1_ref, wi2_ref, bi2_ref,
               wj1a_ref, wj1b_ref, bj1_ref, wj2_ref, bj2_ref,
               wf1_ref, bf1_ref, wf2_ref, bf2_ref,
               out_ref, acc_ref):
  i = pl.program_id(0)

  @pl.when(i == 0)
  def _():
    acc_ref[...] = jnp.zeros_like(acc_ref)

  agg = a_ref[0] + b_ref[0]
  h1 = h1_ref[...]
  xb = x_ref[...]
  h2 = jnp.tanh(agg + jnp.dot(h1, ws_ref[...],
                              preferred_element_type=jnp.float32)
                + bias_ref[...])
  u = jnp.maximum(
      jnp.dot(xb, wi1a_ref[...], preferred_element_type=jnp.float32)
      + jnp.dot(h2, wi1b_ref[...], preferred_element_type=jnp.float32)
      + bi1_ref[...], 0.0)
  io = jax.nn.sigmoid(jnp.dot(u, wi2_ref[...],
                              preferred_element_type=jnp.float32)
                      + bi2_ref[...])
  v = jnp.maximum(
      jnp.dot(xb, wj1a_ref[...], preferred_element_type=jnp.float32)
      + jnp.dot(h2, wj1b_ref[...], preferred_element_type=jnp.float32)
      + bj1_ref[...], 0.0)
  jo = jnp.tanh(jnp.dot(v, wj2_ref[...], preferred_element_type=jnp.float32)
                + bj2_ref[...])
  p = jnp.sum(io * jo, axis=0, keepdims=True)
  acc_ref[0:1, 0:D_H] = acc_ref[0:1, 0:D_H] + p

  @pl.when(i == GRID_N - 1)
  def _():
    g = jnp.tanh(acc_ref[0:1, 0:D_H])
    f = jnp.maximum(
        jnp.dot(g, wf1_ref[...], preferred_element_type=jnp.float32)
        + bf1_ref[...], 0.0)
    out_ref[...] = (jnp.dot(f, wf2_ref[...],
                            preferred_element_type=jnp.float32)
                    + bf2_ref[...])


def _head(aggp, h1, x, Ws2, b2, Wi1a, Wi1b, bi1, Wi2, bi2,
          Wj1a, Wj1b, bj1, Wj2, bj2, Wf1, bf1, Wf2, bf2):
  full = lambda shape: pl.BlockSpec(shape, lambda i: tuple(0 for _ in shape))
  return pl.pallas_call(
      _head_body,
      grid=(GRID_N,),
      in_specs=[
          pl.BlockSpec((1, BN, D_H), lambda i: (0, i, 0)),
          pl.BlockSpec((1, BN, D_H), lambda i: (1, i, 0)),
          pl.BlockSpec((BN, D_H), lambda i: (i, 0)),
          pl.BlockSpec((BN, D_IN), lambda i: (i, 0)),
          full((D_H, D_H)), full((1, D_H)),
          full((D_IN, 64)), full((D_H, 64)), full((1, 64)),
          full((64, D_H)), full((1, D_H)),
          full((D_IN, 64)), full((D_H, 64)), full((1, 64)),
          full((64, D_H)), full((1, D_H)),
          full((D_H, 64)), full((1, 64)), full((64, 1)), full((1, 1)),
      ],
      out_specs=pl.BlockSpec((1, 1), lambda i: (0, 0)),
      out_shape=jax.ShapeDtypeStruct((1, 1), jnp.float32),
      scratch_shapes=[pltpu.VMEM((8, 128), jnp.float32)],
  )(aggp, aggp, h1, x, Ws2, b2, Wi1a, Wi1b, bi1, Wi2, bi2,
    Wj1a, Wj1b, bj1, Wj2, bj2, Wf1, bf1, Wf2, bf2)



def kernel(x, edge_index, edge_type, Wr1, Ws1, b1, Wr2, Ws2, b2,
           Wi1, bi1, Wi2, bi2, Wj1, bj1, Wj2, bj2, Wf1, bf1, Wf2, bf2):
  src2d = edge_index[0].reshape(EROWS_IN, CHUNK)
  dst2d = edge_index[1].reshape(EROWS_IN, CHUNK)
  et2d = edge_type.reshape(EROWS_IN, CHUNK)

  keys2d, dstp2d = _prep_edges(src2d, dst2d, et2d)
  zeros128 = jnp.zeros((CHUNK, D_H), jnp.float32)

  t1 = _transform1(x, Wr1)
  aggp1 = _sc_segsum(keys2d, dstp2d, t1.reshape(R * N, D_H), zeros128)
  h1, t2 = _layer_mid(aggp1.reshape(NC, N_ACC, D_H), x, Ws1,
                      b1.reshape(1, D_H), Wr2)
  aggp2 = _sc_segsum(keys2d, dstp2d, t2.reshape(R * N, D_H), zeros128)
  out = _head(aggp2.reshape(NC, N_ACC, D_H), h1, x, Ws2,
              b2.reshape(1, D_H),
              Wi1[:D_IN], Wi1[D_IN:], bi1.reshape(1, 64),
              Wi2, bi2.reshape(1, D_H),
              Wj1[:D_IN], Wj1[D_IN:], bj1.reshape(1, 64),
              Wj2, bj2.reshape(1, D_H),
              Wf1, bf1.reshape(1, 64), Wf2, bf2.reshape(1, 1))
  return out.reshape(1)

# --- scband reference (transcript-rebuilt; emitter-appended) ---
"""Pipeline reference for scband-discriminator-3693671875020 (READ-ONLY COPY).

The authoritative reference and input builder live on the scoring server;
editing this copy changes nothing except your own understanding.
"""

import jax, jax.numpy as jnp
import numpy as np

N = 50000
E = 800000
R = 4
IN_DIM = 16

def _w(key, shape):
    fan_in = shape[-2] if len(shape) > 1 else shape[-1]
    return jax.random.normal(key, shape, dtype=jnp.float32) / np.sqrt(fan_in)

def setup_inputs(seed: int = 0):
    key = jax.random.key(seed)
    ks = jax.random.split(key, 24)
    inp = {}
    inp["x"] = jax.random.normal(ks[0], (N, IN_DIM), dtype=jnp.float32)
    inp["edge_index"] = jax.random.randint(ks[1], (2, E), 0, N, dtype=jnp.int32)
    inp["edge_type"] = jax.random.randint(ks[2], (E,), 0, R, dtype=jnp.int32)
    inp["Wr1"] = _w(ks[3], (R, IN_DIM, 32))
    inp["Ws1"] = _w(ks[4], (IN_DIM, 32))
    inp["b1"] = jnp.zeros((32,), dtype=jnp.float32)
    inp["Wr2"] = _w(ks[5], (R, 32, 32))
    inp["Ws2"] = _w(ks[6], (32, 32))
    inp["b2"] = jnp.zeros((32,), dtype=jnp.float32)
    inp["Wi1"] = _w(ks[7], (48, 64))
    inp["bi1"] = jnp.zeros((64,), dtype=jnp.float32)
    inp["Wi2"] = _w(ks[8], (64, 32))
    inp["bi2"] = jnp.zeros((32,), dtype=jnp.float32)
    inp["Wj1"] = _w(ks[9], (48, 64))
    inp["bj1"] = jnp.zeros((64,), dtype=jnp.float32)
    inp["Wj2"] = _w(ks[10], (64, 32))
    inp["bj2"] = jnp.zeros((32,), dtype=jnp.float32)
    inp["Wf1"] = _w(ks[11], (32, 64))
    inp["bf1"] = jnp.zeros((64,), dtype=jnp.float32)
    inp["Wf2"] = _w(ks[12], (64, 1))
    inp["bf2"] = jnp.zeros((1,), dtype=jnp.float32)
    return inp

def _rgcn_layer(h, edge_index, edge_type, Wr, Ws, b, n_nodes):
    src = edge_index[0]
    dst = edge_index[1]
    # per-relation transform of node features, then gather per edge by (relation, src)
    transformed = jnp.einsum('ni,rio->rno', h, Wr)
    msgs = transformed[edge_type, src]
    agg = jax.ops.segment_sum(msgs, dst, num_segments=n_nodes)
    return jnp.tanh(agg + h @ Ws + b)

def reference(x, edge_index, edge_type, Wr1, Ws1, b1, Wr2, Ws2, b2, Wi1, bi1, Wi2, bi2, Wj1, bj1, Wj2, bj2, Wf1, bf1, Wf2, bf2):
    n = x.shape[0]
    h = _rgcn_layer(x, edge_index, edge_type, Wr1, Ws1, b1, n)
    h = _rgcn_layer(h, edge_index, edge_type, Wr2, Ws2, b2, n)
    h = jnp.concatenate([x, h], axis=-1)
    i_out = jax.nn.sigmoid(jax.nn.relu(h @ Wi1 + bi1) @ Wi2 + bi2)
    j_out = jnp.tanh(jax.nn.relu(h @ Wj1 + bj1) @ Wj2 + bj2)
    g = jnp.tanh(jnp.sum(i_out * j_out, axis=-2))
    out = jax.nn.relu(g @ Wf1 + bf1) @ Wf2 + bf2
    return out

if __name__ == "__main__":
    import jax
    _d = setup_inputs()
    print(jax.jit(kernel)(*tuple(_d.values())))

</pallas_src>

<mosaic_0001>
#map = affine_map<(d0, d1) -> (0, 0)>
module attributes {stable_mosaic.version = 14 : i64} {
  func.func @_sc_body(%arg0: i32, %arg1: i32, %arg2: memref<6400x128xi32, #tpu.memory_space<hbm>>, %arg3: memref<6400x128xi32, #tpu.memory_space<hbm>>, %arg4: memref<200000x32xf32, #tpu.memory_space<hbm>>, %arg5: memref<128x32xf32, #tpu.memory_space<hbm>>, %arg6: memref<102400x32xf32, #tpu.memory_space<hbm>>, %arg7: memref<20x128xi32, #tpu.memory_space<vmem>>, %arg8: memref<20x128xi32, #tpu.memory_space<vmem>>, %arg9: memref<5x128x32xf32, #tpu.memory_space<vmem>>, %arg10: memref<51200x32xf32, #tpu.memory_space<vmem_shared>>, %arg11: memref<!tpu.dma_semaphore, #tpu.memory_space<semaphore_mem>>, %arg12: memref<!tpu.dma_semaphore, #tpu.memory_space<semaphore_mem>>, %arg13: memref<!tpu.dma_semaphore, #tpu.memory_space<semaphore_mem>>) attributes {dimension_semantics = [#tpu.dimension_semantics<core_parallel>, #tpu.dimension_semantics<subcore_parallel>], iteration_bounds = array<i64: 2, 16>, scalar_prefetch = 0 : i64, scratch_operands = 7 : i64, tpu.core_type = #tpu.core_type<sc_vector_subcore>, window_params = [{transform_indices = #map}, {transform_indices = #map}, {transform_indices = #map}, {transform_indices = #map}, {transform_indices = #map}]} {
    %mul3A = arith.constant 16 : i32
    %mul3A_0 = arith.muli %arg0, %mul3A : i32
    %add3A = arith.addi %mul3A_0, %arg1 : i32
    %mul3A_1 = arith.constant 3200 : i32
    %mul3A_2 = arith.muli %arg1, %mul3A_1 : i32
    %run_scoped3A = arith.constant 0 : i32
    "tpu.region"() ({
      %run_scoped3A_52 = tpu.sem_alloc : memref<!tpu.dma_semaphore, #tpu.memory_space<semaphore_mem>>
      %dma_start3A = arith.constant 0 : i32
      %dma_start3A_53 = arith.constant 0 : i32
      %dma_start3A_54 = tpu.memref_slice %arg9[%run_scoped3A, %dma_start3A, %dma_start3A_53] : memref<5x128x32xf32, #tpu.memory_space<vmem>> -> memref<1x128x32xf32, #tpu.memory_space<vmem>>
      %dma_start3A_55 = tpu.memref_squeeze %dma_start3A_54 : memref<1x128x32xf32, #tpu.memory_space<vmem>> -> memref<128x32xf32, #tpu.memory_space<vmem>>
      %dma_start3A_56 = arith.constant 0 : i32
      %dma_start3A_57 = arith.constant 0 : i32
      %dma_start3A_58 = tpu.memref_slice %arg9[%run_scoped3A, %dma_start3A_56, %dma_start3A_57] : memref<5x128x32xf32, #tpu.memory_space<vmem>> -> memref<1x128x32xf32, #tpu.memory_space<vmem>>
      %dma_start3A_59 = tpu.memref_squeeze %dma_start3A_58 : memref<1x128x32xf32, #tpu.memory_space<vmem>> -> memref<128x32xf32, #tpu.memory_space<vmem>>
      tpu.enqueue_dma source(%arg5 : memref<128x32xf32, #tpu.memory_space<hbm>>) target(%dma_start3A_59 : memref<128x32xf32, #tpu.memory_space<vmem>>) target_semaphore(%run_scoped3A_52 : memref<!tpu.dma_semaphore, #tpu.memory_space<semaphore_mem>>)
      %dma_wait3A = arith.constant 0 : i32
      %dma_wait3A_60 = arith.constant 0 : i32
      %dma_wait3A_61 = tpu.memref_slice %arg9[%run_scoped3A, %dma_wait3A, %dma_wait3A_60] : memref<5x128x32xf32, #tpu.memory_space<vmem>> -> memref<1x128x32xf32, #tpu.memory_space<vmem>>
      %dma_wait3A_62 = tpu.memref_squeeze %dma_wait3A_61 : memref<1x128x32xf32, #tpu.memory_space<vmem>> -> memref<128x32xf32, #tpu.memory_space<vmem>>
      %dma_wait3A_63 = arith.constant 0 : i32
      %dma_wait3A_64 = arith.constant 0 : i32
      %dma_wait3A_65 = tpu.memref_slice %arg9[%run_scoped3A, %dma_wait3A_63, %dma_wait3A_64] : memref<5x128x32xf32, #tpu.memory_space<vmem>> -> memref<1x128x32xf32, #tpu.memory_space<vmem>>
      %dma_wait3A_66 = tpu.memref_squeeze %dma_wait3A_65 : memref<1x128x32xf32, #tpu.memory_space<vmem>> -> memref<128x32xf32, #tpu.memory_space<vmem>>
      tpu.wait_dma2 semaphore(%run_scoped3A_52 : memref<!tpu.dma_semaphore, #tpu.memory_space<semaphore_mem>>) src(%arg5 : memref<128x32xf32, #tpu.memory_space<hbm>>) dst(%dma_wait3A_66 : memref<128x32xf32, #tpu.memory_space<vmem>>)
      tpu.yield
    }) : () -> ()
    %scan3A = arith.constant 0 : i32
    %scan3A_3 = arith.constant 0 : i32
    %scan3A_4 = arith.constant 5 : i32
    %scan3A_5 = arith.addi %scan3A_3, %scan3A_4 : i32
    %scan3A_6 = arith.constant 1 : i32
    scf.for %scan3A_52 = %scan3A_3 to %scan3A_5 step %scan3A_6  : i32 {
      %mul3A_53 = arith.constant 5 : i32
      %mul3A_54 = arith.muli %scan3A_52, %mul3A_53 : i32
      %add3A_55 = arith.constant 0 : i32
      %add3A_56 = arith.addi %mul3A_54, %add3A_55 : i32
      %mul3A_57 = arith.constant 128 : i32
      %mul3A_58 = arith.muli %add3A_56, %mul3A_57 : i32
      %add3A_59 = arith.addi %mul3A_2, %mul3A_58 : i32
      %multiple_of3A_60 = tpu.assume_multiple %add3A_59, 128 : i32
      %dma_start3A = arith.constant 0 : i32
      %dma_start3A_61 = arith.constant 0 : i32
      %dma_start3A_62 = arith.constant 0 : i32
      %dma_start3A_63 = tpu.memref_slice %arg9[%dma_start3A, %dma_start3A_61, %dma_start3A_62] : memref<5x128x32xf32, #tpu.memory_space<vmem>> -> memref<1x128x32xf32, #tpu.memory_space<vmem>>
      %dma_start3A_64 = tpu.memref_squeeze %dma_start3A_63 : memref<1x128x32xf32, #tpu.memory_space<vmem>> -> memref<128x32xf32, #tpu.memory_space<vmem>>
      %dma_start3A_65 = arith.constant 0 : i32
      %dma_start3A_66 = tpu.memref_slice %arg10[%multiple_of3A_60, %dma_start3A_65] : memref<51200x32xf32, #tpu.memory_space<vmem_shared>> -> memref<128x32xf32, #tpu.memory_space<vmem_shared>>
      %dma_start3A_67 = arith.constant 0 : i32
      %dma_start3A_68 = tpu.memref_slice %arg10[%multiple_of3A_60, %dma_start3A_67] : memref<51200x32xf32, #tpu.memory_space<vmem_shared>> -> memref<128x32xf32, #tpu.memory_space<vmem_shared>>
      %dma_start3A_69 = arith.constant 0 : i32
      %dma_start3A_70 = arith.constant 0 : i32
      %dma_start3A_71 = tpu.memref_slice %arg9[%dma_start3A, %dma_start3A_69, %dma_start3A_70] : memref<5x128x32xf32, #tpu.memory_space<vmem>> -> memref<1x128x32xf32, #tpu.memory_space<vmem>>
      %dma_start3A_72 = tpu.memref_squeeze %dma_start3A_71 : memref<1x128x32xf32, #tpu.memory_space<vmem>> -> memref<128x32xf32, #tpu.memory_space<vmem>>
      tpu.enqueue_dma source(%dma_start3A_72 : memref<128x32xf32, #tpu.memory_space<vmem>>) target(%dma_start3A_68 : memref<128x32xf32, #tpu.memory_space<vmem_shared>>) target_semaphore(%arg13 : memref<!tpu.dma_semaphore, #tpu.memory_space<semaphore_mem>>)
      %mul3A_73 = arith.constant 5 : i32
      %mul3A_74 = arith.muli %scan3A_52, %mul3A_73 : i32
      %add3A_75 = arith.constant 1 : i32
      %add3A_76 = arith.addi %mul3A_74, %add3A_75 : i32
      %mul3A_77 = arith.constant 128 : i32
      %mul3A_78 = arith.muli %add3A_76, %mul3A_77 : i32
      %add3A_79 = arith.addi %mul3A_2, %mul3A_78 : i32
      %multiple_of3A_80 = tpu.assume_multiple %add3A_79, 128 : i32
      %dma_start3A_81 = arith.constant 0 : i32
      %dma_start3A_82 = arith.constant 0 : i32
      %dma_start3A_83 = arith.constant 0 : i32
      %dma_start3A_84 = tpu.memref_slice %arg9[%dma_start3A_81, %dma_start3A_82, %dma_start3A_83] : memref<5x128x32xf32, #tpu.memory_space<vmem>> -> memref<1x128x32xf32, #tpu.memory_space<vmem>>
      %dma_start3A_85 = tpu.memref_squeeze %dma_start3A_84 : memref<1x128x32xf32, #tpu.memory_space<vmem>> -> memref<128x32xf32, #tpu.memory_space<vmem>>
      %dma_start3A_86 = arith.constant 0 : i32
      %dma_start3A_87 = tpu.memref_slice %arg10[%multiple_of3A_80, %dma_start3A_86] : memref<51200x32xf32, #tpu.memory_space<vmem_shared>> -> memref<128x32xf32, #tpu.memory_space<vmem_shared>>
      %dma_start3A_88 = arith.constant 0 : i32
      %dma_start3A_89 = tpu.memref_slice %arg10[%multiple_of3A_80, %dma_start3A_88] : memref<51200x32xf32, #tpu.memory_space<vmem_shared>> -> memref<128x32xf32, #tpu.memory_space<vmem_shared>>
      %dma_start3A_90 = arith.constant 0 : i32
      %dma_start3A_91 = arith.constant 0 : i32
      %dma_start3A_92 = tpu.memref_slice %arg9[%dma_start3A_81, %dma_start3A_90, %dma_start3A_91] : memref<5x128x32xf32, #tpu.memory_space<vmem>> -> memref<1x128x32xf32, #tpu.memory_space<vmem>>
      %dma_start3A_93 = tpu.memref_squeeze %dma_start3A_92 : memref<1x128x32xf32, #tpu.memory_space<vmem>> -> memref<128x32xf32, #tpu.memory_space<vmem>>
      tpu.enqueue_dma source(%dma_start3A_93 : memref<128x32xf32, #tpu.memory_space<vmem>>) target(%dma_start3A_89 : memref<128x32xf32, #tpu.memory_space<vmem_shared>>) target_semaphore(%arg13 : memref<!tpu.dma_semaphore, #tpu.memory_space<semaphore_mem>>)
      %mul3A_94 = arith.constant 5 : i32
      %mul3A_95 = arith.muli %scan3A_52, %mul3A_94 : i32
      %add3A_96 = arith.constant 2 : i32
      %add3A_97 = arith.addi %mul3A_95, %add3A_96 : i32
      %mul3A_98 = arith.constant 128 : i32
      %mul3A_99 = arith.muli %add3A_97, %mul3A_98 : i32
      %add3A_100 = arith.addi %mul3A_2, %mul3A_99 : i32
      %multiple_of3A_101 = tpu.assume_multiple %add3A_100, 128 : i32
      %dma_start3A_102 = arith.constant 0 : i32
      %dma_start3A_103 = arith.constant 0 : i32
      %dma_start3A_104 = arith.constant 0 : i32
      %dma_start3A_105 = tpu.memref_slice %arg9[%dma_start3A_102, %dma_start3A_103, %dma_start3A_104] : memref<5x128x32xf32, #tpu.memory_space<vmem>> -> memref<1x128x32xf32, #tpu.memory_space<vmem>>
      %dma_start3A_106 = tpu.memref_squeeze %dma_start3A_105 : memref<1x128x32xf32, #tpu.memory_space<vmem>> -> memref<128x32xf32, #tpu.memory_space<vmem>>
      %dma_start3A_107 = arith.constant 0 : i32
      %dma_start3A_108 = tpu.memref_slice %arg10[%multiple_of3A_101, %dma_start3A_107] : memref<51200x32xf32, #tpu.memory_space<vmem_shared>> -> memref<128x32xf32, #tpu.memory_space<vmem_shared>>
      %dma_start3A_109 = arith.constant 0 : i32
      %dma_start3A_110 = tpu.memref_slice %arg10[%multiple_of3A_101, %dma_start3A_109] : memref<51200x32xf32, #tpu.memory_space<vmem_shared>> -> memref<128x32xf32, #tpu.memory_space<vmem_shared>>
      %dma_start3A_111 = arith.constant 0 : i32
      %dma_start3A_112 = arith.constant 0 : i32
      %dma_start3A_113 = tpu.memref_slice %arg9[%dma_start3A_102, %dma_start3A_111, %dma_start3A_112] : memref<5x128x32xf32, #tpu.memory_space<vmem>> -> memref<1x128x32xf32, #tpu.memory_space<vmem>>
      %dma_start3A_114 = tpu.memref_squeeze %dma_start3A_113 : memref<1x128x32xf32, #tpu.memory_space<vmem>> -> memref<128x32xf32, #tpu.memory_space<vmem>>
      tpu.enqueue_dma source(%dma_start3A_114 : memref<128x32xf32, #tpu.memory_space<vmem>>) target(%dma_start3A_110 : memref<128x32xf32, #tpu.memory_space<vmem_shared>>) target_semaphore(%arg13 : memref<!tpu.dma_semaphore, #tpu.memory_space<semaphore_mem>>)
      %mul3A_115 = arith.constant 5 : i32
      %mul3A_116 = arith.muli %scan3A_52, %mul3A_115 : i32
      %add3A_117 = arith.constant 3 : i32
      %add3A_118 = arith.addi %mul3A_116, %add3A_117 : i32
      %mul3A_119 = arith.constant 128 : i32
      %mul3A_120 = arith.muli %add3A_118, %mul3A_119 : i32
      %add3A_121 = arith.addi %mul3A_2, %mul3A_120 : i32
      %multiple_of3A_122 = tpu.assume_multiple %add3A_121, 128 : i32
      %dma_start3A_123 = arith.constant 0 : i32
      %dma_start3A_124 = arith.constant 0 : i32
      %dma_start3A_125 = arith.constant 0 : i32
      %dma_start3A_126 = tpu.memref_slice %arg9[%dma_start3A_123, %dma_start3A_124, %dma_start3A_125] : memref<5x128x32xf32, #tpu.memory_space<vmem>> -> memref<1x128x32xf32, #tpu.memory_space<vmem>>
      %dma_start3A_127 = tpu.memref_squeeze %dma_start3A_126 : memref<1x128x32xf32, #tpu.memory_space<vmem>> -> memref<128x32xf32, #tpu.memory_space<vmem>>
      %dma_start3A_128 = arith.constant 0 : i32
      %dma_start3A_129 = tpu.memref_slice %arg10[%multiple_of3A_122, %dma_start3A_128] : memref<51200x32xf32, #tpu.memory_space<vmem_shared>> -> memref<128x32xf32, #tpu.memory_space<vmem_shared>>
      %dma_start3A_130 = arith.constant 0 : i32
      %dma_start3A_131 = tpu.memref_slice %arg10[%multiple_of3A_122, %dma_start3A_130] : memref<51200x32xf32, #tpu.memory_space<vmem_shared>> -> memref<128x32xf32, #tpu.memory_space<vmem_shared>>
      %dma_start3A_132 = arith.constant 0 : i32
      %dma_start3A_133 = arith.constant 0 : i32
      %dma_start3A_134 = tpu.memref_slice %arg9[%dma_start3A_123, %dma_start3A_132, %dma_start3A_133] : memref<5x128x32xf32, #tpu.memory_space<vmem>> -> memref<1x128x32xf32, #tpu.memory_space<vmem>>
      %dma_start3A_135 = tpu.memref_squeeze %dma_start3A_134 : memref<1x128x32xf32, #tpu.memory_space<vmem>> -> memref<128x32xf32, #tpu.memory_space<vmem>>
      tpu.enqueue_dma source(%dma_start3A_135 : memref<128x32xf32, #tpu.memory_space<vmem>>) target(%dma_start3A_131 : memref<128x32xf32, #tpu.memory_space<vmem_shared>>) target_semaphore(%arg13 : memref<!tpu.dma_semaphore, #tpu.memory_space<semaphore_mem>>)
      %mul3A_136 = arith.constant 5 : i32
      %mul3A_137 = arith.muli %scan3A_52, %mul3A_136 : i32
      %add3A_138 = arith.constant 4 : i32
      %add3A_139 = arith.addi %mul3A_137, %add3A_138 : i32
      %mul3A_140 = arith.constant 128 : i32
      %mul3A_141 = arith.muli %add3A_139, %mul3A_140 : i32
      %add3A_142 = arith.addi %mul3A_2, %mul3A_141 : i32
      %multiple_of3A_143 = tpu.assume_multiple %add3A_142, 128 : i32
      %dma_start3A_144 = arith.constant 0 : i32
      %dma_start3A_145 = arith.constant 0 : i32
      %dma_start3A_146 = arith.constant 0 : i32
      %dma_start3A_147 = tpu.memref_slice %arg9[%dma_start3A_144, %dma_start3A_145, %dma_start3A_146] : memref<5x128x32xf32, #tpu.memory_space<vmem>> -> memref<1x128x32xf32, #tpu.memory_space<vmem>>
      %dma_start3A_148 = tpu.memref_squeeze %dma_start3A_147 : memref<1x128x32xf32, #tpu.memory_space<vmem>> -> memref<128x32xf32, #tpu.memory_space<vmem>>
      %dma_start3A_149 = arith.constant 0 : i32
      %dma_start3A_150 = tpu.memref_slice %arg10[%multiple_of3A_143, %dma_start3A_149] : memref<51200x32xf32, #tpu.memory_space<vmem_shared>> -> memref<128x32xf32, #tpu.memory_space<vmem_shared>>
      %dma_start3A_151 = arith.constant 0 : i32
      %dma_start3A_152 = tpu.memref_slice %arg10[%multiple_of3A_143, %dma_start3A_151] : memref<51200x32xf32, #tpu.memory_space<vmem_shared>> -> memref<128x32xf32, #tpu.memory_space<vmem_shared>>
      %dma_start3A_153 = arith.constant 0 : i32
      %dma_start3A_154 = arith.constant 0 : i32
      %dma_start3A_155 = tpu.memref_slice %arg9[%dma_start3A_144, %dma_start3A_153, %dma_start3A_154] : memref<5x128x32xf32, #tpu.memory_space<vmem>> -> memref<1x128x32xf32, #tpu.memory_space<vmem>>
      %dma_start3A_156 = tpu.memref_squeeze %dma_start3A_155 : memref<1x128x32xf32, #tpu.memory_space<vmem>> -> memref<128x32xf32, #tpu.memory_space<vmem>>
      tpu.enqueue_dma source(%dma_start3A_156 : memref<128x32xf32, #tpu.memory_space<vmem>>) target(%dma_start3A_152 : memref<128x32xf32, #tpu.memory_space<vmem_shared>>) target_semaphore(%arg13 : memref<!tpu.dma_semaphore, #tpu.memory_space<semaphore_mem>>)
      %dma_wait3A = arith.constant 0 : i32
      %dma_wait3A_157 = arith.constant 0 : i32
      %dma_wait3A_158 = arith.constant 0 : i32
      %dma_wait3A_159 = tpu.memref_slice %arg9[%dma_wait3A, %dma_wait3A_157, %dma_wait3A_158] : memref<5x128x32xf32, #tpu.memory_space<vmem>> -> memref<1x128x32xf32, #tpu.memory_space<vmem>>
      %dma_wait3A_160 = tpu.memref_squeeze %dma_wait3A_159 : memref<1x128x32xf32, #tpu.memory_space<vmem>> -> memref<128x32xf32, #tpu.memory_space<vmem>>
      %dma_wait3A_161 = arith.constant 0 : i32
      %dma_wait3A_162 = tpu.memref_slice %arg10[%multiple_of3A_60, %dma_wait3A_161] : memref<51200x32xf32, #tpu.memory_space<vmem_shared>> -> memref<128x32xf32, #tpu.memory_space<vmem_shared>>
      %dma_wait3A_163 = arith.constant 0 : i32
      %dma_wait3A_164 = tpu.memref_slice %arg10[%multiple_of3A_60, %dma_wait3A_163] : memref<51200x32xf32, #tpu.memory_space<vmem_shared>> -> memref<128x32xf32, #tpu.memory_space<vmem_shared>>
      %dma_wait3A_165 = arith.constant 0 : i32
      %dma_wait3A_166 = arith.constant 0 : i32
      %dma_wait3A_167 = tpu.memref_slice %arg9[%dma_wait3A, %dma_wait3A_165, %dma_wait3A_166] : memref<5x128x32xf32, #tpu.memory_space<vmem>> -> memref<1x128x32xf32, #tpu.memory_space<vmem>>
      %dma_wait3A_168 = tpu.memref_squeeze %dma_wait3A_167 : memref<1x128x32xf32, #tpu.memory_space<vmem>> -> memref<128x32xf32, #tpu.memory_space<vmem>>
      tpu.wait_dma2 semaphore(%arg13 : memref<!tpu.dma_semaphore, #tpu.memory_space<semaphore_mem>>) src(%dma_wait3A_168 : memref<128x32xf32, #tpu.memory_space<vmem>>) dst(%dma_wait3A_164 : memref<128x32xf32, #tpu.memory_space<vmem_shared>>)
      %dma_wait3A_169 = arith.constant 0 : i32
      %dma_wait3A_170 = arith.constant 0 : i32
      %dma_wait3A_171 = arith.constant 0 : i32
      %dma_wait3A_172 = tpu.memref_slice %arg9[%dma_wait3A_169, %dma_wait3A_170, %dma_wait3A_171] : memref<5x128x32xf32, #tpu.memory_space<vmem>> -> memref<1x128x32xf32, #tpu.memory_space<vmem>>
      %dma_wait3A_173 = tpu.memref_squeeze %dma_wait3A_172 : memref<1x128x32xf32, #tpu.memory_space<vmem>> -> memref<128x32xf32, #tpu.memory_space<vmem>>
      %dma_wait3A_174 = arith.constant 0 : i32
      %dma_wait3A_175 = tpu.memref_slice %arg10[%multiple_of3A_80, %dma_wait3A_174] : memref<51200x32xf32, #tpu.memory_space<vmem_shared>> -> memref<128x32xf32, #tpu.memory_space<vmem_shared>>
      %dma_wait3A_176 = arith.constant 0 : i32
      %dma_wait3A_177 = tpu.memref_slice %arg10[%multiple_of3A_80, %dma_wait3A_176] : memref<51200x32xf32, #tpu.memory_space<vmem_shared>> -> memref<128x32xf32, #tpu.memory_space<vmem_shared>>
      %dma_wait3A_178 = arith.constant 0 : i32
      %dma_wait3A_179 = arith.constant 0 : i32
      %dma_wait3A_180 = tpu.memref_slice %arg9[%dma_wait3A_169, %dma_wait3A_178, %dma_wait3A_179] : memref<5x128x32xf32, #tpu.memory_space<vmem>> -> memref<1x128x32xf32, #tpu.memory_space<vmem>>
      %dma_wait3A_181 = tpu.memref_squeeze %dma_wait3A_180 : memref<1x128x32xf32, #tpu.memory_space<vmem>> -> memref<128x32xf32, #tpu.memory_space<vmem>>
      tpu.wait_dma2 semaphore(%arg13 : memref<!tpu.dma_semaphore, #tpu.memory_space<semaphore_mem>>) src(%dma_wait3A_181 : memref<128x32xf32, #tpu.memory_space<vmem>>) dst(%dma_wait3A_177 : memref<128x32xf32, #tpu.memory_space<vmem_shared>>)
      %dma_wait3A_182 = arith.constant 0 : i32
      %dma_wait3A_183 = arith.constant 0 : i32
      %dma_wait3A_184 = arith.constant 0 : i32
      %dma_wait3A_185 = tpu.memref_slice %arg9[%dma_wait3A_182, %dma_wait3A_183, %dma_wait3A_184] : memref<5x128x32xf32, #tpu.memory_space<vmem>> -> memref<1x128x32xf32, #tpu.memory_space<vmem>>
      %dma_wait3A_186 = tpu.memref_squeeze %dma_wait3A_185 : memref<1x128x32xf32, #tpu.memory_space<vmem>> -> memref<128x32xf32, #tpu.memory_space<vmem>>
      %dma_wait3A_187 = arith.constant 0 : i32
      %dma_wait3A_188 = tpu.memref_slice %arg10[%multiple_of3A_101, %dma_wait3A_187] : memref<51200x32xf32, #tpu.memory_space<vmem_shared>> -> memref<128x32xf32, #tpu.memory_space<vmem_shared>>
      %dma_wait3A_189 = arith.constant 0 : i32
      %dma_wait3A_190 = tpu.memref_slice %arg10[%multiple_of3A_101, %dma_wait3A_189] : memref<51200x32xf32, #tpu.memory_space<vmem_shared>> -> memref<128x32xf32, #tpu.memory_space<vmem_shared>>
      %dma_wait3A_191 = arith.constant 0 : i32
      %dma_wait3A_192 = arith.constant 0 : i32
      %dma_wait3A_193 = tpu.memref_slice %arg9[%dma_wait3A_182, %dma_wait3A_191, %dma_wait3A_192] : memref<5x128x32xf32, #tpu.memory_space<vmem>> -> memref<1x128x32xf32, #tpu.memory_space<vmem>>
      %dma_wait3A_194 = tpu.memref_squeeze %dma_wait3A_193 : memref<1x128x32xf32, #tpu.memory_space<vmem>> -> memref<128x32xf32, #tpu.memory_space<vmem>>
      tpu.wait_dma2 semaphore(%arg13 : memref<!tpu.dma_semaphore, #tpu.memory_space<semaphore_mem>>) src(%dma_wait3A_194 : memref<128x32xf32, #tpu.memory_space<vmem>>) dst(%dma_wait3A_190 : memref<128x32xf32, #tpu.memory_space<vmem_shared>>)
      %dma_wait3A_195 = arith.constant 0 : i32
      %dma_wait3A_196 = arith.constant 0 : i32
      %dma_wait3A_197 = arith.constant 0 : i32
      %dma_wait3A_198 = tpu.memref_slice %arg9[%dma_wait3A_195, %dma_wait3A_196, %dma_wait3A_197] : memref<5x128x32xf32, #tpu.memory_space<vmem>> -> memref<1x128x32xf32, #tpu.memory_space<vmem>>
      %dma_wait3A_199 = tpu.memref_squeeze %dma_wait3A_198 : memref<1x128x32xf32, #tpu.memory_space<vmem>> -> memref<128x32xf32, #tpu.memory_space<vmem>>
      %dma_wait3A_200 = arith.constant 0 : i32
      %dma_wait3A_201 = tpu.memref_slice %arg10[%multiple_of3A_122, %dma_wait3A_200] : memref<51200x32xf32, #tpu.memory_space<vmem_shared>> -> memref<128x32xf32, #tpu.memory_space<vmem_shared>>
      %dma_wait3A_202 = arith.constant 0 : i32
      %dma_wait3A_203 = tpu.memref_slice %arg10[%multiple_of3A_122, %dma_wait3A_202] : memref<51200x32xf32, #tpu.memory_space<vmem_shared>> -> memref<128x32xf32, #tpu.memory_space<vmem_shared>>
      %dma_wait3A_204 = arith.constant 0 : i32
      %dma_wait3A_205 = arith.constant 0 : i32
      %dma_wait3A_206 = tpu.memref_slice %arg9[%dma_wait3A_195, %dma_wait3A_204, %dma_wait3A_205] : memref<5x128x32xf32, #tpu.memory_space<vmem>> -> memref<1x128x32xf32, #tpu.memory_space<vmem>>
      %dma_wait3A_207 = tpu.memref_squeeze %dma_wait3A_206 : memref<1x128x32xf32, #tpu.memory_space<vmem>> -> memref<128x32xf32, #tpu.memory_space<vmem>>
      tpu.wait_dma2 semaphore(%arg13 : memref<!tpu.dma_semaphore, #tpu.memory_space<semaphore_mem>>) src(%dma_wait3A_207 : memref<128x32xf32, #tpu.memory_space<vmem>>) dst(%dma_wait3A_203 : memref<128x32xf32, #tpu.memory_space<vmem_shared>>)
      %dma_wait3A_208 = arith.constant 0 : i32
      %dma_wait3A_209 = arith.constant 0 : i32
      %dma_wait3A_210 = arith.constant 0 : i32
      %dma_wait3A_211 = tpu.memref_slice %arg9[%dma_wait3A_208, %dma_wait3A_209, %dma_wait3A_210] : memref<5x128x32xf32, #tpu.memory_space<vmem>> -> memref<1x128x32xf32, #tpu.memory_space<vmem>>
      %dma_wait3A_212 = tpu.memref_squeeze %dma_wait3A_211 : memref<1x128x32xf32, #tpu.memory_space<vmem>> -> memref<128x32xf32, #tpu.memory_space<vmem>>
      %dma_wait3A_213 = arith.constant 0 : i32
      %dma_wait3A_214 = tpu.memref_slice %arg10[%multiple_of3A_143, %dma_wait3A_213] : memref<51200x32xf32, #tpu.memory_space<vmem_shared>> -> memref<128x32xf32, #tpu.memory_space<vmem_shared>>
      %dma_wait3A_215 = arith.constant 0 : i32
      %dma_wait3A_216 = tpu.memref_slice %arg10[%multiple_of3A_143, %dma_wait3A_215] : memref<51200x32xf32, #tpu.memory_space<vmem_shared>> -> memref<128x32xf32, #tpu.memory_space<vmem_shared>>
      %dma_wait3A_217 = arith.constant 0 : i32
      %dma_wait3A_218 = arith.constant 0 : i32
      %dma_wait3A_219 = tpu.memref_slice %arg9[%dma_wait3A_208, %dma_wait3A_217, %dma_wait3A_218] : memref<5x128x32xf32, #tpu.memory_space<vmem>> -> memref<1x128x32xf32, #tpu.memory_space<vmem>>
      %dma_wait3A_220 = tpu.memref_squeeze %dma_wait3A_219 : memref<1x128x32xf32, #tpu.memory_space<vmem>> -> memref<128x32xf32, #tpu.memory_space<vmem>>
      tpu.wait_dma2 semaphore(%arg13 : memref<!tpu.dma_semaphore, #tpu.memory_space<semaphore_mem>>) src(%dma_wait3A_220 : memref<128x32xf32, #tpu.memory_space<vmem>>) dst(%dma_wait3A_216 : memref<128x32xf32, #tpu.memory_space<vmem_shared>>)
    }
    %scan3A_7 = arith.constant 5 : i32
    %add3A_8 = arith.constant 3200 : i32
    %add3A_9 = arith.addi %mul3A_2, %add3A_8 : i32
    %multiple_of3A = tpu.assume_multiple %add3A_9, 128 : i32
    %run_scoped3A_10 = arith.constant 0 : i32
    "tpu.region"() ({
      %run_scoped3A_52 = tpu.sem_alloc : memref<!tpu.dma_semaphore, #tpu.memory_space<semaphore_mem>>
      %dma_start3A = arith.constant 0 : i32
      %dma_start3A_53 = arith.constant 0 : i32
      %dma_start3A_54 = tpu.memref_slice %arg9[%run_scoped3A_10, %dma_start3A, %dma_start3A_53] : memref<5x128x32xf32, #tpu.memory_space<vmem>> -> memref<1x128x32xf32, #tpu.memory_space<vmem>>
      %dma_start3A_55 = tpu.memref_squeeze %dma_start3A_54 : memref<1x128x32xf32, #tpu.memory_space<vmem>> -> memref<128x32xf32, #tpu.memory_space<vmem>>
      %dma_start3A_56 = arith.constant 0 : i32
      %dma_start3A_57 = tpu.memref_slice %arg10[%multiple_of3A, %dma_start3A_56] : memref<51200x32xf32, #tpu.memory_space<vmem_shared>> -> memref<128x32xf32, #tpu.memory_space<vmem_shared>>
      %dma_start3A_58 = arith.constant 0 : i32
      %dma_start3A_59 = tpu.memref_slice %arg10[%multiple_of3A, %dma_start3A_58] : memref<51200x32xf32, #tpu.memory_space<vmem_shared>> -> memref<128x32xf32, #tpu.memory_space<vmem_shared>>
      %dma_start3A_60 = arith.constant 0 : i32
      %dma_start3A_61 = arith.constant 0 : i32
      %dma_start3A_62 = tpu.memref_slice %arg9[%run_scoped3A_10, %dma_start3A_60, %dma_start3A_61] : memref<5x128x32xf32, #tpu.memory_space<vmem>> -> memref<1x128x32xf32, #tpu.memory_space<vmem>>
      %dma_start3A_63 = tpu.memref_squeeze %dma_start3A_62 : memref<1x128x32xf32, #tpu.memory_space<vmem>> -> memref<128x32xf32, #tpu.memory_space<vmem>>
      tpu.enqueue_dma source(%dma_start3A_63 : memref<128x32xf32, #tpu.memory_space<vmem>>) target(%dma_start3A_59 : memref<128x32xf32, #tpu.memory_space<vmem_shared>>) target_semaphore(%run_scoped3A_52 : memref<!tpu.dma_semaphore, #tpu.memory_space<semaphore_mem>>)
      %dma_wait3A = arith.constant 0 : i32
      %dma_wait3A_64 = arith.constant 0 : i32
      %dma_wait3A_65 = tpu.memref_slice %arg9[%run_scoped3A_10, %dma_wait3A, %dma_wait3A_64] : memref<5x128x32xf32, #tpu.memory_space<vmem>> -> memref<1x128x32xf32, #tpu.memory_space<vmem>>
      %dma_wait3A_66 = tpu.memref_squeeze %dma_wait3A_65 : memref<1x128x32xf32, #tpu.memory_space<vmem>> -> memref<128x32xf32, #tpu.memory_space<vmem>>
      %dma_wait3A_67 = arith.constant 0 : i32
      %dma_wait3A_68 = tpu.memref_slice %arg10[%multiple_of3A, %dma_wait3A_67] : memref<51200x32xf32, #tpu.memory_space<vmem_shared>> -> memref<128x32xf32, #tpu.memory_space<vmem_shared>>
      %dma_wait3A_69 = arith.constant 0 : i32
      %dma_wait3A_70 = tpu.memref_slice %arg10[%multiple_of3A, %dma_wait3A_69] : memref<51200x32xf32, #tpu.memory_space<vmem_shared>> -> memref<128x32xf32, #tpu.memory_space<vmem_shared>>
      %dma_wait3A_71 = arith.constant 0 : i32
      %dma_wait3A_72 = arith.constant 0 : i32
      %dma_wait3A_73 = tpu.memref_slice %arg9[%run_scoped3A_10, %dma_wait3A_71, %dma_wait3A_72] : memref<5x128x32xf32, #tpu.memory_space<vmem>> -> memref<1x128x32xf32, #tpu.memory_space<vmem>>
      %dma_wait3A_74 = tpu.memref_squeeze %dma_wait3A_73 : memref<1x128x32xf32, #tpu.memory_space<vmem>> -> memref<128x32xf32, #tpu.memory_space<vmem>>
      tpu.wait_dma2 semaphore(%run_scoped3A_52 : memref<!tpu.dma_semaphore, #tpu.memory_space<semaphore_mem>>) src(%dma_wait3A_74 : memref<128x32xf32, #tpu.memory_space<vmem>>) dst(%dma_wait3A_70 : memref<128x32xf32, #tpu.memory_space<vmem_shared>>)
      tpu.yield
    }) : () -> ()
    %eq3A = arith.constant 0 : i32
    %eq3A_11 = arith.cmpi eq, %arg0, %eq3A : i32
    %jit3A = arith.constant 1 : i32
    %jit3A_12 = arith.constant 1 : i32
    %select_n3A = arith.select %eq3A_11, %jit3A, %jit3A_12 : i32
    %eq3A_13 = arith.constant 0 : i32
    %eq3A_14 = arith.cmpi eq, %arg0, %eq3A_13 : i32
    %mul3A_15 = arith.constant 20 : i32
    %mul3A_16 = arith.muli %arg1, %mul3A_15 : i32
    %mul3A_17 = arith.constant 20 : i32
    %mul3A_18 = arith.muli %arg1, %mul3A_17 : i32
    %add3A_19 = arith.constant 320 : i32
    %add3A_20 = arith.addi %add3A_19, %mul3A_18 : i32
    %select_n3A_21 = arith.select %eq3A_14, %mul3A_16, %add3A_20 : i32
    %multiple_of3A_22 = tpu.assume_multiple %select_n3A_21, 8 : i32
    %barrier3A = arith.constant 0 : index
    tpu.barrier barrier_id(%barrier3A)
    %while3A = arith.constant 0 : i32
    %while3A_23 = arith.constant 0 : i32
    %while3A_24 = arith.subi %select_n3A, %while3A_23 : i32
    %while3A_25 = arith.addi %while3A_23, %while3A_24 : i32
    %while3A_26 = arith.constant 1 : i32
    %while3A_27 = arith.divsi %while3A_24, %while3A_26 : i32
    %while3A_28 = arith.muli %while3A_27, %while3A_26 : i32
    %while3A_29 = arith.addi %while3A_23, %while3A_28 : i32
    %while3A_30 = arith.constant 1 : i32
    scf.for %while3A_52 = %while3A_23 to %while3A_29 step %while3A_30  : i32 {
      %mul3A_53 = arith.constant 20 : i32
      %mul3A_54 = arith.muli %while3A_52, %mul3A_53 : i32
      %add3A_55 = arith.addi %multiple_of3A_22, %mul3A_54 : i32
      %multiple_of3A_56 = tpu.assume_multiple %add3A_55, 8 : i32
      "tpu.region"() ({
        %run_scoped3A_63 = tpu.sem_alloc : memref<!tpu.dma_semaphore, #tpu.memory_space<semaphore_mem>>
        %dma_start3A = arith.constant 0 : i32
        %dma_start3A_64 = tpu.memref_slice %arg2[%multiple_of3A_56, %dma_start3A] : memref<6400x128xi32, #tpu.memory_space<hbm>> -> memref<20x128xi32, #tpu.memory_space<hbm>>
        %dma_start3A_65 = arith.constant 0 : i32
        %dma_start3A_66 = tpu.memref_slice %arg2[%multiple_of3A_56, %dma_start3A_65] : memref<6400x128xi32, #tpu.memory_space<hbm>> -> memref<20x128xi32, #tpu.memory_space<hbm>>
        tpu.enqueue_dma source(%dma_start3A_66 : memref<20x128xi32, #tpu.memory_space<hbm>>) target(%arg7 : memref<20x128xi32, #tpu.memory_space<vmem>>) target_semaphore(%run_scoped3A_63 : memref<!tpu.dma_semaphore, #tpu.memory_space<semaphore_mem>>)
        %dma_wait3A = arith.constant 0 : i32
        %dma_wait3A_67 = tpu.memref_slice %arg2[%multiple_of3A_56, %dma_wait3A] : memref<6400x128xi32, #tpu.memory_space<hbm>> -> memref<20x128xi32, #tpu.memory_space<hbm>>
        %dma_wait3A_68 = arith.constant 0 : i32
        %dma_wait3A_69 = tpu.memref_slice %arg2[%multiple_of3A_56, %dma_wait3A_68] : memref<6400x128xi32, #tpu.memory_space<hbm>> -> memref<20x128xi32, #tpu.memory_space<hbm>>
        tpu.wait_dma2 semaphore(%run_scoped3A_63 : memref<!tpu.dma_semaphore, #tpu.memory_space<semaphore_mem>>) src(%dma_wait3A_69 : memref<20x128xi32, #tpu.memory_space<hbm>>) dst(%arg7 : memref<20x128xi32, #tpu.memory_space<vmem>>)
        tpu.yield
      }) : () -> ()
      "tpu.region"() ({
        %run_scoped3A_63 = tpu.sem_alloc : memref<!tpu.dma_semaphore, #tpu.memory_space<semaphore_mem>>
        %dma_start3A = arith.constant 0 : i32
        %dma_start3A_64 = tpu.memref_slice %arg3[%multiple_of3A_56, %dma_start3A] : memref<6400x128xi32, #tpu.memory_space<hbm>> -> memref<20x128xi32, #tpu.memory_space<hbm>>
        %dma_start3A_65 = arith.constant 0 : i32
        %dma_start3A_66 = tpu.memref_slice %arg3[%multiple_of3A_56, %dma_start3A_65] : memref<6400x128xi32, #tpu.memory_space<hbm>> -> memref<20x128xi32, #tpu.memory_space<hbm>>
        tpu.enqueue_dma source(%dma_start3A_66 : memref<20x128xi32, #tpu.memory_space<hbm>>) target(%arg8 : memref<20x128xi32, #tpu.memory_space<vmem>>) target_semaphore(%run_scoped3A_63 : memref<!tpu.dma_semaphore, #tpu.memory_space<semaphore_mem>>)
        %dma_wait3A = arith.constant 0 : i32
        %dma_wait3A_67 = tpu.memref_slice %arg3[%multiple_of3A_56, %dma_wait3A] : memref<6400x128xi32, #tpu.memory_space<hbm>> -> memref<20x128xi32, #tpu.memory_space<hbm>>
        %dma_wait3A_68 = arith.constant 0 : i32
        %dma_wait3A_69 = tpu.memref_slice %arg3[%multiple_of3A_56, %dma_wait3A_68] : memref<6400x128xi32, #tpu.memory_space<hbm>> -> memref<20x128xi32, #tpu.memory_space<hbm>>
        tpu.wait_dma2 semaphore(%run_scoped3A_63 : memref<!tpu.dma_semaphore, #tpu.memory_space<semaphore_mem>>) src(%dma_wait3A_69 : memref<20x128xi32, #tpu.memory_space<hbm>>) dst(%arg8 : memref<20x128xi32, #tpu.memory_space<vmem>>)
        tpu.yield
      }) : () -> ()
      %scan3A_57 = arith.constant 0 : i32
      %scan3A_58 = arith.constant 0 : i32
      %scan3A_59 = arith.constant 4 : i32
      %scan3A_60 = arith.addi %scan3A_58, %scan3A_59 : i32
      %scan3A_61 = arith.constant 1 : i32
      scf.for %scan3A_63 = %scan3A_58 to %scan3A_60 step %scan3A_61  : i32 {
        %mul3A_64 = arith.constant 5 : i32
        %mul3A_65 = arith.muli %scan3A_63, %mul3A_64 : i32
        %add3A_66 = arith.constant 0 : i32
        %add3A_67 = arith.addi %mul3A_65, %add3A_66 : i32
        %dma_start3A = arith.constant 0 : i32
        %dma_start3A_68 = arith.constant 0 : i32
        %dma_start3A_69 = arith.constant 0 : i32
        %dma_start3A_70 = tpu.memref_slice %arg9[%dma_start3A, %dma_start3A_68, %dma_start3A_69] : memref<5x128x32xf32, #tpu.memory_space<vmem>> -> memref<1x128x32xf32, #tpu.memory_space<vmem>>
        %dma_start3A_71 = tpu.memref_squeeze %dma_start3A_70 : memref<1x128x32xf32, #tpu.memory_space<vmem>> -> memref<128x32xf32, #tpu.memory_space<vmem>>
        %dma_start3A_72 = arith.constant 0 : i32
        %dma_start3A_73 = tpu.memref_slice %arg7[%add3A_67, %dma_start3A_72] : memref<20x128xi32, #tpu.memory_space<vmem>> -> memref<1x128xi32, #tpu.memory_space<vmem>>
        %dma_start3A_74 = tpu.memref_squeeze %dma_start3A_73 : memref<1x128xi32, #tpu.memory_space<vmem>> -> memref<128xi32, #tpu.memory_space<vmem>>
        %dma_start3A_75 = arith.constant 0 : i32
        %dma_start3A_76 = arith.constant 0 : i32
        %dma_start3A_77 = tpu.memref_slice %arg4[%dma_start3A_75, %dma_start3A_76] : memref<200000x32xf32, #tpu.memory_space<hbm>> -> memref<200000x32xf32, #tpu.memory_space<hbm>>
        tpu.enqueue_indirect_dma source(%dma_start3A_77 : memref<200000x32xf32, #tpu.memory_space<hbm>>) target(%dma_start3A_71 : memref<128x32xf32, #tpu.memory_space<vmem>>) offsets(%dma_start3A_74 : memref<128xi32, #tpu.memory_space<vmem>>) semaphore(%arg11 : memref<!tpu.dma_semaphore, #tpu.memory_space<semaphore_mem>>)
        %mul3A_78 = arith.constant 5 : i32
        %mul3A_79 = arith.muli %scan3A_63, %mul3A_78 : i32
        %add3A_80 = arith.constant 1 : i32
        %add3A_81 = arith.addi %mul3A_79, %add3A_80 : i32
        %dma_start3A_82 = arith.constant 1 : i32
        %dma_start3A_83 = arith.constant 0 : i32
        %dma_start3A_84 = arith.constant 0 : i32
        %dma_start3A_85 = tpu.memref_slice %arg9[%dma_start3A_82, %dma_start3A_83, %dma_start3A_84] : memref<5x128x32xf32, #tpu.memory_space<vmem>> -> memref<1x128x32xf32, #tpu.memory_space<vmem>>
        %dma_start3A_86 = tpu.memref_squeeze %dma_start3A_85 : memref<1x128x32xf32, #tpu.memory_space<vmem>> -> memref<128x32xf32, #tpu.memory_space<vmem>>
        %dma_start3A_87 = arith.constant 0 : i32
        %dma_start3A_88 = tpu.memref_slice %arg7[%add3A_81, %dma_start3A_87] : memref<20x128xi32, #tpu.memory_space<vmem>> -> memref<1x128xi32, #tpu.memory_space<vmem>>
        %dma_start3A_89 = tpu.memref_squeeze %dma_start3A_88 : memref<1x128xi32, #tpu.memory_space<vmem>> -> memref<128xi32, #tpu.memory_space<vmem>>
        %dma_start3A_90 = arith.constant 0 : i32
        %dma_start3A_91 = arith.constant 0 : i32
        %dma_start3A_92 = tpu.memref_slice %arg4[%dma_start3A_90, %dma_start3A_91] : memref<200000x32xf32, #tpu.memory_space<hbm>> -> memref<200000x32xf32, #tpu.memory_space<hbm>>
        tpu.enqueue_indirect_dma source(%dma_start3A_92 : memref<200000x32xf32, #tpu.memory_space<hbm>>) target(%dma_start3A_86 : memref<128x32xf32, #tpu.memory_space<vmem>>) offsets(%dma_start3A_89 : memref<128xi32, #tpu.memory_space<vmem>>) semaphore(%arg11 : memref<!tpu.dma_semaphore, #tpu.memory_space<semaphore_mem>>)
        %mul3A_93 = arith.constant 5 : i32
        %mul3A_94 = arith.muli %scan3A_63, %mul3A_93 : i32
        %add3A_95 = arith.constant 2 : i32
        %add3A_96 = arith.addi %mul3A_94, %add3A_95 : i32
        %dma_start3A_97 = arith.constant 2 : i32
        %dma_start3A_98 = arith.constant 0 : i32
        %dma_start3A_99 = arith.constant 0 : i32
        %dma_start3A_100 = tpu.memref_slice %arg9[%dma_start3A_97, %dma_start3A_98, %dma_start3A_99] : memref<5x128x32xf32, #tpu.memory_space<vmem>> -> memref<1x128x32xf32, #tpu.memory_space<vmem>>
        %dma_start3A_101 = tpu.memref_squeeze %dma_start3A_100 : memref<1x128x32xf32, #tpu.memory_space<vmem>> -> memref<128x32xf32, #tpu.memory_space<vmem>>
        %dma_start3A_102 = arith.constant 0 : i32
        %dma_start3A_103 = tpu.memref_slice %arg7[%add3A_96, %dma_start3A_102] : memref<20x128xi32, #tpu.memory_space<vmem>> -> memref<1x128xi32, #tpu.memory_space<vmem>>
        %dma_start3A_104 = tpu.memref_squeeze %dma_start3A_103 : memref<1x128xi32, #tpu.memory_space<vmem>> -> memref<128xi32, #tpu.memory_space<vmem>>
        %dma_start3A_105 = arith.constant 0 : i32
        %dma_start3A_106 = arith.constant 0 : i32
        %dma_start3A_107 = tpu.memref_slice %arg4[%dma_start3A_105, %dma_start3A_106] : memref<200000x32xf32, #tpu.memory_space<hbm>> -> memref<200000x32xf32, #tpu.memory_space<hbm>>
        tpu.enqueue_indirect_dma source(%dma_start3A_107 : memref<200000x32xf32, #tpu.memory_space<hbm>>) target(%dma_start3A_101 : memref<128x32xf32, #tpu.memory_space<vmem>>) offsets(%dma_start3A_104 : memref<128xi32, #tpu.memory_space<vmem>>) semaphore(%arg11 : memref<!tpu.dma_semaphore, #tpu.memory_space<semaphore_mem>>)
        %mul3A_108 = arith.constant 5 : i32
        %mul3A_109 = arith.muli %scan3A_63, %mul3A_108 : i32
        %add3A_110 = arith.constant 3 : i32
        %add3A_111 = arith.addi %mul3A_109, %add3A_110 : i32
        %dma_start3A_112 = arith.constant 3 : i32
        %dma_start3A_113 = arith.constant 0 : i32
        %dma_start3A_114 = arith.constant 0 : i32
        %dma_start3A_115 = tpu.memref_slice %arg9[%dma_start3A_112, %dma_start3A_113, %dma_start3A_114] : memref<5x128x32xf32, #tpu.memory_space<vmem>> -> memref<1x128x32xf32, #tpu.memory_space<vmem>>
        %dma_start3A_116 = tpu.memref_squeeze %dma_start3A_115 : memref<1x128x32xf32, #tpu.memory_space<vmem>> -> memref<128x32xf32, #tpu.memory_space<vmem>>
        %dma_start3A_117 = arith.constant 0 : i32
        %dma_start3A_118 = tpu.memref_slice %arg7[%add3A_111, %dma_start3A_117] : memref<20x128xi32, #tpu.memory_space<vmem>> -> memref<1x128xi32, #tpu.memory_space<vmem>>
        %dma_start3A_119 = tpu.memref_squeeze %dma_start3A_118 : memref<1x128xi32, #tpu.memory_space<vmem>> -> memref<128xi32, #tpu.memory_space<vmem>>
        %dma_start3A_120 = arith.constant 0 : i32
        %dma_start3A_121 = arith.constant 0 : i32
        %dma_start3A_122 = tpu.memref_slice %arg4[%dma_start3A_120, %dma_start3A_121] : memref<200000x32xf32, #tpu.memory_space<hbm>> -> memref<200000x32xf32, #tpu.memory_space<hbm>>
        tpu.enqueue_indirect_dma source(%dma_start3A_122 : memref<200000x32xf32, #tpu.memory_space<hbm>>) target(%dma_start3A_116 : memref<128x32xf32, #tpu.memory_space<vmem>>) offsets(%dma_start3A_119 : memref<128xi32, #tpu.memory_space<vmem>>) semaphore(%arg11 : memref<!tpu.dma_semaphore, #tpu.memory_space<semaphore_mem>>)
        %mul3A_123 = arith.constant 5 : i32
        %mul3A_124 = arith.muli %scan3A_63, %mul3A_123 : i32
        %add3A_125 = arith.constant 4 : i32
        %add3A_126 = arith.addi %mul3A_124, %add3A_125 : i32
        %dma_start3A_127 = arith.constant 4 : i32
        %dma_start3A_128 = arith.constant 0 : i32
        %dma_start3A_129 = arith.constant 0 : i32
        %dma_start3A_130 = tpu.memref_slice %arg9[%dma_start3A_127, %dma_start3A_128, %dma_start3A_129] : memref<5x128x32xf32, #tpu.memory_space<vmem>> -> memref<1x128x32xf32, #tpu.memory_space<vmem>>
        %dma_start3A_131 = tpu.memref_squeeze %dma_start3A_130 : memref<1x128x32xf32, #tpu.memory_space<vmem>> -> memref<128x32xf32, #tpu.memory_space<vmem>>
        %dma_start3A_132 = arith.constant 0 : i32
        %dma_start3A_133 = tpu.memref_slice %arg7[%add3A_126, %dma_start3A_132] : memref<20x128xi32, #tpu.memory_space<vmem>> -> memref<1x128xi32, #tpu.memory_space<vmem>>
        %dma_start3A_134 = tpu.memref_squeeze %dma_start3A_133 : memref<1x128xi32, #tpu.memory_space<vmem>> -> memref<128xi32, #tpu.memory_space<vmem>>
        %dma_start3A_135 = arith.constant 0 : i32
        %dma_start3A_136 = arith.constant 0 : i32
        %dma_start3A_137 = tpu.memref_slice %arg4[%dma_start3A_135, %dma_start3A_136] : memref<200000x32xf32, #tpu.memory_space<hbm>> -> memref<200000x32xf32, #tpu.memory_space<hbm>>
        tpu.enqueue_indirect_dma source(%dma_start3A_137 : memref<200000x32xf32, #tpu.memory_space<hbm>>) target(%dma_start3A_131 : memref<128x32xf32, #tpu.memory_space<vmem>>) offsets(%dma_start3A_134 : memref<128xi32, #tpu.memory_space<vmem>>) semaphore(%arg11 : memref<!tpu.dma_semaphore, #tpu.memory_space<semaphore_mem>>)
        %dma_wait3A = arith.constant 0 : i32
        %dma_wait3A_138 = arith.constant 0 : i32
        %dma_wait3A_139 = arith.constant 0 : i32
        %dma_wait3A_140 = tpu.memref_slice %arg9[%dma_wait3A, %dma_wait3A_138, %dma_wait3A_139] : memref<5x128x32xf32, #tpu.memory_space<vmem>> -> memref<1x128x32xf32, #tpu.memory_space<vmem>>
        %dma_wait3A_141 = tpu.memref_squeeze %dma_wait3A_140 : memref<1x128x32xf32, #tpu.memory_space<vmem>> -> memref<128x32xf32, #tpu.memory_space<vmem>>
        %dma_wait3A_142 = arith.constant 0 : i32
        %dma_wait3A_143 = tpu.memref_slice %arg7[%add3A_67, %dma_wait3A_142] : memref<20x128xi32, #tpu.memory_space<vmem>> -> memref<1x128xi32, #tpu.memory_space<vmem>>
        %dma_wait3A_144 = tpu.memref_squeeze %dma_wait3A_143 : memref<1x128xi32, #tpu.memory_space<vmem>> -> memref<128xi32, #tpu.memory_space<vmem>>
        %dma_wait3A_145 = arith.constant 0 : i32
        %dma_wait3A_146 = arith.constant 0 : i32
        %dma_wait3A_147 = tpu.memref_slice %arg4[%dma_wait3A_145, %dma_wait3A_146] : memref<200000x32xf32, #tpu.memory_space<hbm>> -> memref<200000x32xf32, #tpu.memory_space<hbm>>
        tpu.wait_indirect_dma semaphore(%arg11 : memref<!tpu.dma_semaphore, #tpu.memory_space<semaphore_mem>>) src(%dma_wait3A_147 : memref<200000x32xf32, #tpu.memory_space<hbm>>) dst(%dma_wait3A_141 : memref<128x32xf32, #tpu.memory_space<vmem>>)
        %dma_wait3A_148 = arith.constant 1 : i32
        %dma_wait3A_149 = arith.constant 0 : i32
        %dma_wait3A_150 = arith.constant 0 : i32
        %dma_wait3A_151 = tpu.memref_slice %arg9[%dma_wait3A_148, %dma_wait3A_149, %dma_wait3A_150] : memref<5x128x32xf32, #tpu.memory_space<vmem>> -> memref<1x128x32xf32, #tpu.memory_space<vmem>>
        %dma_wait3A_152 = tpu.memref_squeeze %dma_wait3A_151 : memref<1x128x32xf32, #tpu.memory_space<vmem>> -> memref<128x32xf32, #tpu.memory_space<vmem>>
        %dma_wait3A_153 = arith.constant 0 : i32
        %dma_wait3A_154 = tpu.memref_slice %arg7[%add3A_81, %dma_wait3A_153] : memref<20x128xi32, #tpu.memory_space<vmem>> -> memref<1x128xi32, #tpu.memory_space<vmem>>
        %dma_wait3A_155 = tpu.memref_squeeze %dma_wait3A_154 : memref<1x128xi32, #tpu.memory_space<vmem>> -> memref<128xi32, #tpu.memory_space<vmem>>
        %dma_wait3A_156 = arith.constant 0 : i32
        %dma_wait3A_157 = arith.constant 0 : i32
        %dma_wait3A_158 = tpu.memref_slice %arg4[%dma_wait3A_156, %dma_wait3A_157] : memref<200000x32xf32, #tpu.memory_space<hbm>> -> memref<200000x32xf32, #tpu.memory_space<hbm>>
        tpu.wait_indirect_dma semaphore(%arg11 : memref<!tpu.dma_semaphore, #tpu.memory_space<semaphore_mem>>) src(%dma_wait3A_158 : memref<200000x32xf32, #tpu.memory_space<hbm>>) dst(%dma_wait3A_152 : memref<128x32xf32, #tpu.memory_space<vmem>>)
        %dma_wait3A_159 = arith.constant 2 : i32
        %dma_wait3A_160 = arith.constant 0 : i32
        %dma_wait3A_161 = arith.constant 0 : i32
        %dma_wait3A_162 = tpu.memref_slice %arg9[%dma_wait3A_159, %dma_wait3A_160, %dma_wait3A_161] : memref<5x128x32xf32, #tpu.memory_space<vmem>> -> memref<1x128x32xf32, #tpu.memory_space<vmem>>
        %dma_wait3A_163 = tpu.memref_squeeze %dma_wait3A_162 : memref<1x128x32xf32, #tpu.memory_space<vmem>> -> memref<128x32xf32, #tpu.memory_space<vmem>>
        %dma_wait3A_164 = arith.constant 0 : i32
        %dma_wait3A_165 = tpu.memref_slice %arg7[%add3A_96, %dma_wait3A_164] : memref<20x128xi32, #tpu.memory_space<vmem>> -> memref<1x128xi32, #tpu.memory_space<vmem>>
        %dma_wait3A_166 = tpu.memref_squeeze %dma_wait3A_165 : memref<1x128xi32, #tpu.memory_space<vmem>> -> memref<128xi32, #tpu.memory_space<vmem>>
        %dma_wait3A_167 = arith.constant 0 : i32
        %dma_wait3A_168 = arith.constant 0 : i32
        %dma_wait3A_169 = tpu.memref_slice %arg4[%dma_wait3A_167, %dma_wait3A_168] : memref<200000x32xf32, #tpu.memory_space<hbm>> -> memref<200000x32xf32, #tpu.memory_space<hbm>>
        tpu.wait_indirect_dma semaphore(%arg11 : memref<!tpu.dma_semaphore, #tpu.memory_space<semaphore_mem>>) src(%dma_wait3A_169 : memref<200000x32xf32, #tpu.memory_space<hbm>>) dst(%dma_wait3A_163 : memref<128x32xf32, #tpu.memory_space<vmem>>)
        %dma_wait3A_170 = arith.constant 3 : i32
        %dma_wait3A_171 = arith.constant 0 : i32
        %dma_wait3A_172 = arith.constant 0 : i32
        %dma_wait3A_173 = tpu.memref_slice %arg9[%dma_wait3A_170, %dma_wait3A_171, %dma_wait3A_172] : memref<5x128x32xf32, #tpu.memory_space<vmem>> -> memref<1x128x32xf32, #tpu.memory_space<vmem>>
        %dma_wait3A_174 = tpu.memref_squeeze %dma_wait3A_173 : memref<1x128x32xf32, #tpu.memory_space<vmem>> -> memref<128x32xf32, #tpu.memory_space<vmem>>
        %dma_wait3A_175 = arith.constant 0 : i32
        %dma_wait3A_176 = tpu.memref_slice %arg7[%add3A_111, %dma_wait3A_175] : memref<20x128xi32, #tpu.memory_space<vmem>> -> memref<1x128xi32, #tpu.memory_space<vmem>>
        %dma_wait3A_177 = tpu.memref_squeeze %dma_wait3A_176 : memref<1x128xi32, #tpu.memory_space<vmem>> -> memref<128xi32, #tpu.memory_space<vmem>>
        %dma_wait3A_178 = arith.constant 0 : i32
        %dma_wait3A_179 = arith.constant 0 : i32
        %dma_wait3A_180 = tpu.memref_slice %arg4[%dma_wait3A_178, %dma_wait3A_179] : memref<200000x32xf32, #tpu.memory_space<hbm>> -> memref<200000x32xf32, #tpu.memory_space<hbm>>
        tpu.wait_indirect_dma semaphore(%arg11 : memref<!tpu.dma_semaphore, #tpu.memory_space<semaphore_mem>>) src(%dma_wait3A_180 : memref<200000x32xf32, #tpu.memory_space<hbm>>) dst(%dma_wait3A_174 : memref<128x32xf32, #tpu.memory_space<vmem>>)
        %dma_wait3A_181 = arith.constant 4 : i32
        %dma_wait3A_182 = arith.constant 0 : i32
        %dma_wait3A_183 = arith.constant 0 : i32
        %dma_wait3A_184 = tpu.memref_slice %arg9[%dma_wait3A_181, %dma_wait3A_182, %dma_wait3A_183] : memref<5x128x32xf32, #tpu.memory_space<vmem>> -> memref<1x128x32xf32, #tpu.memory_space<vmem>>
        %dma_wait3A_185 = tpu.memref_squeeze %dma_wait3A_184 : memref<1x128x32xf32, #tpu.memory_space<vmem>> -> memref<128x32xf32, #tpu.memory_space<vmem>>
        %dma_wait3A_186 = arith.constant 0 : i32
        %dma_wait3A_187 = tpu.memref_slice %arg7[%add3A_126, %dma_wait3A_186] : memref<20x128xi32, #tpu.memory_space<vmem>> -> memref<1x128xi32, #tpu.memory_space<vmem>>
        %dma_wait3A_188 = tpu.memref_squeeze %dma_wait3A_187 : memref<1x128xi32, #tpu.memory_space<vmem>> -> memref<128xi32, #tpu.memory_space<vmem>>
        %dma_wait3A_189 = arith.constant 0 : i32
        %dma_wait3A_190 = arith.constant 0 : i32
        %dma_wait3A_191 = tpu.memref_slice %arg4[%dma_wait3A_189, %dma_wait3A_190] : memref<200000x32xf32, #tpu.memory_space<hbm>> -> memref<200000x32xf32, #tpu.memory_space<hbm>>
        tpu.wait_indirect_dma semaphore(%arg11 : memref<!tpu.dma_semaphore, #tpu.memory_space<semaphore_mem>>) src(%dma_wait3A_191 : memref<200000x32xf32, #tpu.memory_space<hbm>>) dst(%dma_wait3A_185 : memref<128x32xf32, #tpu.memory_space<vmem>>)
        %mul3A_192 = arith.constant 5 : i32
        %mul3A_193 = arith.muli %scan3A_63, %mul3A_192 : i32
        %add3A_194 = arith.constant 0 : i32
        %add3A_195 = arith.addi %mul3A_193, %add3A_194 : i32
        %dma_start3A_196 = arith.constant 0 : i32
        %dma_start3A_197 = arith.constant 0 : i32
        %dma_start3A_198 = arith.constant 0 : i32
        %dma_start3A_199 = tpu.memref_slice %arg9[%dma_start3A_196, %dma_start3A_197, %dma_start3A_198] : memref<5x128x32xf32, #tpu.memory_space<vmem>> -> memref<1x128x32xf32, #tpu.memory_space<vmem>>
        %dma_start3A_200 = tpu.memref_squeeze %dma_start3A_199 : memref<1x128x32xf32, #tpu.memory_space<vmem>> -> memref<128x32xf32, #tpu.memory_space<vmem>>
        %dma_start3A_201 = arith.constant 0 : i32
        %dma_start3A_202 = tpu.memref_slice %arg8[%add3A_195, %dma_start3A_201] : memref<20x128xi32, #tpu.memory_space<vmem>> -> memref<1x128xi32, #tpu.memory_space<vmem>>
        %dma_start3A_203 = tpu.memref_squeeze %dma_start3A_202 : memref<1x128xi32, #tpu.memory_space<vmem>> -> memref<128xi32, #tpu.memory_space<vmem>>
        %dma_start3A_204 = arith.constant 0 : i32
        %dma_start3A_205 = arith.constant 0 : i32
        %dma_start3A_206 = tpu.memref_slice %arg10[%dma_start3A_204, %dma_start3A_205] : memref<51200x32xf32, #tpu.memory_space<vmem_shared>> -> memref<51200x32xf32, #tpu.memory_space<vmem_shared>>
        tpu.enqueue_indirect_dma source(%dma_start3A_200 : memref<128x32xf32, #tpu.memory_space<vmem>>) target(%dma_start3A_206 : memref<51200x32xf32, #tpu.memory_space<vmem_shared>>) offsets(%dma_start3A_203 : memref<128xi32, #tpu.memory_space<vmem>>) semaphore(%arg12 : memref<!tpu.dma_semaphore, #tpu.memory_space<semaphore_mem>>) {add = true}
        %mul3A_207 = arith.constant 5 : i32
        %mul3A_208 = arith.muli %scan3A_63, %mul3A_207 : i32
        %add3A_209 = arith.constant 1 : i32
        %add3A_210 = arith.addi %mul3A_208, %add3A_209 : i32
        %dma_start3A_211 = arith.constant 1 : i32
        %dma_start3A_212 = arith.constant 0 : i32
        %dma_start3A_213 = arith.constant 0 : i32
        %dma_start3A_214 = tpu.memref_slice %arg9[%dma_start3A_211, %dma_start3A_212, %dma_start3A_213] : memref<5x128x32xf32, #tpu.memory_space<vmem>> -> memref<1x128x32xf32, #tpu.memory_space<vmem>>
        %dma_start3A_215 = tpu.memref_squeeze %dma_start3A_214 : memref<1x128x32xf32, #tpu.memory_space<vmem>> -> memref<128x32xf32, #tpu.memory_space<vmem>>
        %dma_start3A_216 = arith.constant 0 : i32
        %dma_start3A_217 = tpu.memref_slice %arg8[%add3A_210, %dma_start3A_216] : memref<20x128xi32, #tpu.memory_space<vmem>> -> memref<1x128xi32, #tpu.memory_space<vmem>>
        %dma_start3A_218 = tpu.memref_squeeze %dma_start3A_217 : memref<1x128xi32, #tpu.memory_space<vmem>> -> memref<128xi32, #tpu.memory_space<vmem>>
        %dma_start3A_219 = arith.constant 0 : i32
        %dma_start3A_220 = arith.constant 0 : i32
        %dma_start3A_221 = tpu.memref_slice %arg10[%dma_start3A_219, %dma_start3A_220] : memref<51200x32xf32, #tpu.memory_space<vmem_shared>> -> memref<51200x32xf32, #tpu.memory_space<vmem_shared>>
        tpu.enqueue_indirect_dma source(%dma_start3A_215 : memref<128x32xf32, #tpu.memory_space<vmem>>) target(%dma_start3A_221 : memref<51200x32xf32, #tpu.memory_space<vmem_shared>>) offsets(%dma_start3A_218 : memref<128xi32, #tpu.memory_space<vmem>>) semaphore(%arg12 : memref<!tpu.dma_semaphore, #tpu.memory_space<semaphore_mem>>) {add = true}
        %mul3A_222 = arith.constant 5 : i32
        %mul3A_223 = arith.muli %scan3A_63, %mul3A_222 : i32
        %add3A_224 = arith.constant 2 : i32
        %add3A_225 = arith.addi %mul3A_223, %add3A_224 : i32
        %dma_start3A_226 = arith.constant 2 : i32
        %dma_start3A_227 = arith.constant 0 : i32
        %dma_start3A_228 = arith.constant 0 : i32
        %dma_start3A_229 = tpu.memref_slice %arg9[%dma_start3A_226, %dma_start3A_227, %dma_start3A_228] : memref<5x128x32xf32, #tpu.memory_space<vmem>> -> memref<1x128x32xf32, #tpu.memory_space<vmem>>
        %dma_start3A_230 = tpu.memref_squeeze %dma_start3A_229 : memref<1x128x32xf32, #tpu.memory_space<vmem>> -> memref<128x32xf32, #tpu.memory_space<vmem>>
        %dma_start3A_231 = arith.constant 0 : i32
        %dma_start3A_232 = tpu.memref_slice %arg8[%add3A_225, %dma_start3A_231] : memref<20x128xi32, #tpu.memory_space<vmem>> -> memref<1x128xi32, #tpu.memory_space<vmem>>
        %dma_start3A_233 = tpu.memref_squeeze %dma_start3A_232 : memref<1x128xi32, #tpu.memory_space<vmem>> -> memref<128xi32, #tpu.memory_space<vmem>>
        %dma_start3A_234 = arith.constant 0 : i32
        %dma_start3A_235 = arith.constant 0 : i32
        %dma_start3A_236 = tpu.memref_slice %arg10[%dma_start3A_234, %dma_start3A_235] : memref<51200x32xf32, #tpu.memory_space<vmem_shared>> -> memref<51200x32xf32, #tpu.memory_space<vmem_shared>>
        tpu.enqueue_indirect_dma source(%dma_start3A_230 : memref<128x32xf32, #tpu.memory_space<vmem>>) target(%dma_start3A_236 : memref<51200x32xf32, #tpu.memory_space<vmem_shared>>) offsets(%dma_start3A_233 : memref<128xi32, #tpu.memory_space<vmem>>) semaphore(%arg12 : memref<!tpu.dma_semaphore, #tpu.memory_space<semaphore_mem>>) {add = true}
        %mul3A_237 = arith.constant 5 : i32
        %mul3A_238 = arith.muli %scan3A_63, %mul3A_237 : i32
        %add3A_239 = arith.constant 3 : i32
        %add3A_240 = arith.addi %mul3A_238, %add3A_239 : i32
        %dma_start3A_241 = arith.constant 3 : i32
        %dma_start3A_242 = arith.constant 0 : i32
        %dma_start3A_243 = arith.constant 0 : i32
        %dma_start3A_244 = tpu.memref_slice %arg9[%dma_start3A_241, %dma_start3A_242, %dma_start3A_243] : memref<5x128x32xf32, #tpu.memory_space<vmem>> -> memref<1x128x32xf32, #tpu.memory_space<vmem>>
        %dma_start3A_245 = tpu.memref_squeeze %dma_start3A_244 : memref<1x128x32xf32, #tpu.memory_space<vmem>> -> memref<128x32xf32, #tpu.memory_space<vmem>>
        %dma_start3A_246 = arith.constant 0 : i32
        %dma_start3A_247 = tpu.memref_slice %arg8[%add3A_240, %dma_start3A_246] : memref<20x128xi32, #tpu.memory_space<vmem>> -> memref<1x128xi32, #tpu.memory_space<vmem>>
        %dma_start3A_248 = tpu.memref_squeeze %dma_start3A_247 : memref<1x128xi32, #tpu.memory_space<vmem>> -> memref<128xi32, #tpu.memory_space<vmem>>
        %dma_start3A_249 = arith.constant 0 : i32
        %dma_start3A_250 = arith.constant 0 : i32
        %dma_start3A_251 = tpu.memref_slice %arg10[%dma_start3A_249, %dma_start3A_250] : memref<51200x32xf32, #tpu.memory_space<vmem_shared>> -> memref<51200x32xf32, #tpu.memory_space<vmem_shared>>
        tpu.enqueue_indirect_dma source(%dma_start3A_245 : memref<128x32xf32, #tpu.memory_space<vmem>>) target(%dma_start3A_251 : memref<51200x32xf32, #tpu.memory_space<vmem_shared>>) offsets(%dma_start3A_248 : memref<128xi32, #tpu.memory_space<vmem>>) semaphore(%arg12 : memref<!tpu.dma_semaphore, #tpu.memory_space<semaphore_mem>>) {add = true}
        %mul3A_252 = arith.constant 5 : i32
        %mul3A_253 = arith.muli %scan3A_63, %mul3A_252 : i32
        %add3A_254 = arith.constant 4 : i32
        %add3A_255 = arith.addi %mul3A_253, %add3A_254 : i32
        %dma_start3A_256 = arith.constant 4 : i32
        %dma_start3A_257 = arith.constant 0 : i32
        %dma_start3A_258 = arith.constant 0 : i32
        %dma_start3A_259 = tpu.memref_slice %arg9[%dma_start3A_256, %dma_start3A_257, %dma_start3A_258] : memref<5x128x32xf32, #tpu.memory_space<vmem>> -> memref<1x128x32xf32, #tpu.memory_space<vmem>>
        %dma_start3A_260 = tpu.memref_squeeze %dma_start3A_259 : memref<1x128x32xf32, #tpu.memory_space<vmem>> -> memref<128x32xf32, #tpu.memory_space<vmem>>
        %dma_start3A_261 = arith.constant 0 : i32
        %dma_start3A_262 = tpu.memref_slice %arg8[%add3A_255, %dma_start3A_261] : memref<20x128xi32, #tpu.memory_space<vmem>> -> memref<1x128xi32, #tpu.memory_space<vmem>>
        %dma_start3A_263 = tpu.memref_squeeze %dma_start3A_262 : memref<1x128xi32, #tpu.memory_space<vmem>> -> memref<128xi32, #tpu.memory_space<vmem>>
        %dma_start3A_264 = arith.constant 0 : i32
        %dma_start3A_265 = arith.constant 0 : i32
        %dma_start3A_266 = tpu.memref_slice %arg10[%dma_start3A_264, %dma_start3A_265] : memref<51200x32xf32, #tpu.memory_space<vmem_shared>> -> memref<51200x32xf32, #tpu.memory_space<vmem_shared>>
        tpu.enqueue_indirect_dma source(%dma_start3A_260 : memref<128x32xf32, #tpu.memory_space<vmem>>) target(%dma_start3A_266 : memref<51200x32xf32, #tpu.memory_space<vmem_shared>>) offsets(%dma_start3A_263 : memref<128xi32, #tpu.memory_space<vmem>>) semaphore(%arg12 : memref<!tpu.dma_semaphore, #tpu.memory_space<semaphore_mem>>) {add = true}
        %dma_wait3A_267 = arith.constant 0 : i32
        %dma_wait3A_268 = arith.constant 0 : i32
        %dma_wait3A_269 = arith.constant 0 : i32
        %dma_wait3A_270 = tpu.memref_slice %arg9[%dma_wait3A_267, %dma_wait3A_268, %dma_wait3A_269] : memref<5x128x32xf32, #tpu.memory_space<vmem>> -> memref<1x128x32xf32, #tpu.memory_space<vmem>>
        %dma_wait3A_271 = tpu.memref_squeeze %dma_wait3A_270 : memref<1x128x32xf32, #tpu.memory_space<vmem>> -> memref<128x32xf32, #tpu.memory_space<vmem>>
        %dma_wait3A_272 = arith.constant 0 : i32
        %dma_wait3A_273 = tpu.memref_slice %arg8[%add3A_195, %dma_wait3A_272] : memref<20x128xi32, #tpu.memory_space<vmem>> -> memref<1x128xi32, #tpu.memory_space<vmem>>
        %dma_wait3A_274 = tpu.memref_squeeze %dma_wait3A_273 : memref<1x128xi32, #tpu.memory_space<vmem>> -> memref<128xi32, #tpu.memory_space<vmem>>
        %dma_wait3A_275 = arith.constant 0 : i32
        %dma_wait3A_276 = arith.constant 0 : i32
        %dma_wait3A_277 = tpu.memref_slice %arg10[%dma_wait3A_275, %dma_wait3A_276] : memref<51200x32xf32, #tpu.memory_space<vmem_shared>> -> memref<51200x32xf32, #tpu.memory_space<vmem_shared>>
        tpu.wait_indirect_dma semaphore(%arg12 : memref<!tpu.dma_semaphore, #tpu.memory_space<semaphore_mem>>) src(%dma_wait3A_271 : memref<128x32xf32, #tpu.memory_space<vmem>>) dst(%dma_wait3A_277 : memref<51200x32xf32, #tpu.memory_space<vmem_shared>>)
        %dma_wait3A_278 = arith.constant 1 : i32
        %dma_wait3A_279 = arith.constant 0 : i32
        %dma_wait3A_280 = arith.constant 0 : i32
        %dma_wait3A_281 = tpu.memref_slice %arg9[%dma_wait3A_278, %dma_wait3A_279, %dma_wait3A_280] : memref<5x128x32xf32, #tpu.memory_space<vmem>> -> memref<1x128x32xf32, #tpu.memory_space<vmem>>
        %dma_wait3A_282 = tpu.memref_squeeze %dma_wait3A_281 : memref<1x128x32xf32, #tpu.memory_space<vmem>> -> memref<128x32xf32, #tpu.memory_space<vmem>>
        %dma_wait3A_283 = arith.constant 0 : i32
        %dma_wait3A_284 = tpu.memref_slice %arg8[%add3A_210, %dma_wait3A_283] : memref<20x128xi32, #tpu.memory_space<vmem>> -> memref<1x128xi32, #tpu.memory_space<vmem>>
        %dma_wait3A_285 = tpu.memref_squeeze %dma_wait3A_284 : memref<1x128xi32, #tpu.memory_space<vmem>> -> memref<128xi32, #tpu.memory_space<vmem>>
        %dma_wait3A_286 = arith.constant 0 : i32
        %dma_wait3A_287 = arith.constant 0 : i32
        %dma_wait3A_288 = tpu.memref_slice %arg10[%dma_wait3A_286, %dma_wait3A_287] : memref<51200x32xf32, #tpu.memory_space<vmem_shared>> -> memref<51200x32xf32, #tpu.memory_space<vmem_shared>>
        tpu.wait_indirect_dma semaphore(%arg12 : memref<!tpu.dma_semaphore, #tpu.memory_space<semaphore_mem>>) src(%dma_wait3A_282 : memref<128x32xf32, #tpu.memory_space<vmem>>) dst(%dma_wait3A_288 : memref<51200x32xf32, #tpu.memory_space<vmem_shared>>)
        %dma_wait3A_289 = arith.constant 2 : i32
        %dma_wait3A_290 = arith.constant 0 : i32
        %dma_wait3A_291 = arith.constant 0 : i32
        %dma_wait3A_292 = tpu.memref_slice %arg9[%dma_wait3A_289, %dma_wait3A_290, %dma_wait3A_291] : memref<5x128x32xf32, #tpu.memory_space<vmem>> -> memref<1x128x32xf32, #tpu.memory_space<vmem>>
        %dma_wait3A_293 = tpu.memref_squeeze %dma_wait3A_292 : memref<1x128x32xf32, #tpu.memory_space<vmem>> -> memref<128x32xf32, #tpu.memory_space<vmem>>
        %dma_wait3A_294 = arith.constant 0 : i32
        %dma_wait3A_295 = tpu.memref_slice %arg8[%add3A_225, %dma_wait3A_294] : memref<20x128xi32, #tpu.memory_space<vmem>> -> memref<1x128xi32, #tpu.memory_space<vmem>>
        %dma_wait3A_296 = tpu.memref_squeeze %dma_wait3A_295 : memref<1x128xi32, #tpu.memory_space<vmem>> -> memref<128xi32, #tpu.memory_space<vmem>>
        %dma_wait3A_297 = arith.constant 0 : i32
        %dma_wait3A_298 = arith.constant 0 : i32
        %dma_wait3A_299 = tpu.memref_slice %arg10[%dma_wait3A_297, %dma_wait3A_298] : memref<51200x32xf32, #tpu.memory_space<vmem_shared>> -> memref<51200x32xf32, #tpu.memory_space<vmem_shared>>
        tpu.wait_indirect_dma semaphore(%arg12 : memref<!tpu.dma_semaphore, #tpu.memory_space<semaphore_mem>>) src(%dma_wait3A_293 : memref<128x32xf32, #tpu.memory_space<vmem>>) dst(%dma_wait3A_299 : memref<51200x32xf32, #tpu.memory_space<vmem_shared>>)
        %dma_wait3A_300 = arith.constant 3 : i32
        %dma_wait3A_301 = arith.constant 0 : i32
        %dma_wait3A_302 = arith.constant 0 : i32
        %dma_wait3A_303 = tpu.memref_slice %arg9[%dma_wait3A_300, %dma_wait3A_301, %dma_wait3A_302] : memref<5x128x32xf32, #tpu.memory_space<vmem>> -> memref<1x128x32xf32, #tpu.memory_space<vmem>>
        %dma_wait3A_304 = tpu.memref_squeeze %dma_wait3A_303 : memref<1x128x32xf32, #tpu.memory_space<vmem>> -> memref<128x32xf32, #tpu.memory_space<vmem>>
        %dma_wait3A_305 = arith.constant 0 : i32
        %dma_wait3A_306 = tpu.memref_slice %arg8[%add3A_240, %dma_wait3A_305] : memref<20x128xi32, #tpu.memory_space<vmem>> -> memref<1x128xi32, #tpu.memory_space<vmem>>
        %dma_wait3A_307 = tpu.memref_squeeze %dma_wait3A_306 : memref<1x128xi32, #tpu.memory_space<vmem>> -> memref<128xi32, #tpu.memory_space<vmem>>
        %dma_wait3A_308 = arith.constant 0 : i32
        %dma_wait3A_309 = arith.constant 0 : i32
        %dma_wait3A_310 = tpu.memref_slice %arg10[%dma_wait3A_308, %dma_wait3A_309] : memref<51200x32xf32, #tpu.memory_space<vmem_shared>> -> memref<51200x32xf32, #tpu.memory_space<vmem_shared>>
        tpu.wait_indirect_dma semaphore(%arg12 : memref<!tpu.dma_semaphore, #tpu.memory_space<semaphore_mem>>) src(%dma_wait3A_304 : memref<128x32xf32, #tpu.memory_space<vmem>>) dst(%dma_wait3A_310 : memref<51200x32xf32, #tpu.memory_space<vmem_shared>>)
        %dma_wait3A_311 = arith.constant 4 : i32
        %dma_wait3A_312 = arith.constant 0 : i32
        %dma_wait3A_313 = arith.constant 0 : i32
        %dma_wait3A_314 = tpu.memref_slice %arg9[%dma_wait3A_311, %dma_wait3A_312, %dma_wait3A_313] : memref<5x128x32xf32, #tpu.memory_space<vmem>> -> memref<1x128x32xf32, #tpu.memory_space<vmem>>
        %dma_wait3A_315 = tpu.memref_squeeze %dma_wait3A_314 : memref<1x128x32xf32, #tpu.memory_space<vmem>> -> memref<128x32xf32, #tpu.memory_space<vmem>>
        %dma_wait3A_316 = arith.constant 0 : i32
        %dma_wait3A_317 = tpu.memref_slice %arg8[%add3A_255, %dma_wait3A_316] : memref<20x128xi32, #tpu.memory_space<vmem>> -> memref<1x128xi32, #tpu.memory_space<vmem>>
        %dma_wait3A_318 = tpu.memref_squeeze %dma_wait3A_317 : memref<1x128xi32, #tpu.memory_space<vmem>> -> memref<128xi32, #tpu.memory_space<vmem>>
        %dma_wait3A_319 = arith.constant 0 : i32
        %dma_wait3A_320 = arith.constant 0 : i32
        %dma_wait3A_321 = tpu.memref_slice %arg10[%dma_wait3A_319, %dma_wait3A_320] : memref<51200x32xf32, #tpu.memory_space<vmem_shared>> -> memref<51200x32xf32, #tpu.memory_space<vmem_shared>>
        tpu.wait_indirect_dma semaphore(%arg12 : memref<!tpu.dma_semaphore, #tpu.memory_space<semaphore_mem>>) src(%dma_wait3A_315 : memref<128x32xf32, #tpu.memory_space<vmem>>) dst(%dma_wait3A_321 : memref<51200x32xf32, #tpu.memory_space<vmem_shared>>)
      }
      %scan3A_62 = arith.constant 4 : i32
    }
    %while3A_31 = arith.constant 1 : i32
    scf.for %while3A_52 = %while3A_29 to %while3A_25 step %while3A_31  : i32 {
      %mul3A_53 = arith.constant 20 : i32
      %mul3A_54 = arith.muli %while3A_52, %mul3A_53 : i32
      %add3A_55 = arith.addi %multiple_of3A_22, %mul3A_54 : i32
      %multiple_of3A_56 = tpu.assume_multiple %add3A_55, 8 : i32
      "tpu.region"() ({
        %run_scoped3A_63 = tpu.sem_alloc : memref<!tpu.dma_semaphore, #tpu.memory_space<semaphore_mem>>
        %dma_start3A = arith.constant 0 : i32
        %dma_start3A_64 = tpu.memref_slice %arg2[%multiple_of3A_56, %dma_start3A] : memref<6400x128xi32, #tpu.memory_space<hbm>> -> memref<20x128xi32, #tpu.memory_space<hbm>>
        %dma_start3A_65 = arith.constant 0 : i32
        %dma_start3A_66 = tpu.memref_slice %arg2[%multiple_of3A_56, %dma_start3A_65] : memref<6400x128xi32, #tpu.memory_space<hbm>> -> memref<20x128xi32, #tpu.memory_space<hbm>>
        tpu.enqueue_dma source(%dma_start3A_66 : memref<20x128xi32, #tpu.memory_space<hbm>>) target(%arg7 : memref<20x128xi32, #tpu.memory_space<vmem>>) target_semaphore(%run_scoped3A_63 : memref<!tpu.dma_semaphore, #tpu.memory_space<semaphore_mem>>)
        %dma_wait3A = arith.constant 0 : i32
        %dma_wait3A_67 = tpu.memref_slice %arg2[%multiple_of3A_56, %dma_wait3A] : memref<6400x128xi32, #tpu.memory_space<hbm>> -> memref<20x128xi32, #tpu.memory_space<hbm>>
        %dma_wait3A_68 = arith.constant 0 : i32
        %dma_wait3A_69 = tpu.memref_slice %arg2[%multiple_of3A_56, %dma_wait3A_68] : memref<6400x128xi32, #tpu.memory_space<hbm>> -> memref<20x128xi32, #tpu.memory_space<hbm>>
        tpu.wait_dma2 semaphore(%run_scoped3A_63 : memref<!tpu.dma_semaphore, #tpu.memory_space<semaphore_mem>>) src(%dma_wait3A_69 : memref<20x128xi32, #tpu.memory_space<hbm>>) dst(%arg7 : memref<20x128xi32, #tpu.memory_space<vmem>>)
        tpu.yield
      }) : () -> ()
      "tpu.region"() ({
        %run_scoped3A_63 = tpu.sem_alloc : memref<!tpu.dma_semaphore, #tpu.memory_space<semaphore_mem>>
        %dma_start3A = arith.constant 0 : i32
        %dma_start3A_64 = tpu.memref_slice %arg3[%multiple_of3A_56, %dma_start3A] : memref<6400x128xi32, #tpu.memory_space<hbm>> -> memref<20x128xi32, #tpu.memory_space<hbm>>
        %dma_start3A_65 = arith.constant 0 : i32
        %dma_start3A_66 = tpu.memref_slice %arg3[%multiple_of3A_56, %dma_start3A_65] : memref<6400x128xi32, #tpu.memory_space<hbm>> -> memref<20x128xi32, #tpu.memory_space<hbm>>
        tpu.enqueue_dma source(%dma_start3A_66 : memref<20x128xi32, #tpu.memory_space<hbm>>) target(%arg8 : memref<20x128xi32, #tpu.memory_space<vmem>>) target_semaphore(%run_scoped3A_63 : memref<!tpu.dma_semaphore, #tpu.memory_space<semaphore_mem>>)
        %dma_wait3A = arith.constant 0 : i32
        %dma_wait3A_67 = tpu.memref_slice %arg3[%multiple_of3A_56, %dma_wait3A] : memref<6400x128xi32, #tpu.memory_space<hbm>> -> memref<20x128xi32, #tpu.memory_space<hbm>>
        %dma_wait3A_68 = arith.constant 0 : i32
        %dma_wait3A_69 = tpu.memref_slice %arg3[%multiple_of3A_56, %dma_wait3A_68] : memref<6400x128xi32, #tpu.memory_space<hbm>> -> memref<20x128xi32, #tpu.memory_space<hbm>>
        tpu.wait_dma2 semaphore(%run_scoped3A_63 : memref<!tpu.dma_semaphore, #tpu.memory_space<semaphore_mem>>) src(%dma_wait3A_69 : memref<20x128xi32, #tpu.memory_space<hbm>>) dst(%arg8 : memref<20x128xi32, #tpu.memory_space<vmem>>)
        tpu.yield
      }) : () -> ()
      %scan3A_57 = arith.constant 0 : i32
      %scan3A_58 = arith.constant 0 : i32
      %scan3A_59 = arith.constant 4 : i32
      %scan3A_60 = arith.addi %scan3A_58, %scan3A_59 : i32
      %scan3A_61 = arith.constant 1 : i32
      scf.for %scan3A_63 = %scan3A_58 to %scan3A_60 step %scan3A_61  : i32 {
        %mul3A_64 = arith.constant 5 : i32
        %mul3A_65 = arith.muli %scan3A_63, %mul3A_64 : i32
        %add3A_66 = arith.constant 0 : i32
        %add3A_67 = arith.addi %mul3A_65, %add3A_66 : i32
        %dma_start3A = arith.constant 0 : i32
        %dma_start3A_68 = arith.constant 0 : i32
        %dma_start3A_69 = arith.constant 0 : i32
        %dma_start3A_70 = tpu.memref_slice %arg9[%dma_start3A, %dma_start3A_68, %dma_start3A_69] : memref<5x128x32xf32, #tpu.memory_space<vmem>> -> memref<1x128x32xf32, #tpu.memory_space<vmem>>
        %dma_start3A_71 = tpu.memref_squeeze %dma_start3A_70 : memref<1x128x32xf32, #tpu.memory_space<vmem>> -> memref<128x32xf32, #tpu.memory_space<vmem>>
        %dma_start3A_72 = arith.constant 0 : i32
        %dma_start3A_73 = tpu.memref_slice %arg7[%add3A_67, %dma_start3A_72] : memref<20x128xi32, #tpu.memory_space<vmem>> -> memref<1x128xi32, #tpu.memory_space<vmem>>
        %dma_start3A_74 = tpu.memref_squeeze %dma_start3A_73 : memref<1x128xi32, #tpu.memory_space<vmem>> -> memref<128xi32, #tpu.memory_space<vmem>>
        %dma_start3A_75 = arith.constant 0 : i32
        %dma_start3A_76 = arith.constant 0 : i32
        %dma_start3A_77 = tpu.memref_slice %arg4[%dma_start3A_75, %dma_start3A_76] : memref<200000x32xf32, #tpu.memory_space<hbm>> -> memref<200000x32xf32, #tpu.memory_space<hbm>>
        tpu.enqueue_indirect_dma source(%dma_start3A_77 : memref<200000x32xf32, #tpu.memory_space<hbm>>) target(%dma_start3A_71 : memref<128x32xf32, #tpu.memory_space<vmem>>) offsets(%dma_start3A_74 : memref<128xi32, #tpu.memory_space<vmem>>) semaphore(%arg11 : memref<!tpu.dma_semaphore, #tpu.memory_space<semaphore_mem>>)
        %mul3A_78 = arith.constant 5 : i32
        %mul3A_79 = arith.muli %scan3A_63, %mul3A_78 : i32
        %add3A_80 = arith.constant 1 : i32
        %add3A_81 = arith.addi %mul3A_79, %add3A_80 : i32
        %dma_start3A_82 = arith.constant 1 : i32
        %dma_start3A_83 = arith.constant 0 : i32
        %dma_start3A_84 = arith.constant 0 : i32
        %dma_start3A_85 = tpu.memref_slice %arg9[%dma_start3A_82, %dma_start3A_83, %dma_start3A_84] : memref<5x128x32xf32, #tpu.memory_space<vmem>> -> memref<1x128x32xf32, #tpu.memory_space<vmem>>
        %dma_start3A_86 = tpu.memref_squeeze %dma_start3A_85 : memref<1x128x32xf32, #tpu.memory_space<vmem>> -> memref<128x32xf32, #tpu.memory_space<vmem>>
        %dma_start3A_87 = arith.constant 0 : i32
        %dma_start3A_88 = tpu.memref_slice %arg7[%add3A_81, %dma_start3A_87] : memref<20x128xi32, #tpu.memory_space<vmem>> -> memref<1x128xi32, #tpu.memory_space<vmem>>
        %dma_start3A_89 = tpu.memref_squeeze %dma_start3A_88 : memref<1x128xi32, #tpu.memory_space<vmem>> -> memref<128xi32, #tpu.memory_space<vmem>>
        %dma_start3A_90 = arith.constant 0 : i32
        %dma_start3A_91 = arith.constant 0 : i32
        %dma_start3A_92 = tpu.memref_slice %arg4[%dma_start3A_90, %dma_start3A_91] : memref<200000x32xf32, #tpu.memory_space<hbm>> -> memref<200000x32xf32, #tpu.memory_space<hbm>>
        tpu.enqueue_indirect_dma source(%dma_start3A_92 : memref<200000x32xf32, #tpu.memory_space<hbm>>) target(%dma_start3A_86 : memref<128x32xf32, #tpu.memory_space<vmem>>) offsets(%dma_start3A_89 : memref<128xi32, #tpu.memory_space<vmem>>) semaphore(%arg11 : memref<!tpu.dma_semaphore, #tpu.memory_space<semaphore_mem>>)
        %mul3A_93 = arith.constant 5 : i32
        %mul3A_94 = arith.muli %scan3A_63, %mul3A_93 : i32
        %add3A_95 = arith.constant 2 : i32
        %add3A_96 = arith.addi %mul3A_94, %add3A_95 : i32
        %dma_start3A_97 = arith.constant 2 : i32
        %dma_start3A_98 = arith.constant 0 : i32
        %dma_start3A_99 = arith.constant 0 : i32
        %dma_start3A_100 = tpu.memref_slice %arg9[%dma_start3A_97, %dma_start3A_98, %dma_start3A_99] : memref<5x128x32xf32, #tpu.memory_space<vmem>> -> memref<1x128x32xf32, #tpu.memory_space<vmem>>
        %dma_start3A_101 = tpu.memref_squeeze %dma_start3A_100 : memref<1x128x32xf32, #tpu.memory_space<vmem>> -> memref<128x32xf32, #tpu.memory_space<vmem>>
        %dma_start3A_102 = arith.constant 0 : i32
        %dma_start3A_103 = tpu.memref_slice %arg7[%add3A_96, %dma_start3A_102] : memref<20x128xi32, #tpu.memory_space<vmem>> -> memref<1x128xi32, #tpu.memory_space<vmem>>
        %dma_start3A_104 = tpu.memref_squeeze %dma_start3A_103 : memref<1x128xi32, #tpu.memory_space<vmem>> -> memref<128xi32, #tpu.memory_space<vmem>>
        %dma_start3A_105 = arith.constant 0 : i32
        %dma_start3A_106 = arith.constant 0 : i32
        %dma_start3A_107 = tpu.memref_slice %arg4[%dma_start3A_105, %dma_start3A_106] : memref<200000x32xf32, #tpu.memory_space<hbm>> -> memref<200000x32xf32, #tpu.memory_space<hbm>>
        tpu.enqueue_indirect_dma source(%dma_start3A_107 : memref<200000x32xf32, #tpu.memory_space<hbm>>) target(%dma_start3A_101 : memref<128x32xf32, #tpu.memory_space<vmem>>) offsets(%dma_start3A_104 : memref<128xi32, #tpu.memory_space<vmem>>) semaphore(%arg11 : memref<!tpu.dma_semaphore, #tpu.memory_space<semaphore_mem>>)
        %mul3A_108 = arith.constant 5 : i32
        %mul3A_109 = arith.muli %scan3A_63, %mul3A_108 : i32
        %add3A_110 = arith.constant 3 : i32
        %add3A_111 = arith.addi %mul3A_109, %add3A_110 : i32
        %dma_start3A_112 = arith.constant 3 : i32
        %dma_start3A_113 = arith.constant 0 : i32
        %dma_start3A_114 = arith.constant 0 : i32
        %dma_start3A_115 = tpu.memref_slice %arg9[%dma_start3A_112, %dma_start3A_113, %dma_start3A_114] : memref<5x128x32xf32, #tpu.memory_space<vmem>> -> memref<1x128x32xf32, #tpu.memory_space<vmem>>
        %dma_start3A_116 = tpu.memref_squeeze %dma_start3A_115 : memref<1x128x32xf32, #tpu.memory_space<vmem>> -> memref<128x32xf32, #tpu.memory_space<vmem>>
        %dma_start3A_117 = arith.constant 0 : i32
        %dma_start3A_118 = tpu.memref_slice %arg7[%add3A_111, %dma_start3A_117] : memref<20x128xi32, #tpu.memory_space<vmem>> -> memref<1x128xi32, #tpu.memory_space<vmem>>
        %dma_start3A_119 = tpu.memref_squeeze %dma_start3A_118 : memref<1x128xi32, #tpu.memory_space<vmem>> -> memref<128xi32, #tpu.memory_space<vmem>>
        %dma_start3A_120 = arith.constant 0 : i32
        %dma_start3A_121 = arith.constant 0 : i32
        %dma_start3A_122 = tpu.memref_slice %arg4[%dma_start3A_120, %dma_start3A_121] : memref<200000x32xf32, #tpu.memory_space<hbm>> -> memref<200000x32xf32, #tpu.memory_space<hbm>>
        tpu.enqueue_indirect_dma source(%dma_start3A_122 : memref<200000x32xf32, #tpu.memory_space<hbm>>) target(%dma_start3A_116 : memref<128x32xf32, #tpu.memory_space<vmem>>) offsets(%dma_start3A_119 : memref<128xi32, #tpu.memory_space<vmem>>) semaphore(%arg11 : memref<!tpu.dma_semaphore, #tpu.memory_space<semaphore_mem>>)
        %mul3A_123 = arith.constant 5 : i32
        %mul3A_124 = arith.muli %scan3A_63, %mul3A_123 : i32
        %add3A_125 = arith.constant 4 : i32
        %add3A_126 = arith.addi %mul3A_124, %add3A_125 : i32
        %dma_start3A_127 = arith.constant 4 : i32
        %dma_start3A_128 = arith.constant 0 : i32
        %dma_start3A_129 = arith.constant 0 : i32
        %dma_start3A_130 = tpu.memref_slice %arg9[%dma_start3A_127, %dma_start3A_128, %dma_start3A_129] : memref<5x128x32xf32, #tpu.memory_space<vmem>> -> memref<1x128x32xf32, #tpu.memory_space<vmem>>
        %dma_start3A_131 = tpu.memref_squeeze %dma_start3A_130 : memref<1x128x32xf32, #tpu.memory_space<vmem>> -> memref<128x32xf32, #tpu.memory_space<vmem>>
        %dma_start3A_132 = arith.constant 0 : i32
        %dma_start3A_133 = tpu.memref_slice %arg7[%add3A_126, %dma_start3A_132] : memref<20x128xi32, #tpu.memory_space<vmem>> -> memref<1x128xi32, #tpu.memory_space<vmem>>
        %dma_start3A_134 = tpu.memref_squeeze %dma_start3A_133 : memref<1x128xi32, #tpu.memory_space<vmem>> -> memref<128xi32, #tpu.memory_space<vmem>>
        %dma_start3A_135 = arith.constant 0 : i32
        %dma_start3A_136 = arith.constant 0 : i32
        %dma_start3A_137 = tpu.memref_slice %arg4[%dma_start3A_135, %dma_start3A_136] : memref<200000x32xf32, #tpu.memory_space<hbm>> -> memref<200000x32xf32, #tpu.memory_space<hbm>>
        tpu.enqueue_indirect_dma source(%dma_start3A_137 : memref<200000x32xf32, #tpu.memory_space<hbm>>) target(%dma_start3A_131 : memref<128x32xf32, #tpu.memory_space<vmem>>) offsets(%dma_start3A_134 : memref<128xi32, #tpu.memory_space<vmem>>) semaphore(%arg11 : memref<!tpu.dma_semaphore, #tpu.memory_space<semaphore_mem>>)
        %dma_wait3A = arith.constant 0 : i32
        %dma_wait3A_138 = arith.constant 0 : i32
        %dma_wait3A_139 = arith.constant 0 : i32
        %dma_wait3A_140 = tpu.memref_slice %arg9[%dma_wait3A, %dma_wait3A_138, %dma_wait3A_139] : memref<5x128x32xf32, #tpu.memory_space<vmem>> -> memref<1x128x32xf32, #tpu.memory_space<vmem>>
        %dma_wait3A_141 = tpu.memref_squeeze %dma_wait3A_140 : memref<1x128x32xf32, #tpu.memory_space<vmem>> -> memref<128x32xf32, #tpu.memory_space<vmem>>
        %dma_wait3A_142 = arith.constant 0 : i32
        %dma_wait3A_143 = tpu.memref_slice %arg7[%add3A_67, %dma_wait3A_142] : memref<20x128xi32, #tpu.memory_space<vmem>> -> memref<1x128xi32, #tpu.memory_space<vmem>>
        %dma_wait3A_144 = tpu.memref_squeeze %dma_wait3A_143 : memref<1x128xi32, #tpu.memory_space<vmem>> -> memref<128xi32, #tpu.memory_space<vmem>>
        %dma_wait3A_145 = arith.constant 0 : i32
        %dma_wait3A_146 = arith.constant 0 : i32
        %dma_wait3A_147 = tpu.memref_slice %arg4[%dma_wait3A_145, %dma_wait3A_146] : memref<200000x32xf32, #tpu.memory_space<hbm>> -> memref<200000x32xf32, #tpu.memory_space<hbm>>
        tpu.wait_indirect_dma semaphore(%arg11 : memref<!tpu.dma_semaphore, #tpu.memory_space<semaphore_mem>>) src(%dma_wait3A_147 : memref<200000x32xf32, #tpu.memory_space<hbm>>) dst(%dma_wait3A_141 : memref<128x32xf32, #tpu.memory_space<vmem>>)
        %dma_wait3A_148 = arith.constant 1 : i32
        %dma_wait3A_149 = arith.constant 0 : i32
        %dma_wait3A_150 = arith.constant 0 : i32
        %dma_wait3A_151 = tpu.memref_slice %arg9[%dma_wait3A_148, %dma_wait3A_149, %dma_wait3A_150] : memref<5x128x32xf32, #tpu.memory_space<vmem>> -> memref<1x128x32xf32, #tpu.memory_space<vmem>>
        %dma_wait3A_152 = tpu.memref_squeeze %dma_wait3A_151 : memref<1x128x32xf32, #tpu.memory_space<vmem>> -> memref<128x32xf32, #tpu.memory_space<vmem>>
        %dma_wait3A_153 = arith.constant 0 : i32
        %dma_wait3A_154 = tpu.memref_slice %arg7[%add3A_81, %dma_wait3A_153] : memref<20x128xi32, #tpu.memory_space<vmem>> -> memref<1x128xi32, #tpu.memory_space<vmem>>
        %dma_wait3A_155 = tpu.memref_squeeze %dma_wait3A_154 : memref<1x128xi32, #tpu.memory_space<vmem>> -> memref<128xi32, #tpu.memory_space<vmem>>
        %dma_wait3A_156 = arith.constant 0 : i32
        %dma_wait3A_157 = arith.constant 0 : i32
        %dma_wait3A_158 = tpu.memref_slice %arg4[%dma_wait3A_156, %dma_wait3A_157] : memref<200000x32xf32, #tpu.memory_space<hbm>> -> memref<200000x32xf32, #tpu.memory_space<hbm>>
        tpu.wait_indirect_dma semaphore(%arg11 : memref<!tpu.dma_semaphore, #tpu.memory_space<semaphore_mem>>) src(%dma_wait3A_158 : memref<200000x32xf32, #tpu.memory_space<hbm>>) dst(%dma_wait3A_152 : memref<128x32xf32, #tpu.memory_space<vmem>>)
        %dma_wait3A_159 = arith.constant 2 : i32
        %dma_wait3A_160 = arith.constant 0 : i32
        %dma_wait3A_161 = arith.constant 0 : i32
        %dma_wait3A_162 = tpu.memref_slice %arg9[%dma_wait3A_159, %dma_wait3A_160, %dma_wait3A_161] : memref<5x128x32xf32, #tpu.memory_space<vmem>> -> memref<1x128x32xf32, #tpu.memory_space<vmem>>
        %dma_wait3A_163 = tpu.memref_squeeze %dma_wait3A_162 : memref<1x128x32xf32, #tpu.memory_space<vmem>> -> memref<128x32xf32, #tpu.memory_space<vmem>>
        %dma_wait3A_164 = arith.constant 0 : i32
        %dma_wait3A_165 = tpu.memref_slice %arg7[%add3A_96, %dma_wait3A_164] : memref<20x128xi32, #tpu.memory_space<vmem>> -> memref<1x128xi32, #tpu.memory_space<vmem>>
        %dma_wait3A_166 = tpu.memref_squeeze %dma_wait3A_165 : memref<1x128xi32, #tpu.memory_space<vmem>> -> memref<128xi32, #tpu.memory_space<vmem>>
        %dma_wait3A_167 = arith.constant 0 : i32
        %dma_wait3A_168 = arith.constant 0 : i32
        %dma_wait3A_169 = tpu.memref_slice %arg4[%dma_wait3A_167, %dma_wait3A_168] : memref<200000x32xf32, #tpu.memory_space<hbm>> -> memref<200000x32xf32, #tpu.memory_space<hbm>>
        tpu.wait_indirect_dma semaphore(%arg11 : memref<!tpu.dma_semaphore, #tpu.memory_space<semaphore_mem>>) src(%dma_wait3A_169 : memref<200000x32xf32, #tpu.memory_space<hbm>>) dst(%dma_wait3A_163 : memref<128x32xf32, #tpu.memory_space<vmem>>)
        %dma_wait3A_170 = arith.constant 3 : i32
        %dma_wait3A_171 = arith.constant 0 : i32
        %dma_wait3A_172 = arith.constant 0 : i32
        %dma_wait3A_173 = tpu.memref_slice %arg9[%dma_wait3A_170, %dma_wait3A_171, %dma_wait3A_172] : memref<5x128x32xf32, #tpu.memory_space<vmem>> -> memref<1x128x32xf32, #tpu.memory_space<vmem>>
        %dma_wait3A_174 = tpu.memref_squeeze %dma_wait3A_173 : memref<1x128x32xf32, #tpu.memory_space<vmem>> -> memref<128x32xf32, #tpu.memory_space<vmem>>
        %dma_wait3A_175 = arith.constant 0 : i32
        %dma_wait3A_176 = tpu.memref_slice %arg7[%add3A_111, %dma_wait3A_175] : memref<20x128xi32, #tpu.memory_space<vmem>> -> memref<1x128xi32, #tpu.memory_space<vmem>>
        %dma_wait3A_177 = tpu.memref_squeeze %dma_wait3A_176 : memref<1x128xi32, #tpu.memory_space<vmem>> -> memref<128xi32, #tpu.memory_space<vmem>>
        %dma_wait3A_178 = arith.constant 0 : i32
        %dma_wait3A_179 = arith.constant 0 : i32
        %dma_wait3A_180 = tpu.memref_slice %arg4[%dma_wait3A_178, %dma_wait3A_179] : memref<200000x32xf32, #tpu.memory_space<hbm>> -> memref<200000x32xf32, #tpu.memory_space<hbm>>
        tpu.wait_indirect_dma semaphore(%arg11 : memref<!tpu.dma_semaphore, #tpu.memory_space<semaphore_mem>>) src(%dma_wait3A_180 : memref<200000x32xf32, #tpu.memory_space<hbm>>) dst(%dma_wait3A_174 : memref<128x32xf32, #tpu.memory_space<vmem>>)
        %dma_wait3A_181 = arith.constant 4 : i32
        %dma_wait3A_182 = arith.constant 0 : i32
        %dma_wait3A_183 = arith.constant 0 : i32
        %dma_wait3A_184 = tpu.memref_slice %arg9[%dma_wait3A_181, %dma_wait3A_182, %dma_wait3A_183] : memref<5x128x32xf32, #tpu.memory_space<vmem>> -> memref<1x128x32xf32, #tpu.memory_space<vmem>>
        %dma_wait3A_185 = tpu.memref_squeeze %dma_wait3A_184 : memref<1x128x32xf32, #tpu.memory_space<vmem>> -> memref<128x32xf32, #tpu.memory_space<vmem>>
        %dma_wait3A_186 = arith.constant 0 : i32
        %dma_wait3A_187 = tpu.memref_slice %arg7[%add3A_126, %dma_wait3A_186] : memref<20x128xi32, #tpu.memory_space<vmem>> -> memref<1x128xi32, #tpu.memory_space<vmem>>
        %dma_wait3A_188 = tpu.memref_squeeze %dma_wait3A_187 : memref<1x128xi32, #tpu.memory_space<vmem>> -> memref<128xi32, #tpu.memory_space<vmem>>
        %dma_wait3A_189 = arith.constant 0 : i32
        %dma_wait3A_190 = arith.constant 0 : i32
        %dma_wait3A_191 = tpu.memref_slice %arg4[%dma_wait3A_189, %dma_wait3A_190] : memref<200000x32xf32, #tpu.memory_space<hbm>> -> memref<200000x32xf32, #tpu.memory_space<hbm>>
        tpu.wait_indirect_dma semaphore(%arg11 : memref<!tpu.dma_semaphore, #tpu.memory_space<semaphore_mem>>) src(%dma_wait3A_191 : memref<200000x32xf32, #tpu.memory_space<hbm>>) dst(%dma_wait3A_185 : memref<128x32xf32, #tpu.memory_space<vmem>>)
        %mul3A_192 = arith.constant 5 : i32
        %mul3A_193 = arith.muli %scan3A_63, %mul3A_192 : i32
        %add3A_194 = arith.constant 0 : i32
        %add3A_195 = arith.addi %mul3A_193, %add3A_194 : i32
        %dma_start3A_196 = arith.constant 0 : i32
        %dma_start3A_197 = arith.constant 0 : i32
        %dma_start3A_198 = arith.constant 0 : i32
        %dma_start3A_199 = tpu.memref_slice %arg9[%dma_start3A_196, %dma_start3A_197, %dma_start3A_198] : memref<5x128x32xf32, #tpu.memory_space<vmem>> -> memref<1x128x32xf32, #tpu.memory_space<vmem>>
        %dma_start3A_200 = tpu.memref_squeeze %dma_start3A_199 : memref<1x128x32xf32, #tpu.memory_space<vmem>> -> memref<128x32xf32, #tpu.memory_space<vmem>>
        %dma_start3A_201 = arith.constant 0 : i32
        %dma_start3A_202 = tpu.memref_slice %arg8[%add3A_195, %dma_start3A_201] : memref<20x128xi32, #tpu.memory_space<vmem>> -> memref<1x128xi32, #tpu.memory_space<vmem>>
        %dma_start3A_203 = tpu.memref_squeeze %dma_start3A_202 : memref<1x128xi32, #tpu.memory_space<vmem>> -> memref<128xi32, #tpu.memory_space<vmem>>
        %dma_start3A_204 = arith.constant 0 : i32
        %dma_start3A_205 = arith.constant 0 : i32
        %dma_start3A_206 = tpu.memref_slice %arg10[%dma_start3A_204, %dma_start3A_205] : memref<51200x32xf32, #tpu.memory_space<vmem_shared>> -> memref<51200x32xf32, #tpu.memory_space<vmem_shared>>
        tpu.enqueue_indirect_dma source(%dma_start3A_200 : memref<128x32xf32, #tpu.memory_space<vmem>>) target(%dma_start3A_206 : memref<51200x32xf32, #tpu.memory_space<vmem_shared>>) offsets(%dma_start3A_203 : memref<128xi32, #tpu.memory_space<vmem>>) semaphore(%arg12 : memref<!tpu.dma_semaphore, #tpu.memory_space<semaphore_mem>>) {add = true}
        %mul3A_207 = arith.constant 5 : i32
        %mul3A_208 = arith.muli %scan3A_63, %mul3A_207 : i32
        %add3A_209 = arith.constant 1 : i32
        %add3A_210 = arith.addi %mul3A_208, %add3A_209 : i32
        %dma_start3A_211 = arith.constant 1 : i32
        %dma_start3A_212 = arith.constant 0 : i32
        %dma_start3A_213 = arith.constant 0 : i32
        %dma_start3A_214 = tpu.memref_slice %arg9[%dma_start3A_211, %dma_start3A_212, %dma_start3A_213] : memref<5x128x32xf32, #tpu.memory_space<vmem>> -> memref<1x128x32xf32, #tpu.memory_space<vmem>>
        %dma_start3A_215 = tpu.memref_squeeze %dma_start3A_214 : memref<1x128x32xf32, #tpu.memory_space<vmem>> -> memref<128x32xf32, #tpu.memory_space<vmem>>
        %dma_start3A_216 = arith.constant 0 : i32
        %dma_start3A_217 = tpu.memref_slice %arg8[%add3A_210, %dma_start3A_216] : memref<20x128xi32, #tpu.memory_space<vmem>> -> memref<1x128xi32, #tpu.memory_space<vmem>>
        %dma_start3A_218 = tpu.memref_squeeze %dma_start3A_217 : memref<1x128xi32, #tpu.memory_space<vmem>> -> memref<128xi32, #tpu.memory_space<vmem>>
        %dma_start3A_219 = arith.constant 0 : i32
        %dma_start3A_220 = arith.constant 0 : i32
        %dma_start3A_221 = tpu.memref_slice %arg10[%dma_start3A_219, %dma_start3A_220] : memref<51200x32xf32, #tpu.memory_space<vmem_shared>> -> memref<51200x32xf32, #tpu.memory_space<vmem_shared>>
        tpu.enqueue_indirect_dma source(%dma_start3A_215 : memref<128x32xf32, #tpu.memory_space<vmem>>) target(%dma_start3A_221 : memref<51200x32xf32, #tpu.memory_space<vmem_shared>>) offsets(%dma_start3A_218 : memref<128xi32, #tpu.memory_space<vmem>>) semaphore(%arg12 : memref<!tpu.dma_semaphore, #tpu.memory_space<semaphore_mem>>) {add = true}
        %mul3A_222 = arith.constant 5 : i32
        %mul3A_223 = arith.muli %scan3A_63, %mul3A_222 : i32
        %add3A_224 = arith.constant 2 : i32
        %add3A_225 = arith.addi %mul3A_223, %add3A_224 : i32
        %dma_start3A_226 = arith.constant 2 : i32
        %dma_start3A_227 = arith.constant 0 : i32
        %dma_start3A_228 = arith.constant 0 : i32
        %dma_start3A_229 = tpu.memref_slice %arg9[%dma_start3A_226, %dma_start3A_227, %dma_start3A_228] : memref<5x128x32xf32, #tpu.memory_space<vmem>> -> memref<1x128x32xf32, #tpu.memory_space<vmem>>
        %dma_start3A_230 = tpu.memref_squeeze %dma_start3A_229 : memref<1x128x32xf32, #tpu.memory_space<vmem>> -> memref<128x32xf32, #tpu.memory_space<vmem>>
        %dma_start3A_231 = arith.constant 0 : i32
        %dma_start3A_232 = tpu.memref_slice %arg8[%add3A_225, %dma_start3A_231] : memref<20x128xi32, #tpu.memory_space<vmem>> -> memref<1x128xi32, #tpu.memory_space<vmem>>
        %dma_start3A_233 = tpu.memref_squeeze %dma_start3A_232 : memref<1x128xi32, #tpu.memory_space<vmem>> -> memref<128xi32, #tpu.memory_space<vmem>>
        %dma_start3A_234 = arith.constant 0 : i32
        %dma_start3A_235 = arith.constant 0 : i32
        %dma_start3A_236 = tpu.memref_slice %arg10[%dma_start3A_234, %dma_start3A_235] : memref<51200x32xf32, #tpu.memory_space<vmem_shared>> -> memref<51200x32xf32, #tpu.memory_space<vmem_shared>>
        tpu.enqueue_indirect_dma source(%dma_start3A_230 : memref<128x32xf32, #tpu.memory_space<vmem>>) target(%dma_start3A_236 : memref<51200x32xf32, #tpu.memory_space<vmem_shared>>) offsets(%dma_start3A_233 : memref<128xi32, #tpu.memory_space<vmem>>) semaphore(%arg12 : memref<!tpu.dma_semaphore, #tpu.memory_space<semaphore_mem>>) {add = true}
        %mul3A_237 = arith.constant 5 : i32
        %mul3A_238 = arith.muli %scan3A_63, %mul3A_237 : i32
        %add3A_239 = arith.constant 3 : i32
        %add3A_240 = arith.addi %mul3A_238, %add3A_239 : i32
        %dma_start3A_241 = arith.constant 3 : i32
        %dma_start3A_242 = arith.constant 0 : i32
        %dma_start3A_243 = arith.constant 0 : i32
        %dma_start3A_244 = tpu.memref_slice %arg9[%dma_start3A_241, %dma_start3A_242, %dma_start3A_243] : memref<5x128x32xf32, #tpu.memory_space<vmem>> -> memref<1x128x32xf32, #tpu.memory_space<vmem>>
        %dma_start3A_245 = tpu.memref_squeeze %dma_start3A_244 : memref<1x128x32xf32, #tpu.memory_space<vmem>> -> memref<128x32xf32, #tpu.memory_space<vmem>>
        %dma_start3A_246 = arith.constant 0 : i32
        %dma_start3A_247 = tpu.memref_slice %arg8[%add3A_240, %dma_start3A_246] : memref<20x128xi32, #tpu.memory_space<vmem>> -> memref<1x128xi32, #tpu.memory_space<vmem>>
        %dma_start3A_248 = tpu.memref_squeeze %dma_start3A_247 : memref<1x128xi32, #tpu.memory_space<vmem>> -> memref<128xi32, #tpu.memory_space<vmem>>
        %dma_start3A_249 = arith.constant 0 : i32
        %dma_start3A_250 = arith.constant 0 : i32
        %dma_start3A_251 = tpu.memref_slice %arg10[%dma_start3A_249, %dma_start3A_250] : memref<51200x32xf32, #tpu.memory_space<vmem_shared>> -> memref<51200x32xf32, #tpu.memory_space<vmem_shared>>
        tpu.enqueue_indirect_dma source(%dma_start3A_245 : memref<128x32xf32, #tpu.memory_space<vmem>>) target(%dma_start3A_251 : memref<51200x32xf32, #tpu.memory_space<vmem_shared>>) offsets(%dma_start3A_248 : memref<128xi32, #tpu.memory_space<vmem>>) semaphore(%arg12 : memref<!tpu.dma_semaphore, #tpu.memory_space<semaphore_mem>>) {add = true}
        %mul3A_252 = arith.constant 5 : i32
        %mul3A_253 = arith.muli %scan3A_63, %mul3A_252 : i32
        %add3A_254 = arith.constant 4 : i32
        %add3A_255 = arith.addi %mul3A_253, %add3A_254 : i32
        %dma_start3A_256 = arith.constant 4 : i32
        %dma_start3A_257 = arith.constant 0 : i32
        %dma_start3A_258 = arith.constant 0 : i32
        %dma_start3A_259 = tpu.memref_slice %arg9[%dma_start3A_256, %dma_start3A_257, %dma_start3A_258] : memref<5x128x32xf32, #tpu.memory_space<vmem>> -> memref<1x128x32xf32, #tpu.memory_space<vmem>>
        %dma_start3A_260 = tpu.memref_squeeze %dma_start3A_259 : memref<1x128x32xf32, #tpu.memory_space<vmem>> -> memref<128x32xf32, #tpu.memory_space<vmem>>
        %dma_start3A_261 = arith.constant 0 : i32
        %dma_start3A_262 = tpu.memref_slice %arg8[%add3A_255, %dma_start3A_261] : memref<20x128xi32, #tpu.memory_space<vmem>> -> memref<1x128xi32, #tpu.memory_space<vmem>>
        %dma_start3A_263 = tpu.memref_squeeze %dma_start3A_262 : memref<1x128xi32, #tpu.memory_space<vmem>> -> memref<128xi32, #tpu.memory_space<vmem>>
        %dma_start3A_264 = arith.constant 0 : i32
        %dma_start3A_265 = arith.constant 0 : i32
        %dma_start3A_266 = tpu.memref_slice %arg10[%dma_start3A_264, %dma_start3A_265] : memref<51200x32xf32, #tpu.memory_space<vmem_shared>> -> memref<51200x32xf32, #tpu.memory_space<vmem_shared>>
        tpu.enqueue_indirect_dma source(%dma_start3A_260 : memref<128x32xf32, #tpu.memory_space<vmem>>) target(%dma_start3A_266 : memref<51200x32xf32, #tpu.memory_space<vmem_shared>>) offsets(%dma_start3A_263 : memref<128xi32, #tpu.memory_space<vmem>>) semaphore(%arg12 : memref<!tpu.dma_semaphore, #tpu.memory_space<semaphore_mem>>) {add = true}
        %dma_wait3A_267 = arith.constant 0 : i32
        %dma_wait3A_268 = arith.constant 0 : i32
        %dma_wait3A_269 = arith.constant 0 : i32
        %dma_wait3A_270 = tpu.memref_slice %arg9[%dma_wait3A_267, %dma_wait3A_268, %dma_wait3A_269] : memref<5x128x32xf32, #tpu.memory_space<vmem>> -> memref<1x128x32xf32, #tpu.memory_space<vmem>>
        %dma_wait3A_271 = tpu.memref_squeeze %dma_wait3A_270 : memref<1x128x32xf32, #tpu.memory_space<vmem>> -> memref<128x32xf32, #tpu.memory_space<vmem>>
        %dma_wait3A_272 = arith.constant 0 : i32
        %dma_wait3A_273 = tpu.memref_slice %arg8[%add3A_195, %dma_wait3A_272] : memref<20x128xi32, #tpu.memory_space<vmem>> -> memref<1x128xi32, #tpu.memory_space<vmem>>
        %dma_wait3A_274 = tpu.memref_squeeze %dma_wait3A_273 : memref<1x128xi32, #tpu.memory_space<vmem>> -> memref<128xi32, #tpu.memory_space<vmem>>
        %dma_wait3A_275 = arith.constant 0 : i32
        %dma_wait3A_276 = arith.constant 0 : i32
        %dma_wait3A_277 = tpu.memref_slice %arg10[%dma_wait3A_275, %dma_wait3A_276] : memref<51200x32xf32, #tpu.memory_space<vmem_shared>> -> memref<51200x32xf32, #tpu.memory_space<vmem_shared>>
        tpu.wait_indirect_dma semaphore(%arg12 : memref<!tpu.dma_semaphore, #tpu.memory_space<semaphore_mem>>) src(%dma_wait3A_271 : memref<128x32xf32, #tpu.memory_space<vmem>>) dst(%dma_wait3A_277 : memref<51200x32xf32, #tpu.memory_space<vmem_shared>>)
        %dma_wait3A_278 = arith.constant 1 : i32
        %dma_wait3A_279 = arith.constant 0 : i32
        %dma_wait3A_280 = arith.constant 0 : i32
        %dma_wait3A_281 = tpu.memref_slice %arg9[%dma_wait3A_278, %dma_wait3A_279, %dma_wait3A_280] : memref<5x128x32xf32, #tpu.memory_space<vmem>> -> memref<1x128x32xf32, #tpu.memory_space<vmem>>
        %dma_wait3A_282 = tpu.memref_squeeze %dma_wait3A_281 : memref<1x128x32xf32, #tpu.memory_space<vmem>> -> memref<128x32xf32, #tpu.memory_space<vmem>>
        %dma_wait3A_283 = arith.constant 0 : i32
        %dma_wait3A_284 = tpu.memref_slice %arg8[%add3A_210, %dma_wait3A_283] : memref<20x128xi32, #tpu.memory_space<vmem>> -> memref<1x128xi32, #tpu.memory_space<vmem>>
        %dma_wait3A_285 = tpu.memref_squeeze %dma_wait3A_284 : memref<1x128xi32, #tpu.memory_space<vmem>> -> memref<128xi32, #tpu.memory_space<vmem>>
        %dma_wait3A_286 = arith.constant 0 : i32
        %dma_wait3A_287 = arith.constant 0 : i32
        %dma_wait3A_288 = tpu.memref_slice %arg10[%dma_wait3A_286, %dma_wait3A_287] : memref<51200x32xf32, #tpu.memory_space<vmem_shared>> -> memref<51200x32xf32, #tpu.memory_space<vmem_shared>>
        tpu.wait_indirect_dma semaphore(%arg12 : memref<!tpu.dma_semaphore, #tpu.memory_space<semaphore_mem>>) src(%dma_wait3A_282 : memref<128x32xf32, #tpu.memory_space<vmem>>) dst(%dma_wait3A_288 : memref<51200x32xf32, #tpu.memory_space<vmem_shared>>)
        %dma_wait3A_289 = arith.constant 2 : i32
        %dma_wait3A_290 = arith.constant 0 : i32
        %dma_wait3A_291 = arith.constant 0 : i32
        %dma_wait3A_292 = tpu.memref_slice %arg9[%dma_wait3A_289, %dma_wait3A_290, %dma_wait3A_291] : memref<5x128x32xf32, #tpu.memory_space<vmem>> -> memref<1x128x32xf32, #tpu.memory_space<vmem>>
        %dma_wait3A_293 = tpu.memref_squeeze %dma_wait3A_292 : memref<1x128x32xf32, #tpu.memory_space<vmem>> -> memref<128x32xf32, #tpu.memory_space<vmem>>
        %dma_wait3A_294 = arith.constant 0 : i32
        %dma_wait3A_295 = tpu.memref_slice %arg8[%add3A_225, %dma_wait3A_294] : memref<20x128xi32, #tpu.memory_space<vmem>> -> memref<1x128xi32, #tpu.memory_space<vmem>>
        %dma_wait3A_296 = tpu.memref_squeeze %dma_wait3A_295 : memref<1x128xi32, #tpu.memory_space<vmem>> -> memref<128xi32, #tpu.memory_space<vmem>>
        %dma_wait3A_297 = arith.constant 0 : i32
        %dma_wait3A_298 = arith.constant 0 : i32
        %dma_wait3A_299 = tpu.memref_slice %arg10[%dma_wait3A_297, %dma_wait3A_298] : memref<51200x32xf32, #tpu.memory_space<vmem_shared>> -> memref<51200x32xf32, #tpu.memory_space<vmem_shared>>
        tpu.wait_indirect_dma semaphore(%arg12 : memref<!tpu.dma_semaphore, #tpu.memory_space<semaphore_mem>>) src(%dma_wait3A_293 : memref<128x32xf32, #tpu.memory_space<vmem>>) dst(%dma_wait3A_299 : memref<51200x32xf32, #tpu.memory_space<vmem_shared>>)
        %dma_wait3A_300 = arith.constant 3 : i32
        %dma_wait3A_301 = arith.constant 0 : i32
        %dma_wait3A_302 = arith.constant 0 : i32
        %dma_wait3A_303 = tpu.memref_slice %arg9[%dma_wait3A_300, %dma_wait3A_301, %dma_wait3A_302] : memref<5x128x32xf32, #tpu.memory_space<vmem>> -> memref<1x128x32xf32, #tpu.memory_space<vmem>>
        %dma_wait3A_304 = tpu.memref_squeeze %dma_wait3A_303 : memref<1x128x32xf32, #tpu.memory_space<vmem>> -> memref<128x32xf32, #tpu.memory_space<vmem>>
        %dma_wait3A_305 = arith.constant 0 : i32
        %dma_wait3A_306 = tpu.memref_slice %arg8[%add3A_240, %dma_wait3A_305] : memref<20x128xi32, #tpu.memory_space<vmem>> -> memref<1x128xi32, #tpu.memory_space<vmem>>
        %dma_wait3A_307 = tpu.memref_squeeze %dma_wait3A_306 : memref<1x128xi32, #tpu.memory_space<vmem>> -> memref<128xi32, #tpu.memory_space<vmem>>
        %dma_wait3A_308 = arith.constant 0 : i32
        %dma_wait3A_309 = arith.constant 0 : i32
        %dma_wait3A_310 = tpu.memref_slice %arg10[%dma_wait3A_308, %dma_wait3A_309] : memref<51200x32xf32, #tpu.memory_space<vmem_shared>> -> memref<51200x32xf32, #tpu.memory_space<vmem_shared>>
        tpu.wait_indirect_dma semaphore(%arg12 : memref<!tpu.dma_semaphore, #tpu.memory_space<semaphore_mem>>) src(%dma_wait3A_304 : memref<128x32xf32, #tpu.memory_space<vmem>>) dst(%dma_wait3A_310 : memref<51200x32xf32, #tpu.memory_space<vmem_shared>>)
        %dma_wait3A_311 = arith.constant 4 : i32
        %dma_wait3A_312 = arith.constant 0 : i32
        %dma_wait3A_313 = arith.constant 0 : i32
        %dma_wait3A_314 = tpu.memref_slice %arg9[%dma_wait3A_311, %dma_wait3A_312, %dma_wait3A_313] : memref<5x128x32xf32, #tpu.memory_space<vmem>> -> memref<1x128x32xf32, #tpu.memory_space<vmem>>
        %dma_wait3A_315 = tpu.memref_squeeze %dma_wait3A_314 : memref<1x128x32xf32, #tpu.memory_space<vmem>> -> memref<128x32xf32, #tpu.memory_space<vmem>>
        %dma_wait3A_316 = arith.constant 0 : i32
        %dma_wait3A_317 = tpu.memref_slice %arg8[%add3A_255, %dma_wait3A_316] : memref<20x128xi32, #tpu.memory_space<vmem>> -> memref<1x128xi32, #tpu.memory_space<vmem>>
        %dma_wait3A_318 = tpu.memref_squeeze %dma_wait3A_317 : memref<1x128xi32, #tpu.memory_space<vmem>> -> memref<128xi32, #tpu.memory_space<vmem>>
        %dma_wait3A_319 = arith.constant 0 : i32
        %dma_wait3A_320 = arith.constant 0 : i32
        %dma_wait3A_321 = tpu.memref_slice %arg10[%dma_wait3A_319, %dma_wait3A_320] : memref<51200x32xf32, #tpu.memory_space<vmem_shared>> -> memref<51200x32xf32, #tpu.memory_space<vmem_shared>>
        tpu.wait_indirect_dma semaphore(%arg12 : memref<!tpu.dma_semaphore, #tpu.memory_space<semaphore_mem>>) src(%dma_wait3A_315 : memref<128x32xf32, #tpu.memory_space<vmem>>) dst(%dma_wait3A_321 : memref<51200x32xf32, #tpu.memory_space<vmem_shared>>)
      }
      %scan3A_62 = arith.constant 4 : i32
    }
    %barrier3A_32 = arith.constant 0 : index
    tpu.barrier barrier_id(%barrier3A_32)
    %mul3A_33 = arith.constant 51200 : i32
    %mul3A_34 = arith.muli %arg0, %mul3A_33 : i32
    %mul3A_35 = arith.constant 3200 : i32
    %mul3A_36 = arith.muli %arg1, %mul3A_35 : i32
    %add3A_37 = arith.addi %mul3A_34, %mul3A_36 : i32
    %scan3A_38 = arith.constant 0 : i32
    %scan3A_39 = arith.constant 0 : i32
    %scan3A_40 = arith.constant 5 : i32
    %scan3A_41 = arith.addi %scan3A_39, %scan3A_40 : i32
    %scan3A_42 = arith.constant 1 : i32
    scf.for %scan3A_52 = %scan3A_39 to %scan3A_41 step %scan3A_42  : i32 {
      %mul3A_53 = arith.constant 5 : i32
      %mul3A_54 = arith.muli %scan3A_52, %mul3A_53 : i32
      %add3A_55 = arith.constant 0 : i32
      %add3A_56 = arith.addi %mul3A_54, %add3A_55 : i32
      %mul3A_57 = arith.constant 128 : i32
      %mul3A_58 = arith.muli %add3A_56, %mul3A_57 : i32
      %add3A_59 = arith.addi %mul3A_2, %mul3A_58 : i32
      %multiple_of3A_60 = tpu.assume_multiple %add3A_59, 128 : i32
      %dma_start3A = arith.constant 0 : i32
      %dma_start3A_61 = arith.constant 0 : i32
      %dma_start3A_62 = arith.constant 0 : i32
      %dma_start3A_63 = tpu.memref_slice %arg9[%dma_start3A, %dma_start3A_61, %dma_start3A_62] : memref<5x128x32xf32, #tpu.memory_space<vmem>> -> memref<1x128x32xf32, #tpu.memory_space<vmem>>
      %dma_start3A_64 = tpu.memref_squeeze %dma_start3A_63 : memref<1x128x32xf32, #tpu.memory_space<vmem>> -> memref<128x32xf32, #tpu.memory_space<vmem>>
      %dma_start3A_65 = arith.constant 0 : i32
      %dma_start3A_66 = tpu.memref_slice %arg10[%multiple_of3A_60, %dma_start3A_65] : memref<51200x32xf32, #tpu.memory_space<vmem_shared>> -> memref<128x32xf32, #tpu.memory_space<vmem_shared>>
      %dma_start3A_67 = arith.constant 0 : i32
      %dma_start3A_68 = arith.constant 0 : i32
      %dma_start3A_69 = tpu.memref_slice %arg9[%dma_start3A, %dma_start3A_67, %dma_start3A_68] : memref<5x128x32xf32, #tpu.memory_space<vmem>> -> memref<1x128x32xf32, #tpu.memory_space<vmem>>
      %dma_start3A_70 = tpu.memref_squeeze %dma_start3A_69 : memref<1x128x32xf32, #tpu.memory_space<vmem>> -> memref<128x32xf32, #tpu.memory_space<vmem>>
      %dma_start3A_71 = arith.constant 0 : i32
      %dma_start3A_72 = tpu.memref_slice %arg10[%multiple_of3A_60, %dma_start3A_71] : memref<51200x32xf32, #tpu.memory_space<vmem_shared>> -> memref<128x32xf32, #tpu.memory_space<vmem_shared>>
      tpu.enqueue_dma source(%dma_start3A_72 : memref<128x32xf32, #tpu.memory_space<vmem_shared>>) target(%dma_start3A_70 : memref<128x32xf32, #tpu.memory_space<vmem>>) target_semaphore(%arg13 : memref<!tpu.dma_semaphore, #tpu.memory_space<semaphore_mem>>)
      %mul3A_73 = arith.constant 5 : i32
      %mul3A_74 = arith.muli %scan3A_52, %mul3A_73 : i32
      %add3A_75 = arith.constant 1 : i32
      %add3A_76 = arith.addi %mul3A_74, %add3A_75 : i32
      %mul3A_77 = arith.constant 128 : i32
      %mul3A_78 = arith.muli %add3A_76, %mul3A_77 : i32
      %add3A_79 = arith.addi %mul3A_2, %mul3A_78 : i32
      %multiple_of3A_80 = tpu.assume_multiple %add3A_79, 128 : i32
      %dma_start3A_81 = arith.constant 1 : i32
      %dma_start3A_82 = arith.constant 0 : i32
      %dma_start3A_83 = arith.constant 0 : i32
      %dma_start3A_84 = tpu.memref_slice %arg9[%dma_start3A_81, %dma_start3A_82, %dma_start3A_83] : memref<5x128x32xf32, #tpu.memory_space<vmem>> -> memref<1x128x32xf32, #tpu.memory_space<vmem>>
      %dma_start3A_85 = tpu.memref_squeeze %dma_start3A_84 : memref<1x128x32xf32, #tpu.memory_space<vmem>> -> memref<128x32xf32, #tpu.memory_space<vmem>>
      %dma_start3A_86 = arith.constant 0 : i32
      %dma_start3A_87 = tpu.memref_slice %arg10[%multiple_of3A_80, %dma_start3A_86] : memref<51200x32xf32, #tpu.memory_space<vmem_shared>> -> memref<128x32xf32, #tpu.memory_space<vmem_shared>>
      %dma_start3A_88 = arith.constant 0 : i32
      %dma_start3A_89 = arith.constant 0 : i32
      %dma_start3A_90 = tpu.memref_slice %arg9[%dma_start3A_81, %dma_start3A_88, %dma_start3A_89] : memref<5x128x32xf32, #tpu.memory_space<vmem>> -> memref<1x128x32xf32, #tpu.memory_space<vmem>>
      %dma_start3A_91 = tpu.memref_squeeze %dma_start3A_90 : memref<1x128x32xf32, #tpu.memory_space<vmem>> -> memref<128x32xf32, #tpu.memory_space<vmem>>
      %dma_start3A_92 = arith.constant 0 : i32
      %dma_start3A_93 = tpu.memref_slice %arg10[%multiple_of3A_80, %dma_start3A_92] : memref<51200x32xf32, #tpu.memory_space<vmem_shared>> -> memref<128x32xf32, #tpu.memory_space<vmem_shared>>
      tpu.enqueue_dma source(%dma_start3A_93 : memref<128x32xf32, #tpu.memory_space<vmem_shared>>) target(%dma_start3A_91 : memref<128x32xf32, #tpu.memory_space<vmem>>) target_semaphore(%arg13 : memref<!tpu.dma_semaphore, #tpu.memory_space<semaphore_mem>>)
      %mul3A_94 = arith.constant 5 : i32
      %mul3A_95 = arith.muli %scan3A_52, %mul3A_94 : i32
      %add3A_96 = arith.constant 2 : i32
      %add3A_97 = arith.addi %mul3A_95, %add3A_96 : i32
      %mul3A_98 = arith.constant 128 : i32
      %mul3A_99 = arith.muli %add3A_97, %mul3A_98 : i32
      %add3A_100 = arith.addi %mul3A_2, %mul3A_99 : i32
      %multiple_of3A_101 = tpu.assume_multiple %add3A_100, 128 : i32
      %dma_start3A_102 = arith.constant 2 : i32
      %dma_start3A_103 = arith.constant 0 : i32
      %dma_start3A_104 = arith.constant 0 : i32
      %dma_start3A_105 = tpu.memref_slice %arg9[%dma_start3A_102, %dma_start3A_103, %dma_start3A_104] : memref<5x128x32xf32, #tpu.memory_space<vmem>> -> memref<1x128x32xf32, #tpu.memory_space<vmem>>
      %dma_start3A_106 = tpu.memref_squeeze %dma_start3A_105 : memref<1x128x32xf32, #tpu.memory_space<vmem>> -> memref<128x32xf32, #tpu.memory_space<vmem>>
      %dma_start3A_107 = arith.constant 0 : i32
      %dma_start3A_108 = tpu.memref_slice %arg10[%multiple_of3A_101, %dma_start3A_107] : memref<51200x32xf32, #tpu.memory_space<vmem_shared>> -> memref<128x32xf32, #tpu.memory_space<vmem_shared>>
      %dma_start3A_109 = arith.constant 0 : i32
      %dma_start3A_110 = arith.constant 0 : i32
      %dma_start3A_111 = tpu.memref_slice %arg9[%dma_start3A_102, %dma_start3A_109, %dma_start3A_110] : memref<5x128x32xf32, #tpu.memory_space<vmem>> -> memref<1x128x32xf32, #tpu.memory_space<vmem>>
      %dma_start3A_112 = tpu.memref_squeeze %dma_start3A_111 : memref<1x128x32xf32, #tpu.memory_space<vmem>> -> memref<128x32xf32, #tpu.memory_space<vmem>>
      %dma_start3A_113 = arith.constant 0 : i32
      %dma_start3A_114 = tpu.memref_slice %arg10[%multiple_of3A_101, %dma_start3A_113] : memref<51200x32xf32, #tpu.memory_space<vmem_shared>> -> memref<128x32xf32, #tpu.memory_space<vmem_shared>>
      tpu.enqueue_dma source(%dma_start3A_114 : memref<128x32xf32, #tpu.memory_space<vmem_shared>>) target(%dma_start3A_112 : memref<128x32xf32, #tpu.memory_space<vmem>>) target_semaphore(%arg13 : memref<!tpu.dma_semaphore, #tpu.memory_space<semaphore_mem>>)
      %mul3A_115 = arith.constant 5 : i32
      %mul3A_116 = arith.muli %scan3A_52, %mul3A_115 : i32
      %add3A_117 = arith.constant 3 : i32
      %add3A_118 = arith.addi %mul3A_116, %add3A_117 : i32
      %mul3A_119 = arith.constant 128 : i32
      %mul3A_120 = arith.muli %add3A_118, %mul3A_119 : i32
      %add3A_121 = arith.addi %mul3A_2, %mul3A_120 : i32
      %multiple_of3A_122 = tpu.assume_multiple %add3A_121, 128 : i32
      %dma_start3A_123 = arith.constant 3 : i32
      %dma_start3A_124 = arith.constant 0 : i32
      %dma_start3A_125 = arith.constant 0 : i32
      %dma_start3A_126 = tpu.memref_slice %arg9[%dma_start3A_123, %dma_start3A_124, %dma_start3A_125] : memref<5x128x32xf32, #tpu.memory_space<vmem>> -> memref<1x128x32xf32, #tpu.memory_space<vmem>>
      %dma_start3A_127 = tpu.memref_squeeze %dma_start3A_126 : memref<1x128x32xf32, #tpu.memory_space<vmem>> -> memref<128x32xf32, #tpu.memory_space<vmem>>
      %dma_start3A_128 = arith.constant 0 : i32
      %dma_start3A_129 = tpu.memref_slice %arg10[%multiple_of3A_122, %dma_start3A_128] : memref<51200x32xf32, #tpu.memory_space<vmem_shared>> -> memref<128x32xf32, #tpu.memory_space<vmem_shared>>
      %dma_start3A_130 = arith.constant 0 : i32
      %dma_start3A_131 = arith.constant 0 : i32
      %dma_start3A_132 = tpu.memref_slice %arg9[%dma_start3A_123, %dma_start3A_130, %dma_start3A_131] : memref<5x128x32xf32, #tpu.memory_space<vmem>> -> memref<1x128x32xf32, #tpu.memory_space<vmem>>
      %dma_start3A_133 = tpu.memref_squeeze %dma_start3A_132 : memref<1x128x32xf32, #tpu.memory_space<vmem>> -> memref<128x32xf32, #tpu.memory_space<vmem>>
      %dma_start3A_134 = arith.constant 0 : i32
      %dma_start3A_135 = tpu.memref_slice %arg10[%multiple_of3A_122, %dma_start3A_134] : memref<51200x32xf32, #tpu.memory_space<vmem_shared>> -> memref<128x32xf32, #tpu.memory_space<vmem_shared>>
      tpu.enqueue_dma source(%dma_start3A_135 : memref<128x32xf32, #tpu.memory_space<vmem_shared>>) target(%dma_start3A_133 : memref<128x32xf32, #tpu.memory_space<vmem>>) target_semaphore(%arg13 : memref<!tpu.dma_semaphore, #tpu.memory_space<semaphore_mem>>)
      %mul3A_136 = arith.constant 5 : i32
      %mul3A_137 = arith.muli %scan3A_52, %mul3A_136 : i32
      %add3A_138 = arith.constant 4 : i32
      %add3A_139 = arith.addi %mul3A_137, %add3A_138 : i32
      %mul3A_140 = arith.constant 128 : i32
      %mul3A_141 = arith.muli %add3A_139, %mul3A_140 : i32
      %add3A_142 = arith.addi %mul3A_2, %mul3A_141 : i32
      %multiple_of3A_143 = tpu.assume_multiple %add3A_142, 128 : i32
      %dma_start3A_144 = arith.constant 4 : i32
      %dma_start3A_145 = arith.constant 0 : i32
      %dma_start3A_146 = arith.constant 0 : i32
      %dma_start3A_147 = tpu.memref_slice %arg9[%dma_start3A_144, %dma_start3A_145, %dma_start3A_146] : memref<5x128x32xf32, #tpu.memory_space<vmem>> -> memref<1x128x32xf32, #tpu.memory_space<vmem>>
      %dma_start3A_148 = tpu.memref_squeeze %dma_start3A_147 : memref<1x128x32xf32, #tpu.memory_space<vmem>> -> memref<128x32xf32, #tpu.memory_space<vmem>>
      %dma_start3A_149 = arith.constant 0 : i32
      %dma_start3A_150 = tpu.memref_slice %arg10[%multiple_of3A_143, %dma_start3A_149] : memref<51200x32xf32, #tpu.memory_space<vmem_shared>> -> memref<128x32xf32, #tpu.memory_space<vmem_shared>>
      %dma_start3A_151 = arith.constant 0 : i32
      %dma_start3A_152 = arith.constant 0 : i32
      %dma_start3A_153 = tpu.memref_slice %arg9[%dma_start3A_144, %dma_start3A_151, %dma_start3A_152] : memref<5x128x32xf32, #tpu.memory_space<vmem>> -> memref<1x128x32xf32, #tpu.memory_space<vmem>>
      %dma_start3A_154 = tpu.memref_squeeze %dma_start3A_153 : memref<1x128x32xf32, #tpu.memory_space<vmem>> -> memref<128x32xf32, #tpu.memory_space<vmem>>
      %dma_start3A_155 = arith.constant 0 : i32
      %dma_start3A_156 = tpu.memref_slice %arg10[%multiple_of3A_143, %dma_start3A_155] : memref<51200x32xf32, #tpu.memory_space<vmem_shared>> -> memref<128x32xf32, #tpu.memory_space<vmem_shared>>
      tpu.enqueue_dma source(%dma_start3A_156 : memref<128x32xf32, #tpu.memory_space<vmem_shared>>) target(%dma_start3A_154 : memref<128x32xf32, #tpu.memory_space<vmem>>) target_semaphore(%arg13 : memref<!tpu.dma_semaphore, #tpu.memory_space<semaphore_mem>>)
      %dma_wait3A = arith.constant 0 : i32
      %dma_wait3A_157 = arith.constant 0 : i32
      %dma_wait3A_158 = arith.constant 0 : i32
      %dma_wait3A_159 = tpu.memref_slice %arg9[%dma_wait3A, %dma_wait3A_157, %dma_wait3A_158] : memref<5x128x32xf32, #tpu.memory_space<vmem>> -> memref<1x128x32xf32, #tpu.memory_space<vmem>>
      %dma_wait3A_160 = tpu.memref_squeeze %dma_wait3A_159 : memref<1x128x32xf32, #tpu.memory_space<vmem>> -> memref<128x32xf32, #tpu.memory_space<vmem>>
      %dma_wait3A_161 = arith.constant 0 : i32
      %dma_wait3A_162 = tpu.memref_slice %arg10[%multiple_of3A_60, %dma_wait3A_161] : memref<51200x32xf32, #tpu.memory_space<vmem_shared>> -> memref<128x32xf32, #tpu.memory_space<vmem_shared>>
      %dma_wait3A_163 = arith.constant 0 : i32
      %dma_wait3A_164 = arith.constant 0 : i32
      %dma_wait3A_165 = tpu.memref_slice %arg9[%dma_wait3A, %dma_wait3A_163, %dma_wait3A_164] : memref<5x128x32xf32, #tpu.memory_space<vmem>> -> memref<1x128x32xf32, #tpu.memory_space<vmem>>
      %dma_wait3A_166 = tpu.memref_squeeze %dma_wait3A_165 : memref<1x128x32xf32, #tpu.memory_space<vmem>> -> memref<128x32xf32, #tpu.memory_space<vmem>>
      %dma_wait3A_167 = arith.constant 0 : i32
      %dma_wait3A_168 = tpu.memref_slice %arg10[%multiple_of3A_60, %dma_wait3A_167] : memref<51200x32xf32, #tpu.memory_space<vmem_shared>> -> memref<128x32xf32, #tpu.memory_space<vmem_shared>>
      tpu.wait_dma2 semaphore(%arg13 : memref<!tpu.dma_semaphore, #tpu.memory_space<semaphore_mem>>) src(%dma_wait3A_168 : memref<128x32xf32, #tpu.memory_space<vmem_shared>>) dst(%dma_wait3A_166 : memref<128x32xf32, #tpu.memory_space<vmem>>)
      %dma_wait3A_169 = arith.constant 1 : i32
      %dma_wait3A_170 = arith.constant 0 : i32
      %dma_wait3A_171 = arith.constant 0 : i32
      %dma_wait3A_172 = tpu.memref_slice %arg9[%dma_wait3A_169, %dma_wait3A_170, %dma_wait3A_171] : memref<5x128x32xf32, #tpu.memory_space<vmem>> -> memref<1x128x32xf32, #tpu.memory_space<vmem>>
      %dma_wait3A_173 = tpu.memref_squeeze %dma_wait3A_172 : memref<1x128x32xf32, #tpu.memory_space<vmem>> -> memref<128x32xf32, #tpu.memory_space<vmem>>
      %dma_wait3A_174 = arith.constant 0 : i32
      %dma_wait3A_175 = tpu.memref_slice %arg10[%multiple_of3A_80, %dma_wait3A_174] : memref<51200x32xf32, #tpu.memory_space<vmem_shared>> -> memref<128x32xf32, #tpu.memory_space<vmem_shared>>
      %dma_wait3A_176 = arith.constant 0 : i32
      %dma_wait3A_177 = arith.constant 0 : i32
      %dma_wait3A_178 = tpu.memref_slice %arg9[%dma_wait3A_169, %dma_wait3A_176, %dma_wait3A_177] : memref<5x128x32xf32, #tpu.memory_space<vmem>> -> memref<1x128x32xf32, #tpu.memory_space<vmem>>
      %dma_wait3A_179 = tpu.memref_squeeze %dma_wait3A_178 : memref<1x128x32xf32, #tpu.memory_space<vmem>> -> memref<128x32xf32, #tpu.memory_space<vmem>>
      %dma_wait3A_180 = arith.constant 0 : i32
      %dma_wait3A_181 = tpu.memref_slice %arg10[%multiple_of3A_80, %dma_wait3A_180] : memref<51200x32xf32, #tpu.memory_space<vmem_shared>> -> memref<128x32xf32, #tpu.memory_space<vmem_shared>>
      tpu.wait_dma2 semaphore(%arg13 : memref<!tpu.dma_semaphore, #tpu.memory_space<semaphore_mem>>) src(%dma_wait3A_181 : memref<128x32xf32, #tpu.memory_space<vmem_shared>>) dst(%dma_wait3A_179 : memref<128x32xf32, #tpu.memory_space<vmem>>)
      %dma_wait3A_182 = arith.constant 2 : i32
      %dma_wait3A_183 = arith.constant 0 : i32
      %dma_wait3A_184 = arith.constant 0 : i32
      %dma_wait3A_185 = tpu.memref_slice %arg9[%dma_wait3A_182, %dma_wait3A_183, %dma_wait3A_184] : memref<5x128x32xf32, #tpu.memory_space<vmem>> -> memref<1x128x32xf32, #tpu.memory_space<vmem>>
      %dma_wait3A_186 = tpu.memref_squeeze %dma_wait3A_185 : memref<1x128x32xf32, #tpu.memory_space<vmem>> -> memref<128x32xf32, #tpu.memory_space<vmem>>
      %dma_wait3A_187 = arith.constant 0 : i32
      %dma_wait3A_188 = tpu.memref_slice %arg10[%multiple_of3A_101, %dma_wait3A_187] : memref<51200x32xf32, #tpu.memory_space<vmem_shared>> -> memref<128x32xf32, #tpu.memory_space<vmem_shared>>
      %dma_wait3A_189 = arith.constant 0 : i32
      %dma_wait3A_190 = arith.constant 0 : i32
      %dma_wait3A_191 = tpu.memref_slice %arg9[%dma_wait3A_182, %dma_wait3A_189, %dma_wait3A_190] : memref<5x128x32xf32, #tpu.memory_space<vmem>> -> memref<1x128x32xf32, #tpu.memory_space<vmem>>
      %dma_wait3A_192 = tpu.memref_squeeze %dma_wait3A_191 : memref<1x128x32xf32, #tpu.memory_space<vmem>> -> memref<128x32xf32, #tpu.memory_space<vmem>>
      %dma_wait3A_193 = arith.constant 0 : i32
      %dma_wait3A_194 = tpu.memref_slice %arg10[%multiple_of3A_101, %dma_wait3A_193] : memref<51200x32xf32, #tpu.memory_space<vmem_shared>> -> memref<128x32xf32, #tpu.memory_space<vmem_shared>>
      tpu.wait_dma2 semaphore(%arg13 : memref<!tpu.dma_semaphore, #tpu.memory_space<semaphore_mem>>) src(%dma_wait3A_194 : memref<128x32xf32, #tpu.memory_space<vmem_shared>>) dst(%dma_wait3A_192 : memref<128x32xf32, #tpu.memory_space<vmem>>)
      %dma_wait3A_195 = arith.constant 3 : i32
      %dma_wait3A_196 = arith.constant 0 : i32
      %dma_wait3A_197 = arith.constant 0 : i32
      %dma_wait3A_198 = tpu.memref_slice %arg9[%dma_wait3A_195, %dma_wait3A_196, %dma_wait3A_197] : memref<5x128x32xf32, #tpu.memory_space<vmem>> -> memref<1x128x32xf32, #tpu.memory_space<vmem>>
      %dma_wait3A_199 = tpu.memref_squeeze %dma_wait3A_198 : memref<1x128x32xf32, #tpu.memory_space<vmem>> -> memref<128x32xf32, #tpu.memory_space<vmem>>
      %dma_wait3A_200 = arith.constant 0 : i32
      %dma_wait3A_201 = tpu.memref_slice %arg10[%multiple_of3A_122, %dma_wait3A_200] : memref<51200x32xf32, #tpu.memory_space<vmem_shared>> -> memref<128x32xf32, #tpu.memory_space<vmem_shared>>
      %dma_wait3A_202 = arith.constant 0 : i32
      %dma_wait3A_203 = arith.constant 0 : i32
      %dma_wait3A_204 = tpu.memref_slice %arg9[%dma_wait3A_195, %dma_wait3A_202, %dma_wait3A_203] : memref<5x128x32xf32, #tpu.memory_space<vmem>> -> memref<1x128x32xf32, #tpu.memory_space<vmem>>
      %dma_wait3A_205 = tpu.memref_squeeze %dma_wait3A_204 : memref<1x128x32xf32, #tpu.memory_space<vmem>> -> memref<128x32xf32, #tpu.memory_space<vmem>>
      %dma_wait3A_206 = arith.constant 0 : i32
      %dma_wait3A_207 = tpu.memref_slice %arg10[%multiple_of3A_122, %dma_wait3A_206] : memref<51200x32xf32, #tpu.memory_space<vmem_shared>> -> memref<128x32xf32, #tpu.memory_space<vmem_shared>>
      tpu.wait_dma2 semaphore(%arg13 : memref<!tpu.dma_semaphore, #tpu.memory_space<semaphore_mem>>) src(%dma_wait3A_207 : memref<128x32xf32, #tpu.memory_space<vmem_shared>>) dst(%dma_wait3A_205 : memref<128x32xf32, #tpu.memory_space<vmem>>)
      %dma_wait3A_208 = arith.constant 4 : i32
      %dma_wait3A_209 = arith.constant 0 : i32
      %dma_wait3A_210 = arith.constant 0 : i32
      %dma_wait3A_211 = tpu.memref_slice %arg9[%dma_wait3A_208, %dma_wait3A_209, %dma_wait3A_210] : memref<5x128x32xf32, #tpu.memory_space<vmem>> -> memref<1x128x32xf32, #tpu.memory_space<vmem>>
      %dma_wait3A_212 = tpu.memref_squeeze %dma_wait3A_211 : memref<1x128x32xf32, #tpu.memory_space<vmem>> -> memref<128x32xf32, #tpu.memory_space<vmem>>
      %dma_wait3A_213 = arith.constant 0 : i32
      %dma_wait3A_214 = tpu.memref_slice %arg10[%multiple_of3A_143, %dma_wait3A_213] : memref<51200x32xf32, #tpu.memory_space<vmem_shared>> -> memref<128x32xf32, #tpu.memory_space<vmem_shared>>
      %dma_wait3A_215 = arith.constant 0 : i32
      %dma_wait3A_216 = arith.constant 0 : i32
      %dma_wait3A_217 = tpu.memref_slice %arg9[%dma_wait3A_208, %dma_wait3A_215, %dma_wait3A_216] : memref<5x128x32xf32, #tpu.memory_space<vmem>> -> memref<1x128x32xf32, #tpu.memory_space<vmem>>
      %dma_wait3A_218 = tpu.memref_squeeze %dma_wait3A_217 : memref<1x128x32xf32, #tpu.memory_space<vmem>> -> memref<128x32xf32, #tpu.memory_space<vmem>>
      %dma_wait3A_219 = arith.constant 0 : i32
      %dma_wait3A_220 = tpu.memref_slice %arg10[%multiple_of3A_143, %dma_wait3A_219] : memref<51200x32xf32, #tpu.memory_space<vmem_shared>> -> memref<128x32xf32, #tpu.memory_space<vmem_shared>>
      tpu.wait_dma2 semaphore(%arg13 : memref<!tpu.dma_semaphore, #tpu.memory_space<semaphore_mem>>) src(%dma_wait3A_220 : memref<128x32xf32, #tpu.memory_space<vmem_shared>>) dst(%dma_wait3A_218 : memref<128x32xf32, #tpu.memory_space<vmem>>)
      %mul3A_221 = arith.constant 5 : i32
      %mul3A_222 = arith.muli %scan3A_52, %mul3A_221 : i32
      %add3A_223 = arith.constant 0 : i32
      %add3A_224 = arith.addi %mul3A_222, %add3A_223 : i32
      %mul3A_225 = arith.constant 128 : i32
      %mul3A_226 = arith.muli %add3A_224, %mul3A_225 : i32
      %add3A_227 = arith.addi %add3A_37, %mul3A_226 : i32
      %multiple_of3A_228 = tpu.assume_multiple %add3A_227, 128 : i32
      %dma_start3A_229 = arith.constant 0 : i32
      %dma_start3A_230 = arith.constant 0 : i32
      %dma_start3A_231 = arith.constant 0 : i32
      %dma_start3A_232 = tpu.memref_slice %arg9[%dma_start3A_229, %dma_start3A_230, %dma_start3A_231] : memref<5x128x32xf32, #tpu.memory_space<vmem>> -> memref<1x128x32xf32, #tpu.memory_space<vmem>>
      %dma_start3A_233 = tpu.memref_squeeze %dma_start3A_232 : memref<1x128x32xf32, #tpu.memory_space<vmem>> -> memref<128x32xf32, #tpu.memory_space<vmem>>
      %dma_start3A_234 = arith.constant 0 : i32
      %dma_start3A_235 = tpu.memref_slice %arg6[%multiple_of3A_228, %dma_start3A_234] : memref<102400x32xf32, #tpu.memory_space<hbm>> -> memref<128x32xf32, #tpu.memory_space<hbm>>
      %dma_start3A_236 = arith.constant 0 : i32
      %dma_start3A_237 = tpu.memref_slice %arg6[%multiple_of3A_228, %dma_start3A_236] : memref<102400x32xf32, #tpu.memory_space<hbm>> -> memref<128x32xf32, #tpu.memory_space<hbm>>
      %dma_start3A_238 = arith.constant 0 : i32
      %dma_start3A_239 = arith.constant 0 : i32
      %dma_start3A_240 = tpu.memref_slice %arg9[%dma_start3A_229, %dma_start3A_238, %dma_start3A_239] : memref<5x128x32xf32, #tpu.memory_space<vmem>> -> memref<1x128x32xf32, #tpu.memory_space<vmem>>
      %dma_start3A_241 = tpu.memref_squeeze %dma_start3A_240 : memref<1x128x32xf32, #tpu.memory_space<vmem>> -> memref<128x32xf32, #tpu.memory_space<vmem>>
      tpu.enqueue_dma source(%dma_start3A_241 : memref<128x32xf32, #tpu.memory_space<vmem>>) target(%dma_start3A_237 : memref<128x32xf32, #tpu.memory_space<hbm>>) target_semaphore(%arg13 : memref<!tpu.dma_semaphore, #tpu.memory_space<semaphore_mem>>)
      %mul3A_242 = arith.constant 5 : i32
      %mul3A_243 = arith.muli %scan3A_52, %mul3A_242 : i32
      %add3A_244 = arith.constant 1 : i32
      %add3A_245 = arith.addi %mul3A_243, %add3A_244 : i32
      %mul3A_246 = arith.constant 128 : i32
      %mul3A_247 = arith.muli %add3A_245, %mul3A_246 : i32
      %add3A_248 = arith.addi %add3A_37, %mul3A_247 : i32
      %multiple_of3A_249 = tpu.assume_multiple %add3A_248, 128 : i32
      %dma_start3A_250 = arith.constant 1 : i32
      %dma_start3A_251 = arith.constant 0 : i32
      %dma_start3A_252 = arith.constant 0 : i32
      %dma_start3A_253 = tpu.memref_slice %arg9[%dma_start3A_250, %dma_start3A_251, %dma_start3A_252] : memref<5x128x32xf32, #tpu.memory_space<vmem>> -> memref<1x128x32xf32, #tpu.memory_space<vmem>>
      %dma_start3A_254 = tpu.memref_squeeze %dma_start3A_253 : memref<1x128x32xf32, #tpu.memory_space<vmem>> -> memref<128x32xf32, #tpu.memory_space<vmem>>
      %dma_start3A_255 = arith.constant 0 : i32
      %dma_start3A_256 = tpu.memref_slice %arg6[%multiple_of3A_249, %dma_start3A_255] : memref<102400x32xf32, #tpu.memory_space<hbm>> -> memref<128x32xf32, #tpu.memory_space<hbm>>
      %dma_start3A_257 = arith.constant 0 : i32
      %dma_start3A_258 = tpu.memref_slice %arg6[%multiple_of3A_249, %dma_start3A_257] : memref<102400x32xf32, #tpu.memory_space<hbm>> -> memref<128x32xf32, #tpu.memory_space<hbm>>
      %dma_start3A_259 = arith.constant 0 : i32
      %dma_start3A_260 = arith.constant 0 : i32
      %dma_start3A_261 = tpu.memref_slice %arg9[%dma_start3A_250, %dma_start3A_259, %dma_start3A_260] : memref<5x128x32xf32, #tpu.memory_space<vmem>> -> memref<1x128x32xf32, #tpu.memory_space<vmem>>
      %dma_start3A_262 = tpu.memref_squeeze %dma_start3A_261 : memref<1x128x32xf32, #tpu.memory_space<vmem>> -> memref<128x32xf32, #tpu.memory_space<vmem>>
      tpu.enqueue_dma source(%dma_start3A_262 : memref<128x32xf32, #tpu.memory_space<vmem>>) target(%dma_start3A_258 : memref<128x32xf32, #tpu.memory_space<hbm>>) target_semaphore(%arg13 : memref<!tpu.dma_semaphore, #tpu.memory_space<semaphore_mem>>)
      %mul3A_263 = arith.constant 5 : i32
      %mul3A_264 = arith.muli %scan3A_52, %mul3A_263 : i32
      %add3A_265 = arith.constant 2 : i32
      %add3A_266 = arith.addi %mul3A_264, %add3A_265 : i32
      %mul3A_267 = arith.constant 128 : i32
      %mul3A_268 = arith.muli %add3A_266, %mul3A_267 : i32
      %add3A_269 = arith.addi %add3A_37, %mul3A_268 : i32
      %multiple_of3A_270 = tpu.assume_multiple %add3A_269, 128 : i32
      %dma_start3A_271 = arith.constant 2 : i32
      %dma_start3A_272 = arith.constant 0 : i32
      %dma_start3A_273 = arith.constant 0 : i32
      %dma_start3A_274 = tpu.memref_slice %arg9[%dma_start3A_271, %dma_start3A_272, %dma_start3A_273] : memref<5x128x32xf32, #tpu.memory_space<vmem>> -> memref<1x128x32xf32, #tpu.memory_space<vmem>>
      %dma_start3A_275 = tpu.memref_squeeze %dma_start3A_274 : memref<1x128x32xf32, #tpu.memory_space<vmem>> -> memref<128x32xf32, #tpu.memory_space<vmem>>
      %dma_start3A_276 = arith.constant 0 : i32
      %dma_start3A_277 = tpu.memref_slice %arg6[%multiple_of3A_270, %dma_start3A_276] : memref<102400x32xf32, #tpu.memory_space<hbm>> -> memref<128x32xf32, #tpu.memory_space<hbm>>
      %dma_start3A_278 = arith.constant 0 : i32
      %dma_start3A_279 = tpu.memref_slice %arg6[%multiple_of3A_270, %dma_start3A_278] : memref<102400x32xf32, #tpu.memory_space<hbm>> -> memref<128x32xf32, #tpu.memory_space<hbm>>
      %dma_start3A_280 = arith.constant 0 : i32
      %dma_start3A_281 = arith.constant 0 : i32
      %dma_start3A_282 = tpu.memref_slice %arg9[%dma_start3A_271, %dma_start3A_280, %dma_start3A_281] : memref<5x128x32xf32, #tpu.memory_space<vmem>> -> memref<1x128x32xf32, #tpu.memory_space<vmem>>
      %dma_start3A_283 = tpu.memref_squeeze %dma_start3A_282 : memref<1x128x32xf32, #tpu.memory_space<vmem>> -> memref<128x32xf32, #tpu.memory_space<vmem>>
      tpu.enqueue_dma source(%dma_start3A_283 : memref<128x32xf32, #tpu.memory_space<vmem>>) target(%dma_start3A_279 : memref<128x32xf32, #tpu.memory_space<hbm>>) target_semaphore(%arg13 : memref<!tpu.dma_semaphore, #tpu.memory_space<semaphore_mem>>)
      %mul3A_284 = arith.constant 5 : i32
      %mul3A_285 = arith.muli %scan3A_52, %mul3A_284 : i32
      %add3A_286 = arith.constant 3 : i32
      %add3A_287 = arith.addi %mul3A_285, %add3A_286 : i32
      %mul3A_288 = arith.constant 128 : i32
      %mul3A_289 = arith.muli %add3A_287, %mul3A_288 : i32
      %add3A_290 = arith.addi %add3A_37, %mul3A_289 : i32
      %multiple_of3A_291 = tpu.assume_multiple %add3A_290, 128 : i32
      %dma_start3A_292 = arith.constant 3 : i32
      %dma_start3A_293 = arith.constant 0 : i32
      %dma_start3A_294 = arith.constant 0 : i32
      %dma_start3A_295 = tpu.memref_slice %arg9[%dma_start3A_292, %dma_start3A_293, %dma_start3A_294] : memref<5x128x32xf32, #tpu.memory_space<vmem>> -> memref<1x128x32xf32, #tpu.memory_space<vmem>>
      %dma_start3A_296 = tpu.memref_squeeze %dma_start3A_295 : memref<1x128x32xf32, #tpu.memory_space<vmem>> -> memref<128x32xf32, #tpu.memory_space<vmem>>
      %dma_start3A_297 = arith.constant 0 : i32
      %dma_start3A_298 = tpu.memref_slice %arg6[%multiple_of3A_291, %dma_start3A_297] : memref<102400x32xf32, #tpu.memory_space<hbm>> -> memref<128x32xf32, #tpu.memory_space<hbm>>
      %dma_start3A_299 = arith.constant 0 : i32
      %dma_start3A_300 = tpu.memref_slice %arg6[%multiple_of3A_291, %dma_start3A_299] : memref<102400x32xf32, #tpu.memory_space<hbm>> -> memref<128x32xf32, #tpu.memory_space<hbm>>
      %dma_start3A_301 = arith.constant 0 : i32
      %dma_start3A_302 = arith.constant 0 : i32
      %dma_start3A_303 = tpu.memref_slice %arg9[%dma_start3A_292, %dma_start3A_301, %dma_start3A_302] : memref<5x128x32xf32, #tpu.memory_space<vmem>> -> memref<1x128x32xf32, #tpu.memory_space<vmem>>
      %dma_start3A_304 = tpu.memref_squeeze %dma_start3A_303 : memref<1x128x32xf32, #tpu.memory_space<vmem>> -> memref<128x32xf32, #tpu.memory_space<vmem>>
      tpu.enqueue_dma source(%dma_start3A_304 : memref<128x32xf32, #tpu.memory_space<vmem>>) target(%dma_start3A_300 : memref<128x32xf32, #tpu.memory_space<hbm>>) target_semaphore(%arg13 : memref<!tpu.dma_semaphore, #tpu.memory_space<semaphore_mem>>)
      %mul3A_305 = arith.constant 5 : i32
      %mul3A_306 = arith.muli %scan3A_52, %mul3A_305 : i32
      %add3A_307 = arith.constant 4 : i32
      %add3A_308 = arith.addi %mul3A_306, %add3A_307 : i32
      %mul3A_309 = arith.constant 128 : i32
      %mul3A_310 = arith.muli %add3A_308, %mul3A_309 : i32
      %add3A_311 = arith.addi %add3A_37, %mul3A_310 : i32
      %multiple_of3A_312 = tpu.assume_multiple %add3A_311, 128 : i32
      %dma_start3A_313 = arith.constant 4 : i32
      %dma_start3A_314 = arith.constant 0 : i32
      %dma_start3A_315 = arith.constant 0 : i32
      %dma_start3A_316 = tpu.memref_slice %arg9[%dma_start3A_313, %dma_start3A_314, %dma_start3A_315] : memref<5x128x32xf32, #tpu.memory_space<vmem>> -> memref<1x128x32xf32, #tpu.memory_space<vmem>>
      %dma_start3A_317 = tpu.memref_squeeze %dma_start3A_316 : memref<1x128x32xf32, #tpu.memory_space<vmem>> -> memref<128x32xf32, #tpu.memory_space<vmem>>
      %dma_start3A_318 = arith.constant 0 : i32
      %dma_start3A_319 = tpu.memref_slice %arg6[%multiple_of3A_312, %dma_start3A_318] : memref<102400x32xf32, #tpu.memory_space<hbm>> -> memref<128x32xf32, #tpu.memory_space<hbm>>
      %dma_start3A_320 = arith.constant 0 : i32
      %dma_start3A_321 = tpu.memref_slice %arg6[%multiple_of3A_312, %dma_start3A_320] : memref<102400x32xf32, #tpu.memory_space<hbm>> -> memref<128x32xf32, #tpu.memory_space<hbm>>
      %dma_start3A_322 = arith.constant 0 : i32
      %dma_start3A_323 = arith.constant 0 : i32
      %dma_start3A_324 = tpu.memref_slice %arg9[%dma_start3A_313, %dma_start3A_322, %dma_start3A_323] : memref<5x128x32xf32, #tpu.memory_space<vmem>> -> memref<1x128x32xf32, #tpu.memory_space<vmem>>
      %dma_start3A_325 = tpu.memref_squeeze %dma_start3A_324 : memref<1x128x32xf32, #tpu.memory_space<vmem>> -> memref<128x32xf32, #tpu.memory_space<vmem>>
      tpu.enqueue_dma source(%dma_start3A_325 : memref<128x32xf32, #tpu.memory_space<vmem>>) target(%dma_start3A_321 : memref<128x32xf32, #tpu.memory_space<hbm>>) target_semaphore(%arg13 : memref<!tpu.dma_semaphore, #tpu.memory_space<semaphore_mem>>)
      %dma_wait3A_326 = arith.constant 0 : i32
      %dma_wait3A_327 = arith.constant 0 : i32
      %dma_wait3A_328 = arith.constant 0 : i32
      %dma_wait3A_329 = tpu.memref_slice %arg9[%dma_wait3A_326, %dma_wait3A_327, %dma_wait3A_328] : memref<5x128x32xf32, #tpu.memory_space<vmem>> -> memref<1x128x32xf32, #tpu.memory_space<vmem>>
      %dma_wait3A_330 = tpu.memref_squeeze %dma_wait3A_329 : memref<1x128x32xf32, #tpu.memory_space<vmem>> -> memref<128x32xf32, #tpu.memory_space<vmem>>
      %dma_wait3A_331 = arith.constant 0 : i32
      %dma_wait3A_332 = tpu.memref_slice %arg6[%multiple_of3A_228, %dma_wait3A_331] : memref<102400x32xf32, #tpu.memory_space<hbm>> -> memref<128x32xf32, #tpu.memory_space<hbm>>
      %dma_wait3A_333 = arith.constant 0 : i32
      %dma_wait3A_334 = tpu.memref_slice %arg6[%multiple_of3A_228, %dma_wait3A_333] : memref<102400x32xf32, #tpu.memory_space<hbm>> -> memref<128x32xf32, #tpu.memory_space<hbm>>
      %dma_wait3A_335 = arith.constant 0 : i32
      %dma_wait3A_336 = arith.constant 0 : i32
      %dma_wait3A_337 = tpu.memref_slice %arg9[%dma_wait3A_326, %dma_wait3A_335, %dma_wait3A_336] : memref<5x128x32xf32, #tpu.memory_space<vmem>> -> memref<1x128x32xf32, #tpu.memory_space<vmem>>
      %dma_wait3A_338 = tpu.memref_squeeze %dma_wait3A_337 : memref<1x128x32xf32, #tpu.memory_space<vmem>> -> memref<128x32xf32, #tpu.memory_space<vmem>>
      tpu.wait_dma2 semaphore(%arg13 : memref<!tpu.dma_semaphore, #tpu.memory_space<semaphore_mem>>) src(%dma_wait3A_338 : memref<128x32xf32, #tpu.memory_space<vmem>>) dst(%dma_wait3A_334 : memref<128x32xf32, #tpu.memory_space<hbm>>)
      %dma_wait3A_339 = arith.constant 1 : i32
      %dma_wait3A_340 = arith.constant 0 : i32
      %dma_wait3A_341 = arith.constant 0 : i32
      %dma_wait3A_342 = tpu.memref_slice %arg9[%dma_wait3A_339, %dma_wait3A_340, %dma_wait3A_341] : memref<5x128x32xf32, #tpu.memory_space<vmem>> -> memref<1x128x32xf32, #tpu.memory_space<vmem>>
      %dma_wait3A_343 = tpu.memref_squeeze %dma_wait3A_342 : memref<1x128x32xf32, #tpu.memory_space<vmem>> -> memref<128x32xf32, #tpu.memory_space<vmem>>
      %dma_wait3A_344 = arith.constant 0 : i32
      %dma_wait3A_345 = tpu.memref_slice %arg6[%multiple_of3A_249, %dma_wait3A_344] : memref<102400x32xf32, #tpu.memory_space<hbm>> -> memref<128x32xf32, #tpu.memory_space<hbm>>
      %dma_wait3A_346 = arith.constant 0 : i32
      %dma_wait3A_347 = tpu.memref_slice %arg6[%multiple_of3A_249, %dma_wait3A_346] : memref<102400x32xf32, #tpu.memory_space<hbm>> -> memref<128x32xf32, #tpu.memory_space<hbm>>
      %dma_wait3A_348 = arith.constant 0 : i32
      %dma_wait3A_349 = arith.constant 0 : i32
      %dma_wait3A_350 = tpu.memref_slice %arg9[%dma_wait3A_339, %dma_wait3A_348, %dma_wait3A_349] : memref<5x128x32xf32, #tpu.memory_space<vmem>> -> memref<1x128x32xf32, #tpu.memory_space<vmem>>
      %dma_wait3A_351 = tpu.memref_squeeze %dma_wait3A_350 : memref<1x128x32xf32, #tpu.memory_space<vmem>> -> memref<128x32xf32, #tpu.memory_space<vmem>>
      tpu.wait_dma2 semaphore(%arg13 : memref<!tpu.dma_semaphore, #tpu.memory_space<semaphore_mem>>) src(%dma_wait3A_351 : memref<128x32xf32, #tpu.memory_space<vmem>>) dst(%dma_wait3A_347 : memref<128x32xf32, #tpu.memory_space<hbm>>)
      %dma_wait3A_352 = arith.constant 2 : i32
      %dma_wait3A_353 = arith.constant 0 : i32
      %dma_wait3A_354 = arith.constant 0 : i32
      %dma_wait3A_355 = tpu.memref_slice %arg9[%dma_wait3A_352, %dma_wait3A_353, %dma_wait3A_354] : memref<5x128x32xf32, #tpu.memory_space<vmem>> -> memref<1x128x32xf32, #tpu.memory_space<vmem>>
      %dma_wait3A_356 = tpu.memref_squeeze %dma_wait3A_355 : memref<1x128x32xf32, #tpu.memory_space<vmem>> -> memref<128x32xf32, #tpu.memory_space<vmem>>
      %dma_wait3A_357 = arith.constant 0 : i32
      %dma_wait3A_358 = tpu.memref_slice %arg6[%multiple_of3A_270, %dma_wait3A_357] : memref<102400x32xf32, #tpu.memory_space<hbm>> -> memref<128x32xf32, #tpu.memory_space<hbm>>
      %dma_wait3A_359 = arith.constant 0 : i32
      %dma_wait3A_360 = tpu.memref_slice %arg6[%multiple_of3A_270, %dma_wait3A_359] : memref<102400x32xf32, #tpu.memory_space<hbm>> -> memref<128x32xf32, #tpu.memory_space<hbm>>
      %dma_wait3A_361 = arith.constant 0 : i32
      %dma_wait3A_362 = arith.constant 0 : i32
      %dma_wait3A_363 = tpu.memref_slice %arg9[%dma_wait3A_352, %dma_wait3A_361, %dma_wait3A_362] : memref<5x128x32xf32, #tpu.memory_space<vmem>> -> memref<1x128x32xf32, #tpu.memory_space<vmem>>
      %dma_wait3A_364 = tpu.memref_squeeze %dma_wait3A_363 : memref<1x128x32xf32, #tpu.memory_space<vmem>> -> memref<128x32xf32, #tpu.memory_space<vmem>>
      tpu.wait_dma2 semaphore(%arg13 : memref<!tpu.dma_semaphore, #tpu.memory_space<semaphore_mem>>) src(%dma_wait3A_364 : memref<128x32xf32, #tpu.memory_space<vmem>>) dst(%dma_wait3A_360 : memref<128x32xf32, #tpu.memory_space<hbm>>)
      %dma_wait3A_365 = arith.constant 3 : i32
      %dma_wait3A_366 = arith.constant 0 : i32
      %dma_wait3A_367 = arith.constant 0 : i32
      %dma_wait3A_368 = tpu.memref_slice %arg9[%dma_wait3A_365, %dma_wait3A_366, %dma_wait3A_367] : memref<5x128x32xf32, #tpu.memory_space<vmem>> -> memref<1x128x32xf32, #tpu.memory_space<vmem>>
      %dma_wait3A_369 = tpu.memref_squeeze %dma_wait3A_368 : memref<1x128x32xf32, #tpu.memory_space<vmem>> -> memref<128x32xf32, #tpu.memory_space<vmem>>
      %dma_wait3A_370 = arith.constant 0 : i32
      %dma_wait3A_371 = tpu.memref_slice %arg6[%multiple_of3A_291, %dma_wait3A_370] : memref<102400x32xf32, #tpu.memory_space<hbm>> -> memref<128x32xf32, #tpu.memory_space<hbm>>
      %dma_wait3A_372 = arith.constant 0 : i32
      %dma_wait3A_373 = tpu.memref_slice %arg6[%multiple_of3A_291, %dma_wait3A_372] : memref<102400x32xf32, #tpu.memory_space<hbm>> -> memref<128x32xf32, #tpu.memory_space<hbm>>
      %dma_wait3A_374 = arith.constant 0 : i32
      %dma_wait3A_375 = arith.constant 0 : i32
      %dma_wait3A_376 = tpu.memref_slice %arg9[%dma_wait3A_365, %dma_wait3A_374, %dma_wait3A_375] : memref<5x128x32xf32, #tpu.memory_space<vmem>> -> memref<1x128x32xf32, #tpu.memory_space<vmem>>
      %dma_wait3A_377 = tpu.memref_squeeze %dma_wait3A_376 : memref<1x128x32xf32, #tpu.memory_space<vmem>> -> memref<128x32xf32, #tpu.memory_space<vmem>>
      tpu.wait_dma2 semaphore(%arg13 : memref<!tpu.dma_semaphore, #tpu.memory_space<semaphore_mem>>) src(%dma_wait3A_377 : memref<128x32xf32, #tpu.memory_space<vmem>>) dst(%dma_wait3A_373 : memref<128x32xf32, #tpu.memory_space<hbm>>)
      %dma_wait3A_378 = arith.constant 4 : i32
      %dma_wait3A_379 = arith.constant 0 : i32
      %dma_wait3A_380 = arith.constant 0 : i32
      %dma_wait3A_381 = tpu.memref_slice %arg9[%dma_wait3A_378, %dma_wait3A_379, %dma_wait3A_380] : memref<5x128x32xf32, #tpu.memory_space<vmem>> -> memref<1x128x32xf32, #tpu.memory_space<vmem>>
      %dma_wait3A_382 = tpu.memref_squeeze %dma_wait3A_381 : memref<1x128x32xf32, #tpu.memory_space<vmem>> -> memref<128x32xf32, #tpu.memory_space<vmem>>
      %dma_wait3A_383 = arith.constant 0 : i32
      %dma_wait3A_384 = tpu.memref_slice %arg6[%multiple_of3A_312, %dma_wait3A_383] : memref<102400x32xf32, #tpu.memory_space<hbm>> -> memref<128x32xf32, #tpu.memory_space<hbm>>
      %dma_wait3A_385 = arith.constant 0 : i32
      %dma_wait3A_386 = tpu.memref_slice %arg6[%multiple_of3A_312, %dma_wait3A_385] : memref<102400x32xf32, #tpu.memory_space<hbm>> -> memref<128x32xf32, #tpu.memory_space<hbm>>
      %dma_wait3A_387 = arith.constant 0 : i32
      %dma_wait3A_388 = arith.constant 0 : i32
      %dma_wait3A_389 = tpu.memref_slice %arg9[%dma_wait3A_378, %dma_wait3A_387, %dma_wait3A_388] : memref<5x128x32xf32, #tpu.memory_space<vmem>> -> memref<1x128x32xf32, #tpu.memory_space<vmem>>
      %dma_wait3A_390 = tpu.memref_squeeze %dma_wait3A_389 : memref<1x128x32xf32, #tpu.memory_space<vmem>> -> memref<128x32xf32, #tpu.memory_space<vmem>>
      tpu.wait_dma2 semaphore(%arg13 : memref<!tpu.dma_semaphore, #tpu.memory_space<semaphore_mem>>) src(%dma_wait3A_390 : memref<128x32xf32, #tpu.memory_space<vmem>>) dst(%dma_wait3A_386 : memref<128x32xf32, #tpu.memory_space<hbm>>)
    }
    %scan3A_43 = arith.constant 5 : i32
    %add3A_44 = arith.constant 3200 : i32
    %add3A_45 = arith.addi %mul3A_2, %add3A_44 : i32
    %multiple_of3A_46 = tpu.assume_multiple %add3A_45, 128 : i32
    %add3A_47 = arith.constant 3200 : i32
    %add3A_48 = arith.addi %add3A_37, %add3A_47 : i32
    %multiple_of3A_49 = tpu.assume_multiple %add3A_48, 128 : i32
    %run_scoped3A_50 = arith.constant 0 : i32
    "tpu.region"() ({
      %run_scoped3A_52 = tpu.sem_alloc : memref<!tpu.dma_semaphore, #tpu.memory_space<semaphore_mem>>
      %dma_start3A = arith.constant 0 : i32
      %dma_start3A_53 = arith.constant 0 : i32
      %dma_start3A_54 = tpu.memref_slice %arg9[%run_scoped3A_50, %dma_start3A, %dma_start3A_53] : memref<5x128x32xf32, #tpu.memory_space<vmem>> -> memref<1x128x32xf32, #tpu.memory_space<vmem>>
      %dma_start3A_55 = tpu.memref_squeeze %dma_start3A_54 : memref<1x128x32xf32, #tpu.memory_space<vmem>> -> memref<128x32xf32, #tpu.memory_space<vmem>>
      %dma_start3A_56 = arith.constant 0 : i32
      %dma_start3A_57 = tpu.memref_slice %arg10[%multiple_of3A_46, %dma_start3A_56] : memref<51200x32xf32, #tpu.memory_space<vmem_shared>> -> memref<128x32xf32, #tpu.memory_space<vmem_shared>>
      %dma_start3A_58 = arith.constant 0 : i32
      %dma_start3A_59 = arith.constant 0 : i32
      %dma_start3A_60 = tpu.memref_slice %arg9[%run_scoped3A_50, %dma_start3A_58, %dma_start3A_59] : memref<5x128x32xf32, #tpu.memory_space<vmem>> -> memref<1x128x32xf32, #tpu.memory_space<vmem>>
      %dma_start3A_61 = tpu.memref_squeeze %dma_start3A_60 : memref<1x128x32xf32, #tpu.memory_space<vmem>> -> memref<128x32xf32, #tpu.memory_space<vmem>>
      %dma_start3A_62 = arith.constant 0 : i32
      %dma_start3A_63 = tpu.memref_slice %arg10[%multiple_of3A_46, %dma_start3A_62] : memref<51200x32xf32, #tpu.memory_space<vmem_shared>> -> memref<128x32xf32, #tpu.memory_space<vmem_shared>>
      tpu.enqueue_dma source(%dma_start3A_63 : memref<128x32xf32, #tpu.memory_space<vmem_shared>>) target(%dma_start3A_61 : memref<128x32xf32, #tpu.memory_space<vmem>>) target_semaphore(%run_scoped3A_52 : memref<!tpu.dma_semaphore, #tpu.memory_space<semaphore_mem>>)
      %dma_wait3A = arith.constant 0 : i32
      %dma_wait3A_64 = arith.constant 0 : i32
      %dma_wait3A_65 = tpu.memref_slice %arg9[%run_scoped3A_50, %dma_wait3A, %dma_wait3A_64] : memref<5x128x32xf32, #tpu.memory_space<vmem>> -> memref<1x128x32xf32, #tpu.memory_space<vmem>>
      %dma_wait3A_66 = tpu.memref_squeeze %dma_wait3A_65 : memref<1x128x32xf32, #tpu.memory_space<vmem>> -> memref<128x32xf32, #tpu.memory_space<vmem>>
      %dma_wait3A_67 = arith.constant 0 : i32
      %dma_wait3A_68 = tpu.memref_slice %arg10[%multiple_of3A_46, %dma_wait3A_67] : memref<51200x32xf32, #tpu.memory_space<vmem_shared>> -> memref<128x32xf32, #tpu.memory_space<vmem_shared>>
      %dma_wait3A_69 = arith.constant 0 : i32
      %dma_wait3A_70 = arith.constant 0 : i32
      %dma_wait3A_71 = tpu.memref_slice %arg9[%run_scoped3A_50, %dma_wait3A_69, %dma_wait3A_70] : memref<5x128x32xf32, #tpu.memory_space<vmem>> -> memref<1x128x32xf32, #tpu.memory_space<vmem>>
      %dma_wait3A_72 = tpu.memref_squeeze %dma_wait3A_71 : memref<1x128x32xf32, #tpu.memory_space<vmem>> -> memref<128x32xf32, #tpu.memory_space<vmem>>
      %dma_wait3A_73 = arith.constant 0 : i32
      %dma_wait3A_74 = tpu.memref_slice %arg10[%multiple_of3A_46, %dma_wait3A_73] : memref<51200x32xf32, #tpu.memory_space<vmem_shared>> -> memref<128x32xf32, #tpu.memory_space<vmem_shared>>
      tpu.wait_dma2 semaphore(%run_scoped3A_52 : memref<!tpu.dma_semaphore, #tpu.memory_space<semaphore_mem>>) src(%dma_wait3A_74 : memref<128x32xf32, #tpu.memory_space<vmem_shared>>) dst(%dma_wait3A_72 : memref<128x32xf32, #tpu.memory_space<vmem>>)
      tpu.yield
    }) : () -> ()
    %run_scoped3A_51 = arith.constant 0 : i32
    "tpu.region"() ({
      %run_scoped3A_52 = tpu.sem_alloc : memref<!tpu.dma_semaphore, #tpu.memory_space<semaphore_mem>>
      %dma_start3A = arith.constant 0 : i32
      %dma_start3A_53 = arith.constant 0 : i32
      %dma_start3A_54 = tpu.memref_slice %arg9[%run_scoped3A_51, %dma_start3A, %dma_start3A_53] : memref<5x128x32xf32, #tpu.memory_space<vmem>> -> memref<1x128x32xf32, #tpu.memory_space<vmem>>
      %dma_start3A_55 = tpu.memref_squeeze %dma_start3A_54 : memref<1x128x32xf32, #tpu.memory_space<vmem>> -> memref<128x32xf32, #tpu.memory_space<vmem>>
      %dma_start3A_56 = arith.constant 0 : i32
      %dma_start3A_57 = tpu.memref_slice %arg6[%multiple_of3A_49, %dma_start3A_56] : memref<102400x32xf32, #tpu.memory_space<hbm>> -> memref<128x32xf32, #tpu.memory_space<hbm>>
      %dma_start3A_58 = arith.constant 0 : i32
      %dma_start3A_59 = tpu.memref_slice %arg6[%multiple_of3A_49, %dma_start3A_58] : memref<102400x32xf32, #tpu.memory_space<hbm>> -> memref<128x32xf32, #tpu.memory_space<hbm>>
      %dma_start3A_60 = arith.constant 0 : i32
      %dma_start3A_61 = arith.constant 0 : i32
      %dma_start3A_62 = tpu.memref_slice %arg9[%run_scoped3A_51, %dma_start3A_60, %dma_start3A_61] : memref<5x128x32xf32, #tpu.memory_space<vmem>> -> memref<1x128x32xf32, #tpu.memory_space<vmem>>
      %dma_start3A_63 = tpu.memref_squeeze %dma_start3A_62 : memref<1x128x32xf32, #tpu.memory_space<vmem>> -> memref<128x32xf32, #tpu.memory_space<vmem>>
      tpu.enqueue_dma source(%dma_start3A_63 : memref<128x32xf32, #tpu.memory_space<vmem>>) target(%dma_start3A_59 : memref<128x32xf32, #tpu.memory_space<hbm>>) target_semaphore(%run_scoped3A_52 : memref<!tpu.dma_semaphore, #tpu.memory_space<semaphore_mem>>)
      %dma_wait3A = arith.constant 0 : i32
      %dma_wait3A_64 = arith.constant 0 : i32
      %dma_wait3A_65 = tpu.memref_slice %arg9[%run_scoped3A_51, %dma_wait3A, %dma_wait3A_64] : memref<5x128x32xf32, #tpu.memory_space<vmem>> -> memref<1x128x32xf32, #tpu.memory_space<vmem>>
      %dma_wait3A_66 = tpu.memref_squeeze %dma_wait3A_65 : memref<1x128x32xf32, #tpu.memory_space<vmem>> -> memref<128x32xf32, #tpu.memory_space<vmem>>
      %dma_wait3A_67 = arith.constant 0 : i32
      %dma_wait3A_68 = tpu.memref_slice %arg6[%multiple_of3A_49, %dma_wait3A_67] : memref<102400x32xf32, #tpu.memory_space<hbm>> -> memref<128x32xf32, #tpu.memory_space<hbm>>
      %dma_wait3A_69 = arith.constant 0 : i32
      %dma_wait3A_70 = tpu.memref_slice %arg6[%multiple_of3A_49, %dma_wait3A_69] : memref<102400x32xf32, #tpu.memory_space<hbm>> -> memref<128x32xf32, #tpu.memory_space<hbm>>
      %dma_wait3A_71 = arith.constant 0 : i32
      %dma_wait3A_72 = arith.constant 0 : i32
      %dma_wait3A_73 = tpu.memref_slice %arg9[%run_scoped3A_51, %dma_wait3A_71, %dma_wait3A_72] : memref<5x128x32xf32, #tpu.memory_space<vmem>> -> memref<1x128x32xf32, #tpu.memory_space<vmem>>
      %dma_wait3A_74 = tpu.memref_squeeze %dma_wait3A_73 : memref<1x128x32xf32, #tpu.memory_space<vmem>> -> memref<128x32xf32, #tpu.memory_space<vmem>>
      tpu.wait_dma2 semaphore(%run_scoped3A_52 : memref<!tpu.dma_semaphore, #tpu.memory_space<semaphore_mem>>) src(%dma_wait3A_74 : memref<128x32xf32, #tpu.memory_space<vmem>>) dst(%dma_wait3A_70 : memref<128x32xf32, #tpu.memory_space<hbm>>)
      tpu.yield
    }) : () -> ()
    return
  }
}

#map = affine_map<(d0, d1) -> (0, 0)>
module attributes {stable_mosaic.version = 14 : i64} {
  func.func @_sc_body(%arg0: i32, %arg1: i32, %arg2: memref<6400x128xi32, #tpu.memory_space<hbm>>, %arg3: memref<6400x128xi32, #tpu.memory_space<hbm>>, %arg4: memref<200000x32xf32, #tpu.memory_space<hbm>>, %arg5: memref<128x32xf32, #tpu.memory_space<hbm>>, %arg6: memref<102400x32xf32, #tpu.memory_space<hbm>>, %arg7: memref<20x128xi32, #tpu.memory_space<vmem>>, %arg8: memref<20x128xi32, #tpu.memory_space<vmem>>, %arg9: memref<5x128x32xf32, #tpu.memory_space<vmem>>, %arg10: memref<51200x32xf32, #tpu.memory_space<vmem_shared>>, %arg11: memref<!tpu.dma_semaphore, #tpu.memory_space<semaphore_mem>>, %arg12: memref<!tpu.dma_semaphore, #tpu.memory_space<semaphore_mem>>, %arg13: memref<!tpu.dma_semaphore, #tpu.memory_space<semaphore_mem>>) attributes {dimension_semantics = [#tpu.dimension_semantics<core_parallel>, #tpu.dimension_semantics<subcore_parallel>], iteration_bounds = array<i64: 2, 16>, scalar_prefetch = 0 : i64, scratch_operands = 7 : i64, tpu.core_type = #tpu.core_type<sc_vector_subcore>, window_params = [{transform_indices = #map}, {transform_indices = #map}, {transform_indices = #map}, {transform_indices = #map}, {transform_indices = #map}]} {
    %mul3A = arith.constant 16 : i32
    %mul3A_0 = arith.muli %arg0, %mul3A : i32
    %add3A = arith.addi %mul3A_0, %arg1 : i32
    %mul3A_1 = arith.constant 3200 : i32
    %mul3A_2 = arith.muli %arg1, %mul3A_1 : i32
    %run_scoped3A = arith.constant 0 : i32
    "tpu.region"() ({
      %run_scoped3A_52 = tpu.sem_alloc : memref<!tpu.dma_semaphore, #tpu.memory_space<semaphore_mem>>
      %dma_start3A = arith.constant 0 : i32
      %dma_start3A_53 = arith.constant 0 : i32
      %dma_start3A_54 = tpu.memref_slice %arg9[%run_scoped3A, %dma_start3A, %dma_start3A_53] : memref<5x128x32xf32, #tpu.memory_space<vmem>> -> memref<1x128x32xf32, #tpu.memory_space<vmem>>
      %dma_start3A_55 = tpu.memref_squeeze %dma_start3A_54 : memref<1x128x32xf32, #tpu.memory_space<vmem>> -> memref<128x32xf32, #tpu.memory_space<vmem>>
      %dma_start3A_56 = arith.constant 0 : i32
      %dma_start3A_57 = arith.constant 0 : i32
      %dma_start3A_58 = tpu.memref_slice %arg9[%run_scoped3A, %dma_start3A_56, %dma_start3A_57] : memref<5x128x32xf32, #tpu.memory_space<vmem>> -> memref<1x128x32xf32, #tpu.memory_space<vmem>>
      %dma_start3A_59 = tpu.memref_squeeze %dma_start3A_58 : memref<1x128x32xf32, #tpu.memory_space<vmem>> -> memref<128x32xf32, #tpu.memory_space<vmem>>
      tpu.enqueue_dma source(%arg5 : memref<128x32xf32, #tpu.memory_space<hbm>>) target(%dma_start3A_59 : memref<128x32xf32, #tpu.memory_space<vmem>>) target_semaphore(%run_scoped3A_52 : memref<!tpu.dma_semaphore, #tpu.memory_space<semaphore_mem>>)
      %dma_wait3A = arith.constant 0 : i32
      %dma_wait3A_60 = arith.constant 0 : i32
      %dma_wait3A_61 = tpu.memref_slice %arg9[%run_scoped3A, %dma_wait3A, %dma_wait3A_60] : memref<5x128x32xf32, #tpu.memory_space<vmem>> -> memref<1x128x32xf32, #tpu.memory_space<vmem>>
      %dma_wait3A_62 = tpu.memref_squeeze %dma_wait3A_61 : memref<1x128x32xf32, #tpu.memory_space<vmem>> -> memref<128x32xf32, #tpu.memory_space<vmem>>
      %dma_wait3A_63 = arith.constant 0 : i32
      %dma_wait3A_64 = arith.constant 0 : i32
      %dma_wait3A_65 = tpu.memref_slice %arg9[%run_scoped3A, %dma_wait3A_63, %dma_wait3A_64] : memref<5x128x32xf32, #tpu.memory_space<vmem>> -> memref<1x128x32xf32, #tpu.memory_space<vmem>>
      %dma_wait3A_66 = tpu.memref_squeeze %dma_wait3A_65 : memref<1x128x32xf32, #tpu.memory_space<vmem>> -> memref<128x32xf32, #tpu.memory_space<vmem>>
      tpu.wait_dma2 semaphore(%run_scoped3A_52 : memref<!tpu.dma_semaphore, #tpu.memory_space<semaphore_mem>>) src(%arg5 : memref<128x32xf32, #tpu.memory_space<hbm>>) dst(%dma_wait3A_66 : memref<128x32xf32, #tpu.memory_space<vmem>>)
      tpu.yield
    }) : () -> ()
    %scan3A = arith.constant 0 : i32
    %scan3A_3 = arith.constant 0 : i32
    %scan3A_4 = arith.constant 5 : i32
    %scan3A_5 = arith.addi %scan3A_3, %scan3A_4 : i32
    %scan3A_6 = arith.constant 1 : i32
    scf.for %scan3A_52 = %scan3A_3 to %scan3A_5 step %scan3A_6  : i32 {
      %mul3A_53 = arith.constant 5 : i32
      %mul3A_54 = arith.muli %scan3A_52, %mul3A_53 : i32
      %add3A_55 = arith.constant 0 : i32
      %add3A_56 = arith.addi %mul3A_54, %add3A_55 : i32
      %mul3A_57 = arith.constant 128 : i32
      %mul3A_58 = arith.muli %add3A_56, %mul3A_57 : i32
      %add3A_59 = arith.addi %mul3A_2, %mul3A_58 : i32
      %multiple_of3A_60 = tpu.assume_multiple %add3A_59, 128 : i32
      %dma_start3A = arith.constant 0 : i32
      %dma_start3A_61 = arith.constant 0 : i32
      %dma_start3A_62 = arith.constant 0 : i32
      %dma_start3A_63 = tpu.memref_slice %arg9[%dma_start3A, %dma_start3A_61, %dma_start3A_62] : memref<5x128x32xf32, #tpu.memory_space<vmem>> -> memref<1x128x32xf32, #tpu.memory_space<vmem>>
      %dma_start3A_64 = tpu.memref_squeeze %dma_start3A_63 : memref<1x128x32xf32, #tpu.memory_space<vmem>> -> memref<128x32xf32, #tpu.memory_space<vmem>>
      %dma_start3A_65 = arith.constant 0 : i32
      %dma_start3A_66 = tpu.memref_slice %arg10[%multiple_of3A_60, %dma_start3A_65] : memref<51200x32xf32, #tpu.memory_space<vmem_shared>> -> memref<128x32xf32, #tpu.memory_space<vmem_shared>>
      %dma_start3A_67 = arith.constant 0 : i32
      %dma_start3A_68 = tpu.memref_slice %arg10[%multiple_of3A_60, %dma_start3A_67] : memref<51200x32xf32, #tpu.memory_space<vmem_shared>> -> memref<128x32xf32, #tpu.memory_space<vmem_shared>>
      %dma_start3A_69 = arith.constant 0 : i32
      %dma_start3A_70 = arith.constant 0 : i32
      %dma_start3A_71 = tpu.memref_slice %arg9[%dma_start3A, %dma_start3A_69, %dma_start3A_70] : memref<5x128x32xf32, #tpu.memory_space<vmem>> -> memref<1x128x32xf32, #tpu.memory_space<vmem>>
      %dma_start3A_72 = tpu.memref_squeeze %dma_start3A_71 : memref<1x128x32xf32, #tpu.memory_space<vmem>> -> memref<128x32xf32, #tpu.memory_space<vmem>>
      tpu.enqueue_dma source(%dma_start3A_72 : memref<128x32xf32, #tpu.memory_space<vmem>>) target(%dma_start3A_68 : memref<128x32xf32, #tpu.memory_space<vmem_shared>>) target_semaphore(%arg13 : memref<!tpu.dma_semaphore, #tpu.memory_space<semaphore_mem>>)
      %mul3A_73 = arith.constant 5 : i32
      %mul3A_74 = arith.muli %scan3A_52, %mul3A_73 : i32
      %add3A_75 = arith.constant 1 : i32
      %add3A_76 = arith.addi %mul3A_74, %add3A_75 : i32
      %mul3A_77 = arith.constant 128 : i32
      %mul3A_78 = arith.muli %add3A_76, %mul3A_77 : i32
      %add3A_79 = arith.addi %mul3A_2, %mul3A_78 : i32
      %multiple_of3A_80 = tpu.assume_multiple %add3A_79, 128 : i32
      %dma_start3A_81 = arith.constant 0 : i32
      %dma_start3A_82 = arith.constant 0 : i32
      %dma_start3A_83 = arith.constant 0 : i32
      %dma_start3A_84 = tpu.memref_slice %arg9[%dma_start3A_81, %dma_start3A_82, %dma_start3A_83] : memref<5x128x32xf32, #tpu.memory_space<vmem>> -> memref<1x128x32xf32, #tpu.memory_space<vmem>>
      %dma_start3A_85 = tpu.memref_squeeze %dma_start3A_84 : memref<1x128x32xf32, #tpu.memory_space<vmem>> -> memref<128x32xf32, #tpu.memory_space<vmem>>
      %dma_start3A_86 = arith.constant 0 : i32
      %dma_start3A_87 = tpu.memref_slice %arg10[%multiple_of3A_80, %dma_start3A_86] : memref<51200x32xf32, #tpu.memory_space<vmem_shared>> -> memref<128x32xf32, #tpu.memory_space<vmem_shared>>
      %dma_start3A_88 = arith.constant 0 : i32
      %dma_start3A_89 = tpu.memref_slice %arg10[%multiple_of3A_80, %dma_start3A_88] : memref<51200x32xf32, #tpu.memory_space<vmem_shared>> -> memref<128x32xf32, #tpu.memory_space<vmem_shared>>
      %dma_start3A_90 = arith.constant 0 : i32
      %dma_start3A_91 = arith.constant 0 : i32
      %dma_start3A_92 = tpu.memref_slice %arg9[%dma_start3A_81, %dma_start3A_90, %dma_start3A_91] : memref<5x128x32xf32, #tpu.memory_space<vmem>> -> memref<1x128x32xf32, #tpu.memory_space<vmem>>
      %dma_start3A_93 = tpu.memref_squeeze %dma_start3A_92 : memref<1x128x32xf32, #tpu.memory_space<vmem>> -> memref<128x32xf32, #tpu.memory_space<vmem>>
      tpu.enqueue_dma source(%dma_start3A_93 : memref<128x32xf32, #tpu.memory_space<vmem>>) target(%dma_start3A_89 : memref<128x32xf32, #tpu.memory_space<vmem_shared>>) target_semaphore(%arg13 : memref<!tpu.dma_semaphore, #tpu.memory_space<semaphore_mem>>)
      %mul3A_94 = arith.constant 5 : i32
      %mul3A_95 = arith.muli %scan3A_52, %mul3A_94 : i32
      %add3A_96 = arith.constant 2 : i32
      %add3A_97 = arith.addi %mul3A_95, %add3A_96 : i32
      %mul3A_98 = arith.constant 128 : i32
      %mul3A_99 = arith.muli %add3A_97, %mul3A_98 : i32
      %add3A_100 = arith.addi %mul3A_2, %mul3A_99 : i32
      %multiple_of3A_101 = tpu.assume_multiple %add3A_100, 128 : i32
      %dma_start3A_102 = arith.constant 0 : i32
      %dma_start3A_103 = arith.constant 0 : i32
      %dma_start3A_104 = arith.constant 0 : i32
      %dma_start3A_105 = tpu.memref_slice %arg9[%dma_start3A_102, %dma_start3A_103, %dma_start3A_104] : memref<5x128x32xf32, #tpu.memory_space<vmem>> -> memref<1x128x32xf32, #tpu.memory_space<vmem>>
      %dma_start3A_106 = tpu.memref_squeeze %dma_start3A_105 : memref<1x128x32xf32, #tpu.memory_space<vmem>> -> memref<128x32xf32, #tpu.memory_space<vmem>>
      %dma_start3A_107 = arith.constant 0 : i32
      %dma_start3A_108 = tpu.memref_slice %arg10[%multiple_of3A_101, %dma_start3A_107] : memref<51200x32xf32, #tpu.memory_space<vmem_shared>> -> memref<128x32xf32, #tpu.memory_space<vmem_shared>>
      %dma_start3A_109 = arith.constant 0 : i32
      %dma_start3A_110 = tpu.memref_slice %arg10[%multiple_of3A_101, %dma_start3A_109] : memref<51200x32xf32, #tpu.memory_space<vmem_shared>> -> memref<128x32xf32, #tpu.memory_space<vmem_shared>>
      %dma_start3A_111 = arith.constant 0 : i32
      %dma_start3A_112 = arith.constant 0 : i32
      %dma_start3A_113 = tpu.memref_slice %arg9[%dma_start3A_102, %dma_start3A_111, %dma_start3A_112] : memref<5x128x32xf32, #tpu.memory_space<vmem>> -> memref<1x128x32xf32, #tpu.memory_space<vmem>>
      %dma_start3A_114 = tpu.memref_squeeze %dma_start3A_113 : memref<1x128x32xf32, #tpu.memory_space<vmem>> -> memref<128x32xf32, #tpu.memory_space<vmem>>
      tpu.enqueue_dma source(%dma_start3A_114 : memref<128x32xf32, #tpu.memory_space<vmem>>) target(%dma_start3A_110 : memref<128x32xf32, #tpu.memory_space<vmem_shared>>) target_semaphore(%arg13 : memref<!tpu.dma_semaphore, #tpu.memory_space<semaphore_mem>>)
      %mul3A_115 = arith.constant 5 : i32
      %mul3A_116 = arith.muli %scan3A_52, %mul3A_115 : i32
      %add3A_117 = arith.constant 3 : i32
      %add3A_118 = arith.addi %mul3A_116, %add3A_117 : i32
      %mul3A_119 = arith.constant 128 : i32
      %mul3A_120 = arith.muli %add3A_118, %mul3A_119 : i32
      %add3A_121 = arith.addi %mul3A_2, %mul3A_120 : i32
      %multiple_of3A_122 = tpu.assume_multiple %add3A_121, 128 : i32
      %dma_start3A_123 = arith.constant 0 : i32
      %dma_start3A_124 = arith.constant 0 : i32
      %dma_start3A_125 = arith.constant 0 : i32
      %dma_start3A_126 = tpu.memref_slice %arg9[%dma_start3A_123, %dma_start3A_124, %dma_start3A_125] : memref<5x128x32xf32, #tpu.memory_space<vmem>> -> memref<1x128x32xf32, #tpu.memory_space<vmem>>
      %dma_start3A_127 = tpu.memref_squeeze %dma_start3A_126 : memref<1x128x32xf32, #tpu.memory_space<vmem>> -> memref<128x32xf32, #tpu.memory_space<vmem>>
      %dma_start3A_128 = arith.constant 0 : i32
      %dma_start3A_129 = tpu.memref_slice %arg10[%multiple_of3A_122, %dma_start3A_128] : memref<51200x32xf32, #tpu.memory_space<vmem_shared>> -> memref<128x32xf32, #tpu.memory_space<vmem_shared>>
      %dma_start3A_130 = arith.constant 0 : i32
      %dma_start3A_131 = tpu.memref_slice %arg10[%multiple_of3A_122, %dma_start3A_130] : memref<51200x32xf32, #tpu.memory_space<vmem_shared>> -> memref<128x32xf32, #tpu.memory_space<vmem_shared>>
      %dma_start3A_132 = arith.constant 0 : i32
      %dma_start3A_133 = arith.constant 0 : i32
      %dma_start3A_134 = tpu.memref_slice %arg9[%dma_start3A_123, %dma_start3A_132, %dma_start3A_133] : memref<5x128x32xf32, #tpu.memory_space<vmem>> -> memref<1x128x32xf32, #tpu.memory_space<vmem>>
      %dma_start3A_135 = tpu.memref_squeeze %dma_start3A_134 : memref<1x128x32xf32, #tpu.memory_space<vmem>> -> memref<128x32xf32, #tpu.memory_space<vmem>>
      tpu.enqueue_dma source(%dma_start3A_135 : memref<128x32xf32, #tpu.memory_space<vmem>>) target(%dma_start3A_131 : memref<128x32xf32, #tpu.memory_space<vmem_shared>>) target_semaphore(%arg13 : memref<!tpu.dma_semaphore, #tpu.memory_space<semaphore_mem>>)
      %mul3A_136 = arith.constant 5 : i32
      %mul3A_137 = arith.muli %scan3A_52, %mul3A_136 : i32
      %add3A_138 = arith.constant 4 : i32
      %add3A_139 = arith.addi %mul3A_137, %add3A_138 : i32
      %mul3A_140 = arith.constant 128 : i32
      %mul3A_141 = arith.muli %add3A_139, %mul3A_140 : i32
      %add3A_142 = arith.addi %mul3A_2, %mul3A_141 : i32
      %multiple_of3A_143 = tpu.assume_multiple %add3A_142, 128 : i32
      %dma_start3A_144 = arith.constant 0 : i32
      %dma_start3A_145 = arith.constant 0 : i32
      %dma_start3A_146 = arith.constant 0 : i32
      %dma_start3A_147 = tpu.memref_slice %arg9[%dma_start3A_144, %dma_start3A_145, %dma_start3A_146] : memref<5x128x32xf32, #tpu.memory_space<vmem>> -> memref<1x128x32xf32, #tpu.memory_space<vmem>>
      %dma_start3A_148 = tpu.memref_squeeze %dma_start3A_147 : memref<1x128x32xf32, #tpu.memory_space<vmem>> -> memref<128x32xf32, #tpu.memory_space<vmem>>
      %dma_start3A_149 = arith.constant 0 : i32
      %dma_start3A_150 = tpu.memref_slice %arg10[%multiple_of3A_143, %dma_start3A_149] : memref<51200x32xf32, #tpu.memory_space<vmem_shared>> -> memref<128x32xf32, #tpu.memory_space<vmem_shared>>
      %dma_start3A_151 = arith.constant 0 : i32
      %dma_start3A_152 = tpu.memref_slice %arg10[%multiple_of3A_143, %dma_start3A_151] : memref<51200x32xf32, #tpu.memory_space<vmem_shared>> -> memref<128x32xf32, #tpu.memory_space<vmem_shared>>
      %dma_start3A_153 = arith.constant 0 : i32
      %dma_start3A_154 = arith.constant 0 : i32
      %dma_start3A_155 = tpu.memref_slice %arg9[%dma_start3A_144, %dma_start3A_153, %dma_start3A_154] : memref<5x128x32xf32, #tpu.memory_space<vmem>> -> memref<1x128x32xf32, #tpu.memory_space<vmem>>
      %dma_start3A_156 = tpu.memref_squeeze %dma_start3A_155 : memref<1x128x32xf32, #tpu.memory_space<vmem>> -> memref<128x32xf32, #tpu.memory_space<vmem>>
      tpu.enqueue_dma source(%dma_start3A_156 : memref<128x32xf32, #tpu.memory_space<vmem>>) target(%dma_start3A_152 : memref<128x32xf32, #tpu.memory_space<vmem_shared>>) target_semaphore(%arg13 : memref<!tpu.dma_semaphore, #tpu.memory_space<semaphore_mem>>)
      %dma_wait3A = arith.constant 0 : i32
      %dma_wait3A_157 = arith.constant 0 : i32
      %dma_wait3A_158 = arith.constant 0 : i32
      %dma_wait3A_159 = tpu.memref_slice %arg9[%dma_wait3A, %dma_wait3A_157, %dma_wait3A_158] : memref<5x128x32xf32, #tpu.memory_space<vmem>> -> memref<1x128x32xf32, #tpu.memory_space<vmem>>
      %dma_wait3A_160 = tpu.memref_squeeze %dma_wait3A_159 : memref<1x128x32xf32, #tpu.memory_space<vmem>> -> memref<128x32xf32, #tpu.memory_space<vmem>>
      %dma_wait3A_161 = arith.constant 0 : i32
      %dma_wait3A_162 = tpu.memref_slice %arg10[%multiple_of3A_60, %dma_wait3A_161] : memref<51200x32xf32, #tpu.memory_space<vmem_shared>> -> memref<128x32xf32, #tpu.memory_space<vmem_shared>>
      %dma_wait3A_163 = arith.constant 0 : i32
      %dma_wait3A_164 = tpu.memref_slice %arg10[%multiple_of3A_60, %dma_wait3A_163] : memref<51200x32xf32, #tpu.memory_space<vmem_shared>> -> memref<128x32xf32, #tpu.memory_space<vmem_shared>>
      %dma_wait3A_165 = arith.constant 0 : i32
      %dma_wait3A_166 = arith.constant 0 : i32
      %dma_wait3A_167 = tpu.memref_slice %arg9[%dma_wait3A, %dma_wait3A_165, %dma_wait3A_166] : memref<5x128x32xf32, #tpu.memory_space<vmem>> -> memref<1x128x32xf32, #tpu.memory_space<vmem>>
      %dma_wait3A_168 = tpu.memref_squeeze %dma_wait3A_167 : memref<1x128x32xf32, #tpu.memory_space<vmem>> -> memref<128x32xf32, #tpu.memory_space<vmem>>
      tpu.wait_dma2 semaphore(%arg13 : memref<!tpu.dma_semaphore, #tpu.memory_space<semaphore_mem>>) src(%dma_wait3A_168 : memref<128x32xf32, #tpu.memory_space<vmem>>) dst(%dma_wait3A_164 : memref<128x32xf32, #tpu.memory_space<vmem_shared>>)
      %dma_wait3A_169 = arith.constant 0 : i32
      %dma_wait3A_170 = arith.constant 0 : i32
      %dma_wait3A_171 = arith.constant 0 : i32
      %dma_wait3A_172 = tpu.memref_slice %arg9[%dma_wait3A_169, %dma_wait3A_170, %dma_wait3A_171] : memref<5x128x32xf32, #tpu.memory_space<vmem>> -> memref<1x128x32xf32, #tpu.memory_space<vmem>>
      %dma_wait3A_173 = tpu.memref_squeeze %dma_wait3A_172 : memref<1x128x32xf32, #tpu.memory_space<vmem>> -> memref<128x32xf32, #tpu.memory_space<vmem>>
      %dma_wait3A_174 = arith.constant 0 : i32
      %dma_wait3A_175 = tpu.memref_slice %arg10[%multiple_of3A_80, %dma_wait3A_174] : memref<51200x32xf32, #tpu.memory_space<vmem_shared>> -> memref<128x32xf32, #tpu.memory_space<vmem_shared>>
      %dma_wait3A_176 = arith.constant 0 : i32
      %dma_wait3A_177 = tpu.memref_slice %arg10[%multiple_of3A_80, %dma_wait3A_176] : memref<51200x32xf32, #tpu.memory_space<vmem_shared>> -> memref<128x32xf32, #tpu.memory_space<vmem_shared>>
      %dma_wait3A_178 = arith.constant 0 : i32
      %dma_wait3A_179 = arith.constant 0 : i32
      %dma_wait3A_180 = tpu.memref_slice %arg9[%dma_wait3A_169, %dma_wait3A_178, %dma_wait3A_179] : memref<5x128x32xf32, #tpu.memory_space<vmem>> -> memref<1x128x32xf32, #tpu.memory_space<vmem>>
      %dma_wait3A_181 = tpu.memref_squeeze %dma_wait3A_180 : memref<1x128x32xf32, #tpu.memory_space<vmem>> -> memref<128x32xf32, #tpu.memory_space<vmem>>
      tpu.wait_dma2 semaphore(%arg13 : memref<!tpu.dma_semaphore, #tpu.memory_space<semaphore_mem>>) src(%dma_wait3A_181 : memref<128x32xf32, #tpu.memory_space<vmem>>) dst(%dma_wait3A_177 : memref<128x32xf32, #tpu.memory_space<vmem_shared>>)
      %dma_wait3A_182 = arith.constant 0 : i32
      %dma_wait3A_183 = arith.constant 0 : i32
      %dma_wait3A_184 = arith.constant 0 : i32
      %dma_wait3A_185 = tpu.memref_slice %arg9[%dma_wait3A_182, %dma_wait3A_183, %dma_wait3A_184] : memref<5x128x32xf32, #tpu.memory_space<vmem>> -> memref<1x128x32xf32, #tpu.memory_space<vmem>>
      %dma_wait3A_186 = tpu.memref_squeeze %dma_wait3A_185 : memref<1x128x32xf32, #tpu.memory_space<vmem>> -> memref<128x32xf32, #tpu.memory_space<vmem>>
      %dma_wait3A_187 = arith.constant 0 : i32
      %dma_wait3A_188 = tpu.memref_slice %arg10[%multiple_of3A_101, %dma_wait3A_187] : memref<51200x32xf32, #tpu.memory_space<vmem_shared>> -> memref<128x32xf32, #tpu.memory_space<vmem_shared>>
      %dma_wait3A_189 = arith.constant 0 : i32
      %dma_wait3A_190 = tpu.memref_slice %arg10[%multiple_of3A_101, %dma_wait3A_189] : memref<51200x32xf32, #tpu.memory_space<vmem_shared>> -> memref<128x32xf32, #tpu.memory_space<vmem_shared>>
      %dma_wait3A_191 = arith.constant 0 : i32
      %dma_wait3A_192 = arith.constant 0 : i32
      %dma_wait3A_193 = tpu.memref_slice %arg9[%dma_wait3A_182, %dma_wait3A_191, %dma_wait3A_192] : memref<5x128x32xf32, #tpu.memory_space<vmem>> -> memref<1x128x32xf32, #tpu.memory_space<vmem>>
      %dma_wait3A_194 = tpu.memref_squeeze %dma_wait3A_193 : memref<1x128x32xf32, #tpu.memory_space<vmem>> -> memref<128x32xf32, #tpu.memory_space<vmem>>
      tpu.wait_dma2 semaphore(%arg13 : memref<!tpu.dma_semaphore, #tpu.memory_space<semaphore_mem>>) src(%dma_wait3A_194 : memref<128x32xf32, #tpu.memory_space<vmem>>) dst(%dma_wait3A_190 : memref<128x32xf32, #tpu.memory_space<vmem_shared>>)
      %dma_wait3A_195 = arith.constant 0 : i32
      %dma_wait3A_196 = arith.constant 0 : i32
      %dma_wait3A_197 = arith.constant 0 : i32
      %dma_wait3A_198 = tpu.memref_slice %arg9[%dma_wait3A_195, %dma_wait3A_196, %dma_wait3A_197] : memref<5x128x32xf32, #tpu.memory_space<vmem>> -> memref<1x128x32xf32, #tpu.memory_space<vmem>>
      %dma_wait3A_199 = tpu.memref_squeeze %dma_wait3A_198 : memref<1x128x32xf32, #tpu.memory_space<vmem>> -> memref<128x32xf32, #tpu.memory_space<vmem>>
      %dma_wait3A_200 = arith.constant 0 : i32
      %dma_wait3A_201 = tpu.memref_slice %arg10[%multiple_of3A_122, %dma_wait3A_200] : memref<51200x32xf32, #tpu.memory_space<vmem_shared>> -> memref<128x32xf32, #tpu.memory_space<vmem_shared>>
      %dma_wait3A_202 = arith.constant 0 : i32
      %dma_wait3A_203 = tpu.memref_slice %arg10[%multiple_of3A_122, %dma_wait3A_202] : memref<51200x32xf32, #tpu.memory_space<vmem_shared>> -> memref<128x32xf32, #tpu.memory_space<vmem_shared>>
      %dma_wait3A_204 = arith.constant 0 : i32
      %dma_wait3A_205 = arith.constant 0 : i32
      %dma_wait3A_206 = tpu.memref_slice %arg9[%dma_wait3A_195, %dma_wait3A_204, %dma_wait3A_205] : memref<5x128x32xf32, #tpu.memory_space<vmem>> -> memref<1x128x32xf32, #tpu.memory_space<vmem>>
      %dma_wait3A_207 = tpu.memref_squeeze %dma_wait3A_206 : memref<1x128x32xf32, #tpu.memory_space<vmem>> -> memref<128x32xf32, #tpu.memory_space<vmem>>
      tpu.wait_dma2 semaphore(%arg13 : memref<!tpu.dma_semaphore, #tpu.memory_space<semaphore_mem>>) src(%dma_wait3A_207 : memref<128x32xf32, #tpu.memory_space<vmem>>) dst(%dma_wait3A_203 : memref<128x32xf32, #tpu.memory_space<vmem_shared>>)
      %dma_wait3A_208 = arith.constant 0 : i32
      %dma_wait3A_209 = arith.constant 0 : i32
      %dma_wait3A_210 = arith.constant 0 : i32
      %dma_wait3A_211 = tpu.memref_slice %arg9[%dma_wait3A_208, %dma_wait3A_209, %dma_wait3A_210] : memref<5x128x32xf32, #tpu.memory_space<vmem>> -> memref<1x128x32xf32, #tpu.memory_space<vmem>>
      %dma_wait3A_212 = tpu.memref_squeeze %dma_wait3A_211 : memref<1x128x32xf32, #tpu.memory_space<vmem>> -> memref<128x32xf32, #tpu.memory_space<vmem>>
      %dma_wait3A_213 = arith.constant 0 : i32
      %dma_wait3A_214 = tpu.memref_slice %arg10[%multiple_of3A_143, %dma_wait3A_213] : memref<51200x32xf32, #tpu.memory_space<vmem_shared>> -> memref<128x32xf32, #tpu.memory_space<vmem_shared>>
      %dma_wait3A_215 = arith.constant 0 : i32
      %dma_wait3A_216 = tpu.memref_slice %arg10[%multiple_of3A_143, %dma_wait3A_215] : memref<51200x32xf32, #tpu.memory_space<vmem_shared>> -> memref<128x32xf32, #tpu.memory_space<vmem_shared>>
      %dma_wait3A_217 = arith.constant 0 : i32
      %dma_wait3A_218 = arith.constant 0 : i32
      %dma_wait3A_219 = tpu.memref_slice %arg9[%dma_wait3A_208, %dma_wait3A_217, %dma_wait3A_218] : memref<5x128x32xf32, #tpu.memory_space<vmem>> -> memref<1x128x32xf32, #tpu.memory_space<vmem>>
      %dma_wait3A_220 = tpu.memref_squeeze %dma_wait3A_219 : memref<1x128x32xf32, #tpu.memory_space<vmem>> -> memref<128x32xf32, #tpu.memory_space<vmem>>
      tpu.wait_dma2 semaphore(%arg13 : memref<!tpu.dma_semaphore, #tpu.memory_space<semaphore_mem>>) src(%dma_wait3A_220 : memref<128x32xf32, #tpu.memory_space<vmem>>) dst(%dma_wait3A_216 : memref<128x32xf32, #tpu.memory_space<vmem_shared>>)
    }
    %scan3A_7 = arith.constant 5 : i32
    %add3A_8 = arith.constant 3200 : i32
    %add3A_9 = arith.addi %mul3A_2, %add3A_8 : i32
    %multiple_of3A = tpu.assume_multiple %add3A_9, 128 : i32
    %run_scoped3A_10 = arith.constant 0 : i32
    "tpu.region"() ({
      %run_scoped3A_52 = tpu.sem_alloc : memref<!tpu.dma_semaphore, #tpu.memory_space<semaphore_mem>>
      %dma_start3A = arith.constant 0 : i32
      %dma_start3A_53 = arith.constant 0 : i32
      %dma_start3A_54 = tpu.memref_slice %arg9[%run_scoped3A_10, %dma_start3A, %dma_start3A_53] : memref<5x128x32xf32, #tpu.memory_space<vmem>> -> memref<1x128x32xf32, #tpu.memory_space<vmem>>
      %dma_start3A_55 = tpu.memref_squeeze %dma_start3A_54 : memref<1x128x32xf32, #tpu.memory_space<vmem>> -> memref<128x32xf32, #tpu.memory_space<vmem>>
      %dma_start3A_56 = arith.constant 0 : i32
      %dma_start3A_57 = tpu.memref_slice %arg10[%multiple_of3A, %dma_start3A_56] : memref<51200x32xf32, #tpu.memory_space<vmem_shared>> -> memref<128x32xf32, #tpu.memory_space<vmem_shared>>
      %dma_start3A_58 = arith.constant 0 : i32
      %dma_start3A_59 = tpu.memref_slice %arg10[%multiple_of3A, %dma_start3A_58] : memref<51200x32xf32, #tpu.memory_space<vmem_shared>> -> memref<128x32xf32, #tpu.memory_space<vmem_shared>>
      %dma_start3A_60 = arith.constant 0 : i32
      %dma_start3A_61 = arith.constant 0 : i32
      %dma_start3A_62 = tpu.memref_slice %arg9[%run_scoped3A_10, %dma_start3A_60, %dma_start3A_61] : memref<5x128x32xf32, #tpu.memory_space<vmem>> -> memref<1x128x32xf32, #tpu.memory_space<vmem>>
      %dma_start3A_63 = tpu.memref_squeeze %dma_start3A_62 : memref<1x128x32xf32, #tpu.memory_space<vmem>> -> memref<128x32xf32, #tpu.memory_space<vmem>>
      tpu.enqueue_dma source(%dma_start3A_63 : memref<128x32xf32, #tpu.memory_space<vmem>>) target(%dma_start3A_59 : memref<128x32xf32, #tpu.memory_space<vmem_shared>>) target_semaphore(%run_scoped3A_52 : memref<!tpu.dma_semaphore, #tpu.memory_space<semaphore_mem>>)
      %dma_wait3A = arith.constant 0 : i32
      %dma_wait3A_64 = arith.constant 0 : i32
      %dma_wait3A_65 = tpu.memref_slice %arg9[%run_scoped3A_10, %dma_wait3A, %dma_wait3A_64] : memref<5x128x32xf32, #tpu.memory_space<vmem>> -> memref<1x128x32xf32, #tpu.memory_space<vmem>>
      %dma_wait3A_66 = tpu.memref_squeeze %dma_wait3A_65 : memref<1x128x32xf32, #tpu.memory_space<vmem>> -> memref<128x32xf32, #tpu.memory_space<vmem>>
      %dma_wait3A_67 = arith.constant 0 : i32
      %dma_wait3A_68 = tpu.memref_slice %arg10[%multiple_of3A, %dma_wait3A_67] : memref<51200x32xf32, #tpu.memory_space<vmem_shared>> -> memref<128x32xf32, #tpu.memory_space<vmem_shared>>
      %dma_wait3A_69 = arith.constant 0 : i32
      %dma_wait3A_70 = tpu.memref_slice %arg10[%multiple_of3A, %dma_wait3A_69] : memref<51200x32xf32, #tpu.memory_space<vmem_shared>> -> memref<128x32xf32, #tpu.memory_space<vmem_shared>>
      %dma_wait3A_71 = arith.constant 0 : i32
      %dma_wait3A_72 = arith.constant 0 : i32
      %dma_wait3A_73 = tpu.memref_slice %arg9[%run_scoped3A_10, %dma_wait3A_71, %dma_wait3A_72] : memref<5x128x32xf32, #tpu.memory_space<vmem>> -> memref<1x128x32xf32, #tpu.memory_space<vmem>>
      %dma_wait3A_74 = tpu.memref_squeeze %dma_wait3A_73 : memref<1x128x32xf32, #tpu.memory_space<vmem>> -> memref<128x32xf32, #tpu.memory_space<vmem>>
      tpu.wait_dma2 semaphore(%run_scoped3A_52 : memref<!tpu.dma_semaphore, #tpu.memory_space<semaphore_mem>>) src(%dma_wait3A_74 : memref<128x32xf32, #tpu.memory_space<vmem>>) dst(%dma_wait3A_70 : memref<128x32xf32, #tpu.memory_space<vmem_shared>>)
      tpu.yield
    }) : () -> ()
    %eq3A = arith.constant 0 : i32
    %eq3A_11 = arith.cmpi eq, %arg0, %eq3A : i32
    %jit3A = arith.constant 1 : i32
    %jit3A_12 = arith.constant 1 : i32
    %select_n3A = arith.select %eq3A_11, %jit3A, %jit3A_12 : i32
    %eq3A_13 = arith.constant 0 : i32
    %eq3A_14 = arith.cmpi eq, %arg0, %eq3A_13 : i32
    %mul3A_15 = arith.constant 20 : i32
    %mul3A_16 = arith.muli %arg1, %mul3A_15 : i32
    %mul3A_17 = arith.constant 20 : i32
    %mul3A_18 = arith.muli %arg1, %mul3A_17 : i32
    %add3A_19 = arith.constant 320 : i32
    %add3A_20 = arith.addi %add3A_19, %mul3A_18 : i32
    %select_n3A_21 = arith.select %eq3A_14, %mul3A_16, %add3A_20 : i32
    %multiple_of3A_22 = tpu.assume_multiple %select_n3A_21, 8 : i32
    %barrier3A = arith.constant 0 : index
    tpu.barrier barrier_id(%barrier3A)
    %while3A = arith.constant 0 : i32
    %while3A_23 = arith.constant 0 : i32
    %while3A_24 = arith.subi %select_n3A, %while3A_23 : i32
    %while3A_25 = arith.addi %while3A_23, %while3A_24 : i32
    %while3A_26 = arith.constant 1 : i32
    %while3A_27 = arith.divsi %while3A_24, %while3A_26 : i32
    %while3A_28 = arith.muli %while3A_27, %while3A_26 : i32
    %while3A_29 = arith.addi %while3A_23, %while3A_28 : i32
    %while3A_30 = arith.constant 1 : i32
    scf.for %while3A_52 = %while3A_23 to %while3A_29 step %while3A_30  : i32 {
      %mul3A_53 = arith.constant 20 : i32
      %mul3A_54 = arith.muli %while3A_52, %mul3A_53 : i32
      %add3A_55 = arith.addi %multiple_of3A_22, %mul3A_54 : i32
      %multiple_of3A_56 = tpu.assume_multiple %add3A_55, 8 : i32
      "tpu.region"() ({
        %run_scoped3A_63 = tpu.sem_alloc : memref<!tpu.dma_semaphore, #tpu.memory_space<semaphore_mem>>
        %dma_start3A = arith.constant 0 : i32
        %dma_start3A_64 = tpu.memref_slice %arg2[%multiple_of3A_56, %dma_start3A] : memref<6400x128xi32, #tpu.memory_space<hbm>> -> memref<20x128xi32, #tpu.memory_space<hbm>>
        %dma_start3A_65 = arith.constant 0 : i32
        %dma_start3A_66 = tpu.memref_slice %arg2[%multiple_of3A_56, %dma_start3A_65] : memref<6400x128xi32, #tpu.memory_space<hbm>> -> memref<20x128xi32, #tpu.memory_space<hbm>>
        tpu.enqueue_dma source(%dma_start3A_66 : memref<20x128xi32, #tpu.memory_space<hbm>>) target(%arg7 : memref<20x128xi32, #tpu.memory_space<vmem>>) target_semaphore(%run_scoped3A_63 : memref<!tpu.dma_semaphore, #tpu.memory_space<semaphore_mem>>)
        %dma_wait3A = arith.constant 0 : i32
        %dma_wait3A_67 = tpu.memref_slice %arg2[%multiple_of3A_56, %dma_wait3A] : memref<6400x128xi32, #tpu.memory_space<hbm>> -> memref<20x128xi32, #tpu.memory_space<hbm>>
        %dma_wait3A_68 = arith.constant 0 : i32
        %dma_wait3A_69 = tpu.memref_slice %arg2[%multiple_of3A_56, %dma_wait3A_68] : memref<6400x128xi32, #tpu.memory_space<hbm>> -> memref<20x128xi32, #tpu.memory_space<hbm>>
        tpu.wait_dma2 semaphore(%run_scoped3A_63 : memref<!tpu.dma_semaphore, #tpu.memory_space<semaphore_mem>>) src(%dma_wait3A_69 : memref<20x128xi32, #tpu.memory_space<hbm>>) dst(%arg7 : memref<20x128xi32, #tpu.memory_space<vmem>>)
        tpu.yield
      }) : () -> ()
      "tpu.region"() ({
        %run_scoped3A_63 = tpu.sem_alloc : memref<!tpu.dma_semaphore, #tpu.memory_space<semaphore_mem>>
        %dma_start3A = arith.constant 0 : i32
        %dma_start3A_64 = tpu.memref_slice %arg3[%multiple_of3A_56, %dma_start3A] : memref<6400x128xi32, #tpu.memory_space<hbm>> -> memref<20x128xi32, #tpu.memory_space<hbm>>
        %dma_start3A_65 = arith.constant 0 : i32
        %dma_start3A_66 = tpu.memref_slice %arg3[%multiple_of3A_56, %dma_start3A_65] : memref<6400x128xi32, #tpu.memory_space<hbm>> -> memref<20x128xi32, #tpu.memory_space<hbm>>
        tpu.enqueue_dma source(%dma_start3A_66 : memref<20x128xi32, #tpu.memory_space<hbm>>) target(%arg8 : memref<20x128xi32, #tpu.memory_space<vmem>>) target_semaphore(%run_scoped3A_63 : memref<!tpu.dma_semaphore, #tpu.memory_space<semaphore_mem>>)
        %dma_wait3A = arith.constant 0 : i32
        %dma_wait3A_67 = tpu.memref_slice %arg3[%multiple_of3A_56, %dma_wait3A] : memref<6400x128xi32, #tpu.memory_space<hbm>> -> memref<20x128xi32, #tpu.memory_space<hbm>>
        %dma_wait3A_68 = arith.constant 0 : i32
        %dma_wait3A_69 = tpu.memref_slice %arg3[%multiple_of3A_56, %dma_wait3A_68] : memref<6400x128xi32, #tpu.memory_space<hbm>> -> memref<20x128xi32, #tpu.memory_space<hbm>>
        tpu.wait_dma2 semaphore(%run_scoped3A_63 : memref<!tpu.dma_semaphore, #tpu.memory_space<semaphore_mem>>) src(%dma_wait3A_69 : memref<20x128xi32, #tpu.memory_space<hbm>>) dst(%arg8 : memref<20x128xi32, #tpu.memory_space<vmem>>)
        tpu.yield
      }) : () -> ()
      %scan3A_57 = arith.constant 0 : i32
      %scan3A_58 = arith.constant 0 : i32
      %scan3A_59 = arith.constant 4 : i32
      %scan3A_60 = arith.addi %scan3A_58, %scan3A_59 : i32
      %scan3A_61 = arith.constant 1 : i32
      scf.for %scan3A_63 = %scan3A_58 to %scan3A_60 step %scan3A_61  : i32 {
        %mul3A_64 = arith.constant 5 : i32
        %mul3A_65 = arith.muli %scan3A_63, %mul3A_64 : i32
        %add3A_66 = arith.constant 0 : i32
        %add3A_67 = arith.addi %mul3A_65, %add3A_66 : i32
        %dma_start3A = arith.constant 0 : i32
        %dma_start3A_68 = arith.constant 0 : i32
        %dma_start3A_69 = arith.constant 0 : i32
        %dma_start3A_70 = tpu.memref_slice %arg9[%dma_start3A, %dma_start3A_68, %dma_start3A_69] : memref<5x128x32xf32, #tpu.memory_space<vmem>> -> memref<1x128x32xf32, #tpu.memory_space<vmem>>
        %dma_start3A_71 = tpu.memref_squeeze %dma_start3A_70 : memref<1x128x32xf32, #tpu.memory_space<vmem>> -> memref<128x32xf32, #tpu.memory_space<vmem>>
        %dma_start3A_72 = arith.constant 0 : i32
        %dma_start3A_73 = tpu.memref_slice %arg7[%add3A_67, %dma_start3A_72] : memref<20x128xi32, #tpu.memory_space<vmem>> -> memref<1x128xi32, #tpu.memory_space<vmem>>
        %dma_start3A_74 = tpu.memref_squeeze %dma_start3A_73 : memref<1x128xi32, #tpu.memory_space<vmem>> -> memref<128xi32, #tpu.memory_space<vmem>>
        %dma_start3A_75 = arith.constant 0 : i32
        %dma_start3A_76 = arith.constant 0 : i32
        %dma_start3A_77 = tpu.memref_slice %arg4[%dma_start3A_75, %dma_start3A_76] : memref<200000x32xf32, #tpu.memory_space<hbm>> -> memref<200000x32xf32, #tpu.memory_space<hbm>>
        tpu.enqueue_indirect_dma source(%dma_start3A_77 : memref<200000x32xf32, #tpu.memory_space<hbm>>) target(%dma_start3A_71 : memref<128x32xf32, #tpu.memory_space<vmem>>) offsets(%dma_start3A_74 : memref<128xi32, #tpu.memory_space<vmem>>) semaphore(%arg11 : memref<!tpu.dma_semaphore, #tpu.memory_space<semaphore_mem>>)
        %mul3A_78 = arith.constant 5 : i32
        %mul3A_79 = arith.muli %scan3A_63, %mul3A_78 : i32
        %add3A_80 = arith.constant 1 : i32
        %add3A_81 = arith.addi %mul3A_79, %add3A_80 : i32
        %dma_start3A_82 = arith.constant 1 : i32
        %dma_start3A_83 = arith.constant 0 : i32
        %dma_start3A_84 = arith.constant 0 : i32
        %dma_start3A_85 = tpu.memref_slice %arg9[%dma_start3A_82, %dma_start3A_83, %dma_start3A_84] : memref<5x128x32xf32, #tpu.memory_space<vmem>> -> memref<1x128x32xf32, #tpu.memory_space<vmem>>
        %dma_start3A_86 = tpu.memref_squeeze %dma_start3A_85 : memref<1x128x32xf32, #tpu.memory_space<vmem>> -> memref<128x32xf32, #tpu.memory_space<vmem>>
        %dma_start3A_87 = arith.constant 0 : i32
        %dma_start3A_88 = tpu.memref_slice %arg7[%add3A_81, %dma_start3A_87] : memref<20x128xi32, #tpu.memory_space<vmem>> -> memref<1x128xi32, #tpu.memory_space<vmem>>
        %dma_start3A_89 = tpu.memref_squeeze %dma_start3A_88 : memref<1x128xi32, #tpu.memory_space<vmem>> -> memref<128xi32, #tpu.memory_space<vmem>>
        %dma_start3A_90 = arith.constant 0 : i32
        %dma_start3A_91 = arith.constant 0 : i32
        %dma_start3A_92 = tpu.memref_slice %arg4[%dma_start3A_90, %dma_start3A_91] : memref<200000x32xf32, #tpu.memory_space<hbm>> -> memref<200000x32xf32, #tpu.memory_space<hbm>>
        tpu.enqueue_indirect_dma source(%dma_start3A_92 : memref<200000x32xf32, #tpu.memory_space<hbm>>) target(%dma_start3A_86 : memref<128x32xf32, #tpu.memory_space<vmem>>) offsets(%dma_start3A_89 : memref<128xi32, #tpu.memory_space<vmem>>) semaphore(%arg11 : memref<!tpu.dma_semaphore, #tpu.memory_space<semaphore_mem>>)
        %mul3A_93 = arith.constant 5 : i32
        %mul3A_94 = arith.muli %scan3A_63, %mul3A_93 : i32
        %add3A_95 = arith.constant 2 : i32
        %add3A_96 = arith.addi %mul3A_94, %add3A_95 : i32
        %dma_start3A_97 = arith.constant 2 : i32
        %dma_start3A_98 = arith.constant 0 : i32
        %dma_start3A_99 = arith.constant 0 : i32
        %dma_start3A_100 = tpu.memref_slice %arg9[%dma_start3A_97, %dma_start3A_98, %dma_start3A_99] : memref<5x128x32xf32, #tpu.memory_space<vmem>> -> memref<1x128x32xf32, #tpu.memory_space<vmem>>
        %dma_start3A_101 = tpu.memref_squeeze %dma_start3A_100 : memref<1x128x32xf32, #tpu.memory_space<vmem>> -> memref<128x32xf32, #tpu.memory_space<vmem>>
        %dma_start3A_102 = arith.constant 0 : i32
        %dma_start3A_103 = tpu.memref_slice %arg7[%add3A_96, %dma_start3A_102] : memref<20x128xi32, #tpu.memory_space<vmem>> -> memref<1x128xi32, #tpu.memory_space<vmem>>
        %dma_start3A_104 = tpu.memref_squeeze %dma_start3A_103 : memref<1x128xi32, #tpu.memory_space<vmem>> -> memref<128xi32, #tpu.memory_space<vmem>>
        %dma_start3A_105 = arith.constant 0 : i32
        %dma_start3A_106 = arith.constant 0 : i32
        %dma_start3A_107 = tpu.memref_slice %arg4[%dma_start3A_105, %dma_start3A_106] : memref<200000x32xf32, #tpu.memory_space<hbm>> -> memref<200000x32xf32, #tpu.memory_space<hbm>>
        tpu.enqueue_indirect_dma source(%dma_start3A_107 : memref<200000x32xf32, #tpu.memory_space<hbm>>) target(%dma_start3A_101 : memref<128x32xf32, #tpu.memory_space<vmem>>) offsets(%dma_start3A_104 : memref<128xi32, #tpu.memory_space<vmem>>) semaphore(%arg11 : memref<!tpu.dma_semaphore, #tpu.memory_space<semaphore_mem>>)
        %mul3A_108 = arith.constant 5 : i32
        %mul3A_109 = arith.muli %scan3A_63, %mul3A_108 : i32
        %add3A_110 = arith.constant 3 : i32
        %add3A_111 = arith.addi %mul3A_109, %add3A_110 : i32
        %dma_start3A_112 = arith.constant 3 : i32
        %dma_start3A_113 = arith.constant 0 : i32
        %dma_start3A_114 = arith.constant 0 : i32
        %dma_start3A_115 = tpu.memref_slice %arg9[%dma_start3A_112, %dma_start3A_113, %dma_start3A_114] : memref<5x128x32xf32, #tpu.memory_space<vmem>> -> memref<1x128x32xf32, #tpu.memory_space<vmem>>
        %dma_start3A_116 = tpu.memref_squeeze %dma_start3A_115 : memref<1x128x32xf32, #tpu.memory_space<vmem>> -> memref<128x32xf32, #tpu.memory_space<vmem>>
        %dma_start3A_117 = arith.constant 0 : i32
        %dma_start3A_118 = tpu.memref_slice %arg7[%add3A_111, %dma_start3A_117] : memref<20x128xi32, #tpu.memory_space<vmem>> -> memref<1x128xi32, #tpu.memory_space<vmem>>
        %dma_start3A_119 = tpu.memref_squeeze %dma_start3A_118 : memref<1x128xi32, #tpu.memory_space<vmem>> -> memref<128xi32, #tpu.memory_space<vmem>>
        %dma_start3A_120 = arith.constant 0 : i32
        %dma_start3A_121 = arith.constant 0 : i32
        %dma_start3A_122 = tpu.memref_slice %arg4[%dma_start3A_120, %dma_start3A_121] : memref<200000x32xf32, #tpu.memory_space<hbm>> -> memref<200000x32xf32, #tpu.memory_space<hbm>>
        tpu.enqueue_indirect_dma source(%dma_start3A_122 : memref<200000x32xf32, #tpu.memory_space<hbm>>) target(%dma_start3A_116 : memref<128x32xf32, #tpu.memory_space<vmem>>) offsets(%dma_start3A_119 : memref<128xi32, #tpu.memory_space<vmem>>) semaphore(%arg11 : memref<!tpu.dma_semaphore, #tpu.memory_space<semaphore_mem>>)
        %mul3A_123 = arith.constant 5 : i32
        %mul3A_124 = arith.muli %scan3A_63, %mul3A_123 : i32
        %add3A_125 = arith.constant 4 : i32
        %add3A_126 = arith.addi %mul3A_124, %add3A_125 : i32
        %dma_start3A_127 = arith.constant 4 : i32
        %dma_start3A_128 = arith.constant 0 : i32
        %dma_start3A_129 = arith.constant 0 : i32
        %dma_start3A_130 = tpu.memref_slice %arg9[%dma_start3A_127, %dma_start3A_128, %dma_start3A_129] : memref<5x128x32xf32, #tpu.memory_space<vmem>> -> memref<1x128x32xf32, #tpu.memory_space<vmem>>
        %dma_start3A_131 = tpu.memref_squeeze %dma_start3A_130 : memref<1x128x32xf32, #tpu.memory_space<vmem>> -> memref<128x32xf32, #tpu.memory_space<vmem>>
        %dma_start3A_132 = arith.constant 0 : i32
        %dma_start3A_133 = tpu.memref_slice %arg7[%add3A_126, %dma_start3A_132] : memref<20x128xi32, #tpu.memory_space<vmem>> -> memref<1x128xi32, #tpu.memory_space<vmem>>
        %dma_start3A_134 = tpu.memref_squeeze %dma_start3A_133 : memref<1x128xi32, #tpu.memory_space<vmem>> -> memref<128xi32, #tpu.memory_space<vmem>>
        %dma_start3A_135 = arith.constant 0 : i32
        %dma_start3A_136 = arith.constant 0 : i32
        %dma_start3A_137 = tpu.memref_slice %arg4[%dma_start3A_135, %dma_start3A_136] : memref<200000x32xf32, #tpu.memory_space<hbm>> -> memref<200000x32xf32, #tpu.memory_space<hbm>>
        tpu.enqueue_indirect_dma source(%dma_start3A_137 : memref<200000x32xf32, #tpu.memory_space<hbm>>) target(%dma_start3A_131 : memref<128x32xf32, #tpu.memory_space<vmem>>) offsets(%dma_start3A_134 : memref<128xi32, #tpu.memory_space<vmem>>) semaphore(%arg11 : memref<!tpu.dma_semaphore, #tpu.memory_space<semaphore_mem>>)
        %dma_wait3A = arith.constant 0 : i32
        %dma_wait3A_138 = arith.constant 0 : i32
        %dma_wait3A_139 = arith.constant 0 : i32
        %dma_wait3A_140 = tpu.memref_slice %arg9[%dma_wait3A, %dma_wait3A_138, %dma_wait3A_139] : memref<5x128x32xf32, #tpu.memory_space<vmem>> -> memref<1x128x32xf32, #tpu.memory_space<vmem>>
        %dma_wait3A_141 = tpu.memref_squeeze %dma_wait3A_140 : memref<1x128x32xf32, #tpu.memory_space<vmem>> -> memref<128x32xf32, #tpu.memory_space<vmem>>
        %dma_wait3A_142 = arith.constant 0 : i32
        %dma_wait3A_143 = tpu.memref_slice %arg7[%add3A_67, %dma_wait3A_142] : memref<20x128xi32, #tpu.memory_space<vmem>> -> memref<1x128xi32, #tpu.memory_space<vmem>>
        %dma_wait3A_144 = tpu.memref_squeeze %dma_wait3A_143 : memref<1x128xi32, #tpu.memory_space<vmem>> -> memref<128xi32, #tpu.memory_space<vmem>>
        %dma_wait3A_145 = arith.constant 0 : i32
        %dma_wait3A_146 = arith.constant 0 : i32
        %dma_wait3A_147 = tpu.memref_slice %arg4[%dma_wait3A_145, %dma_wait3A_146] : memref<200000x32xf32, #tpu.memory_space<hbm>> -> memref<200000x32xf32, #tpu.memory_space<hbm>>
        tpu.wait_indirect_dma semaphore(%arg11 : memref<!tpu.dma_semaphore, #tpu.memory_space<semaphore_mem>>) src(%dma_wait3A_147 : memref<200000x32xf32, #tpu.memory_space<hbm>>) dst(%dma_wait3A_141 : memref<128x32xf32, #tpu.memory_space<vmem>>)
        %dma_wait3A_148 = arith.constant 1 : i32
        %dma_wait3A_149 = arith.constant 0 : i32
        %dma_wait3A_150 = arith.constant 0 : i32
        %dma_wait3A_151 = tpu.memref_slice %arg9[%dma_wait3A_148, %dma_wait3A_149, %dma_wait3A_150] : memref<5x128x32xf32, #tpu.memory_space<vmem>> -> memref<1x128x32xf32, #tpu.memory_space<vmem>>
        %dma_wait3A_152 = tpu.memref_squeeze %dma_wait3A_151 : memref<1x128x32xf32, #tpu.memory_space<vmem>> -> memref<128x32xf32, #tpu.memory_space<vmem>>
        %dma_wait3A_153 = arith.constant 0 : i32
        %dma_wait3A_154 = tpu.memref_slice %arg7[%add3A_81, %dma_wait3A_153] : memref<20x128xi32, #tpu.memory_space<vmem>> -> memref<1x128xi32, #tpu.memory_space<vmem>>
        %dma_wait3A_155 = tpu.memref_squeeze %dma_wait3A_154 : memref<1x128xi32, #tpu.memory_space<vmem>> -> memref<128xi32, #tpu.memory_space<vmem>>
        %dma_wait3A_156 = arith.constant 0 : i32
        %dma_wait3A_157 = arith.constant 0 : i32
        %dma_wait3A_158 = tpu.memref_slice %arg4[%dma_wait3A_156, %dma_wait3A_157] : memref<200000x32xf32, #tpu.memory_space<hbm>> -> memref<200000x32xf32, #tpu.memory_space<hbm>>
        tpu.wait_indirect_dma semaphore(%arg11 : memref<!tpu.dma_semaphore, #tpu.memory_space<semaphore_mem>>) src(%dma_wait3A_158 : memref<200000x32xf32, #tpu.memory_space<hbm>>) dst(%dma_wait3A_152 : memref<128x32xf32, #tpu.memory_space<vmem>>)
        %dma_wait3A_159 = arith.constant 2 : i32
        %dma_wait3A_160 = arith.constant 0 : i32
        %dma_wait3A_161 = arith.constant 0 : i32
        %dma_wait3A_162 = tpu.memref_slice %arg9[%dma_wait3A_159, %dma_wait3A_160, %dma_wait3A_161] : memref<5x128x32xf32, #tpu.memory_space<vmem>> -> memref<1x128x32xf32, #tpu.memory_space<vmem>>
        %dma_wait3A_163 = tpu.memref_squeeze %dma_wait3A_162 : memref<1x128x32xf32, #tpu.memory_space<vmem>> -> memref<128x32xf32, #tpu.memory_space<vmem>>
        %dma_wait3A_164 = arith.constant 0 : i32
        %dma_wait3A_165 = tpu.memref_slice %arg7[%add3A_96, %dma_wait3A_164] : memref<20x128xi32, #tpu.memory_space<vmem>> -> memref<1x128xi32, #tpu.memory_space<vmem>>
        %dma_wait3A_166 = tpu.memref_squeeze %dma_wait3A_165 : memref<1x128xi32, #tpu.memory_space<vmem>> -> memref<128xi32, #tpu.memory_space<vmem>>
        %dma_wait3A_167 = arith.constant 0 : i32
        %dma_wait3A_168 = arith.constant 0 : i32
        %dma_wait3A_169 = tpu.memref_slice %arg4[%dma_wait3A_167, %dma_wait3A_168] : memref<200000x32xf32, #tpu.memory_space<hbm>> -> memref<200000x32xf32, #tpu.memory_space<hbm>>
        tpu.wait_indirect_dma semaphore(%arg11 : memref<!tpu.dma_semaphore, #tpu.memory_space<semaphore_mem>>) src(%dma_wait3A_169 : memref<200000x32xf32, #tpu.memory_space<hbm>>) dst(%dma_wait3A_163 : memref<128x32xf32, #tpu.memory_space<vmem>>)
        %dma_wait3A_170 = arith.constant 3 : i32
        %dma_wait3A_171 = arith.constant 0 : i32
        %dma_wait3A_172 = arith.constant 0 : i32
        %dma_wait3A_173 = tpu.memref_slice %arg9[%dma_wait3A_170, %dma_wait3A_171, %dma_wait3A_172] : memref<5x128x32xf32, #tpu.memory_space<vmem>> -> memref<1x128x32xf32, #tpu.memory_space<vmem>>
        %dma_wait3A_174 = tpu.memref_squeeze %dma_wait3A_173 : memref<1x128x32xf32, #tpu.memory_space<vmem>> -> memref<128x32xf32, #tpu.memory_space<vmem>>
        %dma_wait3A_175 = arith.constant 0 : i32
        %dma_wait3A_176 = tpu.memref_slice %arg7[%add3A_111, %dma_wait3A_175] : memref<20x128xi32, #tpu.memory_space<vmem>> -> memref<1x128xi32, #tpu.memory_space<vmem>>
        %dma_wait3A_177 = tpu.memref_squeeze %dma_wait3A_176 : memref<1x128xi32, #tpu.memory_space<vmem>> -> memref<128xi32, #tpu.memory_space<vmem>>
        %dma_wait3A_178 = arith.constant 0 : i32
        %dma_wait3A_179 = arith.constant 0 : i32
        %dma_wait3A_180 = tpu.memref_slice %arg4[%dma_wait3A_178, %dma_wait3A_179] : memref<200000x32xf32, #tpu.memory_space<hbm>> -> memref<200000x32xf32, #tpu.memory_space<hbm>>
        tpu.wait_indirect_dma semaphore(%arg11 : memref<!tpu.dma_semaphore, #tpu.memory_space<semaphore_mem>>) src(%dma_wait3A_180 : memref<200000x32xf32, #tpu.memory_space<hbm>>) dst(%dma_wait3A_174 : memref<128x32xf32, #tpu.memory_space<vmem>>)
        %dma_wait3A_181 = arith.constant 4 : i32
        %dma_wait3A_182 = arith.constant 0 : i32
        %dma_wait3A_183 = arith.constant 0 : i32
        %dma_wait3A_184 = tpu.memref_slice %arg9[%dma_wait3A_181, %dma_wait3A_182, %dma_wait3A_183] : memref<5x128x32xf32, #tpu.memory_space<vmem>> -> memref<1x128x32xf32, #tpu.memory_space<vmem>>
        %dma_wait3A_185 = tpu.memref_squeeze %dma_wait3A_184 : memref<1x128x32xf32, #tpu.memory_space<vmem>> -> memref<128x32xf32, #tpu.memory_space<vmem>>
        %dma_wait3A_186 = arith.constant 0 : i32
        %dma_wait3A_187 = tpu.memref_slice %arg7[%add3A_126, %dma_wait3A_186] : memref<20x128xi32, #tpu.memory_space<vmem>> -> memref<1x128xi32, #tpu.memory_space<vmem>>
        %dma_wait3A_188 = tpu.memref_squeeze %dma_wait3A_187 : memref<1x128xi32, #tpu.memory_space<vmem>> -> memref<128xi32, #tpu.memory_space<vmem>>
        %dma_wait3A_189 = arith.constant 0 : i32
        %dma_wait3A_190 = arith.constant 0 : i32
        %dma_wait3A_191 = tpu.memref_slice %arg4[%dma_wait3A_189, %dma_wait3A_190] : memref<200000x32xf32, #tpu.memory_space<hbm>> -> memref<200000x32xf32, #tpu.memory_space<hbm>>
        tpu.wait_indirect_dma semaphore(%arg11 : memref<!tpu.dma_semaphore, #tpu.memory_space<semaphore_mem>>) src(%dma_wait3A_191 : memref<200000x32xf32, #tpu.memory_space<hbm>>) dst(%dma_wait3A_185 : memref<128x32xf32, #tpu.memory_space<vmem>>)
        %mul3A_192 = arith.constant 5 : i32
        %mul3A_193 = arith.muli %scan3A_63, %mul3A_192 : i32
        %add3A_194 = arith.constant 0 : i32
        %add3A_195 = arith.addi %mul3A_193, %add3A_194 : i32
        %dma_start3A_196 = arith.constant 0 : i32
        %dma_start3A_197 = arith.constant 0 : i32
        %dma_start3A_198 = arith.constant 0 : i32
        %dma_start3A_199 = tpu.memref_slice %arg9[%dma_start3A_196, %dma_start3A_197, %dma_start3A_198] : memref<5x128x32xf32, #tpu.memory_space<vmem>> -> memref<1x128x32xf32, #tpu.memory_space<vmem>>
        %dma_start3A_200 = tpu.memref_squeeze %dma_start3A_199 : memref<1x128x32xf32, #tpu.memory_space<vmem>> -> memref<128x32xf32, #tpu.memory_space<vmem>>
        %dma_start3A_201 = arith.constant 0 : i32
        %dma_start3A_202 = tpu.memref_slice %arg8[%add3A_195, %dma_start3A_201] : memref<20x128xi32, #tpu.memory_space<vmem>> -> memref<1x128xi32, #tpu.memory_space<vmem>>
        %dma_start3A_203 = tpu.memref_squeeze %dma_start3A_202 : memref<1x128xi32, #tpu.memory_space<vmem>> -> memref<128xi32, #tpu.memory_space<vmem>>
        %dma_start3A_204 = arith.constant 0 : i32
        %dma_start3A_205 = arith.constant 0 : i32
        %dma_start3A_206 = tpu.memref_slice %arg10[%dma_start3A_204, %dma_start3A_205] : memref<51200x32xf32, #tpu.memory_space<vmem_shared>> -> memref<51200x32xf32, #tpu.memory_space<vmem_shared>>
        tpu.enqueue_indirect_dma source(%dma_start3A_200 : memref<128x32xf32, #tpu.memory_space<vmem>>) target(%dma_start3A_206 : memref<51200x32xf32, #tpu.memory_space<vmem_shared>>) offsets(%dma_start3A_203 : memref<128xi32, #tpu.memory_space<vmem>>) semaphore(%arg12 : memref<!tpu.dma_semaphore, #tpu.memory_space<semaphore_mem>>) {add = true}
        %mul3A_207 = arith.constant 5 : i32
        %mul3A_208 = arith.muli %scan3A_63, %mul3A_207 : i32
        %add3A_209 = arith.constant 1 : i32
        %add3A_210 = arith.addi %mul3A_208, %add3A_209 : i32
        %dma_start3A_211 = arith.constant 1 : i32
        %dma_start3A_212 = arith.constant 0 : i32
        %dma_start3A_213 = arith.constant 0 : i32
        %dma_start3A_214 = tpu.memref_slice %arg9[%dma_start3A_211, %dma_start3A_212, %dma_start3A_213] : memref<5x128x32xf32, #tpu.memory_space<vmem>> -> memref<1x128x32xf32, #tpu.memory_space<vmem>>
        %dma_start3A_215 = tpu.memref_squeeze %dma_start3A_214 : memref<1x128x32xf32, #tpu.memory_space<vmem>> -> memref<128x32xf32, #tpu.memory_space<vmem>>
        %dma_start3A_216 = arith.constant 0 : i32
        %dma_start3A_217 = tpu.memref_slice %arg8[%add3A_210, %dma_start3A_216] : memref<20x128xi32, #tpu.memory_space<vmem>> -> memref<1x128xi32, #tpu.memory_space<vmem>>
        %dma_start3A_218 = tpu.memref_squeeze %dma_start3A_217 : memref<1x128xi32, #tpu.memory_space<vmem>> -> memref<128xi32, #tpu.memory_space<vmem>>
        %dma_start3A_219 = arith.constant 0 : i32
        %dma_start3A_220 = arith.constant 0 : i32
        %dma_start3A_221 = tpu.memref_slice %arg10[%dma_start3A_219, %dma_start3A_220] : memref<51200x32xf32, #tpu.memory_space<vmem_shared>> -> memref<51200x32xf32, #tpu.memory_space<vmem_shared>>
        tpu.enqueue_indirect_dma source(%dma_start3A_215 : memref<128x32xf32, #tpu.memory_space<vmem>>) target(%dma_start3A_221 : memref<51200x32xf32, #tpu.memory_space<vmem_shared>>) offsets(%dma_start3A_218 : memref<128xi32, #tpu.memory_space<vmem>>) semaphore(%arg12 : memref<!tpu.dma_semaphore, #tpu.memory_space<semaphore_mem>>) {add = true}
        %mul3A_222 = arith.constant 5 : i32
        %mul3A_223 = arith.muli %scan3A_63, %mul3A_222 : i32
        %add3A_224 = arith.constant 2 : i32
        %add3A_225 = arith.addi %mul3A_223, %add3A_224 : i32
        %dma_start3A_226 = arith.constant 2 : i32
        %dma_start3A_227 = arith.constant 0 : i32
        %dma_start3A_228 = arith.constant 0 : i32
        %dma_start3A_229 = tpu.memref_slice %arg9[%dma_start3A_226, %dma_start3A_227, %dma_start3A_228] : memref<5x128x32xf32, #tpu.memory_space<vmem>> -> memref<1x128x32xf32, #tpu.memory_space<vmem>>
        %dma_start3A_230 = tpu.memref_squeeze %dma_start3A_229 : memref<1x128x32xf32, #tpu.memory_space<vmem>> -> memref<128x32xf32, #tpu.memory_space<vmem>>
        %dma_start3A_231 = arith.constant 0 : i32
        %dma_start3A_232 = tpu.memref_slice %arg8[%add3A_225, %dma_start3A_231] : memref<20x128xi32, #tpu.memory_space<vmem>> -> memref<1x128xi32, #tpu.memory_space<vmem>>
        %dma_start3A_233 = tpu.memref_squeeze %dma_start3A_232 : memref<1x128xi32, #tpu.memory_space<vmem>> -> memref<128xi32, #tpu.memory_space<vmem>>
        %dma_start3A_234 = arith.constant 0 : i32
        %dma_start3A_235 = arith.constant 0 : i32
        %dma_start3A_236 = tpu.memref_slice %arg10[%dma_start3A_234, %dma_start3A_235] : memref<51200x32xf32, #tpu.memory_space<vmem_shared>> -> memref<51200x32xf32, #tpu.memory_space<vmem_shared>>
        tpu.enqueue_indirect_dma source(%dma_start3A_230 : memref<128x32xf32, #tpu.memory_space<vmem>>) target(%dma_start3A_236 : memref<51200x32xf32, #tpu.memory_space<vmem_shared>>) offsets(%dma_start3A_233 : memref<128xi32, #tpu.memory_space<vmem>>) semaphore(%arg12 : memref<!tpu.dma_semaphore, #tpu.memory_space<semaphore_mem>>) {add = true}
        %mul3A_237 = arith.constant 5 : i32
        %mul3A_238 = arith.muli %scan3A_63, %mul3A_237 : i32
        %add3A_239 = arith.constant 3 : i32
        %add3A_240 = arith.addi %mul3A_238, %add3A_239 : i32
        %dma_start3A_241 = arith.constant 3 : i32
        %dma_start3A_242 = arith.constant 0 : i32
        %dma_start3A_243 = arith.constant 0 : i32
        %dma_start3A_244 = tpu.memref_slice %arg9[%dma_start3A_241, %dma_start3A_242, %dma_start3A_243] : memref<5x128x32xf32, #tpu.memory_space<vmem>> -> memref<1x128x32xf32, #tpu.memory_space<vmem>>
        %dma_start3A_245 = tpu.memref_squeeze %dma_start3A_244 : memref<1x128x32xf32, #tpu.memory_space<vmem>> -> memref<128x32xf32, #tpu.memory_space<vmem>>
        %dma_start3A_246 = arith.constant 0 : i32
        %dma_start3A_247 = tpu.memref_slice %arg8[%add3A_240, %dma_start3A_246] : memref<20x128xi32, #tpu.memory_space<vmem>> -> memref<1x128xi32, #tpu.memory_space<vmem>>
        %dma_start3A_248 = tpu.memref_squeeze %dma_start3A_247 : memref<1x128xi32, #tpu.memory_space<vmem>> -> memref<128xi32, #tpu.memory_space<vmem>>
        %dma_start3A_249 = arith.constant 0 : i32
        %dma_start3A_250 = arith.constant 0 : i32
        %dma_start3A_251 = tpu.memref_slice %arg10[%dma_start3A_249, %dma_start3A_250] : memref<51200x32xf32, #tpu.memory_space<vmem_shared>> -> memref<51200x32xf32, #tpu.memory_space<vmem_shared>>
        tpu.enqueue_indirect_dma source(%dma_start3A_245 : memref<128x32xf32, #tpu.memory_space<vmem>>) target(%dma_start3A_251 : memref<51200x32xf32, #tpu.memory_space<vmem_shared>>) offsets(%dma_start3A_248 : memref<128xi32, #tpu.memory_space<vmem>>) semaphore(%arg12 : memref<!tpu.dma_semaphore, #tpu.memory_space<semaphore_mem>>) {add = true}
        %mul3A_252 = arith.constant 5 : i32
        %mul3A_253 = arith.muli %scan3A_63, %mul3A_252 : i32
        %add3A_254 = arith.constant 4 : i32
        %add3A_255 = arith.addi %mul3A_253, %add3A_254 : i32
        %dma_start3A_256 = arith.constant 4 : i32
        %dma_start3A_257 = arith.constant 0 : i32
        %dma_start3A_258 = arith.constant 0 : i32
        %dma_start3A_259 = tpu.memref_slice %arg9[%dma_start3A_256, %dma_start3A_257, %dma_start3A_258] : memref<5x128x32xf32, #tpu.memory_space<vmem>> -> memref<1x128x32xf32, #tpu.memory_space<vmem>>
        %dma_start3A_260 = tpu.memref_squeeze %dma_start3A_259 : memref<1x128x32xf32, #tpu.memory_space<vmem>> -> memref<128x32xf32, #tpu.memory_space<vmem>>
        %dma_start3A_261 = arith.constant 0 : i32
        %dma_start3A_262 = tpu.memref_slice %arg8[%add3A_255, %dma_start3A_261] : memref<20x128xi32, #tpu.memory_space<vmem>> -> memref<1x128xi32, #tpu.memory_space<vmem>>
        %dma_start3A_263 = tpu.memref_squeeze %dma_start3A_262 : memref<1x128xi32, #tpu.memory_space<vmem>> -> memref<128xi32, #tpu.memory_space<vmem>>
        %dma_start3A_264 = arith.constant 0 : i32
        %dma_start3A_265 = arith.constant 0 : i32
        %dma_start3A_266 = tpu.memref_slice %arg10[%dma_start3A_264, %dma_start3A_265] : memref<51200x32xf32, #tpu.memory_space<vmem_shared>> -> memref<51200x32xf32, #tpu.memory_space<vmem_shared>>
        tpu.enqueue_indirect_dma source(%dma_start3A_260 : memref<128x32xf32, #tpu.memory_space<vmem>>) target(%dma_start3A_266 : memref<51200x32xf32, #tpu.memory_space<vmem_shared>>) offsets(%dma_start3A_263 : memref<128xi32, #tpu.memory_space<vmem>>) semaphore(%arg12 : memref<!tpu.dma_semaphore, #tpu.memory_space<semaphore_mem>>) {add = true}
        %dma_wait3A_267 = arith.constant 0 : i32
        %dma_wait3A_268 = arith.constant 0 : i32
        %dma_wait3A_269 = arith.constant 0 : i32
        %dma_wait3A_270 = tpu.memref_slice %arg9[%dma_wait3A_267, %dma_wait3A_268, %dma_wait3A_269] : memref<5x128x32xf32, #tpu.memory_space<vmem>> -> memref<1x128x32xf32, #tpu.memory_space<vmem>>
        %dma_wait3A_271 = tpu.memref_squeeze %dma_wait3A_270 : memref<1x128x32xf32, #tpu.memory_space<vmem>> -> memref<128x32xf32, #tpu.memory_space<vmem>>
        %dma_wait3A_272 = arith.constant 0 : i32
        %dma_wait3A_273 = tpu.memref_slice %arg8[%add3A_195, %dma_wait3A_272] : memref<20x128xi32, #tpu.memory_space<vmem>> -> memref<1x128xi32, #tpu.memory_space<vmem>>
        %dma_wait3A_274 = tpu.memref_squeeze %dma_wait3A_273 : memref<1x128xi32, #tpu.memory_space<vmem>> -> memref<128xi32, #tpu.memory_space<vmem>>
        %dma_wait3A_275 = arith.constant 0 : i32
        %dma_wait3A_276 = arith.constant 0 : i32
        %dma_wait3A_277 = tpu.memref_slice %arg10[%dma_wait3A_275, %dma_wait3A_276] : memref<51200x32xf32, #tpu.memory_space<vmem_shared>> -> memref<51200x32xf32, #tpu.memory_space<vmem_shared>>
        tpu.wait_indirect_dma semaphore(%arg12 : memref<!tpu.dma_semaphore, #tpu.memory_space<semaphore_mem>>) src(%dma_wait3A_271 : memref<128x32xf32, #tpu.memory_space<vmem>>) dst(%dma_wait3A_277 : memref<51200x32xf32, #tpu.memory_space<vmem_shared>>)
        %dma_wait3A_278 = arith.constant 1 : i32
        %dma_wait3A_279 = arith.constant 0 : i32
        %dma_wait3A_280 = arith.constant 0 : i32
        %dma_wait3A_281 = tpu.memref_slice %arg9[%dma_wait3A_278, %dma_wait3A_279, %dma_wait3A_280] : memref<5x128x32xf32, #tpu.memory_space<vmem>> -> memref<1x128x32xf32, #tpu.memory_space<vmem>>
        %dma_wait3A_282 = tpu.memref_squeeze %dma_wait3A_281 : memref<1x128x32xf32, #tpu.memory_space<vmem>> -> memref<128x32xf32, #tpu.memory_space<vmem>>
        %dma_wait3A_283 = arith.constant 0 : i32
        %dma_wait3A_284 = tpu.memref_slice %arg8[%add3A_210, %dma_wait3A_283] : memref<20x128xi32, #tpu.memory_space<vmem>> -> memref<1x128xi32, #tpu.memory_space<vmem>>
        %dma_wait3A_285 = tpu.memref_squeeze %dma_wait3A_284 : memref<1x128xi32, #tpu.memory_space<vmem>> -> memref<128xi32, #tpu.memory_space<vmem>>
        %dma_wait3A_286 = arith.constant 0 : i32
        %dma_wait3A_287 = arith.constant 0 : i32
        %dma_wait3A_288 = tpu.memref_slice %arg10[%dma_wait3A_286, %dma_wait3A_287] : memref<51200x32xf32, #tpu.memory_space<vmem_shared>> -> memref<51200x32xf32, #tpu.memory_space<vmem_shared>>
        tpu.wait_indirect_dma semaphore(%arg12 : memref<!tpu.dma_semaphore, #tpu.memory_space<semaphore_mem>>) src(%dma_wait3A_282 : memref<128x32xf32, #tpu.memory_space<vmem>>) dst(%dma_wait3A_288 : memref<51200x32xf32, #tpu.memory_space<vmem_shared>>)
        %dma_wait3A_289 = arith.constant 2 : i32
        %dma_wait3A_290 = arith.constant 0 : i32
        %dma_wait3A_291 = arith.constant 0 : i32
        %dma_wait3A_292 = tpu.memref_slice %arg9[%dma_wait3A_289, %dma_wait3A_290, %dma_wait3A_291] : memref<5x128x32xf32, #tpu.memory_space<vmem>> -> memref<1x128x32xf32, #tpu.memory_space<vmem>>
        %dma_wait3A_293 = tpu.memref_squeeze %dma_wait3A_292 : memref<1x128x32xf32, #tpu.memory_space<vmem>> -> memref<128x32xf32, #tpu.memory_space<vmem>>
        %dma_wait3A_294 = arith.constant 0 : i32
        %dma_wait3A_295 = tpu.memref_slice %arg8[%add3A_225, %dma_wait3A_294] : memref<20x128xi32, #tpu.memory_space<vmem>> -> memref<1x128xi32, #tpu.memory_space<vmem>>
        %dma_wait3A_296 = tpu.memref_squeeze %dma_wait3A_295 : memref<1x128xi32, #tpu.memory_space<vmem>> -> memref<128xi32, #tpu.memory_space<vmem>>
        %dma_wait3A_297 = arith.constant 0 : i32
        %dma_wait3A_298 = arith.constant 0 : i32
        %dma_wait3A_299 = tpu.memref_slice %arg10[%dma_wait3A_297, %dma_wait3A_298] : memref<51200x32xf32, #tpu.memory_space<vmem_shared>> -> memref<51200x32xf32, #tpu.memory_space<vmem_shared>>
        tpu.wait_indirect_dma semaphore(%arg12 : memref<!tpu.dma_semaphore, #tpu.memory_space<semaphore_mem>>) src(%dma_wait3A_293 : memref<128x32xf32, #tpu.memory_space<vmem>>) dst(%dma_wait3A_299 : memref<51200x32xf32, #tpu.memory_space<vmem_shared>>)
        %dma_wait3A_300 = arith.constant 3 : i32
        %dma_wait3A_301 = arith.constant 0 : i32
        %dma_wait3A_302 = arith.constant 0 : i32
        %dma_wait3A_303 = tpu.memref_slice %arg9[%dma_wait3A_300, %dma_wait3A_301, %dma_wait3A_302] : memref<5x128x32xf32, #tpu.memory_space<vmem>> -> memref<1x128x32xf32, #tpu.memory_space<vmem>>
        %dma_wait3A_304 = tpu.memref_squeeze %dma_wait3A_303 : memref<1x128x32xf32, #tpu.memory_space<vmem>> -> memref<128x32xf32, #tpu.memory_space<vmem>>
        %dma_wait3A_305 = arith.constant 0 : i32
        %dma_wait3A_306 = tpu.memref_slice %arg8[%add3A_240, %dma_wait3A_305] : memref<20x128xi32, #tpu.memory_space<vmem>> -> memref<1x128xi32, #tpu.memory_space<vmem>>
        %dma_wait3A_307 = tpu.memref_squeeze %dma_wait3A_306 : memref<1x128xi32, #tpu.memory_space<vmem>> -> memref<128xi32, #tpu.memory_space<vmem>>
        %dma_wait3A_308 = arith.constant 0 : i32
        %dma_wait3A_309 = arith.constant 0 : i32
        %dma_wait3A_310 = tpu.memref_slice %arg10[%dma_wait3A_308, %dma_wait3A_309] : memref<51200x32xf32, #tpu.memory_space<vmem_shared>> -> memref<51200x32xf32, #tpu.memory_space<vmem_shared>>
        tpu.wait_indirect_dma semaphore(%arg12 : memref<!tpu.dma_semaphore, #tpu.memory_space<semaphore_mem>>) src(%dma_wait3A_304 : memref<128x32xf32, #tpu.memory_space<vmem>>) dst(%dma_wait3A_310 : memref<51200x32xf32, #tpu.memory_space<vmem_shared>>)
        %dma_wait3A_311 = arith.constant 4 : i32
        %dma_wait3A_312 = arith.constant 0 : i32
        %dma_wait3A_313 = arith.constant 0 : i32
        %dma_wait3A_314 = tpu.memref_slice %arg9[%dma_wait3A_311, %dma_wait3A_312, %dma_wait3A_313] : memref<5x128x32xf32, #tpu.memory_space<vmem>> -> memref<1x128x32xf32, #tpu.memory_space<vmem>>
        %dma_wait3A_315 = tpu.memref_squeeze %dma_wait3A_314 : memref<1x128x32xf32, #tpu.memory_space<vmem>> -> memref<128x32xf32, #tpu.memory_space<vmem>>
        %dma_wait3A_316 = arith.constant 0 : i32
        %dma_wait3A_317 = tpu.memref_slice %arg8[%add3A_255, %dma_wait3A_316] : memref<20x128xi32, #tpu.memory_space<vmem>> -> memref<1x128xi32, #tpu.memory_space<vmem>>
        %dma_wait3A_318 = tpu.memref_squeeze %dma_wait3A_317 : memref<1x128xi32, #tpu.memory_space<vmem>> -> memref<128xi32, #tpu.memory_space<vmem>>
        %dma_wait3A_319 = arith.constant 0 : i32
        %dma_wait3A_320 = arith.constant 0 : i32
        %dma_wait3A_321 = tpu.memref_slice %arg10[%dma_wait3A_319, %dma_wait3A_320] : memref<51200x32xf32, #tpu.memory_space<vmem_shared>> -> memref<51200x32xf32, #tpu.memory_space<vmem_shared>>
        tpu.wait_indirect_dma semaphore(%arg12 : memref<!tpu.dma_semaphore, #tpu.memory_space<semaphore_mem>>) src(%dma_wait3A_315 : memref<128x32xf32, #tpu.memory_space<vmem>>) dst(%dma_wait3A_321 : memref<51200x32xf32, #tpu.memory_space<vmem_shared>>)
      }
      %scan3A_62 = arith.constant 4 : i32
    }
    %while3A_31 = arith.constant 1 : i32
    scf.for %while3A_52 = %while3A_29 to %while3A_25 step %while3A_31  : i32 {
      %mul3A_53 = arith.constant 20 : i32
      %mul3A_54 = arith.muli %while3A_52, %mul3A_53 : i32
      %add3A_55 = arith.addi %multiple_of3A_22, %mul3A_54 : i32
      %multiple_of3A_56 = tpu.assume_multiple %add3A_55, 8 : i32
      "tpu.region"() ({
        %run_scoped3A_63 = tpu.sem_alloc : memref<!tpu.dma_semaphore, #tpu.memory_space<semaphore_mem>>
        %dma_start3A = arith.constant 0 : i32
        %dma_start3A_64 = tpu.memref_slice %arg2[%multiple_of3A_56, %dma_start3A] : memref<6400x128xi32, #tpu.memory_space<hbm>> -> memref<20x128xi32, #tpu.memory_space<hbm>>
        %dma_start3A_65 = arith.constant 0 : i32
        %dma_start3A_66 = tpu.memref_slice %arg2[%multiple_of3A_56, %dma_start3A_65] : memref<6400x128xi32, #tpu.memory_space<hbm>> -> memref<20x128xi32, #tpu.memory_space<hbm>>
        tpu.enqueue_dma source(%dma_start3A_66 : memref<20x128xi32, #tpu.memory_space<hbm>>) target(%arg7 : memref<20x128xi32, #tpu.memory_space<vmem>>) target_semaphore(%run_scoped3A_63 : memref<!tpu.dma_semaphore, #tpu.memory_space<semaphore_mem>>)
        %dma_wait3A = arith.constant 0 : i32
        %dma_wait3A_67 = tpu.memref_slice %arg2[%multiple_of3A_56, %dma_wait3A] : memref<6400x128xi32, #tpu.memory_space<hbm>> -> memref<20x128xi32, #tpu.memory_space<hbm>>
        %dma_wait3A_68 = arith.constant 0 : i32
        %dma_wait3A_69 = tpu.memref_slice %arg2[%multiple_of3A_56, %dma_wait3A_68] : memref<6400x128xi32, #tpu.memory_space<hbm>> -> memref<20x128xi32, #tpu.memory_space<hbm>>
        tpu.wait_dma2 semaphore(%run_scoped3A_63 : memref<!tpu.dma_semaphore, #tpu.memory_space<semaphore_mem>>) src(%dma_wait3A_69 : memref<20x128xi32, #tpu.memory_space<hbm>>) dst(%arg7 : memref<20x128xi32, #tpu.memory_space<vmem>>)
        tpu.yield
      }) : () -> ()
      "tpu.region"() ({
        %run_scoped3A_63 = tpu.sem_alloc : memref<!tpu.dma_semaphore, #tpu.memory_space<semaphore_mem>>
        %dma_start3A = arith.constant 0 : i32
        %dma_start3A_64 = tpu.memref_slice %arg3[%multiple_of3A_56, %dma_start3A] : memref<6400x128xi32, #tpu.memory_space<hbm>> -> memref<20x128xi32, #tpu.memory_space<hbm>>
        %dma_start3A_65 = arith.constant 0 : i32
        %dma_start3A_66 = tpu.memref_slice %arg3[%multiple_of3A_56, %dma_start3A_65] : memref<6400x128xi32, #tpu.memory_space<hbm>> -> memref<20x128xi32, #tpu.memory_space<hbm>>
        tpu.enqueue_dma source(%dma_start3A_66 : memref<20x128xi32, #tpu.memory_space<hbm>>) target(%arg8 : memref<20x128xi32, #tpu.memory_space<vmem>>) target_semaphore(%run_scoped3A_63 : memref<!tpu.dma_semaphore, #tpu.memory_space<semaphore_mem>>)
        %dma_wait3A = arith.constant 0 : i32
        %dma_wait3A_67 = tpu.memref_slice %arg3[%multiple_of3A_56, %dma_wait3A] : memref<6400x128xi32, #tpu.memory_space<hbm>> -> memref<20x128xi32, #tpu.memory_space<hbm>>
        %dma_wait3A_68 = arith.constant 0 : i32
        %dma_wait3A_69 = tpu.memref_slice %arg3[%multiple_of3A_56, %dma_wait3A_68] : memref<6400x128xi32, #tpu.memory_space<hbm>> -> memref<20x128xi32, #tpu.memory_space<hbm>>
        tpu.wait_dma2 semaphore(%run_scoped3A_63 : memref<!tpu.dma_semaphore, #tpu.memory_space<semaphore_mem>>) src(%dma_wait3A_69 : memref<20x128xi32, #tpu.memory_space<hbm>>) dst(%arg8 : memref<20x128xi32, #tpu.memory_space<vmem>>)
        tpu.yield
      }) : () -> ()
      %scan3A_57 = arith.constant 0 : i32
      %scan3A_58 = arith.constant 0 : i32
      %scan3A_59 = arith.constant 4 : i32
      %scan3A_60 = arith.addi %scan3A_58, %scan3A_59 : i32
      %scan3A_61 = arith.constant 1 : i32
      scf.for %scan3A_63 = %scan3A_58 to %scan3A_60 step %scan3A_61  : i32 {
        %mul3A_64 = arith.constant 5 : i32
        %mul3A_65 = arith.muli %scan3A_63, %mul3A_64 : i32
        %add3A_66 = arith.constant 0 : i32
        %add3A_67 = arith.addi %mul3A_65, %add3A_66 : i32
        %dma_start3A = arith.constant 0 : i32
        %dma_start3A_68 = arith.constant 0 : i32
        %dma_start3A_69 = arith.constant 0 : i32
        %dma_start3A_70 = tpu.memref_slice %arg9[%dma_start3A, %dma_start3A_68, %dma_start3A_69] : memref<5x128x32xf32, #tpu.memory_space<vmem>> -> memref<1x128x32xf32, #tpu.memory_space<vmem>>
        %dma_start3A_71 = tpu.memref_squeeze %dma_start3A_70 : memref<1x128x32xf32, #tpu.memory_space<vmem>> -> memref<128x32xf32, #tpu.memory_space<vmem>>
        %dma_start3A_72 = arith.constant 0 : i32
        %dma_start3A_73 = tpu.memref_slice %arg7[%add3A_67, %dma_start3A_72] : memref<20x128xi32, #tpu.memory_space<vmem>> -> memref<1x128xi32, #tpu.memory_space<vmem>>
        %dma_start3A_74 = tpu.memref_squeeze %dma_start3A_73 : memref<1x128xi32, #tpu.memory_space<vmem>> -> memref<128xi32, #tpu.memory_space<vmem>>
        %dma_start3A_75 = arith.constant 0 : i32
        %dma_start3A_76 = arith.constant 0 : i32
        %dma_start3A_77 = tpu.memref_slice %arg4[%dma_start3A_75, %dma_start3A_76] : memref<200000x32xf32, #tpu.memory_space<hbm>> -> memref<200000x32xf32, #tpu.memory_space<hbm>>
        tpu.enqueue_indirect_dma source(%dma_start3A_77 : memref<200000x32xf32, #tpu.memory_space<hbm>>) target(%dma_start3A_71 : memref<128x32xf32, #tpu.memory_space<vmem>>) offsets(%dma_start3A_74 : memref<128xi32, #tpu.memory_space<vmem>>) semaphore(%arg11 : memref<!tpu.dma_semaphore, #tpu.memory_space<semaphore_mem>>)
        %mul3A_78 = arith.constant 5 : i32
        %mul3A_79 = arith.muli %scan3A_63, %mul3A_78 : i32
        %add3A_80 = arith.constant 1 : i32
        %add3A_81 = arith.addi %mul3A_79, %add3A_80 : i32
        %dma_start3A_82 = arith.constant 1 : i32
        %dma_start3A_83 = arith.constant 0 : i32
        %dma_start3A_84 = arith.constant 0 : i32
        %dma_start3A_85 = tpu.memref_slice %arg9[%dma_start3A_82, %dma_start3A_83, %dma_start3A_84] : memref<5x128x32xf32, #tpu.memory_space<vmem>> -> memref<1x128x32xf32, #tpu.memory_space<vmem>>
        %dma_start3A_86 = tpu.memref_squeeze %dma_start3A_85 : memref<1x128x32xf32, #tpu.memory_space<vmem>> -> memref<128x32xf32, #tpu.memory_space<vmem>>
        %dma_start3A_87 = arith.constant 0 : i32
        %dma_start3A_88 = tpu.memref_slice %arg7[%add3A_81, %dma_start3A_87] : memref<20x128xi32, #tpu.memory_space<vmem>> -> memref<1x128xi32, #tpu.memory_space<vmem>>
        %dma_start3A_89 = tpu.memref_squeeze %dma_start3A_88 : memref<1x128xi32, #tpu.memory_space<vmem>> -> memref<128xi32, #tpu.memory_space<vmem>>
        %dma_start3A_90 = arith.constant 0 : i32
        %dma_start3A_91 = arith.constant 0 : i32
        %dma_start3A_92 = tpu.memref_slice %arg4[%dma_start3A_90, %dma_start3A_91] : memref<200000x32xf32, #tpu.memory_space<hbm>> -> memref<200000x32xf32, #tpu.memory_space<hbm>>
        tpu.enqueue_indirect_dma source(%dma_start3A_92 : memref<200000x32xf32, #tpu.memory_space<hbm>>) target(%dma_start3A_86 : memref<128x32xf32, #tpu.memory_space<vmem>>) offsets(%dma_start3A_89 : memref<128xi32, #tpu.memory_space<vmem>>) semaphore(%arg11 : memref<!tpu.dma_semaphore, #tpu.memory_space<semaphore_mem>>)
        %mul3A_93 = arith.constant 5 : i32
        %mul3A_94 = arith.muli %scan3A_63, %mul3A_93 : i32
        %add3A_95 = arith.constant 2 : i32
        %add3A_96 = arith.addi %mul3A_94, %add3A_95 : i32
        %dma_start3A_97 = arith.constant 2 : i32
        %dma_start3A_98 = arith.constant 0 : i32
        %dma_start3A_99 = arith.constant 0 : i32
        %dma_start3A_100 = tpu.memref_slice %arg9[%dma_start3A_97, %dma_start3A_98, %dma_start3A_99] : memref<5x128x32xf32, #tpu.memory_space<vmem>> -> memref<1x128x32xf32, #tpu.memory_space<vmem>>
        %dma_start3A_101 = tpu.memref_squeeze %dma_start3A_100 : memref<1x128x32xf32, #tpu.memory_space<vmem>> -> memref<128x32xf32, #tpu.memory_space<vmem>>
        %dma_start3A_102 = arith.constant 0 : i32
        %dma_start3A_103 = tpu.memref_slice %arg7[%add3A_96, %dma_start3A_102] : memref<20x128xi32, #tpu.memory_space<vmem>> -> memref<1x128xi32, #tpu.memory_space<vmem>>
        %dma_start3A_104 = tpu.memref_squeeze %dma_start3A_103 : memref<1x128xi32, #tpu.memory_space<vmem>> -> memref<128xi32, #tpu.memory_space<vmem>>
        %dma_start3A_105 = arith.constant 0 : i32
        %dma_start3A_106 = arith.constant 0 : i32
        %dma_start3A_107 = tpu.memref_slice %arg4[%dma_start3A_105, %dma_start3A_106] : memref<200000x32xf32, #tpu.memory_space<hbm>> -> memref<200000x32xf32, #tpu.memory_space<hbm>>
        tpu.enqueue_indirect_dma source(%dma_start3A_107 : memref<200000x32xf32, #tpu.memory_space<hbm>>) target(%dma_start3A_101 : memref<128x32xf32, #tpu.memory_space<vmem>>) offsets(%dma_start3A_104 : memref<128xi32, #tpu.memory_space<vmem>>) semaphore(%arg11 : memref<!tpu.dma_semaphore, #tpu.memory_space<semaphore_mem>>)
        %mul3A_108 = arith.constant 5 : i32
        %mul3A_109 = arith.muli %scan3A_63, %mul3A_108 : i32
        %add3A_110 = arith.constant 3 : i32
        %add3A_111 = arith.addi %mul3A_109, %add3A_110 : i32
        %dma_start3A_112 = arith.constant 3 : i32
        %dma_start3A_113 = arith.constant 0 : i32
        %dma_start3A_114 = arith.constant 0 : i32
        %dma_start3A_115 = tpu.memref_slice %arg9[%dma_start3A_112, %dma_start3A_113, %dma_start3A_114] : memref<5x128x32xf32, #tpu.memory_space<vmem>> -> memref<1x128x32xf32, #tpu.memory_space<vmem>>
        %dma_start3A_116 = tpu.memref_squeeze %dma_start3A_115 : memref<1x128x32xf32, #tpu.memory_space<vmem>> -> memref<128x32xf32, #tpu.memory_space<vmem>>
        %dma_start3A_117 = arith.constant 0 : i32
        %dma_start3A_118 = tpu.memref_slice %arg7[%add3A_111, %dma_start3A_117] : memref<20x128xi32, #tpu.memory_space<vmem>> -> memref<1x128xi32, #tpu.memory_space<vmem>>
        %dma_start3A_119 = tpu.memref_squeeze %dma_start3A_118 : memref<1x128xi32, #tpu.memory_space<vmem>> -> memref<128xi32, #tpu.memory_space<vmem>>
        %dma_start3A_120 = arith.constant 0 : i32
        %dma_start3A_121 = arith.constant 0 : i32
        %dma_start3A_122 = tpu.memref_slice %arg4[%dma_start3A_120, %dma_start3A_121] : memref<200000x32xf32, #tpu.memory_space<hbm>> -> memref<200000x32xf32, #tpu.memory_space<hbm>>
        tpu.enqueue_indirect_dma source(%dma_start3A_122 : memref<200000x32xf32, #tpu.memory_space<hbm>>) target(%dma_start3A_116 : memref<128x32xf32, #tpu.memory_space<vmem>>) offsets(%dma_start3A_119 : memref<128xi32, #tpu.memory_space<vmem>>) semaphore(%arg11 : memref<!tpu.dma_semaphore, #tpu.memory_space<semaphore_mem>>)
        %mul3A_123 = arith.constant 5 : i32
        %mul3A_124 = arith.muli %scan3A_63, %mul3A_123 : i32
        %add3A_125 = arith.constant 4 : i32
        %add3A_126 = arith.addi %mul3A_124, %add3A_125 : i32
        %dma_start3A_127 = arith.constant 4 : i32
        %dma_start3A_128 = arith.constant 0 : i32
        %dma_start3A_129 = arith.constant 0 : i32
        %dma_start3A_130 = tpu.memref_slice %arg9[%dma_start3A_127, %dma_start3A_128, %dma_start3A_129] : memref<5x128x32xf32, #tpu.memory_space<vmem>> -> memref<1x128x32xf32, #tpu.memory_space<vmem>>
        %dma_start3A_131 = tpu.memref_squeeze %dma_start3A_130 : memref<1x128x32xf32, #tpu.memory_space<vmem>> -> memref<128x32xf32, #tpu.memory_space<vmem>>
        %dma_start3A_132 = arith.constant 0 : i32
        %dma_start3A_133 = tpu.memref_slice %arg7[%add3A_126, %dma_start3A_132] : memref<20x128xi32, #tpu.memory_space<vmem>> -> memref<1x128xi32, #tpu.memory_space<vmem>>
        %dma_start3A_134 = tpu.memref_squeeze %dma_start3A_133 : memref<1x128xi32, #tpu.memory_space<vmem>> -> memref<128xi32, #tpu.memory_space<vmem>>
        %dma_start3A_135 = arith.constant 0 : i32
        %dma_start3A_136 = arith.constant 0 : i32
        %dma_start3A_137 = tpu.memref_slice %arg4[%dma_start3A_135, %dma_start3A_136] : memref<200000x32xf32, #tpu.memory_space<hbm>> -> memref<200000x32xf32, #tpu.memory_space<hbm>>
        tpu.enqueue_indirect_dma source(%dma_start3A_137 : memref<200000x32xf32, #tpu.memory_space<hbm>>) target(%dma_start3A_131 : memref<128x32xf32, #tpu.memory_space<vmem>>) offsets(%dma_start3A_134 : memref<128xi32, #tpu.memory_space<vmem>>) semaphore(%arg11 : memref<!tpu.dma_semaphore, #tpu.memory_space<semaphore_mem>>)
        %dma_wait3A = arith.constant 0 : i32
        %dma_wait3A_138 = arith.constant 0 : i32
        %dma_wait3A_139 = arith.constant 0 : i32
        %dma_wait3A_140 = tpu.memref_slice %arg9[%dma_wait3A, %dma_wait3A_138, %dma_wait3A_139] : memref<5x128x32xf32, #tpu.memory_space<vmem>> -> memref<1x128x32xf32, #tpu.memory_space<vmem>>
        %dma_wait3A_141 = tpu.memref_squeeze %dma_wait3A_140 : memref<1x128x32xf32, #tpu.memory_space<vmem>> -> memref<128x32xf32, #tpu.memory_space<vmem>>
        %dma_wait3A_142 = arith.constant 0 : i32
        %dma_wait3A_143 = tpu.memref_slice %arg7[%add3A_67, %dma_wait3A_142] : memref<20x128xi32, #tpu.memory_space<vmem>> -> memref<1x128xi32, #tpu.memory_space<vmem>>
        %dma_wait3A_144 = tpu.memref_squeeze %dma_wait3A_143 : memref<1x128xi32, #tpu.memory_space<vmem>> -> memref<128xi32, #tpu.memory_space<vmem>>
        %dma_wait3A_145 = arith.constant 0 : i32
        %dma_wait3A_146 = arith.constant 0 : i32
        %dma_wait3A_147 = tpu.memref_slice %arg4[%dma_wait3A_145, %dma_wait3A_146] : memref<200000x32xf32, #tpu.memory_space<hbm>> -> memref<200000x32xf32, #tpu.memory_space<hbm>>
        tpu.wait_indirect_dma semaphore(%arg11 : memref<!tpu.dma_semaphore, #tpu.memory_space<semaphore_mem>>) src(%dma_wait3A_147 : memref<200000x32xf32, #tpu.memory_space<hbm>>) dst(%dma_wait3A_141 : memref<128x32xf32, #tpu.memory_space<vmem>>)
        %dma_wait3A_148 = arith.constant 1 : i32
        %dma_wait3A_149 = arith.constant 0 : i32
        %dma_wait3A_150 = arith.constant 0 : i32
        %dma_wait3A_151 = tpu.memref_slice %arg9[%dma_wait3A_148, %dma_wait3A_149, %dma_wait3A_150] : memref<5x128x32xf32, #tpu.memory_space<vmem>> -> memref<1x128x32xf32, #tpu.memory_space<vmem>>
        %dma_wait3A_152 = tpu.memref_squeeze %dma_wait3A_151 : memref<1x128x32xf32, #tpu.memory_space<vmem>> -> memref<128x32xf32, #tpu.memory_space<vmem>>
        %dma_wait3A_153 = arith.constant 0 : i32
        %dma_wait3A_154 = tpu.memref_slice %arg7[%add3A_81, %dma_wait3A_153] : memref<20x128xi32, #tpu.memory_space<vmem>> -> memref<1x128xi32, #tpu.memory_space<vmem>>
        %dma_wait3A_155 = tpu.memref_squeeze %dma_wait3A_154 : memref<1x128xi32, #tpu.memory_space<vmem>> -> memref<128xi32, #tpu.memory_space<vmem>>
        %dma_wait3A_156 = arith.constant 0 : i32
        %dma_wait3A_157 = arith.constant 0 : i32
        %dma_wait3A_158 = tpu.memref_slice %arg4[%dma_wait3A_156, %dma_wait3A_157] : memref<200000x32xf32, #tpu.memory_space<hbm>> -> memref<200000x32xf32, #tpu.memory_space<hbm>>
        tpu.wait_indirect_dma semaphore(%arg11 : memref<!tpu.dma_semaphore, #tpu.memory_space<semaphore_mem>>) src(%dma_wait3A_158 : memref<200000x32xf32, #tpu.memory_space<hbm>>) dst(%dma_wait3A_152 : memref<128x32xf32, #tpu.memory_space<vmem>>)
        %dma_wait3A_159 = arith.constant 2 : i32
        %dma_wait3A_160 = arith.constant 0 : i32
        %dma_wait3A_161 = arith.constant 0 : i32
        %dma_wait3A_162 = tpu.memref_slice %arg9[%dma_wait3A_159, %dma_wait3A_160, %dma_wait3A_161] : memref<5x128x32xf32, #tpu.memory_space<vmem>> -> memref<1x128x32xf32, #tpu.memory_space<vmem>>
        %dma_wait3A_163 = tpu.memref_squeeze %dma_wait3A_162 : memref<1x128x32xf32, #tpu.memory_space<vmem>> -> memref<128x32xf32, #tpu.memory_space<vmem>>
        %dma_wait3A_164 = arith.constant 0 : i32
        %dma_wait3A_165 = tpu.memref_slice %arg7[%add3A_96, %dma_wait3A_164] : memref<20x128xi32, #tpu.memory_space<vmem>> -> memref<1x128xi32, #tpu.memory_space<vmem>>
        %dma_wait3A_166 = tpu.memref_squeeze %dma_wait3A_165 : memref<1x128xi32, #tpu.memory_space<vmem>> -> memref<128xi32, #tpu.memory_space<vmem>>
        %dma_wait3A_167 = arith.constant 0 : i32
        %dma_wait3A_168 = arith.constant 0 : i32
        %dma_wait3A_169 = tpu.memref_slice %arg4[%dma_wait3A_167, %dma_wait3A_168] : memref<200000x32xf32, #tpu.memory_space<hbm>> -> memref<200000x32xf32, #tpu.memory_space<hbm>>
        tpu.wait_indirect_dma semaphore(%arg11 : memref<!tpu.dma_semaphore, #tpu.memory_space<semaphore_mem>>) src(%dma_wait3A_169 : memref<200000x32xf32, #tpu.memory_space<hbm>>) dst(%dma_wait3A_163 : memref<128x32xf32, #tpu.memory_space<vmem>>)
        %dma_wait3A_170 = arith.constant 3 : i32
        %dma_wait3A_171 = arith.constant 0 : i32
        %dma_wait3A_172 = arith.constant 0 : i32
        %dma_wait3A_173 = tpu.memref_slice %arg9[%dma_wait3A_170, %dma_wait3A_171, %dma_wait3A_172] : memref<5x128x32xf32, #tpu.memory_space<vmem>> -> memref<1x128x32xf32, #tpu.memory_space<vmem>>
        %dma_wait3A_174 = tpu.memref_squeeze %dma_wait3A_173 : memref<1x128x32xf32, #tpu.memory_space<vmem>> -> memref<128x32xf32, #tpu.memory_space<vmem>>
        %dma_wait3A_175 = arith.constant 0 : i32
        %dma_wait3A_176 = tpu.memref_slice %arg7[%add3A_111, %dma_wait3A_175] : memref<20x128xi32, #tpu.memory_space<vmem>> -> memref<1x128xi32, #tpu.memory_space<vmem>>
        %dma_wait3A_177 = tpu.memref_squeeze %dma_wait3A_176 : memref<1x128xi32, #tpu.memory_space<vmem>> -> memref<128xi32, #tpu.memory_space<vmem>>
        %dma_wait3A_178 = arith.constant 0 : i32
        %dma_wait3A_179 = arith.constant 0 : i32
        %dma_wait3A_180 = tpu.memref_slice %arg4[%dma_wait3A_178, %dma_wait3A_179] : memref<200000x32xf32, #tpu.memory_space<hbm>> -> memref<200000x32xf32, #tpu.memory_space<hbm>>
        tpu.wait_indirect_dma semaphore(%arg11 : memref<!tpu.dma_semaphore, #tpu.memory_space<semaphore_mem>>) src(%dma_wait3A_180 : memref<200000x32xf32, #tpu.memory_space<hbm>>) dst(%dma_wait3A_174 : memref<128x32xf32, #tpu.memory_space<vmem>>)
        %dma_wait3A_181 = arith.constant 4 : i32
        %dma_wait3A_182 = arith.constant 0 : i32
        %dma_wait3A_183 = arith.constant 0 : i32
        %dma_wait3A_184 = tpu.memref_slice %arg9[%dma_wait3A_181, %dma_wait3A_182, %dma_wait3A_183] : memref<5x128x32xf32, #tpu.memory_space<vmem>> -> memref<1x128x32xf32, #tpu.memory_space<vmem>>
        %dma_wait3A_185 = tpu.memref_squeeze %dma_wait3A_184 : memref<1x128x32xf32, #tpu.memory_space<vmem>> -> memref<128x32xf32, #tpu.memory_space<vmem>>
        %dma_wait3A_186 = arith.constant 0 : i32
        %dma_wait3A_187 = tpu.memref_slice %arg7[%add3A_126, %dma_wait3A_186] : memref<20x128xi32, #tpu.memory_space<vmem>> -> memref<1x128xi32, #tpu.memory_space<vmem>>
        %dma_wait3A_188 = tpu.memref_squeeze %dma_wait3A_187 : memref<1x128xi32, #tpu.memory_space<vmem>> -> memref<128xi32, #tpu.memory_space<vmem>>
        %dma_wait3A_189 = arith.constant 0 : i32
        %dma_wait3A_190 = arith.constant 0 : i32
        %dma_wait3A_191 = tpu.memref_slice %arg4[%dma_wait3A_189, %dma_wait3A_190] : memref<200000x32xf32, #tpu.memory_space<hbm>> -> memref<200000x32xf32, #tpu.memory_space<hbm>>
        tpu.wait_indirect_dma semaphore(%arg11 : memref<!tpu.dma_semaphore, #tpu.memory_space<semaphore_mem>>) src(%dma_wait3A_191 : memref<200000x32xf32, #tpu.memory_space<hbm>>) dst(%dma_wait3A_185 : memref<128x32xf32, #tpu.memory_space<vmem>>)
        %mul3A_192 = arith.constant 5 : i32
        %mul3A_193 = arith.muli %scan3A_63, %mul3A_192 : i32
        %add3A_194 = arith.constant 0 : i32
        %add3A_195 = arith.addi %mul3A_193, %add3A_194 : i32
        %dma_start3A_196 = arith.constant 0 : i32
        %dma_start3A_197 = arith.constant 0 : i32
        %dma_start3A_198 = arith.constant 0 : i32
        %dma_start3A_199 = tpu.memref_slice %arg9[%dma_start3A_196, %dma_start3A_197, %dma_start3A_198] : memref<5x128x32xf32, #tpu.memory_space<vmem>> -> memref<1x128x32xf32, #tpu.memory_space<vmem>>
        %dma_start3A_200 = tpu.memref_squeeze %dma_start3A_199 : memref<1x128x32xf32, #tpu.memory_space<vmem>> -> memref<128x32xf32, #tpu.memory_space<vmem>>
        %dma_start3A_201 = arith.constant 0 : i32
        %dma_start3A_202 = tpu.memref_slice %arg8[%add3A_195, %dma_start3A_201] : memref<20x128xi32, #tpu.memory_space<vmem>> -> memref<1x128xi32, #tpu.memory_space<vmem>>
        %dma_start3A_203 = tpu.memref_squeeze %dma_start3A_202 : memref<1x128xi32, #tpu.memory_space<vmem>> -> memref<128xi32, #tpu.memory_space<vmem>>
        %dma_start3A_204 = arith.constant 0 : i32
        %dma_start3A_205 = arith.constant 0 : i32
        %dma_start3A_206 = tpu.memref_slice %arg10[%dma_start3A_204, %dma_start3A_205] : memref<51200x32xf32, #tpu.memory_space<vmem_shared>> -> memref<51200x32xf32, #tpu.memory_space<vmem_shared>>
        tpu.enqueue_indirect_dma source(%dma_start3A_200 : memref<128x32xf32, #tpu.memory_space<vmem>>) target(%dma_start3A_206 : memref<51200x32xf32, #tpu.memory_space<vmem_shared>>) offsets(%dma_start3A_203 : memref<128xi32, #tpu.memory_space<vmem>>) semaphore(%arg12 : memref<!tpu.dma_semaphore, #tpu.memory_space<semaphore_mem>>) {add = true}
        %mul3A_207 = arith.constant 5 : i32
        %mul3A_208 = arith.muli %scan3A_63, %mul3A_207 : i32
        %add3A_209 = arith.constant 1 : i32
        %add3A_210 = arith.addi %mul3A_208, %add3A_209 : i32
        %dma_start3A_211 = arith.constant 1 : i32
        %dma_start3A_212 = arith.constant 0 : i32
        %dma_start3A_213 = arith.constant 0 : i32
        %dma_start3A_214 = tpu.memref_slice %arg9[%dma_start3A_211, %dma_start3A_212, %dma_start3A_213] : memref<5x128x32xf32, #tpu.memory_space<vmem>> -> memref<1x128x32xf32, #tpu.memory_space<vmem>>
        %dma_start3A_215 = tpu.memref_squeeze %dma_start3A_214 : memref<1x128x32xf32, #tpu.memory_space<vmem>> -> memref<128x32xf32, #tpu.memory_space<vmem>>
        %dma_start3A_216 = arith.constant 0 : i32
        %dma_start3A_217 = tpu.memref_slice %arg8[%add3A_210, %dma_start3A_216] : memref<20x128xi32, #tpu.memory_space<vmem>> -> memref<1x128xi32, #tpu.memory_space<vmem>>
        %dma_start3A_218 = tpu.memref_squeeze %dma_start3A_217 : memref<1x128xi32, #tpu.memory_space<vmem>> -> memref<128xi32, #tpu.memory_space<vmem>>
        %dma_start3A_219 = arith.constant 0 : i32
        %dma_start3A_220 = arith.constant 0 : i32
        %dma_start3A_221 = tpu.memref_slice %arg10[%dma_start3A_219, %dma_start3A_220] : memref<51200x32xf32, #tpu.memory_space<vmem_shared>> -> memref<51200x32xf32, #tpu.memory_space<vmem_shared>>
        tpu.enqueue_indirect_dma source(%dma_start3A_215 : memref<128x32xf32, #tpu.memory_space<vmem>>) target(%dma_start3A_221 : memref<51200x32xf32, #tpu.memory_space<vmem_shared>>) offsets(%dma_start3A_218 : memref<128xi32, #tpu.memory_space<vmem>>) semaphore(%arg12 : memref<!tpu.dma_semaphore, #tpu.memory_space<semaphore_mem>>) {add = true}
        %mul3A_222 = arith.constant 5 : i32
        %mul3A_223 = arith.muli %scan3A_63, %mul3A_222 : i32
        %add3A_224 = arith.constant 2 : i32
        %add3A_225 = arith.addi %mul3A_223, %add3A_224 : i32
        %dma_start3A_226 = arith.constant 2 : i32
        %dma_start3A_227 = arith.constant 0 : i32
        %dma_start3A_228 = arith.constant 0 : i32
        %dma_start3A_229 = tpu.memref_slice %arg9[%dma_start3A_226, %dma_start3A_227, %dma_start3A_228] : memref<5x128x32xf32, #tpu.memory_space<vmem>> -> memref<1x128x32xf32, #tpu.memory_space<vmem>>
        %dma_start3A_230 = tpu.memref_squeeze %dma_start3A_229 : memref<1x128x32xf32, #tpu.memory_space<vmem>> -> memref<128x32xf32, #tpu.memory_space<vmem>>
        %dma_start3A_231 = arith.constant 0 : i32
        %dma_start3A_232 = tpu.memref_slice %arg8[%add3A_225, %dma_start3A_231] : memref<20x128xi32, #tpu.memory_space<vmem>> -> memref<1x128xi32, #tpu.memory_space<vmem>>
        %dma_start3A_233 = tpu.memref_squeeze %dma_start3A_232 : memref<1x128xi32, #tpu.memory_space<vmem>> -> memref<128xi32, #tpu.memory_space<vmem>>
        %dma_start3A_234 = arith.constant 0 : i32
        %dma_start3A_235 = arith.constant 0 : i32
        %dma_start3A_236 = tpu.memref_slice %arg10[%dma_start3A_234, %dma_start3A_235] : memref<51200x32xf32, #tpu.memory_space<vmem_shared>> -> memref<51200x32xf32, #tpu.memory_space<vmem_shared>>
        tpu.enqueue_indirect_dma source(%dma_start3A_230 : memref<128x32xf32, #tpu.memory_space<vmem>>) target(%dma_start3A_236 : memref<51200x32xf32, #tpu.memory_space<vmem_shared>>) offsets(%dma_start3A_233 : memref<128xi32, #tpu.memory_space<vmem>>) semaphore(%arg12 : memref<!tpu.dma_semaphore, #tpu.memory_space<semaphore_mem>>) {add = true}
        %mul3A_237 = arith.constant 5 : i32
        %mul3A_238 = arith.muli %scan3A_63, %mul3A_237 : i32
        %add3A_239 = arith.constant 3 : i32
        %add3A_240 = arith.addi %mul3A_238, %add3A_239 : i32
        %dma_start3A_241 = arith.constant 3 : i32
        %dma_start3A_242 = arith.constant 0 : i32
        %dma_start3A_243 = arith.constant 0 : i32
        %dma_start3A_244 = tpu.memref_slice %arg9[%dma_start3A_241, %dma_start3A_242, %dma_start3A_243] : memref<5x128x32xf32, #tpu.memory_space<vmem>> -> memref<1x128x32xf32, #tpu.memory_space<vmem>>
        %dma_start3A_245 = tpu.memref_squeeze %dma_start3A_244 : memref<1x128x32xf32, #tpu.memory_space<vmem>> -> memref<128x32xf32, #tpu.memory_space<vmem>>
        %dma_start3A_246 = arith.constant 0 : i32
        %dma_start3A_247 = tpu.memref_slice %arg8[%add3A_240, %dma_start3A_246] : memref<20x128xi32, #tpu.memory_space<vmem>> -> memref<1x128xi32, #tpu.memory_space<vmem>>
        %dma_start3A_248 = tpu.memref_squeeze %dma_start3A_247 : memref<1x128xi32, #tpu.memory_space<vmem>> -> memref<128xi32, #tpu.memory_space<vmem>>
        %dma_start3A_249 = arith.constant 0 : i32
        %dma_start3A_250 = arith.constant 0 : i32
        %dma_start3A_251 = tpu.memref_slice %arg10[%dma_start3A_249, %dma_start3A_250] : memref<51200x32xf32, #tpu.memory_space<vmem_shared>> -> memref<51200x32xf32, #tpu.memory_space<vmem_shared>>
        tpu.enqueue_indirect_dma source(%dma_start3A_245 : memref<128x32xf32, #tpu.memory_space<vmem>>) target(%dma_start3A_251 : memref<51200x32xf32, #tpu.memory_space<vmem_shared>>) offsets(%dma_start3A_248 : memref<128xi32, #tpu.memory_space<vmem>>) semaphore(%arg12 : memref<!tpu.dma_semaphore, #tpu.memory_space<semaphore_mem>>) {add = true}
        %mul3A_252 = arith.constant 5 : i32
        %mul3A_253 = arith.muli %scan3A_63, %mul3A_252 : i32
        %add3A_254 = arith.constant 4 : i32
        %add3A_255 = arith.addi %mul3A_253, %add3A_254 : i32
        %dma_start3A_256 = arith.constant 4 : i32
        %dma_start3A_257 = arith.constant 0 : i32
        %dma_start3A_258 = arith.constant 0 : i32
        %dma_start3A_259 = tpu.memref_slice %arg9[%dma_start3A_256, %dma_start3A_257, %dma_start3A_258] : memref<5x128x32xf32, #tpu.memory_space<vmem>> -> memref<1x128x32xf32, #tpu.memory_space<vmem>>
        %dma_start3A_260 = tpu.memref_squeeze %dma_start3A_259 : memref<1x128x32xf32, #tpu.memory_space<vmem>> -> memref<128x32xf32, #tpu.memory_space<vmem>>
        %dma_start3A_261 = arith.constant 0 : i32
        %dma_start3A_262 = tpu.memref_slice %arg8[%add3A_255, %dma_start3A_261] : memref<20x128xi32, #tpu.memory_space<vmem>> -> memref<1x128xi32, #tpu.memory_space<vmem>>
        %dma_start3A_263 = tpu.memref_squeeze %dma_start3A_262 : memref<1x128xi32, #tpu.memory_space<vmem>> -> memref<128xi32, #tpu.memory_space<vmem>>
        %dma_start3A_264 = arith.constant 0 : i32
        %dma_start3A_265 = arith.constant 0 : i32
        %dma_start3A_266 = tpu.memref_slice %arg10[%dma_start3A_264, %dma_start3A_265] : memref<51200x32xf32, #tpu.memory_space<vmem_shared>> -> memref<51200x32xf32, #tpu.memory_space<vmem_shared>>
        tpu.enqueue_indirect_dma source(%dma_start3A_260 : memref<128x32xf32, #tpu.memory_space<vmem>>) target(%dma_start3A_266 : memref<51200x32xf32, #tpu.memory_space<vmem_shared>>) offsets(%dma_start3A_263 : memref<128xi32, #tpu.memory_space<vmem>>) semaphore(%arg12 : memref<!tpu.dma_semaphore, #tpu.memory_space<semaphore_mem>>) {add = true}
        %dma_wait3A_267 = arith.constant 0 : i32
        %dma_wait3A_268 = arith.constant 0 : i32
        %dma_wait3A_269 = arith.constant 0 : i32
        %dma_wait3A_270 = tpu.memref_slice %arg9[%dma_wait3A_267, %dma_wait3A_268, %dma_wait3A_269] : memref<5x128x32xf32, #tpu.memory_space<vmem>> -> memref<1x128x32xf32, #tpu.memory_space<vmem>>
        %dma_wait3A_271 = tpu.memref_squeeze %dma_wait3A_270 : memref<1x128x32xf32, #tpu.memory_space<vmem>> -> memref<128x32xf32, #tpu.memory_space<vmem>>
        %dma_wait3A_272 = arith.constant 0 : i32
        %dma_wait3A_273 = tpu.memref_slice %arg8[%add3A_195, %dma_wait3A_272] : memref<20x128xi32, #tpu.memory_space<vmem>> -> memref<1x128xi32, #tpu.memory_space<vmem>>
        %dma_wait3A_274 = tpu.memref_squeeze %dma_wait3A_273 : memref<1x128xi32, #tpu.memory_space<vmem>> -> memref<128xi32, #tpu.memory_space<vmem>>
        %dma_wait3A_275 = arith.constant 0 : i32
        %dma_wait3A_276 = arith.constant 0 : i32
        %dma_wait3A_277 = tpu.memref_slice %arg10[%dma_wait3A_275, %dma_wait3A_276] : memref<51200x32xf32, #tpu.memory_space<vmem_shared>> -> memref<51200x32xf32, #tpu.memory_space<vmem_shared>>
        tpu.wait_indirect_dma semaphore(%arg12 : memref<!tpu.dma_semaphore, #tpu.memory_space<semaphore_mem>>) src(%dma_wait3A_271 : memref<128x32xf32, #tpu.memory_space<vmem>>) dst(%dma_wait3A_277 : memref<51200x32xf32, #tpu.memory_space<vmem_shared>>)
        %dma_wait3A_278 = arith.constant 1 : i32
        %dma_wait3A_279 = arith.constant 0 : i32
        %dma_wait3A_280 = arith.constant 0 : i32
        %dma_wait3A_281 = tpu.memref_slice %arg9[%dma_wait3A_278, %dma_wait3A_279, %dma_wait3A_280] : memref<5x128x32xf32, #tpu.memory_space<vmem>> -> memref<1x128x32xf32, #tpu.memory_space<vmem>>
        %dma_wait3A_282 = tpu.memref_squeeze %dma_wait3A_281 : memref<1x128x32xf32, #tpu.memory_space<vmem>> -> memref<128x32xf32, #tpu.memory_space<vmem>>
        %dma_wait3A_283 = arith.constant 0 : i32
        %dma_wait3A_284 = tpu.memref_slice %arg8[%add3A_210, %dma_wait3A_283] : memref<20x128xi32, #tpu.memory_space<vmem>> -> memref<1x128xi32, #tpu.memory_space<vmem>>
        %dma_wait3A_285 = tpu.memref_squeeze %dma_wait3A_284 : memref<1x128xi32, #tpu.memory_space<vmem>> -> memref<128xi32, #tpu.memory_space<vmem>>
        %dma_wait3A_286 = arith.constant 0 : i32
        %dma_wait3A_287 = arith.constant 0 : i32
        %dma_wait3A_288 = tpu.memref_slice %arg10[%dma_wait3A_286, %dma_wait3A_287] : memref<51200x32xf32, #tpu.memory_space<vmem_shared>> -> memref<51200x32xf32, #tpu.memory_space<vmem_shared>>
        tpu.wait_indirect_dma semaphore(%arg12 : memref<!tpu.dma_semaphore, #tpu.memory_space<semaphore_mem>>) src(%dma_wait3A_282 : memref<128x32xf32, #tpu.memory_space<vmem>>) dst(%dma_wait3A_288 : memref<51200x32xf32, #tpu.memory_space<vmem_shared>>)
        %dma_wait3A_289 = arith.constant 2 : i32
        %dma_wait3A_290 = arith.constant 0 : i32
        %dma_wait3A_291 = arith.constant 0 : i32
        %dma_wait3A_292 = tpu.memref_slice %arg9[%dma_wait3A_289, %dma_wait3A_290, %dma_wait3A_291] : memref<5x128x32xf32, #tpu.memory_space<vmem>> -> memref<1x128x32xf32, #tpu.memory_space<vmem>>
        %dma_wait3A_293 = tpu.memref_squeeze %dma_wait3A_292 : memref<1x128x32xf32, #tpu.memory_space<vmem>> -> memref<128x32xf32, #tpu.memory_space<vmem>>
        %dma_wait3A_294 = arith.constant 0 : i32
        %dma_wait3A_295 = tpu.memref_slice %arg8[%add3A_225, %dma_wait3A_294] : memref<20x128xi32, #tpu.memory_space<vmem>> -> memref<1x128xi32, #tpu.memory_space<vmem>>
        %dma_wait3A_296 = tpu.memref_squeeze %dma_wait3A_295 : memref<1x128xi32, #tpu.memory_space<vmem>> -> memref<128xi32, #tpu.memory_space<vmem>>
        %dma_wait3A_297 = arith.constant 0 : i32
        %dma_wait3A_298 = arith.constant 0 : i32
        %dma_wait3A_299 = tpu.memref_slice %arg10[%dma_wait3A_297, %dma_wait3A_298] : memref<51200x32xf32, #tpu.memory_space<vmem_shared>> -> memref<51200x32xf32, #tpu.memory_space<vmem_shared>>
        tpu.wait_indirect_dma semaphore(%arg12 : memref<!tpu.dma_semaphore, #tpu.memory_space<semaphore_mem>>) src(%dma_wait3A_293 : memref<128x32xf32, #tpu.memory_space<vmem>>) dst(%dma_wait3A_299 : memref<51200x32xf32, #tpu.memory_space<vmem_shared>>)
        %dma_wait3A_300 = arith.constant 3 : i32
        %dma_wait3A_301 = arith.constant 0 : i32
        %dma_wait3A_302 = arith.constant 0 : i32
        %dma_wait3A_303 = tpu.memref_slice %arg9[%dma_wait3A_300, %dma_wait3A_301, %dma_wait3A_302] : memref<5x128x32xf32, #tpu.memory_space<vmem>> -> memref<1x128x32xf32, #tpu.memory_space<vmem>>
        %dma_wait3A_304 = tpu.memref_squeeze %dma_wait3A_303 : memref<1x128x32xf32, #tpu.memory_space<vmem>> -> memref<128x32xf32, #tpu.memory_space<vmem>>
        %dma_wait3A_305 = arith.constant 0 : i32
        %dma_wait3A_306 = tpu.memref_slice %arg8[%add3A_240, %dma_wait3A_305] : memref<20x128xi32, #tpu.memory_space<vmem>> -> memref<1x128xi32, #tpu.memory_space<vmem>>
        %dma_wait3A_307 = tpu.memref_squeeze %dma_wait3A_306 : memref<1x128xi32, #tpu.memory_space<vmem>> -> memref<128xi32, #tpu.memory_space<vmem>>
        %dma_wait3A_308 = arith.constant 0 : i32
        %dma_wait3A_309 = arith.constant 0 : i32
        %dma_wait3A_310 = tpu.memref_slice %arg10[%dma_wait3A_308, %dma_wait3A_309] : memref<51200x32xf32, #tpu.memory_space<vmem_shared>> -> memref<51200x32xf32, #tpu.memory_space<vmem_shared>>
        tpu.wait_indirect_dma semaphore(%arg12 : memref<!tpu.dma_semaphore, #tpu.memory_space<semaphore_mem>>) src(%dma_wait3A_304 : memref<128x32xf32, #tpu.memory_space<vmem>>) dst(%dma_wait3A_310 : memref<51200x32xf32, #tpu.memory_space<vmem_shared>>)
        %dma_wait3A_311 = arith.constant 4 : i32
        %dma_wait3A_312 = arith.constant 0 : i32
        %dma_wait3A_313 = arith.constant 0 : i32
        %dma_wait3A_314 = tpu.memref_slice %arg9[%dma_wait3A_311, %dma_wait3A_312, %dma_wait3A_313] : memref<5x128x32xf32, #tpu.memory_space<vmem>> -> memref<1x128x32xf32, #tpu.memory_space<vmem>>
        %dma_wait3A_315 = tpu.memref_squeeze %dma_wait3A_314 : memref<1x128x32xf32, #tpu.memory_space<vmem>> -> memref<128x32xf32, #tpu.memory_space<vmem>>
        %dma_wait3A_316 = arith.constant 0 : i32
        %dma_wait3A_317 = tpu.memref_slice %arg8[%add3A_255, %dma_wait3A_316] : memref<20x128xi32, #tpu.memory_space<vmem>> -> memref<1x128xi32, #tpu.memory_space<vmem>>
        %dma_wait3A_318 = tpu.memref_squeeze %dma_wait3A_317 : memref<1x128xi32, #tpu.memory_space<vmem>> -> memref<128xi32, #tpu.memory_space<vmem>>
        %dma_wait3A_319 = arith.constant 0 : i32
        %dma_wait3A_320 = arith.constant 0 : i32
        %dma_wait3A_321 = tpu.memref_slice %arg10[%dma_wait3A_319, %dma_wait3A_320] : memref<51200x32xf32, #tpu.memory_space<vmem_shared>> -> memref<51200x32xf32, #tpu.memory_space<vmem_shared>>
        tpu.wait_indirect_dma semaphore(%arg12 : memref<!tpu.dma_semaphore, #tpu.memory_space<semaphore_mem>>) src(%dma_wait3A_315 : memref<128x32xf32, #tpu.memory_space<vmem>>) dst(%dma_wait3A_321 : memref<51200x32xf32, #tpu.memory_space<vmem_shared>>)
      }
      %scan3A_62 = arith.constant 4 : i32
    }
    %barrier3A_32 = arith.constant 0 : index
    tpu.barrier barrier_id(%barrier3A_32)
    %mul3A_33 = arith.constant 51200 : i32
    %mul3A_34 = arith.muli %arg0, %mul3A_33 : i32
    %mul3A_35 = arith.constant 3200 : i32
    %mul3A_36 = arith.muli %arg1, %mul3A_35 : i32
    %add3A_37 = arith.addi %mul3A_34, %mul3A_36 : i32
    %scan3A_38 = arith.constant 0 : i32
    %scan3A_39 = arith.constant 0 : i32
    %scan3A_40 = arith.constant 5 : i32
    %scan3A_41 = arith.addi %scan3A_39, %scan3A_40 : i32
    %scan3A_42 = arith.constant 1 : i32
    scf.for %scan3A_52 = %scan3A_39 to %scan3A_41 step %scan3A_42  : i32 {
      %mul3A_53 = arith.constant 5 : i32
      %mul3A_54 = arith.muli %scan3A_52, %mul3A_53 : i32
      %add3A_55 = arith.constant 0 : i32
      %add3A_56 = arith.addi %mul3A_54, %add3A_55 : i32
      %mul3A_57 = arith.constant 128 : i32
      %mul3A_58 = arith.muli %add3A_56, %mul3A_57 : i32
      %add3A_59 = arith.addi %mul3A_2, %mul3A_58 : i32
      %multiple_of3A_60 = tpu.assume_multiple %add3A_59, 128 : i32
      %dma_start3A = arith.constant 0 : i32
      %dma_start3A_61 = arith.constant 0 : i32
      %dma_start3A_62 = arith.constant 0 : i32
      %dma_start3A_63 = tpu.memref_slice %arg9[%dma_start3A, %dma_start3A_61, %dma_start3A_62] : memref<5x128x32xf32, #tpu.memory_space<vmem>> -> memref<1x128x32xf32, #tpu.memory_space<vmem>>
      %dma_start3A_64 = tpu.memref_squeeze %dma_start3A_63 : memref<1x128x32xf32, #tpu.memory_space<vmem>> -> memref<128x32xf32, #tpu.memory_space<vmem>>
      %dma_start3A_65 = arith.constant 0 : i32
      %dma_start3A_66 = tpu.memref_slice %arg10[%multiple_of3A_60, %dma_start3A_65] : memref<51200x32xf32, #tpu.memory_space<vmem_shared>> -> memref<128x32xf32, #tpu.memory_space<vmem_shared>>
      %dma_start3A_67 = arith.constant 0 : i32
      %dma_start3A_68 = arith.constant 0 : i32
      %dma_start3A_69 = tpu.memref_slice %arg9[%dma_start3A, %dma_start3A_67, %dma_start3A_68] : memref<5x128x32xf32, #tpu.memory_space<vmem>> -> memref<1x128x32xf32, #tpu.memory_space<vmem>>
      %dma_start3A_70 = tpu.memref_squeeze %dma_start3A_69 : memref<1x128x32xf32, #tpu.memory_space<vmem>> -> memref<128x32xf32, #tpu.memory_space<vmem>>
      %dma_start3A_71 = arith.constant 0 : i32
      %dma_start3A_72 = tpu.memref_slice %arg10[%multiple_of3A_60, %dma_start3A_71] : memref<51200x32xf32, #tpu.memory_space<vmem_shared>> -> memref<128x32xf32, #tpu.memory_space<vmem_shared>>
      tpu.enqueue_dma source(%dma_start3A_72 : memref<128x32xf32, #tpu.memory_space<vmem_shared>>) target(%dma_start3A_70 : memref<128x32xf32, #tpu.memory_space<vmem>>) target_semaphore(%arg13 : memref<!tpu.dma_semaphore, #tpu.memory_space<semaphore_mem>>)
      %mul3A_73 = arith.constant 5 : i32
      %mul3A_74 = arith.muli %scan3A_52, %mul3A_73 : i32
      %add3A_75 = arith.constant 1 : i32
      %add3A_76 = arith.addi %mul3A_74, %add3A_75 : i32
      %mul3A_77 = arith.constant 128 : i32
      %mul3A_78 = arith.muli %add3A_76, %mul3A_77 : i32
      %add3A_79 = arith.addi %mul3A_2, %mul3A_78 : i32
      %multiple_of3A_80 = tpu.assume_multiple %add3A_79, 128 : i32
      %dma_start3A_81 = arith.constant 1 : i32
      %dma_start3A_82 = arith.constant 0 : i32
      %dma_start3A_83 = arith.constant 0 : i32
      %dma_start3A_84 = tpu.memref_slice %arg9[%dma_start3A_81, %dma_start3A_82, %dma_start3A_83] : memref<5x128x32xf32, #tpu.memory_space<vmem>> -> memref<1x128x32xf32, #tpu.memory_space<vmem>>
      %dma_start3A_85 = tpu.memref_squeeze %dma_start3A_84 : memref<1x128x32xf32, #tpu.memory_space<vmem>> -> memref<128x32xf32, #tpu.memory_space<vmem>>
      %dma_start3A_86 = arith.constant 0 : i32
      %dma_start3A_87 = tpu.memref_slice %arg10[%multiple_of3A_80, %dma_start3A_86] : memref<51200x32xf32, #tpu.memory_space<vmem_shared>> -> memref<128x32xf32, #tpu.memory_space<vmem_shared>>
      %dma_start3A_88 = arith.constant 0 : i32
      %dma_start3A_89 = arith.constant 0 : i32
      %dma_start3A_90 = tpu.memref_slice %arg9[%dma_start3A_81, %dma_start3A_88, %dma_start3A_89] : memref<5x128x32xf32, #tpu.memory_space<vmem>> -> memref<1x128x32xf32, #tpu.memory_space<vmem>>
      %dma_start3A_91 = tpu.memref_squeeze %dma_start3A_90 : memref<1x128x32xf32, #tpu.memory_space<vmem>> -> memref<128x32xf32, #tpu.memory_space<vmem>>
      %dma_start3A_92 = arith.constant 0 : i32
      %dma_start3A_93 = tpu.memref_slice %arg10[%multiple_of3A_80, %dma_start3A_92] : memref<51200x32xf32, #tpu.memory_space<vmem_shared>> -> memref<128x32xf32, #tpu.memory_space<vmem_shared>>
      tpu.enqueue_dma source(%dma_start3A_93 : memref<128x32xf32, #tpu.memory_space<vmem_shared>>) target(%dma_start3A_91 : memref<128x32xf32, #tpu.memory_space<vmem>>) target_semaphore(%arg13 : memref<!tpu.dma_semaphore, #tpu.memory_space<semaphore_mem>>)
      %mul3A_94 = arith.constant 5 : i32
      %mul3A_95 = arith.muli %scan3A_52, %mul3A_94 : i32
      %add3A_96 = arith.constant 2 : i32
      %add3A_97 = arith.addi %mul3A_95, %add3A_96 : i32
      %mul3A_98 = arith.constant 128 : i32
      %mul3A_99 = arith.muli %add3A_97, %mul3A_98 : i32
      %add3A_100 = arith.addi %mul3A_2, %mul3A_99 : i32
      %multiple_of3A_101 = tpu.assume_multiple %add3A_100, 128 : i32
      %dma_start3A_102 = arith.constant 2 : i32
      %dma_start3A_103 = arith.constant 0 : i32
      %dma_start3A_104 = arith.constant 0 : i32
      %dma_start3A_105 = tpu.memref_slice %arg9[%dma_start3A_102, %dma_start3A_103, %dma_start3A_104] : memref<5x128x32xf32, #tpu.memory_space<vmem>> -> memref<1x128x32xf32, #tpu.memory_space<vmem>>
      %dma_start3A_106 = tpu.memref_squeeze %dma_start3A_105 : memref<1x128x32xf32, #tpu.memory_space<vmem>> -> memref<128x32xf32, #tpu.memory_space<vmem>>
      %dma_start3A_107 = arith.constant 0 : i32
      %dma_start3A_108 = tpu.memref_slice %arg10[%multiple_of3A_101, %dma_start3A_107] : memref<51200x32xf32, #tpu.memory_space<vmem_shared>> -> memref<128x32xf32, #tpu.memory_space<vmem_shared>>
      %dma_start3A_109 = arith.constant 0 : i32
      %dma_start3A_110 = arith.constant 0 : i32
      %dma_start3A_111 = tpu.memref_slice %arg9[%dma_start3A_102, %dma_start3A_109, %dma_start3A_110] : memref<5x128x32xf32, #tpu.memory_space<vmem>> -> memref<1x128x32xf32, #tpu.memory_space<vmem>>
      %dma_start3A_112 = tpu.memref_squeeze %dma_start3A_111 : memref<1x128x32xf32, #tpu.memory_space<vmem>> -> memref<128x32xf32, #tpu.memory_space<vmem>>
      %dma_start3A_113 = arith.constant 0 : i32
      %dma_start3A_114 = tpu.memref_slice %arg10[%multiple_of3A_101, %dma_start3A_113] : memref<51200x32xf32, #tpu.memory_space<vmem_shared>> -> memref<128x32xf32, #tpu.memory_space<vmem_shared>>
      tpu.enqueue_dma source(%dma_start3A_114 : memref<128x32xf32, #tpu.memory_space<vmem_shared>>) target(%dma_start3A_112 : memref<128x32xf32, #tpu.memory_space<vmem>>) target_semaphore(%arg13 : memref<!tpu.dma_semaphore, #tpu.memory_space<semaphore_mem>>)
      %mul3A_115 = arith.constant 5 : i32
      %mul3A_116 = arith.muli %scan3A_52, %mul3A_115 : i32
      %add3A_117 = arith.constant 3 : i32
      %add3A_118 = arith.addi %mul3A_116, %add3A_117 : i32
      %mul3A_119 = arith.constant 128 : i32
      %mul3A_120 = arith.muli %add3A_118, %mul3A_119 : i32
      %add3A_121 = arith.addi %mul3A_2, %mul3A_120 : i32
      %multiple_of3A_122 = tpu.assume_multiple %add3A_121, 128 : i32
      %dma_start3A_123 = arith.constant 3 : i32
      %dma_start3A_124 = arith.constant 0 : i32
      %dma_start3A_125 = arith.constant 0 : i32
      %dma_start3A_126 = tpu.memref_slice %arg9[%dma_start3A_123, %dma_start3A_124, %dma_start3A_125] : memref<5x128x32xf32, #tpu.memory_space<vmem>> -> memref<1x128x32xf32, #tpu.memory_space<vmem>>
      %dma_start3A_127 = tpu.memref_squeeze %dma_start3A_126 : memref<1x128x32xf32, #tpu.memory_space<vmem>> -> memref<128x32xf32, #tpu.memory_space<vmem>>
      %dma_start3A_128 = arith.constant 0 : i32
      %dma_start3A_129 = tpu.memref_slice %arg10[%multiple_of3A_122, %dma_start3A_128] : memref<51200x32xf32, #tpu.memory_space<vmem_shared>> -> memref<128x32xf32, #tpu.memory_space<vmem_shared>>
      %dma_start3A_130 = arith.constant 0 : i32
      %dma_start3A_131 = arith.constant 0 : i32
      %dma_start3A_132 = tpu.memref_slice %arg9[%dma_start3A_123, %dma_start3A_130, %dma_start3A_131] : memref<5x128x32xf32, #tpu.memory_space<vmem>> -> memref<1x128x32xf32, #tpu.memory_space<vmem>>
      %dma_start3A_133 = tpu.memref_squeeze %dma_start3A_132 : memref<1x128x32xf32, #tpu.memory_space<vmem>> -> memref<128x32xf32, #tpu.memory_space<vmem>>
      %dma_start3A_134 = arith.constant 0 : i32
      %dma_start3A_135 = tpu.memref_slice %arg10[%multiple_of3A_122, %dma_start3A_134] : memref<51200x32xf32, #tpu.memory_space<vmem_shared>> -> memref<128x32xf32, #tpu.memory_space<vmem_shared>>
      tpu.enqueue_dma source(%dma_start3A_135 : memref<128x32xf32, #tpu.memory_space<vmem_shared>>) target(%dma_start3A_133 : memref<128x32xf32, #tpu.memory_space<vmem>>) target_semaphore(%arg13 : memref<!tpu.dma_semaphore, #tpu.memory_space<semaphore_mem>>)
      %mul3A_136 = arith.constant 5 : i32
      %mul3A_137 = arith.muli %scan3A_52, %mul3A_136 : i32
      %add3A_138 = arith.constant 4 : i32
      %add3A_139 = arith.addi %mul3A_137, %add3A_138 : i32
      %mul3A_140 = arith.constant 128 : i32
      %mul3A_141 = arith.muli %add3A_139, %mul3A_140 : i32
      %add3A_142 = arith.addi %mul3A_2, %mul3A_141 : i32
      %multiple_of3A_143 = tpu.assume_multiple %add3A_142, 128 : i32
      %dma_start3A_144 = arith.constant 4 : i32
      %dma_start3A_145 = arith.constant 0 : i32
      %dma_start3A_146 = arith.constant 0 : i32
      %dma_start3A_147 = tpu.memref_slice %arg9[%dma_start3A_144, %dma_start3A_145, %dma_start3A_146] : memref<5x128x32xf32, #tpu.memory_space<vmem>> -> memref<1x128x32xf32, #tpu.memory_space<vmem>>
      %dma_start3A_148 = tpu.memref_squeeze %dma_start3A_147 : memref<1x128x32xf32, #tpu.memory_space<vmem>> -> memref<128x32xf32, #tpu.memory_space<vmem>>
      %dma_start3A_149 = arith.constant 0 : i32
      %dma_start3A_150 = tpu.memref_slice %arg10[%multiple_of3A_143, %dma_start3A_149] : memref<51200x32xf32, #tpu.memory_space<vmem_shared>> -> memref<128x32xf32, #tpu.memory_space<vmem_shared>>
      %dma_start3A_151 = arith.constant 0 : i32
      %dma_start3A_152 = arith.constant 0 : i32
      %dma_start3A_153 = tpu.memref_slice %arg9[%dma_start3A_144, %dma_start3A_151, %dma_start3A_152] : memref<5x128x32xf32, #tpu.memory_space<vmem>> -> memref<1x128x32xf32, #tpu.memory_space<vmem>>
      %dma_start3A_154 = tpu.memref_squeeze %dma_start3A_153 : memref<1x128x32xf32, #tpu.memory_space<vmem>> -> memref<128x32xf32, #tpu.memory_space<vmem>>
      %dma_start3A_155 = arith.constant 0 : i32
      %dma_start3A_156 = tpu.memref_slice %arg10[%multiple_of3A_143, %dma_start3A_155] : memref<51200x32xf32, #tpu.memory_space<vmem_shared>> -> memref<128x32xf32, #tpu.memory_space<vmem_shared>>
      tpu.enqueue_dma source(%dma_start3A_156 : memref<128x32xf32, #tpu.memory_space<vmem_shared>>) target(%dma_start3A_154 : memref<128x32xf32, #tpu.memory_space<vmem>>) target_semaphore(%arg13 : memref<!tpu.dma_semaphore, #tpu.memory_space<semaphore_mem>>)
      %dma_wait3A = arith.constant 0 : i32
      %dma_wait3A_157 = arith.constant 0 : i32
      %dma_wait3A_158 = arith.constant 0 : i32
      %dma_wait3A_159 = tpu.memref_slice %arg9[%dma_wait3A, %dma_wait3A_157, %dma_wait3A_158] : memref<5x128x32xf32, #tpu.memory_space<vmem>> -> memref<1x128x32xf32, #tpu.memory_space<vmem>>
      %dma_wait3A_160 = tpu.memref_squeeze %dma_wait3A_159 : memref<1x128x32xf32, #tpu.memory_space<vmem>> -> memref<128x32xf32, #tpu.memory_space<vmem>>
      %dma_wait3A_161 = arith.constant 0 : i32
      %dma_wait3A_162 = tpu.memref_slice %arg10[%multiple_of3A_60, %dma_wait3A_161] : memref<51200x32xf32, #tpu.memory_space<vmem_shared>> -> memref<128x32xf32, #tpu.memory_space<vmem_shared>>
      %dma_wait3A_163 = arith.constant 0 : i32
      %dma_wait3A_164 = arith.constant 0 : i32
      %dma_wait3A_165 = tpu.memref_slice %arg9[%dma_wait3A, %dma_wait3A_163, %dma_wait3A_164] : memref<5x128x32xf32, #tpu.memory_space<vmem>> -> memref<1x128x32xf32, #tpu.memory_space<vmem>>
      %dma_wait3A_166 = tpu.memref_squeeze %dma_wait3A_165 : memref<1x128x32xf32, #tpu.memory_space<vmem>> -> memref<128x32xf32, #tpu.memory_space<vmem>>
      %dma_wait3A_167 = arith.constant 0 : i32
      %dma_wait3A_168 = tpu.memref_slice %arg10[%multiple_of3A_60, %dma_wait3A_167] : memref<51200x32xf32, #tpu.memory_space<vmem_shared>> -> memref<128x32xf32, #tpu.memory_space<vmem_shared>>
      tpu.wait_dma2 semaphore(%arg13 : memref<!tpu.dma_semaphore, #tpu.memory_space<semaphore_mem>>) src(%dma_wait3A_168 : memref<128x32xf32, #tpu.memory_space<vmem_shared>>) dst(%dma_wait3A_166 : memref<128x32xf32, #tpu.memory_space<vmem>>)
      %dma_wait3A_169 = arith.constant 1 : i32
      %dma_wait3A_170 = arith.constant 0 : i32
      %dma_wait3A_171 = arith.constant 0 : i32
      %dma_wait3A_172 = tpu.memref_slice %arg9[%dma_wait3A_169, %dma_wait3A_170, %dma_wait3A_171] : memref<5x128x32xf32, #tpu.memory_space<vmem>> -> memref<1x128x32xf32, #tpu.memory_space<vmem>>
      %dma_wait3A_173 = tpu.memref_squeeze %dma_wait3A_172 : memref<1x128x32xf32, #tpu.memory_space<vmem>> -> memref<128x32xf32, #tpu.memory_space<vmem>>
      %dma_wait3A_174 = arith.constant 0 : i32
      %dma_wait3A_175 = tpu.memref_slice %arg10[%multiple_of3A_80, %dma_wait3A_174] : memref<51200x32xf32, #tpu.memory_space<vmem_shared>> -> memref<128x32xf32, #tpu.memory_space<vmem_shared>>
      %dma_wait3A_176 = arith.constant 0 : i32
      %dma_wait3A_177 = arith.constant 0 : i32
      %dma_wait3A_178 = tpu.memref_slice %arg9[%dma_wait3A_169, %dma_wait3A_176, %dma_wait3A_177] : memref<5x128x32xf32, #tpu.memory_space<vmem>> -> memref<1x128x32xf32, #tpu.memory_space<vmem>>
      %dma_wait3A_179 = tpu.memref_squeeze %dma_wait3A_178 : memref<1x128x32xf32, #tpu.memory_space<vmem>> -> memref<128x32xf32, #tpu.memory_space<vmem>>
      %dma_wait3A_180 = arith.constant 0 : i32
      %dma_wait3A_181 = tpu.memref_slice %arg10[%multiple_of3A_80, %dma_wait3A_180] : memref<51200x32xf32, #tpu.memory_space<vmem_shared>> -> memref<128x32xf32, #tpu.memory_space<vmem_shared>>
      tpu.wait_dma2 semaphore(%arg13 : memref<!tpu.dma_semaphore, #tpu.memory_space<semaphore_mem>>) src(%dma_wait3A_181 : memref<128x32xf32, #tpu.memory_space<vmem_shared>>) dst(%dma_wait3A_179 : memref<128x32xf32, #tpu.memory_space<vmem>>)
      %dma_wait3A_182 = arith.constant 2 : i32
      %dma_wait3A_183 = arith.constant 0 : i32
      %dma_wait3A_184 = arith.constant 0 : i32
      %dma_wait3A_185 = tpu.memref_slice %arg9[%dma_wait3A_182, %dma_wait3A_183, %dma_wait3A_184] : memref<5x128x32xf32, #tpu.memory_space<vmem>> -> memref<1x128x32xf32, #tpu.memory_space<vmem>>
      %dma_wait3A_186 = tpu.memref_squeeze %dma_wait3A_185 : memref<1x128x32xf32, #tpu.memory_space<vmem>> -> memref<128x32xf32, #tpu.memory_space<vmem>>
      %dma_wait3A_187 = arith.constant 0 : i32
      %dma_wait3A_188 = tpu.memref_slice %arg10[%multiple_of3A_101, %dma_wait3A_187] : memref<51200x32xf32, #tpu.memory_space<vmem_shared>> -> memref<128x32xf32, #tpu.memory_space<vmem_shared>>
      %dma_wait3A_189 = arith.constant 0 : i32
      %dma_wait3A_190 = arith.constant 0 : i32
      %dma_wait3A_191 = tpu.memref_slice %arg9[%dma_wait3A_182, %dma_wait3A_189, %dma_wait3A_190] : memref<5x128x32xf32, #tpu.memory_space<vmem>> -> memref<1x128x32xf32, #tpu.memory_space<vmem>>
      %dma_wait3A_192 = tpu.memref_squeeze %dma_wait3A_191 : memref<1x128x32xf32, #tpu.memory_space<vmem>> -> memref<128x32xf32, #tpu.memory_space<vmem>>
      %dma_wait3A_193 = arith.constant 0 : i32
      %dma_wait3A_194 = tpu.memref_slice %arg10[%multiple_of3A_101, %dma_wait3A_193] : memref<51200x32xf32, #tpu.memory_space<vmem_shared>> -> memref<128x32xf32, #tpu.memory_space<vmem_shared>>
      tpu.wait_dma2 semaphore(%arg13 : memref<!tpu.dma_semaphore, #tpu.memory_space<semaphore_mem>>) src(%dma_wait3A_194 : memref<128x32xf32, #tpu.memory_space<vmem_shared>>) dst(%dma_wait3A_192 : memref<128x32xf32, #tpu.memory_space<vmem>>)
      %dma_wait3A_195 = arith.constant 3 : i32
      %dma_wait3A_196 = arith.constant 0 : i32
      %dma_wait3A_197 = arith.constant 0 : i32
      %dma_wait3A_198 = tpu.memref_slice %arg9[%dma_wait3A_195, %dma_wait3A_196, %dma_wait3A_197] : memref<5x128x32xf32, #tpu.memory_space<vmem>> -> memref<1x128x32xf32, #tpu.memory_space<vmem>>
      %dma_wait3A_199 = tpu.memref_squeeze %dma_wait3A_198 : memref<1x128x32xf32, #tpu.memory_space<vmem>> -> memref<128x32xf32, #tpu.memory_space<vmem>>
      %dma_wait3A_200 = arith.constant 0 : i32
      %dma_wait3A_201 = tpu.memref_slice %arg10[%multiple_of3A_122, %dma_wait3A_200] : memref<51200x32xf32, #tpu.memory_space<vmem_shared>> -> memref<128x32xf32, #tpu.memory_space<vmem_shared>>
      %dma_wait3A_202 = arith.constant 0 : i32
      %dma_wait3A_203 = arith.constant 0 : i32
      %dma_wait3A_204 = tpu.memref_slice %arg9[%dma_wait3A_195, %dma_wait3A_202, %dma_wait3A_203] : memref<5x128x32xf32, #tpu.memory_space<vmem>> -> memref<1x128x32xf32, #tpu.memory_space<vmem>>
      %dma_wait3A_205 = tpu.memref_squeeze %dma_wait3A_204 : memref<1x128x32xf32, #tpu.memory_space<vmem>> -> memref<128x32xf32, #tpu.memory_space<vmem>>
      %dma_wait3A_206 = arith.constant 0 : i32
      %dma_wait3A_207 = tpu.memref_slice %arg10[%multiple_of3A_122, %dma_wait3A_206] : memref<51200x32xf32, #tpu.memory_space<vmem_shared>> -> memref<128x32xf32, #tpu.memory_space<vmem_shared>>
      tpu.wait_dma2 semaphore(%arg13 : memref<!tpu.dma_semaphore, #tpu.memory_space<semaphore_mem>>) src(%dma_wait3A_207 : memref<128x32xf32, #tpu.memory_space<vmem_shared>>) dst(%dma_wait3A_205 : memref<128x32xf32, #tpu.memory_space<vmem>>)
      %dma_wait3A_208 = arith.constant 4 : i32
      %dma_wait3A_209 = arith.constant 0 : i32
      %dma_wait3A_210 = arith.constant 0 : i32
      %dma_wait3A_211 = tpu.memref_slice %arg9[%dma_wait3A_208, %dma_wait3A_209, %dma_wait3A_210] : memref<5x128x32xf32, #tpu.memory_space<vmem>> -> memref<1x128x32xf32, #tpu.memory_space<vmem>>
      %dma_wait3A_212 = tpu.memref_squeeze %dma_wait3A_211 : memref<1x128x32xf32, #tpu.memory_space<vmem>> -> memref<128x32xf32, #tpu.memory_space<vmem>>
      %dma_wait3A_213 = arith.constant 0 : i32
      %dma_wait3A_214 = tpu.memref_slice %arg10[%multiple_of3A_143, %dma_wait3A_213] : memref<51200x32xf32, #tpu.memory_space<vmem_shared>> -> memref<128x32xf32, #tpu.memory_space<vmem_shared>>
      %dma_wait3A_215 = arith.constant 0 : i32
      %dma_wait3A_216 = arith.constant 0 : i32
      %dma_wait3A_217 = tpu.memref_slice %arg9[%dma_wait3A_208, %dma_wait3A_215, %dma_wait3A_216] : memref<5x128x32xf32, #tpu.memory_space<vmem>> -> memref<1x128x32xf32, #tpu.memory_space<vmem>>
      %dma_wait3A_218 = tpu.memref_squeeze %dma_wait3A_217 : memref<1x128x32xf32, #tpu.memory_space<vmem>> -> memref<128x32xf32, #tpu.memory_space<vmem>>
      %dma_wait3A_219 = arith.constant 0 : i32
      %dma_wait3A_220 = tpu.memref_slice %arg10[%multiple_of3A_143, %dma_wait3A_219] : memref<51200x32xf32, #tpu.memory_space<vmem_shared>> -> memref<128x32xf32, #tpu.memory_space<vmem_shared>>
      tpu.wait_dma2 semaphore(%arg13 : memref<!tpu.dma_semaphore, #tpu.memory_space<semaphore_mem>>) src(%dma_wait3A_220 : memref<128x32xf32, #tpu.memory_space<vmem_shared>>) dst(%dma_wait3A_218 : memref<128x32xf32, #tpu.memory_space<vmem>>)
      %mul3A_221 = arith.constant 5 : i32
      %mul3A_222 = arith.muli %scan3A_52, %mul3A_221 : i32
      %add3A_223 = arith.constant 0 : i32
      %add3A_224 = arith.addi %mul3A_222, %add3A_223 : i32
      %mul3A_225 = arith.constant 128 : i32
      %mul3A_226 = arith.muli %add3A_224, %mul3A_225 : i32
      %add3A_227 = arith.addi %add3A_37, %mul3A_226 : i32
      %multiple_of3A_228 = tpu.assume_multiple %add3A_227, 128 : i32
      %dma_start3A_229 = arith.constant 0 : i32
      %dma_start3A_230 = arith.constant 0 : i32
      %dma_start3A_231 = arith.constant 0 : i32
      %dma_start3A_232 = tpu.memref_slice %arg9[%dma_start3A_229, %dma_start3A_230, %dma_start3A_231] : memref<5x128x32xf32, #tpu.memory_space<vmem>> -> memref<1x128x32xf32, #tpu.memory_space<vmem>>
      %dma_start3A_233 = tpu.memref_squeeze %dma_start3A_232 : memref<1x128x32xf32, #tpu.memory_space<vmem>> -> memref<128x32xf32, #tpu.memory_space<vmem>>
      %dma_start3A_234 = arith.constant 0 : i32
      %dma_start3A_235 = tpu.memref_slice %arg6[%multiple_of3A_228, %dma_start3A_234] : memref<102400x32xf32, #tpu.memory_space<hbm>> -> memref<128x32xf32, #tpu.memory_space<hbm>>
      %dma_start3A_236 = arith.constant 0 : i32
      %dma_start3A_237 = tpu.memref_slice %arg6[%multiple_of3A_228, %dma_start3A_236] : memref<102400x32xf32, #tpu.memory_space<hbm>> -> memref<128x32xf32, #tpu.memory_space<hbm>>
      %dma_start3A_238 = arith.constant 0 : i32
      %dma_start3A_239 = arith.constant 0 : i32
      %dma_start3A_240 = tpu.memref_slice %arg9[%dma_start3A_229, %dma_start3A_238, %dma_start3A_239] : memref<5x128x32xf32, #tpu.memory_space<vmem>> -> memref<1x128x32xf32, #tpu.memory_space<vmem>>
      %dma_start3A_241 = tpu.memref_squeeze %dma_start3A_240 : memref<1x128x32xf32, #tpu.memory_space<vmem>> -> memref<128x32xf32, #tpu.memory_space<vmem>>
      tpu.enqueue_dma source(%dma_start3A_241 : memref<128x32xf32, #tpu.memory_space<vmem>>) target(%dma_start3A_237 : memref<128x32xf32, #tpu.memory_space<hbm>>) target_semaphore(%arg13 : memref<!tpu.dma_semaphore, #tpu.memory_space<semaphore_mem>>)
      %mul3A_242 = arith.constant 5 : i32
      %mul3A_243 = arith.muli %scan3A_52, %mul3A_242 : i32
      %add3A_244 = arith.constant 1 : i32
      %add3A_245 = arith.addi %mul3A_243, %add3A_244 : i32
      %mul3A_246 = arith.constant 128 : i32
      %mul3A_247 = arith.muli %add3A_245, %mul3A_246 : i32
      %add3A_248 = arith.addi %add3A_37, %mul3A_247 : i32
      %multiple_of3A_249 = tpu.assume_multiple %add3A_248, 128 : i32
      %dma_start3A_250 = arith.constant 1 : i32
      %dma_start3A_251 = arith.constant 0 : i32
      %dma_start3A_252 = arith.constant 0 : i32
      %dma_start3A_253 = tpu.memref_slice %arg9[%dma_start3A_250, %dma_start3A_251, %dma_start3A_252] : memref<5x128x32xf32, #tpu.memory_space<vmem>> -> memref<1x128x32xf32, #tpu.memory_space<vmem>>
      %dma_start3A_254 = tpu.memref_squeeze %dma_start3A_253 : memref<1x128x32xf32, #tpu.memory_space<vmem>> -> memref<128x32xf32, #tpu.memory_space<vmem>>
      %dma_start3A_255 = arith.constant 0 : i32
      %dma_start3A_256 = tpu.memref_slice %arg6[%multiple_of3A_249, %dma_start3A_255] : memref<102400x32xf32, #tpu.memory_space<hbm>> -> memref<128x32xf32, #tpu.memory_space<hbm>>
      %dma_start3A_257 = arith.constant 0 : i32
      %dma_start3A_258 = tpu.memref_slice %arg6[%multiple_of3A_249, %dma_start3A_257] : memref<102400x32xf32, #tpu.memory_space<hbm>> -> memref<128x32xf32, #tpu.memory_space<hbm>>
      %dma_start3A_259 = arith.constant 0 : i32
      %dma_start3A_260 = arith.constant 0 : i32
      %dma_start3A_261 = tpu.memref_slice %arg9[%dma_start3A_250, %dma_start3A_259, %dma_start3A_260] : memref<5x128x32xf32, #tpu.memory_space<vmem>> -> memref<1x128x32xf32, #tpu.memory_space<vmem>>
      %dma_start3A_262 = tpu.memref_squeeze %dma_start3A_261 : memref<1x128x32xf32, #tpu.memory_space<vmem>> -> memref<128x32xf32, #tpu.memory_space<vmem>>
      tpu.enqueue_dma source(%dma_start3A_262 : memref<128x32xf32, #tpu.memory_space<vmem>>) target(%dma_start3A_258 : memref<128x32xf32, #tpu.memory_space<hbm>>) target_semaphore(%arg13 : memref<!tpu.dma_semaphore, #tpu.memory_space<semaphore_mem>>)
      %mul3A_263 = arith.constant 5 : i32
      %mul3A_264 = arith.muli %scan3A_52, %mul3A_263 : i32
      %add3A_265 = arith.constant 2 : i32
      %add3A_266 = arith.addi %mul3A_264, %add3A_265 : i32
      %mul3A_267 = arith.constant 128 : i32
      %mul3A_268 = arith.muli %add3A_266, %mul3A_267 : i32
      %add3A_269 = arith.addi %add3A_37, %mul3A_268 : i32
      %multiple_of3A_270 = tpu.assume_multiple %add3A_269, 128 : i32
      %dma_start3A_271 = arith.constant 2 : i32
      %dma_start3A_272 = arith.constant 0 : i32
      %dma_start3A_273 = arith.constant 0 : i32
      %dma_start3A_274 = tpu.memref_slice %arg9[%dma_start3A_271, %dma_start3A_272, %dma_start3A_273] : memref<5x128x32xf32, #tpu.memory_space<vmem>> -> memref<1x128x32xf32, #tpu.memory_space<vmem>>
      %dma_start3A_275 = tpu.memref_squeeze %dma_start3A_274 : memref<1x128x32xf32, #tpu.memory_space<vmem>> -> memref<128x32xf32, #tpu.memory_space<vmem>>
      %dma_start3A_276 = arith.constant 0 : i32
      %dma_start3A_277 = tpu.memref_slice %arg6[%multiple_of3A_270, %dma_start3A_276] : memref<102400x32xf32, #tpu.memory_space<hbm>> -> memref<128x32xf32, #tpu.memory_space<hbm>>
      %dma_start3A_278 = arith.constant 0 : i32
      %dma_start3A_279 = tpu.memref_slice %arg6[%multiple_of3A_270, %dma_start3A_278] : memref<102400x32xf32, #tpu.memory_space<hbm>> -> memref<128x32xf32, #tpu.memory_space<hbm>>
      %dma_start3A_280 = arith.constant 0 : i32
      %dma_start3A_281 = arith.constant 0 : i32
      %dma_start3A_282 = tpu.memref_slice %arg9[%dma_start3A_271, %dma_start3A_280, %dma_start3A_281] : memref<5x128x32xf32, #tpu.memory_space<vmem>> -> memref<1x128x32xf32, #tpu.memory_space<vmem>>
      %dma_start3A_283 = tpu.memref_squeeze %dma_start3A_282 : memref<1x128x32xf32, #tpu.memory_space<vmem>> -> memref<128x32xf32, #tpu.memory_space<vmem>>
      tpu.enqueue_dma source(%dma_start3A_283 : memref<128x32xf32, #tpu.memory_space<vmem>>) target(%dma_start3A_279 : memref<128x32xf32, #tpu.memory_space<hbm>>) target_semaphore(%arg13 : memref<!tpu.dma_semaphore, #tpu.memory_space<semaphore_mem>>)
      %mul3A_284 = arith.constant 5 : i32
      %mul3A_285 = arith.muli %scan3A_52, %mul3A_284 : i32
      %add3A_286 = arith.constant 3 : i32
      %add3A_287 = arith.addi %mul3A_285, %add3A_286 : i32
      %mul3A_288 = arith.constant 128 : i32
      %mul3A_289 = arith.muli %add3A_287, %mul3A_288 : i32
      %add3A_290 = arith.addi %add3A_37, %mul3A_289 : i32
      %multiple_of3A_291 = tpu.assume_multiple %add3A_290, 128 : i32
      %dma_start3A_292 = arith.constant 3 : i32
      %dma_start3A_293 = arith.constant 0 : i32
      %dma_start3A_294 = arith.constant 0 : i32
      %dma_start3A_295 = tpu.memref_slice %arg9[%dma_start3A_292, %dma_start3A_293, %dma_start3A_294] : memref<5x128x32xf32, #tpu.memory_space<vmem>> -> memref<1x128x32xf32, #tpu.memory_space<vmem>>
      %dma_start3A_296 = tpu.memref_squeeze %dma_start3A_295 : memref<1x128x32xf32, #tpu.memory_space<vmem>> -> memref<128x32xf32, #tpu.memory_space<vmem>>
      %dma_start3A_297 = arith.constant 0 : i32
      %dma_start3A_298 = tpu.memref_slice %arg6[%multiple_of3A_291, %dma_start3A_297] : memref<102400x32xf32, #tpu.memory_space<hbm>> -> memref<128x32xf32, #tpu.memory_space<hbm>>
      %dma_start3A_299 = arith.constant 0 : i32
      %dma_start3A_300 = tpu.memref_slice %arg6[%multiple_of3A_291, %dma_start3A_299] : memref<102400x32xf32, #tpu.memory_space<hbm>> -> memref<128x32xf32, #tpu.memory_space<hbm>>
      %dma_start3A_301 = arith.constant 0 : i32
      %dma_start3A_302 = arith.constant 0 : i32
      %dma_start3A_303 = tpu.memref_slice %arg9[%dma_start3A_292, %dma_start3A_301, %dma_start3A_302] : memref<5x128x32xf32, #tpu.memory_space<vmem>> -> memref<1x128x32xf32, #tpu.memory_space<vmem>>
      %dma_start3A_304 = tpu.memref_squeeze %dma_start3A_303 : memref<1x128x32xf32, #tpu.memory_space<vmem>> -> memref<128x32xf32, #tpu.memory_space<vmem>>
      tpu.enqueue_dma source(%dma_start3A_304 : memref<128x32xf32, #tpu.memory_space<vmem>>) target(%dma_start3A_300 : memref<128x32xf32, #tpu.memory_space<hbm>>) target_semaphore(%arg13 : memref<!tpu.dma_semaphore, #tpu.memory_space<semaphore_mem>>)
      %mul3A_305 = arith.constant 5 : i32
      %mul3A_306 = arith.muli %scan3A_52, %mul3A_305 : i32
      %add3A_307 = arith.constant 4 : i32
      %add3A_308 = arith.addi %mul3A_306, %add3A_307 : i32
      %mul3A_309 = arith.constant 128 : i32
      %mul3A_310 = arith.muli %add3A_308, %mul3A_309 : i32
      %add3A_311 = arith.addi %add3A_37, %mul3A_310 : i32
      %multiple_of3A_312 = tpu.assume_multiple %add3A_311, 128 : i32
      %dma_start3A_313 = arith.constant 4 : i32
      %dma_start3A_314 = arith.constant 0 : i32
      %dma_start3A_315 = arith.constant 0 : i32
      %dma_start3A_316 = tpu.memref_slice %arg9[%dma_start3A_313, %dma_start3A_314, %dma_start3A_315] : memref<5x128x32xf32, #tpu.memory_space<vmem>> -> memref<1x128x32xf32, #tpu.memory_space<vmem>>
      %dma_start3A_317 = tpu.memref_squeeze %dma_start3A_316 : memref<1x128x32xf32, #tpu.memory_space<vmem>> -> memref<128x32xf32, #tpu.memory_space<vmem>>
      %dma_start3A_318 = arith.constant 0 : i32
      %dma_start3A_319 = tpu.memref_slice %arg6[%multiple_of3A_312, %dma_start3A_318] : memref<102400x32xf32, #tpu.memory_space<hbm>> -> memref<128x32xf32, #tpu.memory_space<hbm>>
      %dma_start3A_320 = arith.constant 0 : i32
      %dma_start3A_321 = tpu.memref_slice %arg6[%multiple_of3A_312, %dma_start3A_320] : memref<102400x32xf32, #tpu.memory_space<hbm>> -> memref<128x32xf32, #tpu.memory_space<hbm>>
      %dma_start3A_322 = arith.constant 0 : i32
      %dma_start3A_323 = arith.constant 0 : i32
      %dma_start3A_324 = tpu.memref_slice %arg9[%dma_start3A_313, %dma_start3A_322, %dma_start3A_323] : memref<5x128x32xf32, #tpu.memory_space<vmem>> -> memref<1x128x32xf32, #tpu.memory_space<vmem>>
      %dma_start3A_325 = tpu.memref_squeeze %dma_start3A_324 : memref<1x128x32xf32, #tpu.memory_space<vmem>> -> memref<128x32xf32, #tpu.memory_space<vmem>>
      tpu.enqueue_dma source(%dma_start3A_325 : memref<128x32xf32, #tpu.memory_space<vmem>>) target(%dma_start3A_321 : memref<128x32xf32, #tpu.memory_space<hbm>>) target_semaphore(%arg13 : memref<!tpu.dma_semaphore, #tpu.memory_space<semaphore_mem>>)
      %dma_wait3A_326 = arith.constant 0 : i32
      %dma_wait3A_327 = arith.constant 0 : i32
      %dma_wait3A_328 = arith.constant 0 : i32
      %dma_wait3A_329 = tpu.memref_slice %arg9[%dma_wait3A_326, %dma_wait3A_327, %dma_wait3A_328] : memref<5x128x32xf32, #tpu.memory_space<vmem>> -> memref<1x128x32xf32, #tpu.memory_space<vmem>>
      %dma_wait3A_330 = tpu.memref_squeeze %dma_wait3A_329 : memref<1x128x32xf32, #tpu.memory_space<vmem>> -> memref<128x32xf32, #tpu.memory_space<vmem>>
      %dma_wait3A_331 = arith.constant 0 : i32
      %dma_wait3A_332 = tpu.memref_slice %arg6[%multiple_of3A_228, %dma_wait3A_331] : memref<102400x32xf32, #tpu.memory_space<hbm>> -> memref<128x32xf32, #tpu.memory_space<hbm>>
      %dma_wait3A_333 = arith.constant 0 : i32
      %dma_wait3A_334 = tpu.memref_slice %arg6[%multiple_of3A_228, %dma_wait3A_333] : memref<102400x32xf32, #tpu.memory_space<hbm>> -> memref<128x32xf32, #tpu.memory_space<hbm>>
      %dma_wait3A_335 = arith.constant 0 : i32
      %dma_wait3A_336 = arith.constant 0 : i32
      %dma_wait3A_337 = tpu.memref_slice %arg9[%dma_wait3A_326, %dma_wait3A_335, %dma_wait3A_336] : memref<5x128x32xf32, #tpu.memory_space<vmem>> -> memref<1x128x32xf32, #tpu.memory_space<vmem>>
      %dma_wait3A_338 = tpu.memref_squeeze %dma_wait3A_337 : memref<1x128x32xf32, #tpu.memory_space<vmem>> -> memref<128x32xf32, #tpu.memory_space<vmem>>
      tpu.wait_dma2 semaphore(%arg13 : memref<!tpu.dma_semaphore, #tpu.memory_space<semaphore_mem>>) src(%dma_wait3A_338 : memref<128x32xf32, #tpu.memory_space<vmem>>) dst(%dma_wait3A_334 : memref<128x32xf32, #tpu.memory_space<hbm>>)
      %dma_wait3A_339 = arith.constant 1 : i32
      %dma_wait3A_340 = arith.constant 0 : i32
      %dma_wait3A_341 = arith.constant 0 : i32
      %dma_wait3A_342 = tpu.memref_slice %arg9[%dma_wait3A_339, %dma_wait3A_340, %dma_wait3A_341] : memref<5x128x32xf32, #tpu.memory_space<vmem>> -> memref<1x128x32xf32, #tpu.memory_space<vmem>>
      %dma_wait3A_343 = tpu.memref_squeeze %dma_wait3A_342 : memref<1x128x32xf32, #tpu.memory_space<vmem>> -> memref<128x32xf32, #tpu.memory_space<vmem>>
      %dma_wait3A_344 = arith.constant 0 : i32
      %dma_wait3A_345 = tpu.memref_slice %arg6[%multiple_of3A_249, %dma_wait3A_344] : memref<102400x32xf32, #tpu.memory_space<hbm>> -> memref<128x32xf32, #tpu.memory_space<hbm>>
      %dma_wait3A_346 = arith.constant 0 : i32
      %dma_wait3A_347 = tpu.memref_slice %arg6[%multiple_of3A_249, %dma_wait3A_346] : memref<102400x32xf32, #tpu.memory_space<hbm>> -> memref<128x32xf32, #tpu.memory_space<hbm>>
      %dma_wait3A_348 = arith.constant 0 : i32
      %dma_wait3A_349 = arith.constant 0 : i32
      %dma_wait3A_350 = tpu.memref_slice %arg9[%dma_wait3A_339, %dma_wait3A_348, %dma_wait3A_349] : memref<5x128x32xf32, #tpu.memory_space<vmem>> -> memref<1x128x32xf32, #tpu.memory_space<vmem>>
      %dma_wait3A_351 = tpu.memref_squeeze %dma_wait3A_350 : memref<1x128x32xf32, #tpu.memory_space<vmem>> -> memref<128x32xf32, #tpu.memory_space<vmem>>
      tpu.wait_dma2 semaphore(%arg13 : memref<!tpu.dma_semaphore, #tpu.memory_space<semaphore_mem>>) src(%dma_wait3A_351 : memref<128x32xf32, #tpu.memory_space<vmem>>) dst(%dma_wait3A_347 : memref<128x32xf32, #tpu.memory_space<hbm>>)
      %dma_wait3A_352 = arith.constant 2 : i32
      %dma_wait3A_353 = arith.constant 0 : i32
      %dma_wait3A_354 = arith.constant 0 : i32
      %dma_wait3A_355 = tpu.memref_slice %arg9[%dma_wait3A_352, %dma_wait3A_353, %dma_wait3A_354] : memref<5x128x32xf32, #tpu.memory_space<vmem>> -> memref<1x128x32xf32, #tpu.memory_space<vmem>>
      %dma_wait3A_356 = tpu.memref_squeeze %dma_wait3A_355 : memref<1x128x32xf32, #tpu.memory_space<vmem>> -> memref<128x32xf32, #tpu.memory_space<vmem>>
      %dma_wait3A_357 = arith.constant 0 : i32
      %dma_wait3A_358 = tpu.memref_slice %arg6[%multiple_of3A_270, %dma_wait3A_357] : memref<102400x32xf32, #tpu.memory_space<hbm>> -> memref<128x32xf32, #tpu.memory_space<hbm>>
      %dma_wait3A_359 = arith.constant 0 : i32
      %dma_wait3A_360 = tpu.memref_slice %arg6[%multiple_of3A_270, %dma_wait3A_359] : memref<102400x32xf32, #tpu.memory_space<hbm>> -> memref<128x32xf32, #tpu.memory_space<hbm>>
      %dma_wait3A_361 = arith.constant 0 : i32
      %dma_wait3A_362 = arith.constant 0 : i32
      %dma_wait3A_363 = tpu.memref_slice %arg9[%dma_wait3A_352, %dma_wait3A_361, %dma_wait3A_362] : memref<5x128x32xf32, #tpu.memory_space<vmem>> -> memref<1x128x32xf32, #tpu.memory_space<vmem>>
      %dma_wait3A_364 = tpu.memref_squeeze %dma_wait3A_363 : memref<1x128x32xf32, #tpu.memory_space<vmem>> -> memref<128x32xf32, #tpu.memory_space<vmem>>
      tpu.wait_dma2 semaphore(%arg13 : memref<!tpu.dma_semaphore, #tpu.memory_space<semaphore_mem>>) src(%dma_wait3A_364 : memref<128x32xf32, #tpu.memory_space<vmem>>) dst(%dma_wait3A_360 : memref<128x32xf32, #tpu.memory_space<hbm>>)
      %dma_wait3A_365 = arith.constant 3 : i32
      %dma_wait3A_366 = arith.constant 0 : i32
      %dma_wait3A_367 = arith.constant 0 : i32
      %dma_wait3A_368 = tpu.memref_slice %arg9[%dma_wait3A_365, %dma_wait3A_366, %dma_wait3A_367] : memref<5x128x32xf32, #tpu.memory_space<vmem>> -> memref<1x128x32xf32, #tpu.memory_space<vmem>>
      %dma_wait3A_369 = tpu.memref_squeeze %dma_wait3A_368 : memref<1x128x32xf32, #tpu.memory_space<vmem>> -> memref<128x32xf32, #tpu.memory_space<vmem>>
      %dma_wait3A_370 = arith.constant 0 : i32
      %dma_wait3A_371 = tpu.memref_slice %arg6[%multiple_of3A_291, %dma_wait3A_370] : memref<102400x32xf32, #tpu.memory_space<hbm>> -> memref<128x32xf32, #tpu.memory_space<hbm>>
      %dma_wait3A_372 = arith.constant 0 : i32
      %dma_wait3A_373 = tpu.memref_slice %arg6[%multiple_of3A_291, %dma_wait3A_372] : memref<102400x32xf32, #tpu.memory_space<hbm>> -> memref<128x32xf32, #tpu.memory_space<hbm>>
      %dma_wait3A_374 = arith.constant 0 : i32
      %dma_wait3A_375 = arith.constant 0 : i32
      %dma_wait3A_376 = tpu.memref_slice %arg9[%dma_wait3A_365, %dma_wait3A_374, %dma_wait3A_375] : memref<5x128x32xf32, #tpu.memory_space<vmem>> -> memref<1x128x32xf32, #tpu.memory_space<vmem>>
      %dma_wait3A_377 = tpu.memref_squeeze %dma_wait3A_376 : memref<1x128x32xf32, #tpu.memory_space<vmem>> -> memref<128x32xf32, #tpu.memory_space<vmem>>
      tpu.wait_dma2 semaphore(%arg13 : memref<!tpu.dma_semaphore, #tpu.memory_space<semaphore_mem>>) src(%dma_wait3A_377 : memref<128x32xf32, #tpu.memory_space<vmem>>) dst(%dma_wait3A_373 : memref<128x32xf32, #tpu.memory_space<hbm>>)
      %dma_wait3A_378 = arith.constant 4 : i32
      %dma_wait3A_379 = arith.constant 0 : i32
      %dma_wait3A_380 = arith.constant 0 : i32
      %dma_wait3A_381 = tpu.memref_slice %arg9[%dma_wait3A_378, %dma_wait3A_379, %dma_wait3A_380] : memref<5x128x32xf32, #tpu.memory_space<vmem>> -> memref<1x128x32xf32, #tpu.memory_space<vmem>>
      %dma_wait3A_382 = tpu.memref_squeeze %dma_wait3A_381 : memref<1x128x32xf32, #tpu.memory_space<vmem>> -> memref<128x32xf32, #tpu.memory_space<vmem>>
      %dma_wait3A_383 = arith.constant 0 : i32
      %dma_wait3A_384 = tpu.memref_slice %arg6[%multiple_of3A_312, %dma_wait3A_383] : memref<102400x32xf32, #tpu.memory_space<hbm>> -> memref<128x32xf32, #tpu.memory_space<hbm>>
      %dma_wait3A_385 = arith.constant 0 : i32
      %dma_wait3A_386 = tpu.memref_slice %arg6[%multiple_of3A_312, %dma_wait3A_385] : memref<102400x32xf32, #tpu.memory_space<hbm>> -> memref<128x32xf32, #tpu.memory_space<hbm>>
      %dma_wait3A_387 = arith.constant 0 : i32
      %dma_wait3A_388 = arith.constant 0 : i32
      %dma_wait3A_389 = tpu.memref_slice %arg9[%dma_wait3A_378, %dma_wait3A_387, %dma_wait3A_388] : memref<5x128x32xf32, #tpu.memory_space<vmem>> -> memref<1x128x32xf32, #tpu.memory_space<vmem>>
      %dma_wait3A_390 = tpu.memref_squeeze %dma_wait3A_389 : memref<1x128x32xf32, #tpu.memory_space<vmem>> -> memref<128x32xf32, #tpu.memory_space<vmem>>
      tpu.wait_dma2 semaphore(%arg13 : memref<!tpu.dma_semaphore, #tpu.memory_space<semaphore_mem>>) src(%dma_wait3A_390 : memref<128x32xf32, #tpu.memory_space<vmem>>) dst(%dma_wait3A_386 : memref<128x32xf32, #tpu.memory_space<hbm>>)
    }
    %scan3A_43 = arith.constant 5 : i32
    %add3A_44 = arith.constant 3200 : i32
    %add3A_45 = arith.addi %mul3A_2, %add3A_44 : i32
    %multiple_of3A_46 = tpu.assume_multiple %add3A_45, 128 : i32
    %add3A_47 = arith.constant 3200 : i32
    %add3A_48 = arith.addi %add3A_37, %add3A_47 : i32
    %multiple_of3A_49 = tpu.assume_multiple %add3A_48, 128 : i32
    %run_scoped3A_50 = arith.constant 0 : i32
    "tpu.region"() ({
      %run_scoped3A_52 = tpu.sem_alloc : memref<!tpu.dma_semaphore, #tpu.memory_space<semaphore_mem>>
      %dma_start3A = arith.constant 0 : i32
      %dma_start3A_53 = arith.constant 0 : i32
      %dma_start3A_54 = tpu.memref_slice %arg9[%run_scoped3A_50, %dma_start3A, %dma_start3A_53] : memref<5x128x32xf32, #tpu.memory_space<vmem>> -> memref<1x128x32xf32, #tpu.memory_space<vmem>>
      %dma_start3A_55 = tpu.memref_squeeze %dma_start3A_54 : memref<1x128x32xf32, #tpu.memory_space<vmem>> -> memref<128x32xf32, #tpu.memory_space<vmem>>
      %dma_start3A_56 = arith.constant 0 : i32
      %dma_start3A_57 = tpu.memref_slice %arg10[%multiple_of3A_46, %dma_start3A_56] : memref<51200x32xf32, #tpu.memory_space<vmem_shared>> -> memref<128x32xf32, #tpu.memory_space<vmem_shared>>
      %dma_start3A_58 = arith.constant 0 : i32
      %dma_start3A_59 = arith.constant 0 : i32
      %dma_start3A_60 = tpu.memref_slice %arg9[%run_scoped3A_50, %dma_start3A_58, %dma_start3A_59] : memref<5x128x32xf32, #tpu.memory_space<vmem>> -> memref<1x128x32xf32, #tpu.memory_space<vmem>>
      %dma_start3A_61 = tpu.memref_squeeze %dma_start3A_60 : memref<1x128x32xf32, #tpu.memory_space<vmem>> -> memref<128x32xf32, #tpu.memory_space<vmem>>
      %dma_start3A_62 = arith.constant 0 : i32
      %dma_start3A_63 = tpu.memref_slice %arg10[%multiple_of3A_46, %dma_start3A_62] : memref<51200x32xf32, #tpu.memory_space<vmem_shared>> -> memref<128x32xf32, #tpu.memory_space<vmem_shared>>
      tpu.enqueue_dma source(%dma_start3A_63 : memref<128x32xf32, #tpu.memory_space<vmem_shared>>) target(%dma_start3A_61 : memref<128x32xf32, #tpu.memory_space<vmem>>) target_semaphore(%run_scoped3A_52 : memref<!tpu.dma_semaphore, #tpu.memory_space<semaphore_mem>>)
      %dma_wait3A = arith.constant 0 : i32
      %dma_wait3A_64 = arith.constant 0 : i32
      %dma_wait3A_65 = tpu.memref_slice %arg9[%run_scoped3A_50, %dma_wait3A, %dma_wait3A_64] : memref<5x128x32xf32, #tpu.memory_space<vmem>> -> memref<1x128x32xf32, #tpu.memory_space<vmem>>
      %dma_wait3A_66 = tpu.memref_squeeze %dma_wait3A_65 : memref<1x128x32xf32, #tpu.memory_space<vmem>> -> memref<128x32xf32, #tpu.memory_space<vmem>>
      %dma_wait3A_67 = arith.constant 0 : i32
      %dma_wait3A_68 = tpu.memref_slice %arg10[%multiple_of3A_46, %dma_wait3A_67] : memref<51200x32xf32, #tpu.memory_space<vmem_shared>> -> memref<128x32xf32, #tpu.memory_space<vmem_shared>>
      %dma_wait3A_69 = arith.constant 0 : i32
      %dma_wait3A_70 = arith.constant 0 : i32
      %dma_wait3A_71 = tpu.memref_slice %arg9[%run_scoped3A_50, %dma_wait3A_69, %dma_wait3A_70] : memref<5x128x32xf32, #tpu.memory_space<vmem>> -> memref<1x128x32xf32, #tpu.memory_space<vmem>>
      %dma_wait3A_72 = tpu.memref_squeeze %dma_wait3A_71 : memref<1x128x32xf32, #tpu.memory_space<vmem>> -> memref<128x32xf32, #tpu.memory_space<vmem>>
      %dma_wait3A_73 = arith.constant 0 : i32
      %dma_wait3A_74 = tpu.memref_slice %arg10[%multiple_of3A_46, %dma_wait3A_73] : memref<51200x32xf32, #tpu.memory_space<vmem_shared>> -> memref<128x32xf32, #tpu.memory_space<vmem_shared>>
      tpu.wait_dma2 semaphore(%run_scoped3A_52 : memref<!tpu.dma_semaphore, #tpu.memory_space<semaphore_mem>>) src(%dma_wait3A_74 : memref<128x32xf32, #tpu.memory_space<vmem_shared>>) dst(%dma_wait3A_72 : memref<128x32xf32, #tpu.memory_space<vmem>>)
      tpu.yield
    }) : () -> ()
    %run_scoped3A_51 = arith.constant 0 : i32
    "tpu.region"() ({
      %run_scoped3A_52 = tpu.sem_alloc : memref<!tpu.dma_semaphore, #tpu.memory_space<semaphore_mem>>
      %dma_start3A = arith.constant 0 : i32
      %dma_start3A_53 = arith.constant 0 : i32
      %dma_start3A_54 = tpu.memref_slice %arg9[%run_scoped3A_51, %dma_start3A, %dma_start3A_53] : memref<5x128x32xf32, #tpu.memory_space<vmem>> -> memref<1x128x32xf32, #tpu.memory_space<vmem>>
      %dma_start3A_55 = tpu.memref_squeeze %dma_start3A_54 : memref<1x128x32xf32, #tpu.memory_space<vmem>> -> memref<128x32xf32, #tpu.memory_space<vmem>>
      %dma_start3A_56 = arith.constant 0 : i32
      %dma_start3A_57 = tpu.memref_slice %arg6[%multiple_of3A_49, %dma_start3A_56] : memref<102400x32xf32, #tpu.memory_space<hbm>> -> memref<128x32xf32, #tpu.memory_space<hbm>>
      %dma_start3A_58 = arith.constant 0 : i32
      %dma_start3A_59 = tpu.memref_slice %arg6[%multiple_of3A_49, %dma_start3A_58] : memref<102400x32xf32, #tpu.memory_space<hbm>> -> memref<128x32xf32, #tpu.memory_space<hbm>>
      %dma_start3A_60 = arith.constant 0 : i32
      %dma_start3A_61 = arith.constant 0 : i32
      %dma_start3A_62 = tpu.memref_slice %arg9[%run_scoped3A_51, %dma_start3A_60, %dma_start3A_61] : memref<5x128x32xf32, #tpu.memory_space<vmem>> -> memref<1x128x32xf32, #tpu.memory_space<vmem>>
      %dma_start3A_63 = tpu.memref_squeeze %dma_start3A_62 : memref<1x128x32xf32, #tpu.memory_space<vmem>> -> memref<128x32xf32, #tpu.memory_space<vmem>>
      tpu.enqueue_dma source(%dma_start3A_63 : memref<128x32xf32, #tpu.memory_space<vmem>>) target(%dma_start3A_59 : memref<128x32xf32, #tpu.memory_space<hbm>>) target_semaphore(%run_scoped3A_52 : memref<!tpu.dma_semaphore, #tpu.memory_space<semaphore_mem>>)
      %dma_wait3A = arith.constant 0 : i32
      %dma_wait3A_64 = arith.constant 0 : i32
      %dma_wait3A_65 = tpu.memref_slice %arg9[%run_scoped3A_51, %dma_wait3A, %dma_wait3A_64] : memref<5x128x32xf32, #tpu.memory_space<vmem>> -> memref<1x128x32xf32, #tpu.memory_space<vmem>>
      %dma_wait3A_66 = tpu.memref_squeeze %dma_wait3A_65 : memref<1x128x32xf32, #tpu.memory_space<vmem>> -> memref<128x32xf32, #tpu.memory_space<vmem>>
      %dma_wait3A_67 = arith.constant 0 : i32
      %dma_wait3A_68 = tpu.memref_slice %arg6[%multiple_of3A_49, %dma_wait3A_67] : memref<102400x32xf32, #tpu.memory_space<hbm>> -> memref<128x32xf32, #tpu.memory_space<hbm>>
      %dma_wait3A_69 = arith.constant 0 : i32
      %dma_wait3A_70 = tpu.memref_slice %arg6[%multiple_of3A_49, %dma_wait3A_69] : memref<102400x32xf32, #tpu.memory_space<hbm>> -> memref<128x32xf32, #tpu.memory_space<hbm>>
      %dma_wait3A_71 = arith.constant 0 : i32
      %dma_wait3A_72 = arith.constant 0 : i32
      %dma_wait3A_73 = tpu.memref_slice %arg9[%run_scoped3A_51, %dma_wait3A_71, %dma_wait3A_72] : memref<5x128x32xf32, #tpu.memory_space<vmem>> -> memref<1x128x32xf32, #tpu.memory_space<vmem>>
      %dma_wait3A_74 = tpu.memref_squeeze %dma_wait3A_73 : memref<1x128x32xf32, #tpu.memory_space<vmem>> -> memref<128x32xf32, #tpu.memory_space<vmem>>
      tpu.wait_dma2 semaphore(%run_scoped3A_52 : memref<!tpu.dma_semaphore, #tpu.memory_space<semaphore_mem>>) src(%dma_wait3A_74 : memref<128x32xf32, #tpu.memory_space<vmem>>) dst(%dma_wait3A_70 : memref<128x32xf32, #tpu.memory_space<hbm>>)
      tpu.yield
    }) : () -> ()
    return
  }
}

module attributes {stable_mosaic.version = 14 : i64} {
  func.func @_transform1_body(%arg0: i32, %arg1: memref<2000x16xf32, #tpu.memory_space<vmem>>, %arg2: memref<4x16x32xf32, #tpu.memory_space<vmem>>, %arg3: memref<4x2000x32xf32, #tpu.memory_space<vmem>>) attributes {dimension_semantics = [#tpu.dimension_semantics<arbitrary>], iteration_bounds = array<i64: 25>, scalar_prefetch = 0 : i64, scratch_operands = 0 : i64, tpu.core_type = #tpu.core_type<tc>, window_params = [{transform_indices = @transform_0, window_bounds = array<i64: 2000, 16>}, {pipeline_mode = #tpu.pipeline_mode<synchronous>, transform_indices = @transform_1, window_bounds = array<i64: 4, 16, 32>}, {transform_indices = @transform_2, window_bounds = array<i64: 4, 2000, 32>}]} {
    %get3A = arith.constant 0 : index
    %get3A_0 = arith.constant 0 : index
    %get3A_1 = vector.load %arg1[%get3A, %get3A_0] : memref<2000x16xf32, #tpu.memory_space<vmem>>, vector<2000x16xf32>
    %get3A_2 = arith.constant 0 : index
    %get3A_3 = arith.constant 0 : index
    %get3A_4 = arith.constant 0 : index
    %get3A_5 = vector.load %arg2[%get3A_2, %get3A_3, %get3A_4] : memref<4x16x32xf32, #tpu.memory_space<vmem>>, vector<1x16x32xf32>
    %get3A_6 = vector.shape_cast %get3A_5 : vector<1x16x32xf32> to vector<16x32xf32>
    %dot_general3A = arith.constant dense<0.000000e+00> : vector<2000x32xf32>
    %dot_general3A_7 = tpu.matmul %get3A_1, %get3A_6, %dot_general3A {dimension_numbers = #tpu.dot_dimension_numbers<[1], [0], [0], [1], [0, 0, 1, 1], [], []>, transpose_lhs_hint = false} : vector<2000x16xf32>, vector<16x32xf32>, vector<2000x32xf32> -> vector<2000x32xf32>
    %swap3A = arith.constant 0 : index
    %swap3A_8 = arith.constant 0 : index
    %swap3A_9 = arith.constant 0 : index
    %swap3A_10 = vector.load %arg3[%swap3A, %swap3A_8, %swap3A_9] : memref<4x2000x32xf32, #tpu.memory_space<vmem>>, vector<1x2000x32xf32>
    %swap3A_11 = vector.shape_cast %swap3A_10 : vector<1x2000x32xf32> to vector<2000x32xf32>
    %swap3A_12 = vector.shape_cast %dot_general3A_7 : vector<2000x32xf32> to vector<1x2000x32xf32>
    tpu.vector_store %arg3[%swap3A, %swap3A_8, %swap3A_9], %swap3A_12 {strides = array<i32>} : memref<4x2000x32xf32, #tpu.memory_space<vmem>>, vector<1x2000x32xf32>,
    %get3A_13 = arith.constant 1 : index
    %get3A_14 = arith.constant 0 : index
    %get3A_15 = arith.constant 0 : index
    %get3A_16 = vector.load %arg2[%get3A_13, %get3A_14, %get3A_15] : memref<4x16x32xf32, #tpu.memory_space<vmem>>, vector<1x16x32xf32>
    %get3A_17 = vector.shape_cast %get3A_16 : vector<1x16x32xf32> to vector<16x32xf32>
    %dot_general3A_18 = arith.constant dense<0.000000e+00> : vector<2000x32xf32>
    %dot_general3A_19 = tpu.matmul %get3A_1, %get3A_17, %dot_general3A_18 {dimension_numbers = #tpu.dot_dimension_numbers<[1], [0], [0], [1], [0, 0, 1, 1], [], []>, transpose_lhs_hint = false} : vector<2000x16xf32>, vector<16x32xf32>, vector<2000x32xf32> -> vector<2000x32xf32>
    %swap3A_20 = arith.constant 1 : index
    %swap3A_21 = arith.constant 0 : index
    %swap3A_22 = arith.constant 0 : index
    %swap3A_23 = vector.load %arg3[%swap3A_20, %swap3A_21, %swap3A_22] : memref<4x2000x32xf32, #tpu.memory_space<vmem>>, vector<1x2000x32xf32>
    %swap3A_24 = vector.shape_cast %swap3A_23 : vector<1x2000x32xf32> to vector<2000x32xf32>
    %swap3A_25 = vector.shape_cast %dot_general3A_19 : vector<2000x32xf32> to vector<1x2000x32xf32>
    tpu.vector_store %arg3[%swap3A_20, %swap3A_21, %swap3A_22], %swap3A_25 {strides = array<i32>} : memref<4x2000x32xf32, #tpu.memory_space<vmem>>, vector<1x2000x32xf32>,
    %get3A_26 = arith.constant 2 : index
    %get3A_27 = arith.constant 0 : index
    %get3A_28 = arith.constant 0 : index
    %get3A_29 = vector.load %arg2[%get3A_26, %get3A_27, %get3A_28] : memref<4x16x32xf32, #tpu.memory_space<vmem>>, vector<1x16x32xf32>
    %get3A_30 = vector.shape_cast %get3A_29 : vector<1x16x32xf32> to vector<16x32xf32>
    %dot_general3A_31 = arith.constant dense<0.000000e+00> : vector<2000x32xf32>
    %dot_general3A_32 = tpu.matmul %get3A_1, %get3A_30, %dot_general3A_31 {dimension_numbers = #tpu.dot_dimension_numbers<[1], [0], [0], [1], [0, 0, 1, 1], [], []>, transpose_lhs_hint = false} : vector<2000x16xf32>, vector<16x32xf32>, vector<2000x32xf32> -> vector<2000x32xf32>
    %swap3A_33 = arith.constant 2 : index
    %swap3A_34 = arith.constant 0 : index
    %swap3A_35 = arith.constant 0 : index
    %swap3A_36 = vector.load %arg3[%swap3A_33, %swap3A_34, %swap3A_35] : memref<4x2000x32xf32, #tpu.memory_space<vmem>>, vector<1x2000x32xf32>
    %swap3A_37 = vector.shape_cast %swap3A_36 : vector<1x2000x32xf32> to vector<2000x32xf32>
    %swap3A_38 = vector.shape_cast %dot_general3A_32 : vector<2000x32xf32> to vector<1x2000x32xf32>
    tpu.vector_store %arg3[%swap3A_33, %swap3A_34, %swap3A_35], %swap3A_38 {strides = array<i32>} : memref<4x2000x32xf32, #tpu.memory_space<vmem>>, vector<1x2000x32xf32>,
    %get3A_39 = arith.constant 3 : index
    %get3A_40 = arith.constant 0 : index
    %get3A_41 = arith.constant 0 : index
    %get3A_42 = vector.load %arg2[%get3A_39, %get3A_40, %get3A_41] : memref<4x16x32xf32, #tpu.memory_space<vmem>>, vector<1x16x32xf32>
    %get3A_43 = vector.shape_cast %get3A_42 : vector<1x16x32xf32> to vector<16x32xf32>
    %dot_general3A_44 = arith.constant dense<0.000000e+00> : vector<2000x32xf32>
    %dot_general3A_45 = tpu.matmul %get3A_1, %get3A_43, %dot_general3A_44 {dimension_numbers = #tpu.dot_dimension_numbers<[1], [0], [0], [1], [0, 0, 1, 1], [], []>, transpose_lhs_hint = false} : vector<2000x16xf32>, vector<16x32xf32>, vector<2000x32xf32> -> vector<2000x32xf32>
    %swap3A_46 = arith.constant 3 : index
    %swap3A_47 = arith.constant 0 : index
    %swap3A_48 = arith.constant 0 : index
    %swap3A_49 = vector.load %arg3[%swap3A_46, %swap3A_47, %swap3A_48] : memref<4x2000x32xf32, #tpu.memory_space<vmem>>, vector<1x2000x32xf32>
    %swap3A_50 = vector.shape_cast %swap3A_49 : vector<1x2000x32xf32> to vector<2000x32xf32>
    %swap3A_51 = vector.shape_cast %dot_general3A_45 : vector<2000x32xf32> to vector<1x2000x32xf32>
    tpu.vector_store %arg3[%swap3A_46, %swap3A_47, %swap3A_48], %swap3A_51 {strides = array<i32>} : memref<4x2000x32xf32, #tpu.memory_space<vmem>>, vector<1x2000x32xf32>,
    return
  }
  func.func @transform_0(%arg0: i32) -> (i32, i32) {
    %c0_i32 = arith.constant 0 : i32
    %c0_i32_0 = arith.constant 0 : i32
    return %arg0, %c0_i32 : i32, i32
  }
  func.func @transform_1(%arg0: i32) -> (i32, i32, i32) {
    %c0_i32 = arith.constant 0 : i32
    %c0_i32_0 = arith.constant 0 : i32
    %c0_i32_1 = arith.constant 0 : i32
    %c0_i32_2 = arith.constant 0 : i32
    return %c0_i32, %c0_i32_0, %c0_i32_1 : i32, i32, i32
  }
  func.func @transform_2(%arg0: i32) -> (i32, i32, i32) {
    %c0_i32 = arith.constant 0 : i32
    %c0_i32_0 = arith.constant 0 : i32
    %c0_i32_1 = arith.constant 0 : i32
    return %c0_i32, %arg0, %c0_i32_0 : i32, i32, i32
  }
}

module attributes {stable_mosaic.version = 14 : i64} {
  func.func @_prep_body(%arg0: i32, %arg1: memref<6250x128xi32, #tpu.memory_space<vmem>>, %arg2: memref<6250x128xi32, #tpu.memory_space<vmem>>, %arg3: memref<6250x128xi32, #tpu.memory_space<vmem>>, %arg4: memref<6400x128xi32, #tpu.memory_space<vmem>>, %arg5: memref<6400x128xi32, #tpu.memory_space<vmem>>) attributes {dimension_semantics = [#tpu.dimension_semantics<arbitrary>], iteration_bounds = array<i64: 1>, scalar_prefetch = 0 : i64, scratch_operands = 0 : i64, tpu.core_type = #tpu.core_type<tc>, window_params = [{transform_indices = @transform_0, window_bounds = array<i64: 6250, 128>}, {transform_indices = @transform_1, window_bounds = array<i64: 6250, 128>}, {transform_indices = @transform_2, window_bounds = array<i64: 6250, 128>}, {transform_indices = @transform_3, window_bounds = array<i64: 6400, 128>}, {transform_indices = @transform_4, window_bounds = array<i64: 6400, 128>}]} {
    %get3A = arith.constant 0 : index
    %get3A_0 = arith.constant 0 : index
    %get3A_1 = vector.load %arg3[%get3A, %get3A_0] : memref<6250x128xi32, #tpu.memory_space<vmem>>, vector<6250x128xi32>
    %mul3A = arith.constant 50000 : i32
    %mul3A_2 = vector.broadcast %mul3A : i32 to vector<6250x128xi32>
    %mul3A_3 = arith.muli %get3A_1, %mul3A_2 : vector<6250x128xi32>
    %get3A_4 = arith.constant 0 : index
    %get3A_5 = arith.constant 0 : index
    %get3A_6 = vector.load %arg1[%get3A_4, %get3A_5] : memref<6250x128xi32, #tpu.memory_space<vmem>>, vector<6250x128xi32>
    %add3A = arith.addi %mul3A_3, %get3A_6 : vector<6250x128xi32>
    %broadcast_in_dim3A = arith.constant 0 : i32
    %broadcast_in_dim3A_7 = vector.broadcast %broadcast_in_dim3A : i32 to vector<150x128xi32>
    %iota3A = tpu.iota {dimensions = array<i32: 0>} : vector<150x128xi32>
    %mul3A_8 = arith.constant 128 : i32
    %mul3A_9 = vector.broadcast %mul3A_8 : i32 to vector<150x128xi32>
    %mul3A_10 = arith.muli %iota3A, %mul3A_9 : vector<150x128xi32>
    %iota3A_11 = tpu.iota {dimensions = array<i32: 1>} : vector<150x128xi32>
    %add3A_12 = arith.addi %mul3A_10, %iota3A_11 : vector<150x128xi32>
    %jit3A = arith.constant 1200 : i32
    %eq3A = arith.constant 0 : i32
    %eq3A_13 = arith.cmpi eq, %jit3A, %eq3A : i32
    %jit3A_14 = arith.constant 1 : i32
    %select_n3A = arith.select %eq3A_13, %jit3A_14, %jit3A : i32
    %rem3A = vector.broadcast %select_n3A : i32 to vector<150x128xi32>
    %rem3A_15 = arith.remsi %add3A_12, %rem3A : vector<150x128xi32>
    %ne3A = arith.constant 0 : i32
    %ne3A_16 = vector.broadcast %ne3A : i32 to vector<150x128xi32>
    %ne3A_17 = arith.cmpi ne, %rem3A_15, %ne3A_16 : vector<150x128xi32>
    %lt3A = arith.constant 0 : i32
    %lt3A_18 = vector.broadcast %lt3A : i32 to vector<150x128xi32>
    %lt3A_19 = arith.cmpi slt, %rem3A_15, %lt3A_18 : vector<150x128xi32>
    %lt3A_20 = arith.constant 0 : i32
    %lt3A_21 = arith.cmpi slt, %select_n3A, %lt3A_20 : i32
    %ne3A_22 = vector.broadcast %lt3A_21 : i1 to vector<150x128xi1>
    %ne3A_23 = vector.broadcast %ne3A_22 : vector<150x128xi1> to vector<150x128xi1>
    %ne3A_24 = arith.xori %lt3A_19, %ne3A_23 : vector<150x128xi1>
    %and3A = arith.andi %ne3A_24, %ne3A_17 : vector<150x128xi1>
    %add3A_25 = vector.broadcast %select_n3A : i32 to vector<150x128xi32>
    %add3A_26 = arith.addi %rem3A_15, %add3A_25 : vector<150x128xi32>
    %select_n3A_27 = arith.select %and3A, %add3A_26, %rem3A_15 : vector<150x128xi1>, vector<150x128xi32>
    %add3A_28 = arith.constant 50000 : i32
    %add3A_29 = vector.broadcast %add3A_28 : i32 to vector<150x128xi32>
    %add3A_30 = arith.addi %add3A_29, %select_n3A_27 : vector<150x128xi32>
    %concatenate3A = tpu.concatenate %add3A, %broadcast_in_dim3A_7 in 0 : vector<6250x128xi32>, vector<150x128xi32> -> vector<6400x128xi32>
    %swap3A = arith.constant 0 : index
    %swap3A_31 = arith.constant 0 : index
    %swap3A_32 = vector.load %arg4[%swap3A, %swap3A_31] : memref<6400x128xi32, #tpu.memory_space<vmem>>, vector<6400x128xi32>
    tpu.vector_store %arg4[%swap3A, %swap3A_31], %concatenate3A {strides = array<i32>} : memref<6400x128xi32, #tpu.memory_space<vmem>>, vector<6400x128xi32>,
    %get3A_33 = arith.constant 0 : index
    %get3A_34 = arith.constant 0 : index
    %get3A_35 = vector.load %arg2[%get3A_33, %get3A_34] : memref<6250x128xi32, #tpu.memory_space<vmem>>, vector<6250x128xi32>
    %concatenate3A_36 = tpu.concatenate %get3A_35, %add3A_30 in 0 : vector<6250x128xi32>, vector<150x128xi32> -> vector<6400x128xi32>
    %swap3A_37 = arith.constant 0 : index
    %swap3A_38 = arith.constant 0 : index
    %swap3A_39 = vector.load %arg5[%swap3A_37, %swap3A_38] : memref<6400x128xi32, #tpu.memory_space<vmem>>, vector<6400x128xi32>
    tpu.vector_store %arg5[%swap3A_37, %swap3A_38], %concatenate3A_36 {strides = array<i32>} : memref<6400x128xi32, #tpu.memory_space<vmem>>, vector<6400x128xi32>,
    return
  }
  func.func @transform_0(%arg0: i32) -> (i32, i32) {
    %c0_i32 = arith.constant 0 : i32
    %c0_i32_0 = arith.constant 0 : i32
    return %arg0, %c0_i32 : i32, i32
  }
  func.func @transform_1(%arg0: i32) -> (i32, i32) {
    %c0_i32 = arith.constant 0 : i32
    %c0_i32_0 = arith.constant 0 : i32
    return %arg0, %c0_i32 : i32, i32
  }
  func.func @transform_2(%arg0: i32) -> (i32, i32) {
    %c0_i32 = arith.constant 0 : i32
    %c0_i32_0 = arith.constant 0 : i32
    return %arg0, %c0_i32 : i32, i32
  }
  func.func @transform_3(%arg0: i32) -> (i32, i32) {
    %c0_i32 = arith.constant 0 : i32
    %c0_i32_0 = arith.constant 0 : i32
    return %arg0, %c0_i32 : i32, i32
  }
  func.func @transform_4(%arg0: i32) -> (i32, i32) {
    %c0_i32 = arith.constant 0 : i32
    %c0_i32_0 = arith.constant 0 : i32
    return %arg0, %c0_i32 : i32, i32
  }
}

module attributes {stable_mosaic.version = 14 : i64} {
  func.func @_mid_body(%arg0: i32, %arg1: memref<1x2000x32xf32, #tpu.memory_space<vmem>>, %arg2: memref<1x2000x32xf32, #tpu.memory_space<vmem>>, %arg3: memref<2000x16xf32, #tpu.memory_space<vmem>>, %arg4: memref<16x32xf32, #tpu.memory_space<vmem>>, %arg5: memref<1x32xf32, #tpu.memory_space<vmem>>, %arg6: memref<4x32x32xf32, #tpu.memory_space<vmem>>, %arg7: memref<2000x32xf32, #tpu.memory_space<vmem>>, %arg8: memref<4x2000x32xf32, #tpu.memory_space<vmem>>) attributes {dimension_semantics = [#tpu.dimension_semantics<arbitrary>], iteration_bounds = array<i64: 25>, scalar_prefetch = 0 : i64, scratch_operands = 0 : i64, tpu.core_type = #tpu.core_type<tc>, window_params = [{transform_indices = @transform_0, window_bounds = array<i64: 1, 2000, 32>}, {transform_indices = @transform_1, window_bounds = array<i64: 1, 2000, 32>}, {transform_indices = @transform_2, window_bounds = array<i64: 2000, 16>}, {pipeline_mode = #tpu.pipeline_mode<synchronous>, transform_indices = @transform_3, window_bounds = array<i64: 16, 32>}, {pipeline_mode = #tpu.pipeline_mode<synchronous>, transform_indices = @transform_4, window_bounds = array<i64: 1, 32>}, {pipeline_mode = #tpu.pipeline_mode<synchronous>, transform_indices = @transform_5, window_bounds = array<i64: 4, 32, 32>}, {transform_indices = @transform_6, window_bounds = array<i64: 2000, 32>}, {transform_indices = @transform_7, window_bounds = array<i64: 4, 2000, 32>}]} {
    %get3A = arith.constant 0 : index
    %get3A_0 = arith.constant 0 : index
    %get3A_1 = arith.constant 0 : index
    %get3A_2 = vector.load %arg1[%get3A, %get3A_0, %get3A_1] : memref<1x2000x32xf32, #tpu.memory_space<vmem>>, vector<1x2000x32xf32>
    %get3A_3 = vector.shape_cast %get3A_2 : vector<1x2000x32xf32> to vector<2000x32xf32>
    %get3A_4 = arith.constant 0 : index
    %get3A_5 = arith.constant 0 : index
    %get3A_6 = arith.constant 0 : index
    %get3A_7 = vector.load %arg2[%get3A_4, %get3A_5, %get3A_6] : memref<1x2000x32xf32, #tpu.memory_space<vmem>>, vector<1x2000x32xf32>
    %get3A_8 = vector.shape_cast %get3A_7 : vector<1x2000x32xf32> to vector<2000x32xf32>
    %add3A = arith.addf %get3A_3, %get3A_8 : vector<2000x32xf32>
    %get3A_9 = arith.constant 0 : index
    %get3A_10 = arith.constant 0 : index
    %get3A_11 = vector.load %arg3[%get3A_9, %get3A_10] : memref<2000x16xf32, #tpu.memory_space<vmem>>, vector<2000x16xf32>
    %get3A_12 = arith.constant 0 : index
    %get3A_13 = arith.constant 0 : index
    %get3A_14 = vector.load %arg4[%get3A_12, %get3A_13] : memref<16x32xf32, #tpu.memory_space<vmem>>, vector<16x32xf32>
    %dot_general3A = arith.constant dense<0.000000e+00> : vector<2000x32xf32>
    %dot_general3A_15 = tpu.matmul %get3A_11, %get3A_14, %dot_general3A {dimension_numbers = #tpu.dot_dimension_numbers<[1], [0], [0], [1], [0, 0, 1, 1], [], []>, transpose_lhs_hint = false} : vector<2000x16xf32>, vector<16x32xf32>, vector<2000x32xf32> -> vector<2000x32xf32>
    %add3A_16 = arith.addf %add3A, %dot_general3A_15 : vector<2000x32xf32>
    %get3A_17 = arith.constant 0 : index
    %get3A_18 = arith.constant 0 : index
    %get3A_19 = vector.load %arg5[%get3A_17, %get3A_18] : memref<1x32xf32, #tpu.memory_space<vmem>>, vector<1x32xf32>
    %add3A_20 = vector.broadcast %get3A_19 : vector<1x32xf32> to vector<2000x32xf32>
    %add3A_21 = arith.addf %add3A_16, %add3A_20 : vector<2000x32xf32>
    %tanh3A = math.tanh %add3A_21 : vector<2000x32xf32>
    %swap3A = arith.constant 0 : index
    %swap3A_22 = arith.constant 0 : index
    %swap3A_23 = vector.load %arg7[%swap3A, %swap3A_22] : memref<2000x32xf32, #tpu.memory_space<vmem>>, vector<2000x32xf32>
    tpu.vector_store %arg7[%swap3A, %swap3A_22], %tanh3A {strides = array<i32>} : memref<2000x32xf32, #tpu.memory_space<vmem>>, vector<2000x32xf32>,
    %get3A_24 = arith.constant 0 : index
    %get3A_25 = arith.constant 0 : index
    %get3A_26 = arith.constant 0 : index
    %get3A_27 = vector.load %arg6[%get3A_24, %get3A_25, %get3A_26] : memref<4x32x32xf32, #tpu.memory_space<vmem>>, vector<1x32x32xf32>
    %get3A_28 = vector.shape_cast %get3A_27 : vector<1x32x32xf32> to vector<32x32xf32>
    %dot_general3A_29 = arith.constant dense<0.000000e+00> : vector<2000x32xf32>
    %dot_general3A_30 = tpu.matmul %tanh3A, %get3A_28, %dot_general3A_29 {dimension_numbers = #tpu.dot_dimension_numbers<[1], [0], [0], [1], [0, 0, 1, 1], [], []>, transpose_lhs_hint = false} : vector<2000x32xf32>, vector<32x32xf32>, vector<2000x32xf32> -> vector<2000x32xf32>
    %swap3A_31 = arith.constant 0 : index
    %swap3A_32 = arith.constant 0 : index
    %swap3A_33 = arith.constant 0 : index
    %swap3A_34 = vector.load %arg8[%swap3A_31, %swap3A_32, %swap3A_33] : memref<4x2000x32xf32, #tpu.memory_space<vmem>>, vector<1x2000x32xf32>
    %swap3A_35 = vector.shape_cast %swap3A_34 : vector<1x2000x32xf32> to vector<2000x32xf32>
    %swap3A_36 = vector.shape_cast %dot_general3A_30 : vector<2000x32xf32> to vector<1x2000x32xf32>
    tpu.vector_store %arg8[%swap3A_31, %swap3A_32, %swap3A_33], %swap3A_36 {strides = array<i32>} : memref<4x2000x32xf32, #tpu.memory_space<vmem>>, vector<1x2000x32xf32>,
    %get3A_37 = arith.constant 1 : index
    %get3A_38 = arith.constant 0 : index
    %get3A_39 = arith.constant 0 : index
    %get3A_40 = vector.load %arg6[%get3A_37, %get3A_38, %get3A_39] : memref<4x32x32xf32, #tpu.memory_space<vmem>>, vector<1x32x32xf32>
    %get3A_41 = vector.shape_cast %get3A_40 : vector<1x32x32xf32> to vector<32x32xf32>
    %dot_general3A_42 = arith.constant dense<0.000000e+00> : vector<2000x32xf32>
    %dot_general3A_43 = tpu.matmul %tanh3A, %get3A_41, %dot_general3A_42 {dimension_numbers = #tpu.dot_dimension_numbers<[1], [0], [0], [1], [0, 0, 1, 1], [], []>, transpose_lhs_hint = false} : vector<2000x32xf32>, vector<32x32xf32>, vector<2000x32xf32> -> vector<2000x32xf32>
    %swap3A_44 = arith.constant 1 : index
    %swap3A_45 = arith.constant 0 : index
    %swap3A_46 = arith.constant 0 : index
    %swap3A_47 = vector.load %arg8[%swap3A_44, %swap3A_45, %swap3A_46] : memref<4x2000x32xf32, #tpu.memory_space<vmem>>, vector<1x2000x32xf32>
    %swap3A_48 = vector.shape_cast %swap3A_47 : vector<1x2000x32xf32> to vector<2000x32xf32>
    %swap3A_49 = vector.shape_cast %dot_general3A_43 : vector<2000x32xf32> to vector<1x2000x32xf32>
    tpu.vector_store %arg8[%swap3A_44, %swap3A_45, %swap3A_46], %swap3A_49 {strides = array<i32>} : memref<4x2000x32xf32, #tpu.memory_space<vmem>>, vector<1x2000x32xf32>,
    %get3A_50 = arith.constant 2 : index
    %get3A_51 = arith.constant 0 : index
    %get3A_52 = arith.constant 0 : index
    %get3A_53 = vector.load %arg6[%get3A_50, %get3A_51, %get3A_52] : memref<4x32x32xf32, #tpu.memory_space<vmem>>, vector<1x32x32xf32>
    %get3A_54 = vector.shape_cast %get3A_53 : vector<1x32x32xf32> to vector<32x32xf32>
    %dot_general3A_55 = arith.constant dense<0.000000e+00> : vector<2000x32xf32>
    %dot_general3A_56 = tpu.matmul %tanh3A, %get3A_54, %dot_general3A_55 {dimension_numbers = #tpu.dot_dimension_numbers<[1], [0], [0], [1], [0, 0, 1, 1], [], []>, transpose_lhs_hint = false} : vector<2000x32xf32>, vector<32x32xf32>, vector<2000x32xf32> -> vector<2000x32xf32>
    %swap3A_57 = arith.constant 2 : index
    %swap3A_58 = arith.constant 0 : index
    %swap3A_59 = arith.constant 0 : index
    %swap3A_60 = vector.load %arg8[%swap3A_57, %swap3A_58, %swap3A_59] : memref<4x2000x32xf32, #tpu.memory_space<vmem>>, vector<1x2000x32xf32>
    %swap3A_61 = vector.shape_cast %swap3A_60 : vector<1x2000x32xf32> to vector<2000x32xf32>
    %swap3A_62 = vector.shape_cast %dot_general3A_56 : vector<2000x32xf32> to vector<1x2000x32xf32>
    tpu.vector_store %arg8[%swap3A_57, %swap3A_58, %swap3A_59], %swap3A_62 {strides = array<i32>} : memref<4x2000x32xf32, #tpu.memory_space<vmem>>, vector<1x2000x32xf32>,
    %get3A_63 = arith.constant 3 : index
    %get3A_64 = arith.constant 0 : index
    %get3A_65 = arith.constant 0 : index
    %get3A_66 = vector.load %arg6[%get3A_63, %get3A_64, %get3A_65] : memref<4x32x32xf32, #tpu.memory_space<vmem>>, vector<1x32x32xf32>
    %get3A_67 = vector.shape_cast %get3A_66 : vector<1x32x32xf32> to vector<32x32xf32>
    %dot_general3A_68 = arith.constant dense<0.000000e+00> : vector<2000x32xf32>
    %dot_general3A_69 = tpu.matmul %tanh3A, %get3A_67, %dot_general3A_68 {dimension_numbers = #tpu.dot_dimension_numbers<[1], [0], [0], [1], [0, 0, 1, 1], [], []>, transpose_lhs_hint = false} : vector<2000x32xf32>, vector<32x32xf32>, vector<2000x32xf32> -> vector<2000x32xf32>
    %swap3A_70 = arith.constant 3 : index
    %swap3A_71 = arith.constant 0 : index
    %swap3A_72 = arith.constant 0 : index
    %swap3A_73 = vector.load %arg8[%swap3A_70, %swap3A_71, %swap3A_72] : memref<4x2000x32xf32, #tpu.memory_space<vmem>>, vector<1x2000x32xf32>
    %swap3A_74 = vector.shape_cast %swap3A_73 : vector<1x2000x32xf32> to vector<2000x32xf32>
    %swap3A_75 = vector.shape_cast %dot_general3A_69 : vector<2000x32xf32> to vector<1x2000x32xf32>
    tpu.vector_store %arg8[%swap3A_70, %swap3A_71, %swap3A_72], %swap3A_75 {strides = array<i32>} : memref<4x2000x32xf32, #tpu.memory_space<vmem>>, vector<1x2000x32xf32>,
    return
  }
  func.func @transform_0(%arg0: i32) -> (i32, i32, i32) {
    %c0_i32 = arith.constant 0 : i32
    %c0_i32_0 = arith.constant 0 : i32
    %c0_i32_1 = arith.constant 0 : i32
    return %c0_i32, %arg0, %c0_i32_0 : i32, i32, i32
  }
  func.func @transform_1(%arg0: i32) -> (i32, i32, i32) {
    %c1_i32 = arith.constant 1 : i32
    %c0_i32 = arith.constant 0 : i32
    %c0_i32_0 = arith.constant 0 : i32
    return %c1_i32, %arg0, %c0_i32 : i32, i32, i32
  }
  func.func @transform_2(%arg0: i32) -> (i32, i32) {
    %c0_i32 = arith.constant 0 : i32
    %c0_i32_0 = arith.constant 0 : i32
    return %arg0, %c0_i32 : i32, i32
  }
  func.func @transform_3(%arg0: i32) -> (i32, i32) {
    %c0_i32 = arith.constant 0 : i32
    %c0_i32_0 = arith.constant 0 : i32
    %c0_i32_1 = arith.constant 0 : i32
    return %c0_i32, %c0_i32_0 : i32, i32
  }
  func.func @transform_4(%arg0: i32) -> (i32, i32) {
    %c0_i32 = arith.constant 0 : i32
    %c0_i32_0 = arith.constant 0 : i32
    %c0_i32_1 = arith.constant 0 : i32
    return %c0_i32, %c0_i32_0 : i32, i32
  }
  func.func @transform_5(%arg0: i32) -> (i32, i32, i32) {
    %c0_i32 = arith.constant 0 : i32
    %c0_i32_0 = arith.constant 0 : i32
    %c0_i32_1 = arith.constant 0 : i32
    %c0_i32_2 = arith.constant 0 : i32
    return %c0_i32, %c0_i32_0, %c0_i32_1 : i32, i32, i32
  }
  func.func @transform_6(%arg0: i32) -> (i32, i32) {
    %c0_i32 = arith.constant 0 : i32
    %c0_i32_0 = arith.constant 0 : i32
    return %arg0, %c0_i32 : i32, i32
  }
  func.func @transform_7(%arg0: i32) -> (i32, i32, i32) {
    %c0_i32 = arith.constant 0 : i32
    %c0_i32_0 = arith.constant 0 : i32
    %c0_i32_1 = arith.constant 0 : i32
    return %c0_i32, %arg0, %c0_i32_0 : i32, i32, i32
  }
}

module attributes {stable_mosaic.version = 14 : i64} {
  func.func @_head_body(%arg0: i32, %arg1: memref<1x2000x32xf32, #tpu.memory_space<vmem>>, %arg2: memref<1x2000x32xf32, #tpu.memory_space<vmem>>, %arg3: memref<2000x32xf32, #tpu.memory_space<vmem>>, %arg4: memref<2000x16xf32, #tpu.memory_space<vmem>>, %arg5: memref<32x32xf32, #tpu.memory_space<vmem>>, %arg6: memref<1x32xf32, #tpu.memory_space<vmem>>, %arg7: memref<16x64xf32, #tpu.memory_space<vmem>>, %arg8: memref<32x64xf32, #tpu.memory_space<vmem>>, %arg9: memref<1x64xf32, #tpu.memory_space<vmem>>, %arg10: memref<64x32xf32, #tpu.memory_space<vmem>>, %arg11: memref<1x32xf32, #tpu.memory_space<vmem>>, %arg12: memref<16x64xf32, #tpu.memory_space<vmem>>, %arg13: memref<32x64xf32, #tpu.memory_space<vmem>>, %arg14: memref<1x64xf32, #tpu.memory_space<vmem>>, %arg15: memref<64x32xf32, #tpu.memory_space<vmem>>, %arg16: memref<1x32xf32, #tpu.memory_space<vmem>>, %arg17: memref<32x64xf32, #tpu.memory_space<vmem>>, %arg18: memref<1x64xf32, #tpu.memory_space<vmem>>, %arg19: memref<64x1xf32, #tpu.memory_space<vmem>>, %arg20: memref<1x1xf32, #tpu.memory_space<vmem>>, %arg21: memref<1x1xf32, #tpu.memory_space<vmem>>, %arg22: memref<8x128xf32, #tpu.memory_space<vmem>>) attributes {dimension_semantics = [#tpu.dimension_semantics<arbitrary>], iteration_bounds = array<i64: 25>, scalar_prefetch = 0 : i64, scratch_operands = 1 : i64, tpu.core_type = #tpu.core_type<tc>, window_params = [{transform_indices = @transform_0, window_bounds = array<i64: 1, 2000, 32>}, {transform_indices = @transform_1, window_bounds = array<i64: 1, 2000, 32>}, {transform_indices = @transform_2, window_bounds = array<i64: 2000, 32>}, {transform_indices = @transform_3, window_bounds = array<i64: 2000, 16>}, {pipeline_mode = #tpu.pipeline_mode<synchronous>, transform_indices = @transform_4, window_bounds = array<i64: 32, 32>}, {pipeline_mode = #tpu.pipeline_mode<synchronous>, transform_indices = @transform_5, window_bounds = array<i64: 1, 32>}, {pipeline_mode = #tpu.pipeline_mode<synchronous>, transform_indices = @transform_6, window_bounds = array<i64: 16, 64>}, {pipeline_mode = #tpu.pipeline_mode<synchronous>, transform_indices = @transform_7, window_bounds = array<i64: 32, 64>}, {pipeline_mode = #tpu.pipeline_mode<synchronous>, transform_indices = @transform_8, window_bounds = array<i64: 1, 64>}, {pipeline_mode = #tpu.pipeline_mode<synchronous>, transform_indices = @transform_9, window_bounds = array<i64: 64, 32>}, {pipeline_mode = #tpu.pipeline_mode<synchronous>, transform_indices = @transform_10, window_bounds = array<i64: 1, 32>}, {pipeline_mode = #tpu.pipeline_mode<synchronous>, transform_indices = @transform_11, window_bounds = array<i64: 16, 64>}, {pipeline_mode = #tpu.pipeline_mode<synchronous>, transform_indices = @transform_12, window_bounds = array<i64: 32, 64>}, {pipeline_mode = #tpu.pipeline_mode<synchronous>, transform_indices = @transform_13, window_bounds = array<i64: 1, 64>}, {pipeline_mode = #tpu.pipeline_mode<synchronous>, transform_indices = @transform_14, window_bounds = array<i64: 64, 32>}, {pipeline_mode = #tpu.pipeline_mode<synchronous>, transform_indices = @transform_15, window_bounds = array<i64: 1, 32>}, {pipeline_mode = #tpu.pipeline_mode<synchronous>, transform_indices = @transform_16, window_bounds = array<i64: 32, 64>}, {pipeline_mode = #tpu.pipeline_mode<synchronous>, transform_indices = @transform_17, window_bounds = array<i64: 1, 64>}, {pipeline_mode = #tpu.pipeline_mode<synchronous>, transform_indices = @transform_18, window_bounds = array<i64: 64, 1>}, {pipeline_mode = #tpu.pipeline_mode<synchronous>, transform_indices = @transform_19, window_bounds = array<i64: 1, 1>}, {pipeline_mode = #tpu.pipeline_mode<synchronous>, transform_indices = @transform_20, window_bounds = array<i64: 1, 1>}]} {
    %eq3A = arith.constant 0 : i32
    %eq3A_0 = arith.cmpi eq, %arg0, %eq3A : i32
    %convert_element_type3A = arith.extui %eq3A_0 : i1 to i32
    %cond3A = arith.constant 0 : i32
    %cond3A_1 = arith.cmpi ne, %convert_element_type3A, %cond3A : i32
    scf.if %cond3A_1 {
      %broadcast_in_dim3A_102 = arith.constant 0.000000e+00 : f32
      %broadcast_in_dim3A_103 = vector.broadcast %broadcast_in_dim3A_102 : f32 to vector<8x128xf32>
      %swap3A_104 = arith.constant 0 : index
      %swap3A_105 = arith.constant 0 : index
      %swap3A_106 = vector.load %arg22[%swap3A_104, %swap3A_105] : memref<8x128xf32, #tpu.memory_space<vmem>>, vector<8x128xf32>
      tpu.vector_store %arg22[%swap3A_104, %swap3A_105], %broadcast_in_dim3A_103 {strides = array<i32>} : memref<8x128xf32, #tpu.memory_space<vmem>>, vector<8x128xf32>,
    } else {
    }
    %get3A = arith.constant 0 : index
    %get3A_2 = arith.constant 0 : index
    %get3A_3 = arith.constant 0 : index
    %get3A_4 = vector.load %arg1[%get3A, %get3A_2, %get3A_3] : memref<1x2000x32xf32, #tpu.memory_space<vmem>>, vector<1x2000x32xf32>
    %get3A_5 = vector.shape_cast %get3A_4 : vector<1x2000x32xf32> to vector<2000x32xf32>
    %get3A_6 = arith.constant 0 : index
    %get3A_7 = arith.constant 0 : index
    %get3A_8 = arith.constant 0 : index
    %get3A_9 = vector.load %arg2[%get3A_6, %get3A_7, %get3A_8] : memref<1x2000x32xf32, #tpu.memory_space<vmem>>, vector<1x2000x32xf32>
    %get3A_10 = vector.shape_cast %get3A_9 : vector<1x2000x32xf32> to vector<2000x32xf32>
    %add3A = arith.addf %get3A_5, %get3A_10 : vector<2000x32xf32>
    %get3A_11 = arith.constant 0 : index
    %get3A_12 = arith.constant 0 : index
    %get3A_13 = vector.load %arg3[%get3A_11, %get3A_12] : memref<2000x32xf32, #tpu.memory_space<vmem>>, vector<2000x32xf32>
    %get3A_14 = arith.constant 0 : index
    %get3A_15 = arith.constant 0 : index
    %get3A_16 = vector.load %arg4[%get3A_14, %get3A_15] : memref<2000x16xf32, #tpu.memory_space<vmem>>, vector<2000x16xf32>
    %get3A_17 = arith.constant 0 : index
    %get3A_18 = arith.constant 0 : index
    %get3A_19 = vector.load %arg5[%get3A_17, %get3A_18] : memref<32x32xf32, #tpu.memory_space<vmem>>, vector<32x32xf32>
    %dot_general3A = arith.constant dense<0.000000e+00> : vector<2000x32xf32>
    %dot_general3A_20 = tpu.matmul %get3A_13, %get3A_19, %dot_general3A {dimension_numbers = #tpu.dot_dimension_numbers<[1], [0], [0], [1], [0, 0, 1, 1], [], []>, transpose_lhs_hint = false} : vector<2000x32xf32>, vector<32x32xf32>, vector<2000x32xf32> -> vector<2000x32xf32>
    %add3A_21 = arith.addf %add3A, %dot_general3A_20 : vector<2000x32xf32>
    %get3A_22 = arith.constant 0 : index
    %get3A_23 = arith.constant 0 : index
    %get3A_24 = vector.load %arg6[%get3A_22, %get3A_23] : memref<1x32xf32, #tpu.memory_space<vmem>>, vector<1x32xf32>
    %add3A_25 = vector.broadcast %get3A_24 : vector<1x32xf32> to vector<2000x32xf32>
    %add3A_26 = arith.addf %add3A_21, %add3A_25 : vector<2000x32xf32>
    %tanh3A = math.tanh %add3A_26 : vector<2000x32xf32>
    %get3A_27 = arith.constant 0 : index
    %get3A_28 = arith.constant 0 : index
    %get3A_29 = vector.load %arg7[%get3A_27, %get3A_28] : memref<16x64xf32, #tpu.memory_space<vmem>>, vector<16x64xf32>
    %dot_general3A_30 = arith.constant dense<0.000000e+00> : vector<2000x64xf32>
    %dot_general3A_31 = tpu.matmul %get3A_16, %get3A_29, %dot_general3A_30 {dimension_numbers = #tpu.dot_dimension_numbers<[1], [0], [0], [1], [0, 0, 1, 1], [], []>, transpose_lhs_hint = false} : vector<2000x16xf32>, vector<16x64xf32>, vector<2000x64xf32> -> vector<2000x64xf32>
    %get3A_32 = arith.constant 0 : index
    %get3A_33 = arith.constant 0 : index
    %get3A_34 = vector.load %arg8[%get3A_32, %get3A_33] : memref<32x64xf32, #tpu.memory_space<vmem>>, vector<32x64xf32>
    %dot_general3A_35 = arith.constant dense<0.000000e+00> : vector<2000x64xf32>
    %dot_general3A_36 = tpu.matmul %tanh3A, %get3A_34, %dot_general3A_35 {dimension_numbers = #tpu.dot_dimension_numbers<[1], [0], [0], [1], [0, 0, 1, 1], [], []>, transpose_lhs_hint = false} : vector<2000x32xf32>, vector<32x64xf32>, vector<2000x64xf32> -> vector<2000x64xf32>
    %add3A_37 = arith.addf %dot_general3A_31, %dot_general3A_36 : vector<2000x64xf32>
    %get3A_38 = arith.constant 0 : index
    %get3A_39 = arith.constant 0 : index
    %get3A_40 = vector.load %arg9[%get3A_38, %get3A_39] : memref<1x64xf32, #tpu.memory_space<vmem>>, vector<1x64xf32>
    %add3A_41 = vector.broadcast %get3A_40 : vector<1x64xf32> to vector<2000x64xf32>
    %add3A_42 = arith.addf %add3A_37, %add3A_41 : vector<2000x64xf32>
    %max3A = arith.constant 0.000000e+00 : f32
    %max3A_43 = vector.broadcast %max3A : f32 to vector<2000x64xf32>
    %max3A_44 = arith.maximumf %add3A_42, %max3A_43 : vector<2000x64xf32>
    %get3A_45 = arith.constant 0 : index
    %get3A_46 = arith.constant 0 : index
    %get3A_47 = vector.load %arg10[%get3A_45, %get3A_46] : memref<64x32xf32, #tpu.memory_space<vmem>>, vector<64x32xf32>
    %dot_general3A_48 = arith.constant dense<0.000000e+00> : vector<2000x32xf32>
    %dot_general3A_49 = tpu.matmul %max3A_44, %get3A_47, %dot_general3A_48 {dimension_numbers = #tpu.dot_dimension_numbers<[1], [0], [0], [1], [0, 0, 1, 1], [], []>, transpose_lhs_hint = false} : vector<2000x64xf32>, vector<64x32xf32>, vector<2000x32xf32> -> vector<2000x32xf32>
    %get3A_50 = arith.constant 0 : index
    %get3A_51 = arith.constant 0 : index
    %get3A_52 = vector.load %arg11[%get3A_50, %get3A_51] : memref<1x32xf32, #tpu.memory_space<vmem>>, vector<1x32xf32>
    %add3A_53 = vector.broadcast %get3A_52 : vector<1x32xf32> to vector<2000x32xf32>
    %add3A_54 = arith.addf %dot_general3A_49, %add3A_53 : vector<2000x32xf32>
    %logistic3A = arith.negf %add3A_54 : vector<2000x32xf32>
    %logistic3A_55 = math.exp %logistic3A : vector<2000x32xf32>
    %logistic3A_56 = arith.constant 1.000000e+00 : f32
    %logistic3A_57 = vector.broadcast %logistic3A_56 : f32 to vector<2000x32xf32>
    %logistic3A_58 = arith.addf %logistic3A_57, %logistic3A_55 : vector<2000x32xf32>
    %logistic3A_59 = arith.divf %logistic3A_57, %logistic3A_58 : vector<2000x32xf32>
    %get3A_60 = arith.constant 0 : index
    %get3A_61 = arith.constant 0 : index
    %get3A_62 = vector.load %arg12[%get3A_60, %get3A_61] : memref<16x64xf32, #tpu.memory_space<vmem>>, vector<16x64xf32>
    %dot_general3A_63 = arith.constant dense<0.000000e+00> : vector<2000x64xf32>
    %dot_general3A_64 = tpu.matmul %get3A_16, %get3A_62, %dot_general3A_63 {dimension_numbers = #tpu.dot_dimension_numbers<[1], [0], [0], [1], [0, 0, 1, 1], [], []>, transpose_lhs_hint = false} : vector<2000x16xf32>, vector<16x64xf32>, vector<2000x64xf32> -> vector<2000x64xf32>
    %get3A_65 = arith.constant 0 : index
    %get3A_66 = arith.constant 0 : index
    %get3A_67 = vector.load %arg13[%get3A_65, %get3A_66] : memref<32x64xf32, #tpu.memory_space<vmem>>, vector<32x64xf32>
    %dot_general3A_68 = arith.constant dense<0.000000e+00> : vector<2000x64xf32>
    %dot_general3A_69 = tpu.matmul %tanh3A, %get3A_67, %dot_general3A_68 {dimension_numbers = #tpu.dot_dimension_numbers<[1], [0], [0], [1], [0, 0, 1, 1], [], []>, transpose_lhs_hint = false} : vector<2000x32xf32>, vector<32x64xf32>, vector<2000x64xf32> -> vector<2000x64xf32>
    %add3A_70 = arith.addf %dot_general3A_64, %dot_general3A_69 : vector<2000x64xf32>
    %get3A_71 = arith.constant 0 : index
    %get3A_72 = arith.constant 0 : index
    %get3A_73 = vector.load %arg14[%get3A_71, %get3A_72] : memref<1x64xf32, #tpu.memory_space<vmem>>, vector<1x64xf32>
    %add3A_74 = vector.broadcast %get3A_73 : vector<1x64xf32> to vector<2000x64xf32>
    %add3A_75 = arith.addf %add3A_70, %add3A_74 : vector<2000x64xf32>
    %max3A_76 = arith.constant 0.000000e+00 : f32
    %max3A_77 = vector.broadcast %max3A_76 : f32 to vector<2000x64xf32>
    %max3A_78 = arith.maximumf %add3A_75, %max3A_77 : vector<2000x64xf32>
    %get3A_79 = arith.constant 0 : index
    %get3A_80 = arith.constant 0 : index
    %get3A_81 = vector.load %arg15[%get3A_79, %get3A_80] : memref<64x32xf32, #tpu.memory_space<vmem>>, vector<64x32xf32>
    %dot_general3A_82 = arith.constant dense<0.000000e+00> : vector<2000x32xf32>
    %dot_general3A_83 = tpu.matmul %max3A_78, %get3A_81, %dot_general3A_82 {dimension_numbers = #tpu.dot_dimension_numbers<[1], [0], [0], [1], [0, 0, 1, 1], [], []>, transpose_lhs_hint = false} : vector<2000x64xf32>, vector<64x32xf32>, vector<2000x32xf32> -> vector<2000x32xf32>
    %get3A_84 = arith.constant 0 : index
    %get3A_85 = arith.constant 0 : index
    %get3A_86 = vector.load %arg16[%get3A_84, %get3A_85] : memref<1x32xf32, #tpu.memory_space<vmem>>, vector<1x32xf32>
    %add3A_87 = vector.broadcast %get3A_86 : vector<1x32xf32> to vector<2000x32xf32>
    %add3A_88 = arith.addf %dot_general3A_83, %add3A_87 : vector<2000x32xf32>
    %tanh3A_89 = math.tanh %add3A_88 : vector<2000x32xf32>
    %mul3A = arith.mulf %logistic3A_59, %tanh3A_89 : vector<2000x32xf32>
    %reduce_sum3A = arith.constant dense<0.000000e+00> : vector<32xf32>
    %reduce_sum3A_90 = vector.multi_reduction <add>, %mul3A, %reduce_sum3A [0] : vector<2000x32xf32> to vector<32xf32>
    %broadcast_in_dim3A = vector.shape_cast %reduce_sum3A_90 : vector<32xf32> to vector<1x32xf32>
    %get3A_91 = arith.constant 0 : index
    %get3A_92 = arith.constant 0 : index
    %get3A_93 = vector.load %arg22[%get3A_91, %get3A_92] : memref<8x128xf32, #tpu.memory_space<vmem>>, vector<1x32xf32>
    %add3A_94 = arith.addf %get3A_93, %broadcast_in_dim3A : vector<1x32xf32>
    %swap3A = arith.constant 0 : index
    %swap3A_95 = arith.constant 0 : index
    %swap3A_96 = vector.load %arg22[%swap3A, %swap3A_95] : memref<8x128xf32, #tpu.memory_space<vmem>>, vector<1x32xf32>
    tpu.vector_store %arg22[%swap3A, %swap3A_95], %add3A_94 {strides = array<i32>} : memref<8x128xf32, #tpu.memory_space<vmem>>, vector<1x32xf32>,
    %eq3A_97 = arith.constant 24 : i32
    %eq3A_98 = arith.cmpi eq, %arg0, %eq3A_97 : i32
    %convert_element_type3A_99 = arith.extui %eq3A_98 : i1 to i32
    %cond3A_100 = arith.constant 0 : i32
    %cond3A_101 = arith.cmpi ne, %convert_element_type3A_99, %cond3A_100 : i32
    scf.if %cond3A_101 {
      %get3A_102 = arith.constant 0 : index
      %get3A_103 = arith.constant 0 : index
      %get3A_104 = vector.load %arg22[%get3A_102, %get3A_103] : memref<8x128xf32, #tpu.memory_space<vmem>>, vector<1x32xf32>
      %tanh3A_105 = math.tanh %get3A_104 : vector<1x32xf32>
      %get3A_106 = arith.constant 0 : index
      %get3A_107 = arith.constant 0 : index
      %get3A_108 = vector.load %arg17[%get3A_106, %get3A_107] : memref<32x64xf32, #tpu.memory_space<vmem>>, vector<32x64xf32>
      %dot_general3A_109 = arith.constant dense<0.000000e+00> : vector<1x64xf32>
      %dot_general3A_110 = tpu.matmul %tanh3A_105, %get3A_108, %dot_general3A_109 {dimension_numbers = #tpu.dot_dimension_numbers<[1], [0], [0], [1], [0, 0, 1, 1], [], []>, transpose_lhs_hint = false} : vector<1x32xf32>, vector<32x64xf32>, vector<1x64xf32> -> vector<1x64xf32>
      %get3A_111 = arith.constant 0 : index
      %get3A_112 = arith.constant 0 : index
      %get3A_113 = vector.load %arg18[%get3A_111, %get3A_112] : memref<1x64xf32, #tpu.memory_space<vmem>>, vector<1x64xf32>
      %add3A_114 = arith.addf %dot_general3A_110, %get3A_113 : vector<1x64xf32>
      %max3A_115 = arith.constant 0.000000e+00 : f32
      %max3A_116 = vector.broadcast %max3A_115 : f32 to vector<1x64xf32>
      %max3A_117 = arith.maximumf %add3A_114, %max3A_116 : vector<1x64xf32>
      %get3A_118 = arith.constant 0 : index
      %get3A_119 = arith.constant 0 : index
      %get3A_120 = vector.load %arg19[%get3A_118, %get3A_119] : memref<64x1xf32, #tpu.memory_space<vmem>>, vector<64x1xf32>
      %dot_general3A_121 = arith.constant dense<0.000000e+00> : vector<1x1xf32>
      %dot_general3A_122 = tpu.matmul %max3A_117, %get3A_120, %dot_general3A_121 {dimension_numbers = #tpu.dot_dimension_numbers<[1], [0], [0], [1], [0, 0, 1, 1], [], []>, transpose_lhs_hint = false} : vector<1x64xf32>, vector<64x1xf32>, vector<1x1xf32> -> vector<1x1xf32>
      %get3A_123 = arith.constant 0 : index
      %get3A_124 = arith.constant 0 : index
      %get3A_125 = vector.load %arg20[%get3A_123, %get3A_124] : memref<1x1xf32, #tpu.memory_space<vmem>>, vector<1x1xf32>
      %add3A_126 = arith.addf %dot_general3A_122, %get3A_125 : vector<1x1xf32>
      %swap3A_127 = arith.constant 0 : index
      %swap3A_128 = arith.constant 0 : index
      %swap3A_129 = vector.load %arg21[%swap3A_127, %swap3A_128] : memref<1x1xf32, #tpu.memory_space<vmem>>, vector<1x1xf32>
      tpu.vector_store %arg21[%swap3A_127, %swap3A_128], %add3A_126 {strides = array<i32>} : memref<1x1xf32, #tpu.memory_space<vmem>>, vector<1x1xf32>,
    } else {
    }
    return
  }
  func.func @transform_0(%arg0: i32) -> (i32, i32, i32) {
    %c0_i32 = arith.constant 0 : i32
    %c0_i32_0 = arith.constant 0 : i32
    %c0_i32_1 = arith.constant 0 : i32
    return %c0_i32, %arg0, %c0_i32_0 : i32, i32, i32
  }
  func.func @transform_1(%arg0: i32) -> (i32, i32, i32) {
    %c1_i32 = arith.constant 1 : i32
    %c0_i32 = arith.constant 0 : i32
    %c0_i32_0 = arith.constant 0 : i32
    return %c1_i32, %arg0, %c0_i32 : i32, i32, i32
  }
  func.func @transform_2(%arg0: i32) -> (i32, i32) {
    %c0_i32 = arith.constant 0 : i32
    %c0_i32_0 = arith.constant 0 : i32
    return %arg0, %c0_i32 : i32, i32
  }
  func.func @transform_3(%arg0: i32) -> (i32, i32) {
    %c0_i32 = arith.constant 0 : i32
    %c0_i32_0 = arith.constant 0 : i32
    return %arg0, %c0_i32 : i32, i32
  }
  func.func @transform_4(%arg0: i32) -> (i32, i32) {
    %c0_i32 = arith.constant 0 : i32
    %c0_i32_0 = arith.constant 0 : i32
    %c0_i32_1 = arith.constant 0 : i32
    return %c0_i32, %c0_i32_0 : i32, i32
  }
  func.func @transform_5(%arg0: i32) -> (i32, i32) {
    %c0_i32 = arith.constant 0 : i32
    %c0_i32_0 = arith.constant 0 : i32
    %c0_i32_1 = arith.constant 0 : i32
    return %c0_i32, %c0_i32_0 : i32, i32
  }
  func.func @transform_6(%arg0: i32) -> (i32, i32) {
    %c0_i32 = arith.constant 0 : i32
    %c0_i32_0 = arith.constant 0 : i32
    %c0_i32_1 = arith.constant 0 : i32
    return %c0_i32, %c0_i32_0 : i32, i32
  }
  func.func @transform_7(%arg0: i32) -> (i32, i32) {
    %c0_i32 = arith.constant 0 : i32
    %c0_i32_0 = arith.constant 0 : i32
    %c0_i32_1 = arith.constant 0 : i32
    return %c0_i32, %c0_i32_0 : i32, i32
  }
  func.func @transform_8(%arg0: i32) -> (i32, i32) {
    %c0_i32 = arith.constant 0 : i32
    %c0_i32_0 = arith.constant 0 : i32
    %c0_i32_1 = arith.constant 0 : i32
    return %c0_i32, %c0_i32_0 : i32, i32
  }
  func.func @transform_9(%arg0: i32) -> (i32, i32) {
    %c0_i32 = arith.constant 0 : i32
    %c0_i32_0 = arith.constant 0 : i32
    %c0_i32_1 = arith.constant 0 : i32
    return %c0_i32, %c0_i32_0 : i32, i32
  }
  func.func @transform_10(%arg0: i32) -> (i32, i32) {
    %c0_i32 = arith.constant 0 : i32
    %c0_i32_0 = arith.constant 0 : i32
    %c0_i32_1 = arith.constant 0 : i32
    return %c0_i32, %c0_i32_0 : i32, i32
  }
  func.func @transform_11(%arg0: i32) -> (i32, i32) {
    %c0_i32 = arith.constant 0 : i32
    %c0_i32_0 = arith.constant 0 : i32
    %c0_i32_1 = arith.constant 0 : i32
    return %c0_i32, %c0_i32_0 : i32, i32
  }
  func.func @transform_12(%arg0: i32) -> (i32, i32) {
    %c0_i32 = arith.constant 0 : i32
    %c0_i32_0 = arith.constant 0 : i32
    %c0_i32_1 = arith.constant 0 : i32
    return %c0_i32, %c0_i32_0 : i32, i32
  }
  func.func @transform_13(%arg0: i32) -> (i32, i32) {
    %c0_i32 = arith.constant 0 : i32
    %c0_i32_0 = arith.constant 0 : i32
    %c0_i32_1 = arith.constant 0 : i32
    return %c0_i32, %c0_i32_0 : i32, i32
  }
  func.func @transform_14(%arg0: i32) -> (i32, i32) {
    %c0_i32 = arith.constant 0 : i32
    %c0_i32_0 = arith.constant 0 : i32
    %c0_i32_1 = arith.constant 0 : i32
    return %c0_i32, %c0_i32_0 : i32, i32
  }
  func.func @transform_15(%arg0: i32) -> (i32, i32) {
    %c0_i32 = arith.constant 0 : i32
    %c0_i32_0 = arith.constant 0 : i32
    %c0_i32_1 = arith.constant 0 : i32
    return %c0_i32, %c0_i32_0 : i32, i32
  }
  func.func @transform_16(%arg0: i32) -> (i32, i32) {
    %c0_i32 = arith.constant 0 : i32
    %c0_i32_0 = arith.constant 0 : i32
    %c0_i32_1 = arith.constant 0 : i32
    return %c0_i32, %c0_i32_0 : i32, i32
  }
  func.func @transform_17(%arg0: i32) -> (i32, i32) {
    %c0_i32 = arith.constant 0 : i32
    %c0_i32_0 = arith.constant 0 : i32
    %c0_i32_1 = arith.constant 0 : i32
    return %c0_i32, %c0_i32_0 : i32, i32
  }
  func.func @transform_18(%arg0: i32) -> (i32, i32) {
    %c0_i32 = arith.constant 0 : i32
    %c0_i32_0 = arith.constant 0 : i32
    %c0_i32_1 = arith.constant 0 : i32
    return %c0_i32, %c0_i32_0 : i32, i32
  }
  func.func @transform_19(%arg0: i32) -> (i32, i32) {
    %c0_i32 = arith.constant 0 : i32
    %c0_i32_0 = arith.constant 0 : i32
    %c0_i32_1 = arith.constant 0 : i32
    return %c0_i32, %c0_i32_0 : i32, i32
  }
  func.func @transform_20(%arg0: i32) -> (i32, i32) {
    %c0_i32 = arith.constant 0 : i32
    %c0_i32_0 = arith.constant 0 : i32
    %c0_i32_1 = arith.constant 0 : i32
    return %c0_i32, %c0_i32_0 : i32, i32
  }
}

</mosaic_0001>

<sc_bundles>
// kernel: kernel.11.cloned.1.call-start
scs
__scs_entry_jumppad:
0x0: {  	(pc) =	sbr.rel $0x88, $3  }
0x1: {  	(tag) =	ssettag $0x0;
	lr =	simm.s32 $0x1  }
0x2: {  	[smem:$0x3F8C] =	sst lr;
	_ =	strace $0xD0000000  }
0x3: {  	_ = 	snop  }
0x4: {  	_ = 	snop  }
0x5: {  	_ = 	snop  }
0x6: {  	_ = 	snop  }
0x7: {  	_ = 	snop  }
__scs_overlays_trampoline_lowered:
0x8: {  	[smem:$0x3F9B] =	sst s0  }
0x9: {  	[smem:$0x3F9C] =	sst s1  }
0xa: {  	[smem:$0x3F9D] =	sst s2  }
0xb: {  	[smem:$0x3F9E] =	sst s3  }
0xc: {  	[smem:$0x3F9F] =	sst s4  }
0xd: {  	[smem:$0x3FA0] =	sst s5  }
0xe: {  	[smem:$0x3FA1] =	sst s6  }
0xf: {  	[smem:$0x3FA2] =	sst s7  }
0x10: {  	[smem:$0x3FA3] =	sst s8  }
0x11: {  	[smem:$0x3FA4] =	sst s9;
	s0 =	simm.s32 @!p0 $0x0  }
0x12: {  	s1 =	sld [smem:$0x3F8A];
	s0 =	simm.s32 @p0 $0x1  }
0x13: {  	[smem:$0x3FA5] =	sst s0;
	s0 =	simm.s32 @!p1 $0x0  }
0x14: {  	s2 =	sld [smem:$0x3F89];
	s0 =	simm.s32 @p1 $0x1  }
0x15: {  	[smem:$0x3FA6] =	sst s0;
	s0 =	simm.s32 @!p2 $0x0  }
0x16: {  	s3 =	sld [smem:$0x3FDB];
	s0 =	simm.s32 @p2 $0x1  }
0x17: {  	s4 =	simm.s32 $0x1BF5;
	[smem:$0x3FA8] =	sst s0  }
0x18: {  	s0 =	sld [smem:$0x3F8B];
	_ =	swait.ge [sflag:s4], $0x0  }
0x19: {  	s7 =	sld [smem:$0x3F8C]  }
0x1a: {  	s8 =	sadd.s32 $0xFFFFE003, lr  }
0x1b: {  	s9 =	sadd.s32 $0xFFFFFEF7, lr;
	s5 =	simm.s32 $0xFFFFFFFF;
	p2 =	slt.u32 s8, $0xFFFFF086  }
0x1c: {  	p1 =	slt.u32 s9, $0xF7A;
	s5 =	simm.s32 @!p2 $0x0  }
0x1d: {  	s5 =	simm.s32 @p1 $0x1;
	p0 =	seq.s32 s7, s2  }
0x1e: {  	s7 =	smul.u32 @!p0 $0xF7A, s2;
	p2 =	seq.s32 @!p0 s5, $0x0  }
0x1f: {  	s9 =	smul.u32 $0xF7A, s1;
	s8 =	simm.s32 @!p0 $0x1BF5;
	p2 =	por !p2, p0  }
0x20: {  	[sflag:s8] =	ssyncset.s32 @!p0 $0xFFFFF086;
	s6 =	sadd.s32 @!p0 s3, s7;
	s7 =	simm.s32 @!p0 $0x108  }
0x21: {  	s3 =	sadd.s32 s3, s9;
	s6 =	sadd.s32 @!p0 $0x88, s6;
	s7 =	simm.s32 @p2 $0x1082  }
0x22: {  	[simem:s7], [sflag:s8] =	dma.local @!p0 [hbm:s6], $0xF7A  }
0x23: {  	s9 =	sor.u32 $0xD0000000, s2;
	s6 =	simm.s32 $0x108;
	_ =	swait.ge @!p0 [sflag:s8], $0x0  }
0x24: {  	s3 =	sadd.s32 $0x88, s3;
	s6 =	simm.s32 @!p1 $0x1082;
	[sflag:s4] =	ssyncset.s32 $0xFFFFF086  }
0x25: {  	[simem:s6], [sflag:s4] =	dma.local [hbm:s3], $0xF7A  }
0x26: {  	[smem:$0x3F8C] =	sst s1;
	(tag) =	ssettag s2;
	_ =	strace s9  }
0x27: {  	s1 =	sld [smem:$0x3F9C]  }
0x28: {  	s2 =	sld [smem:$0x3F9D]  }
0x29: {  	s4 =	sld [smem:$0x3F9F]  }
0x2a: {  	p0 =	seq.s32 s5, $0x0;
	s5 =	sld [smem:$0x3FA0]  }
0x2b: {  	s6 =	sld [smem:$0x3FA1]  }
0x2c: {  	s7 =	sld [smem:$0x3FA2]  }
0x2d: {  	s3 =	simm.s32 $0x108;
	s8 =	sld [smem:$0x3FA3]  }
0x2e: {  	s3 =	simm.s32 @!p0 $0x1082;
	s9 =	sld [smem:$0x3FA4]  }
0x2f: {  	lr =	sadd.s32 s0, s3;
	s0 =	sld [smem:$0x3F9B]  }
0x30: {  	s3 =	sld [smem:$0x3F9E]  }
0x31: {  	[smem:$0x3FA7] =	sst s10  }
0x32: {  	s10 =	sld [smem:$0x3FA5];
	_ =	sdelay $0x3  }
0x33: {  	p0 =	seq.s32 s10, $0x1;
	s10 =	sld [smem:$0x3FA7];
	_ =	sdelay $0x3  }
0x34: {  	[smem:$0x3FA7] =	sst s10  }
0x35: {  	s10 =	sld [smem:$0x3FA6];
	_ =	sdelay $0x3  }
0x36: {  	p1 =	seq.s32 s10, $0x1;
	s10 =	sld [smem:$0x3FA7];
	_ =	sdelay $0x3  }
0x37: {  	[smem:$0x3FA7] =	sst s10  }
0x38: {  	s10 =	sld [smem:$0x3FA8]  }
0x39: {  	_ = 	snop;
	(pc) =	sbr.ind lr, $3  }
0x3a: {  	_ = 	snop  }
0x3b: {  	_ = 	snop  }
0x3c: {  	p2 =	seq.s32 s10, $0x1;
	s10 =	sld [smem:$0x3FA7]  }
0x3d: {  	_ =	shalt  }
0x3e: {  	_ =	shalt  }
0x3f: {  	_ =	shalt  }
0x40: {  	_ =	shalt  }
0x41: {  	_ =	shalt  }
0x42: {  	_ =	shalt  }
0x43: {  	_ =	shalt  }
0x44: {  	_ =	shalt  }
0x45: {  	_ =	shalt  }
0x46: {  	_ =	shalt  }
0x47: {  	_ =	shalt  }
0x48: {  	_ =	shalt  }
0x49: {  	_ =	shalt  }
0x4a: {  	_ =	shalt  }
0x4b: {  	_ =	shalt  }
0x4c: {  	_ =	shalt  }
0x4d: {  	_ =	shalt  }
0x4e: {  	_ =	shalt  }
0x4f: {  	_ =	shalt  }
0x50: {  	_ =	shalt  }
0x51: {  	_ =	shalt  }
0x52: {  	_ =	shalt  }
0x53: {  	_ =	shalt  }
0x54: {  	_ =	shalt  }
0x55: {  	_ =	shalt  }
0x56: {  	_ =	shalt  }
0x57: {  	_ =	shalt  }
0x58: {  	_ =	shalt  }
0x59: {  	_ =	shalt  }
0x5a: {  	_ =	shalt  }
0x5b: {  	_ =	shalt  }
0x5c: {  	_ =	shalt  }
0x5d: {  	_ =	shalt  }
0x5e: {  	_ =	shalt  }
0x5f: {  	_ =	shalt  }
0x60: {  	_ =	shalt  }
0x61: {  	_ =	shalt  }
0x62: {  	_ =	shalt  }
0x63: {  	_ =	shalt  }
0x64: {  	_ =	shalt  }
0x65: {  	_ =	shalt  }
0x66: {  	_ =	shalt  }
0x67: {  	_ =	shalt  }
0x68: {  	_ =	shalt  }
0x69: {  	_ =	shalt  }
0x6a: {  	_ =	shalt  }
0x6b: {  	_ =	shalt  }
0x6c: {  	_ =	shalt  }
0x6d: {  	_ =	shalt  }
0x6e: {  	_ =	shalt  }
0x6f: {  	_ =	shalt  }
0x70: {  	_ =	shalt  }
0x71: {  	_ =	shalt  }
0x72: {  	_ =	shalt  }
0x73: {  	_ =	shalt  }
0x74: {  	_ =	shalt  }
0x75: {  	_ =	shalt  }
0x76: {  	_ =	shalt  }
0x77: {  	_ =	shalt  }
0x78: {  	_ =	shalt  }
0x79: {  	_ =	shalt  }
0x7a: {  	_ =	shalt  }
0x7b: {  	_ =	shalt  }
0x7c: {  	_ =	shalt  }
0x7d: {  	_ =	shalt  }
0x7e: {  	_ =	shalt  }
0x7f: {  	_ =	shalt  }
0x80: {  	_ =	shalt  }
0x81: {  	_ =	shalt  }
0x82: {  	_ =	shalt  }
0x83: {  	_ =	shalt  }
0x84: {  	_ =	shalt  }
0x85: {  	_ =	shalt  }
0x86: {  	_ =	shalt  }
0x87: {  	_ =	shalt  }
.Lfunc_end0:
.L_simem_size_0:
called_computation.1_lowered:
.L_overlay_start_0:
0x88: {  	s2 =	sld [smem:$0x3FD9]  }
0x89: {  	s3 =	sld [smem:$0x3FFE];
	_ =	sdelay $0x1  }
0x8a: {  	s1 =	srdreg.scid  }
0x8b: {  	s0 =	sand.u32 $0x1, s1  }
0x8c: {  	s16 =	sshll.u32 s0, $0xA;
	s2 =	sadd.s32 s3, s2  }
0x8d: {  	s2 =	sadd.s32 s2, s16  }
0x8e: {  	[smem:$0x3FB3] =	sst s2  }
0x8f: {  	_ = 	snop  }
0x90: {  	(tm) =	ssettm $0x1  }
0x91: {  	s17 =	sld [smem:$0x3FFB];
	_ =	sdelay $0x3  }
0x92: {  	_ =	strace s17  }
0x93: {  	s2 =	sld [smem:$0x3FFC];
	_ =	sdelay $0x3  }
0x94: {  	_ =	strace s2  }
0x95: {  	s2 =	sld [smem:$0x3FFD];
	_ =	sdelay $0x3  }
0x96: {  	_ =	strace s2  }
0x97: {  	_ =	strace $0x8FFFFFFF  }
0x98: {  	s18 =	sld [smem:$0x3FDB];
	_ =	sdelay $0x1  }
0x99: {  	s19 =	simm.s32 $_scs_section_size  }
0x9a: {  	s4 =	simm.s32 $_size__tile_overlayer_lowered;
	s5 =	simm.s32 $_tile_overlayer_lowered  }
0x9b: {  	s22 =	simm.s32 $0x1BFF;
	s21 =	sshll.u32 s5, $0x1;
	s2 =	sadd.s32 s19, s18  }
0x9c: {  	s6 =	simm.s32 $0x0;
	s20 =	sshll.u32 s4, $0x1;
	s4 =	sadd.s32 s21, s2  }
0x9d: {  	[timem:s6], [sflag:s22] =	dma.local [hbm:s4], s20  }
0x9e: {  	_ =	swait.ge [sflag:s22], s20  }
0x9f: {  	s3 =	ssub.s32 $0x0, s20;
	[sflag:s22] =	ssyncset.done $0x0  }
0xa0: {  	[sflag:s22] =	ssyncadd.s32 s3;
	_ =	sdelay $0x1  }
0xa1: {  	s23 =	simm.s32 $0x1B8B  }
0xa2: {  	_ =	swait.ge [sflag:s23], $0x1  }
0xa3: {  	[sflag:s23] =	ssyncset.done $0x0  }
0xa4: {  	s25 =	simm.s32 $0x1B8E;
	s24 =	sld [smem:$0x3FFE];
	[sflag:s23] =	ssyncadd.s32 $0xFFFFFFFF  }
0xa5: {  	s26 =	simm.s32 $execute0_lowered;
	[smem:$0x3FD2] =	sst s25  }
0xa6: {  	s4 =	sshll.u32 s26, $0x1;
	_ =	strace $0x80000049;
	[dreg:$0x1] =	wrdreg $0xFFFFFFFF  }
0xa7: {  	s28 =	simm.s32 $_size_execute0_lowered;
	s2 =	sadd.s32 s2, s4;
	[dreg:$0x0] =	wrdreg $0x0  }
0xa8: {  	s4 =	sshll.u32 s28, $0x1;
	[dreg:$0x2] =	wrdreg s2  }
0xa9: {  	[dreg:$0x3] =	wrdreg s4  }
0xaa: {  	[dreg:$0x4] =	wrdreg $0xC0  }
0xab: {  	_ =	task [dreg:s6], $0x5FFFF  }
0xac: {  	[dreg:$0x1] =	wrdreg $0xFFFFFFFF  }
0xad: {  	[dreg:$0x0] =	wrdreg $0x60  }
0xae: {  	[dreg:$0x2] =	wrdreg s24  }
0xaf: {  	[dreg:$0x3] =	wrdreg $0x64000  }
0xb0: {  	[dreg:$0x4] =	wrdreg $0x9  }
0xb1: {  	_ =	task.clear_ibuf [dreg:s6], $0x5FFFF;
	_ =	strace $0x90000049  }
0xb2: {  	s29 =	simm.s32 $0x9;
	_ =	strace $0x8000004B  }
0xb3: {  	_ =	swait.ge [sflag:s29], $0x1  }
0xb4: {  	[sflag:s29] =	ssyncadd.s32 $0xFFFFFFFF  }
0xb5: {  	_ =	strace $0x9000004B  }
0xb6: {  	_ =	sfence  }
0xb7: {  	s30 =	sld [smem:$0x0];
	_ =	sdelay $0x2  }
0xb8: {  	s31 =	sshll.u32 s1, $0xD;
	s1 =	sshrl.u32 s1, $0x2  }
0xb9: {  	s3 =	sand.u32 $0x4000, s31;
	s1 =	sadd.s32 s1, s30  }
0xba: {  	s0 =	sor.u32 s3, s0;
	s1 =	sshll.u32 s1, $0x11  }
0xbb: {  	s0 =	sor.u32 s1, s0  }
0xbc: {  	s0 =	sadd.s32 $0x8F2B, s0  }
0xbd: {  	[sflag:s0] =	ssyncadd.remote.s32 $0x1  }
0xbe: {  	_ =	sfence.sel $0xFFFF  }
0xbf: {  	[dreg:$0x0] =	wrdreg $0xFFFFFFFF;
	(pc) =	sbr.abs _section_cstart, $3  }
0xc0: {  	[dreg:$0x1] =	wrdreg $0xFFFFFFFF  }
0xc1: {  	_ =	task.clear_ibuf [dreg:s6], $0x2FFFF;
	_ =	strace $0x9FFFFFFF  }
0xc2: {  	(tm) =	ssettm $0x7FFFFFFF  }
0xc3: {  	_ =	shalt  }
tec
execute0_lowered:
.L_overlay_start_1:
0x0: {  	(tag) =	ssettag $0x1  }
0x1: {  	s0 =	rddreg [dreg:$0x0];
	s11 =	stileid.u32  }
0x2: {  	s1 =	srdreg.scid;
	s4 =	smul.u32 $0x14, s11  }
0x3: {  	s2 =	rddreg [dreg:$0x1];
	s3 =	simm.s32 $0x0;
	s6 =	smul.u32 $0xC80, s11  }
0x4: {  	s1 =	sand.u32 $0x1, s1;
	[smem:$0x7FF] =	sst s3;
	s26 =	smul.u32 $0x64000, s11  }
0x5: {  	s9 =	sadd.s32 $0xF8400, s0;
	s21 =	smul.u32 $0x3200, s11;
	p0 =	seq.s32 s1, $0x0  }
0x6: {  	_ =	strace $0x8000004A;
	s28 =	ssub.s32 $0x2, s1;
	s5 =	sadd.s32 $0x140, s4  }
0x7: {  	s7 =	smul.u32 $0xC800, s1;
	s10 =	sshrl.u32 s28, $0x1;
	s5 =	smov.u32 @p0 s4  }
0x8: {  	[dreg:$0x3] =	wrdreg s9;
	s9 =	ssub.s32 s28, s10;
	s4 =	sshll.u32 s5, $0x4  }
0x9: {  	s7 =	sadd.s32 s6, s7;
	s12 =	smax.u32 s9, $0x1;
	s8 =	sadd.s32 s4, s0  }
0xa: {  	s5 =	sshrl.u32 s26, $0x2;
	[dreg:$0x7] =	wrdreg s12;
	s30 =	sadd.s32 $0xC6400, s8  }
0xb: {  	s6 =	sadd.s32 s5, s2;
	s8 =	sadd.s32 $0xDF400, s8;
	[dreg:$0x4] =	wrdreg s30  }
0xc: {  	s11 =	simm.s32 $0x1400;
	s13 =	sadd.s32 $0x1000, s6;
	[dreg:$0x5] =	wrdreg s8  }
0xd: {  	s1 =	smul.u32 $0x32000, s1;
	s14 =	sadd.s32 $0x2000, s6;
	[dreg:$0x8] =	wrdreg s13  }
0xe: {  	s29 =	sshll.u32 s7, $0x2;
	s15 =	sadd.s32 $0x3000, s6;
	[dreg:$0x9] =	wrdreg s14  }
0xf: {  	s4 =	sadd.s32 $0xF8600, s0;
	s16 =	sadd.s32 $0x5000, s6;
	[dreg:$0xa] =	wrdreg s15  }
0x10: {  	s0 =	sadd.s32 $0x1BBC00, s0;
	s17 =	sadd.s32 $0x6000, s6;
	[dreg:$0xb] =	wrdreg s16  }
0x11: {  	s12 =	simm.s32 $0x4;
	s18 =	sadd.s32 $0x7000, s6;
	[dreg:$0xc] =	wrdreg s17  }
0x12: {  	s7 =	sadd.s32 $0x19000, s6;
	s19 =	sadd.s32 $0x8000, s6;
	[dreg:$0xd] =	wrdreg s18  }
0x13: {  	s5 =	sadd.s32 s29, s0;
	s20 =	sadd.s32 $0x9000, s6;
	[dreg:$0xe] =	wrdreg s19  }
0x14: {  	s22 =	sadd.s32 $0xA000, s6;
	s23 =	sadd.s32 $0xB000, s6;
	[dreg:$0xf] =	wrdreg s20  }
0x15: {  	s0 =	sadd.s32 s1, s0;
	s24 =	sadd.s32 $0xC000, s6;
	[dreg:$0x10] =	wrdreg s22  }
0x16: {  	s25 =	sadd.s32 $0xD000, s6;
	s26 =	sadd.s32 $0xE000, s6;
	[dreg:$0x11] =	wrdreg s23  }
0x17: {  	s28 =	sadd.s32 $0xF000, s6;
	s29 =	sadd.s32 $0x10000, s6;
	[dreg:$0x12] =	wrdreg s24  }
0x18: {  	s31 =	sadd.s32 $0x12000, s6;
	s1 =	sadd.s32 $0x13000, s6;
	[dreg:$0x13] =	wrdreg s25  }
0x19: {  	s9 =	sadd.s32 $0x17000, s6;
	s10 =	sadd.s32 $0x18000, s6;
	[dreg:$0x14] =	wrdreg s26  }
0x1a: {  	s5 =	sadd.s32 $0x3200, s5;
	s15 =	sadd.s32 $0x4000, s6;
	[dreg:$0x15] =	wrdreg s28  }
0x1b: {  	s24 =	sadd.s32 s21, s0;
	[dreg:$0x16] =	wrdreg s29;
	s30 =	sadd.s32 $0x11000, s6  }
0x1c: {  	s0 =	sadd.s32 $0x14000, s6;
	s8 =	sadd.s32 $0x16000, s6;
	s13 =	simm.s32 $0x3  }
0x1d: {  	s14 =	simm.s32 $0xA00;
	s16 =	simm.s32 $0x80;
	s17 =	simm.s32 $0x2400  }
0x1e: {  	s18 =	simm.s32 $0x3400;
	s19 =	simm.s32 $0x4400;
	s20 =	simm.s32 $0x5400  }
0x1f: {  	s21 =	simm.s32 $0x1;
	s22 =	simm.s32 $0x2;
	[dreg:$0x6] =	wrdreg s5  }
0x20: {  	s23 =	simm.s32 $0x0;
	[dreg:$0x17] =	wrdreg s30;
	s5 =	sadd.s32 $0x15000, s6  }
.LBB2_1:
0x21: {  	s25 =	rddreg [dreg:$0x3]  }
0x22: {  	[tilespmem:s11], [sflag:$0x4] =	stream.linear.gather [hbm4b:s25+s3], $0x1000, $0x38;
	[tilespmem:$0x1F400] =	vst v63  }
0x23: {  	_ =	swait.ge [sflag:s12], $0x1000  }
0x24: {  	[sflag:s12] =	ssyncset.done $0x0  }
0x25: {  	[sflag:s12] =	ssyncadd.s32 $0xFFFFF000  }
0x26: {  	[spmem:s6] =	stream.linear.scatter [tilespmem:s11], [sflag:$0x3], $0x1000, $0x38;
	[tilespmem:$0x1F400] =	vst v63  }
0x27: {  	s30 =	rddreg [dreg:$0x8]  }
0x28: {  	[spmem:s30] =	stream.linear.scatter [tilespmem:s11], [sflag:$0x3], $0x1000, $0x38;
	[tilespmem:$0x1F400] =	vst v63  }
0x29: {  	s26 =	rddreg [dreg:$0x9]  }
0x2a: {  	[spmem:s26] =	stream.linear.scatter [tilespmem:s11], [sflag:$0x3], $0x1000, $0x38;
	[tilespmem:$0x1F400] =	vst v63  }
0x2b: {  	s29 =	rddreg [dreg:$0xa]  }
0x2c: {  	[spmem:s29] =	stream.linear.scatter [tilespmem:s11], [sflag:$0x3], $0x1000, $0x38;
	[tilespmem:$0x1F400] =	vst v63  }
0x2d: {  	_ = 	snop  }
0x2e: {  	[spmem:s15] =	stream.linear.scatter [tilespmem:s11], [sflag:$0x3], $0x1000, $0x38;
	[tilespmem:$0x1F400] =	vst v63  }
0x2f: {  	_ =	swait.ge [sflag:s13], $0x1000  }
0x30: {  	[sflag:s13] =	ssyncset.done $0x0  }
0x31: {  	[sflag:s13] =	ssyncadd.s32 $0xFFFFF000  }
0x32: {  	_ =	swait.ge [sflag:s13], $0x1000  }
0x33: {  	[sflag:s13] =	ssyncset.done $0x0  }
0x34: {  	[sflag:s13] =	ssyncadd.s32 $0xFFFFF000  }
0x35: {  	_ =	swait.ge [sflag:s13], $0x1000  }
0x36: {  	[sflag:s13] =	ssyncset.done $0x0  }
0x37: {  	[sflag:s13] =	ssyncadd.s32 $0xFFFFF000  }
0x38: {  	_ =	swait.ge [sflag:s13], $0x1000  }
0x39: {  	[sflag:s13] =	ssyncset.done $0x0  }
0x3a: {  	[sflag:s13] =	ssyncadd.s32 $0xFFFFF000  }
0x3b: {  	_ =	swait.ge [sflag:s13], $0x1000  }
0x3c: {  	[sflag:s13] =	ssyncset.done $0x0  }
0x3d: {  	s30 =	rddreg [dreg:$0xb];
	[sflag:s13] =	ssyncadd.s32 $0xFFFFF000  }
0x3e: {  	[spmem:s30] =	stream.linear.scatter [tilespmem:s11], [sflag:$0x3], $0x1000, $0x38;
	[tilespmem:$0x1F400] =	vst v63  }
0x3f: {  	s26 =	rddreg [dreg:$0xc]  }
0x40: {  	[spmem:s26] =	stream.linear.scatter [tilespmem:s11], [sflag:$0x3], $0x1000, $0x38;
	[tilespmem:$0x1F400] =	vst v63  }
0x41: {  	s29 =	rddreg [dreg:$0xd]  }
0x42: {  	[spmem:s29] =	stream.linear.scatter [tilespmem:s11], [sflag:$0x3], $0x1000, $0x38;
	[tilespmem:$0x1F400] =	vst v63  }
0x43: {  	s30 =	rddreg [dreg:$0xe]  }
0x44: {  	[spmem:s30] =	stream.linear.scatter [tilespmem:s11], [sflag:$0x3], $0x1000, $0x38;
	[tilespmem:$0x1F400] =	vst v63  }
0x45: {  	s26 =	rddreg [dreg:$0xf]  }
0x46: {  	[spmem:s26] =	stream.linear.scatter [tilespmem:s11], [sflag:$0x3], $0x1000, $0x38;
	[tilespmem:$0x1F400] =	vst v63  }
0x47: {  	_ =	swait.ge [sflag:s13], $0x1000  }
0x48: {  	[sflag:s13] =	ssyncset.done $0x0  }
0x49: {  	[sflag:s13] =	ssyncadd.s32 $0xFFFFF000  }
0x4a: {  	_ =	swait.ge [sflag:s13], $0x1000  }
0x4b: {  	[sflag:s13] =	ssyncset.done $0x0  }
0x4c: {  	[sflag:s13] =	ssyncadd.s32 $0xFFFFF000  }
0x4d: {  	_ =	swait.ge [sflag:s13], $0x1000  }
0x4e: {  	[sflag:s13] =	ssyncset.done $0x0  }
0x4f: {  	[sflag:s13] =	ssyncadd.s32 $0xFFFFF000  }
0x50: {  	_ =	swait.ge [sflag:s13], $0x1000  }
0x51: {  	[sflag:s13] =	ssyncset.done $0x0  }
0x52: {  	[sflag:s13] =	ssyncadd.s32 $0xFFFFF000  }
0x53: {  	_ =	swait.ge [sflag:s13], $0x1000  }
0x54: {  	[sflag:s13] =	ssyncset.done $0x0  }
0x55: {  	s29 =	rddreg [dreg:$0x10];
	[sflag:s13] =	ssyncadd.s32 $0xFFFFF000  }
0x56: {  	[spmem:s29] =	stream.linear.scatter [tilespmem:s11], [sflag:$0x3], $0x1000, $0x38;
	[tilespmem:$0x1F400] =	vst v63  }
0x57: {  	s30 =	rddreg [dreg:$0x11]  }
0x58: {  	[spmem:s30] =	stream.linear.scatter [tilespmem:s11], [sflag:$0x3], $0x1000, $0x38;
	[tilespmem:$0x1F400] =	vst v63  }
0x59: {  	s26 =	rddreg [dreg:$0x12]  }
0x5a: {  	[spmem:s26] =	stream.linear.scatter [tilespmem:s11], [sflag:$0x3], $0x1000, $0x38;
	[tilespmem:$0x1F400] =	vst v63  }
0x5b: {  	s29 =	rddreg [dreg:$0x13]  }
0x5c: {  	[spmem:s29] =	stream.linear.scatter [tilespmem:s11], [sflag:$0x3], $0x1000, $0x38;
	[tilespmem:$0x1F400] =	vst v63  }
0x5d: {  	s30 =	rddreg [dreg:$0x14]  }
0x5e: {  	[spmem:s30] =	stream.linear.scatter [tilespmem:s11], [sflag:$0x3], $0x1000, $0x38;
	[tilespmem:$0x1F400] =	vst v63  }
0x5f: {  	_ =	swait.ge [sflag:s13], $0x1000  }
0x60: {  	[sflag:s13] =	ssyncset.done $0x0  }
0x61: {  	[sflag:s13] =	ssyncadd.s32 $0xFFFFF000  }
0x62: {  	_ =	swait.ge [sflag:s13], $0x1000  }
0x63: {  	[sflag:s13] =	ssyncset.done $0x0  }
0x64: {  	[sflag:s13] =	ssyncadd.s32 $0xFFFFF000  }
0x65: {  	_ =	swait.ge [sflag:s13], $0x1000  }
0x66: {  	[sflag:s13] =	ssyncset.done $0x0  }
0x67: {  	[sflag:s13] =	ssyncadd.s32 $0xFFFFF000  }
0x68: {  	_ =	swait.ge [sflag:s13], $0x1000  }
0x69: {  	[sflag:s13] =	ssyncset.done $0x0  }
0x6a: {  	[sflag:s13] =	ssyncadd.s32 $0xFFFFF000  }
0x6b: {  	_ =	swait.ge [sflag:s13], $0x1000  }
0x6c: {  	[sflag:s13] =	ssyncset.done $0x0  }
0x6d: {  	s26 =	rddreg [dreg:$0x15];
	[sflag:s13] =	ssyncadd.s32 $0xFFFFF000  }
0x6e: {  	[spmem:s26] =	stream.linear.scatter [tilespmem:s11], [sflag:$0x3], $0x1000, $0x38;
	[tilespmem:$0x1F400] =	vst v63  }
0x6f: {  	s29 =	rddreg [dreg:$0x16]  }
0x70: {  	[spmem:s29] =	stream.linear.scatter [tilespmem:s11], [sflag:$0x3], $0x1000, $0x38;
	[tilespmem:$0x1F400] =	vst v63  }
0x71: {  	s30 =	rddreg [dreg:$0x17]  }
0x72: {  	[spmem:s30] =	stream.linear.scatter [tilespmem:s11], [sflag:$0x3], $0x1000, $0x38;
	[tilespmem:$0x1F400] =	vst v63  }
0x73: {  	_ = 	snop  }
0x74: {  	[spmem:s31] =	stream.linear.scatter [tilespmem:s11], [sflag:$0x3], $0x1000, $0x38;
	[tilespmem:$0x1F400] =	vst v63  }
0x75: {  	_ = 	snop  }
0x76: {  	[spmem:s1] =	stream.linear.scatter [tilespmem:s11], [sflag:$0x3], $0x1000, $0x38;
	[tilespmem:$0x1F400] =	vst v63  }
0x77: {  	_ =	swait.ge [sflag:s13], $0x1000  }
0x78: {  	[sflag:s13] =	ssyncset.done $0x0  }
0x79: {  	[sflag:s13] =	ssyncadd.s32 $0xFFFFF000  }
0x7a: {  	_ =	swait.ge [sflag:s13], $0x1000  }
0x7b: {  	[sflag:s13] =	ssyncset.done $0x0  }
0x7c: {  	[sflag:s13] =	ssyncadd.s32 $0xFFFFF000  }
0x7d: {  	_ =	swait.ge [sflag:s13], $0x1000  }
0x7e: {  	[sflag:s13] =	ssyncset.done $0x0  }
0x7f: {  	[sflag:s13] =	ssyncadd.s32 $0xFFFFF000  }
0x80: {  	_ =	swait.ge [sflag:s13], $0x1000  }
0x81: {  	[sflag:s13] =	ssyncset.done $0x0  }
0x82: {  	[sflag:s13] =	ssyncadd.s32 $0xFFFFF000  }
0x83: {  	_ =	swait.ge [sflag:s13], $0x1000  }
0x84: {  	[sflag:s13] =	ssyncset.done $0x0  }
0x85: {  	[sflag:s13] =	ssyncadd.s32 $0xFFFFF000  }
0x86: {  	[spmem:s0] =	stream.linear.scatter [tilespmem:s11], [sflag:$0x3], $0x1000, $0x38;
	[tilespmem:$0x1F400] =	vst v63  }
0x87: {  	_ = 	snop  }
0x88: {  	[spmem:s5] =	stream.linear.scatter [tilespmem:s11], [sflag:$0x3], $0x1000, $0x38;
	[tilespmem:$0x1F400] =	vst v63  }
0x89: {  	_ = 	snop  }
0x8a: {  	[spmem:s8] =	stream.linear.scatter [tilespmem:s11], [sflag:$0x3], $0x1000, $0x38;
	[tilespmem:$0x1F400] =	vst v63  }
0x8b: {  	_ = 	snop  }
0x8c: {  	[spmem:s9] =	stream.linear.scatter [tilespmem:s11], [sflag:$0x3], $0x1000, $0x38;
	[tilespmem:$0x1F400] =	vst v63  }
0x8d: {  	_ = 	snop  }
0x8e: {  	[spmem:s10] =	stream.linear.scatter [tilespmem:s11], [sflag:$0x3], $0x1000, $0x38;
	[tilespmem:$0x1F400] =	vst v63  }
0x8f: {  	_ =	swait.ge [sflag:s13], $0x1000  }
0x90: {  	[sflag:s13] =	ssyncset.done $0x0  }
0x91: {  	[sflag:s13] =	ssyncadd.s32 $0xFFFFF000  }
0x92: {  	_ =	swait.ge [sflag:s13], $0x1000  }
0x93: {  	[sflag:s13] =	ssyncset.done $0x0  }
0x94: {  	[sflag:s13] =	ssyncadd.s32 $0xFFFFF000  }
0x95: {  	_ =	swait.ge [sflag:s13], $0x1000  }
0x96: {  	[sflag:s13] =	ssyncset.done $0x0  }
0x97: {  	[sflag:s13] =	ssyncadd.s32 $0xFFFFF000  }
0x98: {  	_ =	swait.ge [sflag:s13], $0x1000  }
0x99: {  	[sflag:s13] =	ssyncset.done $0x0  }
0x9a: {  	[sflag:s13] =	ssyncadd.s32 $0xFFFFF000  }
0x9b: {  	_ =	swait.ge [sflag:s13], $0x1000  }
0x9c: {  	[sflag:s13] =	ssyncset.done $0x0  }
0x9d: {  	[sflag:s13] =	ssyncadd.s32 $0xFFFFF000  }
0x9e: {  	[spmem:s7] =	stream.linear.scatter [tilespmem:s11], [sflag:$0x4], $0x1000, $0x38;
	[tilespmem:$0x1F400] =	vst v63  }
0x9f: {  	_ =	swait.ge [sflag:s12], $0x1000  }
0xa0: {  	[sflag:s12] =	ssyncset.done $0x0  }
0xa1: {  	[sflag:s12] =	ssyncadd.s32 $0xFFFFF000  }
0xa2: {  	[bflag:$0x0] =	sbarrier.arrive $0xFFFF  }
0xa3: {  	s26 =	rddreg [dreg:$0x4]  }
0xa4: {  	[tilespmem:s3], [sflag:$0x4] =	stream.linear.gather [hbm4b:s26+s3], $0xA00, $0x38;
	[tilespmem:$0x1F400] =	vst v63  }
0xa5: {  	_ =	swait.ge [sflag:s12], $0xA00  }
0xa6: {  	[sflag:s12] =	ssyncset.done $0x0  }
0xa7: {  	s29 =	rddreg [dreg:$0x5];
	[sflag:s12] =	ssyncadd.s32 $0xFFFFF600  }
0xa8: {  	[tilespmem:s14], [sflag:$0x4] =	stream.linear.gather [hbm4b:s29+s3], $0xA00, $0x38;
	[tilespmem:$0x1F400] =	vst v63  }
0xa9: {  	_ =	swait.ge [sflag:s12], $0xA00  }
0xaa: {  	[sflag:s12] =	ssyncset.done $0x0  }
0xab: {  	[sflag:s12] =	ssyncadd.s32 $0xFFFFF600  }
0xac: {  	[tilespmem:s11], [sflag:$0x1] =	stream.indirect.gather [hbm4b:s4+s16], $0x20, s3, s16, $0xb8;
	[tilespmem:$0x1F400] =	vst v63  }
0xad: {  	_ = 	snop  }
0xae: {  	[tilespmem:s17], [sflag:$0x1] =	stream.indirect.gather [hbm4b:s4+s16], $0x20, s16, s16, $0xb8;
	[tilespmem:$0x1F400] =	vst v63  }
0xaf: {  	s30 =	simm.s32 $0x100  }
0xb0: {  	[tilespmem:s18], [sflag:$0x1] =	stream.indirect.gather [hbm4b:s4+s16], $0x20, s30, s16, $0xb8;
	[tilespmem:$0x1F400] =	vst v63  }
0xb1: {  	s26 =	simm.s32 $0x180  }
0xb2: {  	[tilespmem:s19], [sflag:$0x1] =	stream.indirect.gather [hbm4b:s4+s16], $0x20, s26, s16, $0xb8;
	[tilespmem:$0x1F400] =	vst v63  }
0xb3: {  	s29 =	simm.s32 $0x200  }
0xb4: {  	[tilespmem:s20], [sflag:$0x1] =	stream.indirect.gather [hbm4b:s4+s16], $0x20, s29, s16, $0xb8;
	[tilespmem:$0x1F400] =	vst v63  }
0xb5: {  	_ =	swait.ge [sflag:s21], $0x1000  }
0xb6: {  	[sflag:s21] =	ssyncset.done $0x0  }
0xb7: {  	[sflag:s21] =	ssyncadd.s32 $0xFFFFF000  }
0xb8: {  	_ =	swait.ge [sflag:s21], $0x1000  }
0xb9: {  	[sflag:s21] =	ssyncset.done $0x0  }
0xba: {  	[sflag:s21] =	ssyncadd.s32 $0xFFFFF000  }
0xbb: {  	_ =	swait.ge [sflag:s21], $0x1000  }
0xbc: {  	[sflag:s21] =	ssyncset.done $0x0  }
0xbd: {  	[sflag:s21] =	ssyncadd.s32 $0xFFFFF000  }
0xbe: {  	_ =	swait.ge [sflag:s21], $0x1000  }
0xbf: {  	[sflag:s21] =	ssyncset.done $0x0  }
0xc0: {  	[sflag:s21] =	ssyncadd.s32 $0xFFFFF000  }
0xc1: {  	_ =	swait.ge [sflag:s21], $0x1000  }
0xc2: {  	[sflag:s21] =	ssyncset.done $0x0  }
0xc3: {  	[sflag:s21] =	ssyncadd.s32 $0xFFFFF000  }
0xc4: {  	[spmem:s2] =	stream.indirect.scatter.add.f32 [tilespmem:s11], [sflag:$0x2], $0x20, s14, s16, $0xb8;
	[tilespmem:$0x1F400] =	vst v63  }
0xc5: {  	s30 =	simm.s32 $0xA80  }
0xc6: {  	[spmem:s2] =	stream.indirect.scatter.add.f32 [tilespmem:s17], [sflag:$0x2], $0x20, s30, s16, $0xb8;
	[tilespmem:$0x1F400] =	vst v63  }
0xc7: {  	s26 =	simm.s32 $0xB00  }
0xc8: {  	[spmem:s2] =	stream.indirect.scatter.add.f32 [tilespmem:s18], [sflag:$0x2], $0x20, s26, s16, $0xb8;
	[tilespmem:$0x1F400] =	vst v63  }
0xc9: {  	s29 =	simm.s32 $0xB80  }
0xca: {  	[spmem:s2] =	stream.indirect.scatter.add.f32 [tilespmem:s19], [sflag:$0x2], $0x20, s29, s16, $0xb8;
	[tilespmem:$0x1F400] =	vst v63  }
0xcb: {  	s30 =	simm.s32 $0xC00  }
0xcc: {  	[spmem:s2] =	stream.indirect.scatter.add.f32 [tilespmem:s20], [sflag:$0x2], $0x20, s30, s16, $0xb8;
	[tilespmem:$0x1F400] =	vst v63  }
0xcd: {  	_ =	swait.ge [sflag:s22], $0x1000  }
0xce: {  	[sflag:s22] =	ssyncset.done $0x0  }
0xcf: {  	[sflag:s22] =	ssyncadd.s32 $0xFFFFF000  }
0xd0: {  	_ =	swait.ge [sflag:s22], $0x1000  }
0xd1: {  	[sflag:s22] =	ssyncset.done $0x0  }
0xd2: {  	[sflag:s22] =	ssyncadd.s32 $0xFFFFF000  }
0xd3: {  	_ =	swait.ge [sflag:s22], $0x1000  }
0xd4: {  	[sflag:s22] =	ssyncset.done $0x0  }
0xd5: {  	[sflag:s22] =	ssyncadd.s32 $0xFFFFF000  }
0xd6: {  	_ =	swait.ge [sflag:s22], $0x1000  }
0xd7: {  	[sflag:s22] =	ssyncset.done $0x0  }
0xd8: {  	[sflag:s22] =	ssyncadd.s32 $0xFFFFF000  }
0xd9: {  	_ =	swait.ge [sflag:s22], $0x1000  }
0xda: {  	[sflag:s22] =	ssyncset.done $0x0  }
0xdb: {  	s26 =	simm.s32 $0x280;
	[sflag:s22] =	ssyncadd.s32 $0xFFFFF000  }
0xdc: {  	[tilespmem:s11], [sflag:$0x1] =	stream.indirect.gather [hbm4b:s4+s16], $0x20, s26, s16, $0xb8;
	[tilespmem:$0x1F400] =	vst v63  }
0xdd: {  	s29 =	simm.s32 $0x300  }
0xde: {  	[tilespmem:s17], [sflag:$0x1] =	stream.indirect.gather [hbm4b:s4+s16], $0x20, s29, s16, $0xb8;
	[tilespmem:$0x1F400] =	vst v63  }
0xdf: {  	s30 =	simm.s32 $0x380  }
0xe0: {  	[tilespmem:s18], [sflag:$0x1] =	stream.indirect.gather [hbm4b:s4+s16], $0x20, s30, s16, $0xb8;
	[tilespmem:$0x1F400] =	vst v63  }
0xe1: {  	s26 =	simm.s32 $0x400  }
0xe2: {  	[tilespmem:s19], [sflag:$0x1] =	stream.indirect.gather [hbm4b:s4+s16], $0x20, s26, s16, $0xb8;
	[tilespmem:$0x1F400] =	vst v63  }
0xe3: {  	s29 =	simm.s32 $0x480  }
0xe4: {  	[tilespmem:s20], [sflag:$0x1] =	stream.indirect.gather [hbm4b:s4+s16], $0x20, s29, s16, $0xb8;
	[tilespmem:$0x1F400] =	vst v63  }
0xe5: {  	_ =	swait.ge [sflag:s21], $0x1000  }
0xe6: {  	[sflag:s21] =	ssyncset.done $0x0  }
0xe7: {  	[sflag:s21] =	ssyncadd.s32 $0xFFFFF000  }
0xe8: {  	_ =	swait.ge [sflag:s21], $0x1000  }
0xe9: {  	[sflag:s21] =	ssyncset.done $0x0  }
0xea: {  	[sflag:s21] =	ssyncadd.s32 $0xFFFFF000  }
0xeb: {  	_ =	swait.ge [sflag:s21], $0x1000  }
0xec: {  	[sflag:s21] =	ssyncset.done $0x0  }
0xed: {  	[sflag:s21] =	ssyncadd.s32 $0xFFFFF000  }
0xee: {  	_ =	swait.ge [sflag:s21], $0x1000  }
0xef: {  	[sflag:s21] =	ssyncset.done $0x0  }
0xf0: {  	[sflag:s21] =	ssyncadd.s32 $0xFFFFF000  }
0xf1: {  	_ =	swait.ge [sflag:s21], $0x1000  }
0xf2: {  	[sflag:s21] =	ssyncset.done $0x0  }
0xf3: {  	s30 =	simm.s32 $0xC80;
	[sflag:s21] =	ssyncadd.s32 $0xFFFFF000  }
0xf4: {  	[spmem:s2] =	stream.indirect.scatter.add.f32 [tilespmem:s11], [sflag:$0x2], $0x20, s30, s16, $0xb8;
	[tilespmem:$0x1F400] =	vst v63  }
0xf5: {  	s26 =	simm.s32 $0xD00  }
0xf6: {  	[spmem:s2] =	stream.indirect.scatter.add.f32 [tilespmem:s17], [sflag:$0x2], $0x20, s26, s16, $0xb8;
	[tilespmem:$0x1F400] =	vst v63  }
0xf7: {  	s29 =	simm.s32 $0xD80  }
0xf8: {  	[spmem:s2] =	stream.indirect.scatter.add.f32 [tilespmem:s18], [sflag:$0x2], $0x20, s29, s16, $0xb8;
	[tilespmem:$0x1F400] =	vst v63  }
0xf9: {  	s30 =	simm.s32 $0xE00  }
0xfa: {  	[spmem:s2] =	stream.indirect.scatter.add.f32 [tilespmem:s19], [sflag:$0x2], $0x20, s30, s16, $0xb8;
	[tilespmem:$0x1F400] =	vst v63  }
0xfb: {  	s26 =	simm.s32 $0xE80  }
0xfc: {  	[spmem:s2] =	stream.indirect.scatter.add.f32 [tilespmem:s20], [sflag:$0x2], $0x20, s26, s16, $0xb8;
	[tilespmem:$0x1F400] =	vst v63  }
0xfd: {  	_ =	swait.ge [sflag:s22], $0x1000  }
0xfe: {  	[sflag:s22] =	ssyncset.done $0x0  }
0xff: {  	[sflag:s22] =	ssyncadd.s32 $0xFFFFF000  }
0x100: {  	_ =	swait.ge [sflag:s22], $0x1000  }
0x101: {  	[sflag:s22] =	ssyncset.done $0x0  }
0x102: {  	[sflag:s22] =	ssyncadd.s32 $0xFFFFF000  }
0x103: {  	_ =	swait.ge [sflag:s22], $0x1000  }
0x104: {  	[sflag:s22] =	ssyncset.done $0x0  }
0x105: {  	[sflag:s22] =	ssyncadd.s32 $0xFFFFF000  }
0x106: {  	_ =	swait.ge [sflag:s22], $0x1000  }
0x107: {  	[sflag:s22] =	ssyncset.done $0x0  }
0x108: {  	[sflag:s22] =	ssyncadd.s32 $0xFFFFF000  }
0x109: {  	_ =	swait.ge [sflag:s22], $0x1000  }
0x10a: {  	[sflag:s22] =	ssyncset.done $0x0  }
0x10b: {  	s29 =	simm.s32 $0x500;
	[sflag:s22] =	ssyncadd.s32 $0xFFFFF000  }
0x10c: {  	[tilespmem:s11], [sflag:$0x1] =	stream.indirect.gather [hbm4b:s4+s16], $0x20, s29, s16, $0xb8;
	[tilespmem:$0x1F400] =	vst v63  }
0x10d: {  	s30 =	simm.s32 $0x580  }
0x10e: {  	[tilespmem:s17], [sflag:$0x1] =	stream.indirect.gather [hbm4b:s4+s16], $0x20, s30, s16, $0xb8;
	[tilespmem:$0x1F400] =	vst v63  }
0x10f: {  	s26 =	simm.s32 $0x600  }
0x110: {  	[tilespmem:s18], [sflag:$0x1] =	stream.indirect.gather [hbm4b:s4+s16], $0x20, s26, s16, $0xb8;
	[tilespmem:$0x1F400] =	vst v63  }
0x111: {  	s29 =	simm.s32 $0x680  }
0x112: {  	[tilespmem:s19], [sflag:$0x1] =	stream.indirect.gather [hbm4b:s4+s16], $0x20, s29, s16, $0xb8;
	[tilespmem:$0x1F400] =	vst v63  }
0x113: {  	s30 =	simm.s32 $0x700  }
0x114: {  	[tilespmem:s20], [sflag:$0x1] =	stream.indirect.gather [hbm4b:s4+s16], $0x20, s30, s16, $0xb8;
	[tilespmem:$0x1F400] =	vst v63  }
0x115: {  	_ =	swait.ge [sflag:s21], $0x1000  }
0x116: {  	[sflag:s21] =	ssyncset.done $0x0  }
0x117: {  	[sflag:s21] =	ssyncadd.s32 $0xFFFFF000  }
0x118: {  	_ =	swait.ge [sflag:s21], $0x1000  }
0x119: {  	[sflag:s21] =	ssyncset.done $0x0  }
0x11a: {  	[sflag:s21] =	ssyncadd.s32 $0xFFFFF000  }
0x11b: {  	_ =	swait.ge [sflag:s21], $0x1000  }
0x11c: {  	[sflag:s21] =	ssyncset.done $0x0  }
0x11d: {  	[sflag:s21] =	ssyncadd.s32 $0xFFFFF000  }
0x11e: {  	_ =	swait.ge [sflag:s21], $0x1000  }
0x11f: {  	[sflag:s21] =	ssyncset.done $0x0  }
0x120: {  	[sflag:s21] =	ssyncadd.s32 $0xFFFFF000  }
0x121: {  	_ =	swait.ge [sflag:s21], $0x1000  }
0x122: {  	[sflag:s21] =	ssyncset.done $0x0  }
0x123: {  	s26 =	simm.s32 $0xF00;
	[sflag:s21] =	ssyncadd.s32 $0xFFFFF000  }
0x124: {  	[spmem:s2] =	stream.indirect.scatter.add.f32 [tilespmem:s11], [sflag:$0x2], $0x20, s26, s16, $0xb8;
	[tilespmem:$0x1F400] =	vst v63  }
0x125: {  	s29 =	simm.s32 $0xF80  }
0x126: {  	[spmem:s2] =	stream.indirect.scatter.add.f32 [tilespmem:s17], [sflag:$0x2], $0x20, s29, s16, $0xb8;
	[tilespmem:$0x1F400] =	vst v63  }
0x127: {  	s30 =	simm.s32 $0x1000  }
0x128: {  	[spmem:s2] =	stream.indirect.scatter.add.f32 [tilespmem:s18], [sflag:$0x2], $0x20, s30, s16, $0xb8;
	[tilespmem:$0x1F400] =	vst v63  }
0x129: {  	s26 =	simm.s32 $0x1080  }
0x12a: {  	[spmem:s2] =	stream.indirect.scatter.add.f32 [tilespmem:s19], [sflag:$0x2], $0x20, s26, s16, $0xb8;
	[tilespmem:$0x1F400] =	vst v63  }
0x12b: {  	s29 =	simm.s32 $0x1100  }
0x12c: {  	[spmem:s2] =	stream.indirect.scatter.add.f32 [tilespmem:s20], [sflag:$0x2], $0x20, s29, s16, $0xb8;
	[tilespmem:$0x1F400] =	vst v63  }
0x12d: {  	_ =	swait.ge [sflag:s22], $0x1000  }
0x12e: {  	[sflag:s22] =	ssyncset.done $0x0  }
0x12f: {  	[sflag:s22] =	ssyncadd.s32 $0xFFFFF000  }
0x130: {  	_ =	swait.ge [sflag:s22], $0x1000  }
0x131: {  	[sflag:s22] =	ssyncset.done $0x0  }
0x132: {  	[sflag:s22] =	ssyncadd.s32 $0xFFFFF000  }
0x133: {  	_ =	swait.ge [sflag:s22], $0x1000  }
0x134: {  	[sflag:s22] =	ssyncset.done $0x0  }
0x135: {  	[sflag:s22] =	ssyncadd.s32 $0xFFFFF000  }
0x136: {  	_ =	swait.ge [sflag:s22], $0x1000  }
0x137: {  	[sflag:s22] =	ssyncset.done $0x0  }
0x138: {  	[sflag:s22] =	ssyncadd.s32 $0xFFFFF000  }
0x139: {  	_ =	swait.ge [sflag:s22], $0x1000  }
0x13a: {  	[sflag:s22] =	ssyncset.done $0x0  }
0x13b: {  	s30 =	simm.s32 $0x780;
	[sflag:s22] =	ssyncadd.s32 $0xFFFFF000  }
0x13c: {  	[tilespmem:s11], [sflag:$0x1] =	stream.indirect.gather [hbm4b:s4+s16], $0x20, s30, s16, $0xb8;
	[tilespmem:$0x1F400] =	vst v63  }
0x13d: {  	s26 =	simm.s32 $0x800  }
0x13e: {  	[tilespmem:s17], [sflag:$0x1] =	stream.indirect.gather [hbm4b:s4+s16], $0x20, s26, s16, $0xb8;
	[tilespmem:$0x1F400] =	vst v63  }
0x13f: {  	s29 =	simm.s32 $0x880  }
0x140: {  	[tilespmem:s18], [sflag:$0x1] =	stream.indirect.gather [hbm4b:s4+s16], $0x20, s29, s16, $0xb8;
	[tilespmem:$0x1F400] =	vst v63  }
0x141: {  	s30 =	simm.s32 $0x900  }
0x142: {  	[tilespmem:s19], [sflag:$0x1] =	stream.indirect.gather [hbm4b:s4+s16], $0x20, s30, s16, $0xb8;
	[tilespmem:$0x1F400] =	vst v63  }
0x143: {  	s26 =	simm.s32 $0x980  }
0x144: {  	[tilespmem:s20], [sflag:$0x1] =	stream.indirect.gather [hbm4b:s4+s16], $0x20, s26, s16, $0xb8;
	[tilespmem:$0x1F400] =	vst v63  }
0x145: {  	_ =	swait.ge [sflag:s21], $0x1000  }
0x146: {  	[sflag:s21] =	ssyncset.done $0x0  }
0x147: {  	[sflag:s21] =	ssyncadd.s32 $0xFFFFF000  }
0x148: {  	_ =	swait.ge [sflag:s21], $0x1000  }
0x149: {  	[sflag:s21] =	ssyncset.done $0x0  }
0x14a: {  	[sflag:s21] =	ssyncadd.s32 $0xFFFFF000  }
0x14b: {  	_ =	swait.ge [sflag:s21], $0x1000  }
0x14c: {  	[sflag:s21] =	ssyncset.done $0x0  }
0x14d: {  	[sflag:s21] =	ssyncadd.s32 $0xFFFFF000  }
0x14e: {  	_ =	swait.ge [sflag:s21], $0x1000  }
0x14f: {  	[sflag:s21] =	ssyncset.done $0x0  }
0x150: {  	[sflag:s21] =	ssyncadd.s32 $0xFFFFF000  }
0x151: {  	_ =	swait.ge [sflag:s21], $0x1000  }
0x152: {  	[sflag:s21] =	ssyncset.done $0x0  }
0x153: {  	s29 =	simm.s32 $0x1180;
	[sflag:s21] =	ssyncadd.s32 $0xFFFFF000  }
0x154: {  	[spmem:s2] =	stream.indirect.scatter.add.f32 [tilespmem:s11], [sflag:$0x2], $0x20, s29, s16, $0xb8;
	[tilespmem:$0x1F400] =	vst v63  }
0x155: {  	s30 =	simm.s32 $0x1200  }
0x156: {  	[spmem:s2] =	stream.indirect.scatter.add.f32 [tilespmem:s17], [sflag:$0x2], $0x20, s30, s16, $0xb8;
	[tilespmem:$0x1F400] =	vst v63  }
0x157: {  	s26 =	simm.s32 $0x1280  }
0x158: {  	[spmem:s2] =	stream.indirect.scatter.add.f32 [tilespmem:s18], [sflag:$0x2], $0x20, s26, s16, $0xb8;
	[tilespmem:$0x1F400] =	vst v63  }
0x159: {  	s29 =	simm.s32 $0x1300  }
0x15a: {  	[spmem:s2] =	stream.indirect.scatter.add.f32 [tilespmem:s19], [sflag:$0x2], $0x20, s29, s16, $0xb8;
	[tilespmem:$0x1F400] =	vst v63  }
0x15b: {  	s30 =	simm.s32 $0x1380  }
0x15c: {  	[spmem:s2] =	stream.indirect.scatter.add.f32 [tilespmem:s20], [sflag:$0x2], $0x20, s30, s16, $0xb8;
	[tilespmem:$0x1F400] =	vst v63  }
0x15d: {  	_ =	swait.ge [sflag:s22], $0x1000  }
0x15e: {  	[sflag:s22] =	ssyncset.done $0x0  }
0x15f: {  	[sflag:s22] =	ssyncadd.s32 $0xFFFFF000  }
0x160: {  	_ =	swait.ge [sflag:s22], $0x1000  }
0x161: {  	[sflag:s22] =	ssyncset.done $0x0  }
0x162: {  	[sflag:s22] =	ssyncadd.s32 $0xFFFFF000  }
0x163: {  	_ =	swait.ge [sflag:s22], $0x1000  }
0x164: {  	[sflag:s22] =	ssyncset.done $0x0  }
0x165: {  	[sflag:s22] =	ssyncadd.s32 $0xFFFFF000  }
0x166: {  	_ =	swait.ge [sflag:s22], $0x1000  }
0x167: {  	[sflag:s22] =	ssyncset.done $0x0  }
0x168: {  	[sflag:s22] =	ssyncadd.s32 $0xFFFFF000  }
0x169: {  	_ =	swait.ge [sflag:s22], $0x1000  }
0x16a: {  	[sflag:s22] =	ssyncset.done $0x0  }
0x16b: {  	[sflag:s22] =	ssyncadd.s32 $0xFFFFF000  }
0x16c: {  	s26 =	sadd.s32 $0xFFFFC000, s15;
	[bflag:$0x0] =	sbarrier.arrive $0xFFFF  }
0x16d: {  	[tilespmem:s11], [sflag:$0x3] =	stream.linear.gather [spmem:s26], $0x1000, $0x38;
	[tilespmem:$0x1F400] =	vst v63  }
0x16e: {  	s29 =	sadd.s32 $0xFFFFD000, s15  }
0x16f: {  	[tilespmem:s17], [sflag:$0x3] =	stream.linear.gather [spmem:s29], $0x1000, $0x38;
	[tilespmem:$0x1F400] =	vst v63  }
0x170: {  	s30 =	sadd.s32 $0xFFFFE000, s15  }
0x171: {  	[tilespmem:s18], [sflag:$0x3] =	stream.linear.gather [spmem:s30], $0x1000, $0x38;
	[tilespmem:$0x1F400] =	vst v63  }
0x172: {  	s26 =	sadd.s32 $0xFFFFF000, s15  }
0x173: {  	[tilespmem:s19], [sflag:$0x3] =	stream.linear.gather [spmem:s26], $0x1000, $0x38;
	[tilespmem:$0x1F400] =	vst v63  }
0x174: {  	_ = 	snop  }
0x175: {  	[tilespmem:s20], [sflag:$0x3] =	stream.linear.gather [spmem:s15], $0x1000, $0x38;
	[tilespmem:$0x1F400] =	vst v63  }
0x176: {  	_ =	swait.ge [sflag:s13], $0x1000  }
0x177: {  	[sflag:s13] =	ssyncset.done $0x0  }
0x178: {  	[sflag:s13] =	ssyncadd.s32 $0xFFFFF000  }
0x179: {  	_ =	swait.ge [sflag:s13], $0x1000  }
0x17a: {  	[sflag:s13] =	ssyncset.done $0x0  }
0x17b: {  	[sflag:s13] =	ssyncadd.s32 $0xFFFFF000  }
0x17c: {  	_ =	swait.ge [sflag:s13], $0x1000  }
0x17d: {  	[sflag:s13] =	ssyncset.done $0x0  }
0x17e: {  	[sflag:s13] =	ssyncadd.s32 $0xFFFFF000  }
0x17f: {  	_ =	swait.ge [sflag:s13], $0x1000  }
0x180: {  	[sflag:s13] =	ssyncset.done $0x0  }
0x181: {  	[sflag:s13] =	ssyncadd.s32 $0xFFFFF000  }
0x182: {  	_ =	swait.ge [sflag:s13], $0x1000  }
0x183: {  	[sflag:s13] =	ssyncset.done $0x0  }
0x184: {  	s25 =	sadd.s32 $0x0, s24;
	[sflag:s13] =	ssyncadd.s32 $0xFFFFF000  }
0x185: {  	[hbm4b:s25+s3] =	stream.linear.scatter [tilespmem:s11], [sflag:$0x3], $0x1000, $0x38;
	[tilespmem:$0x1F400] =	vst v63  }
0x186: {  	s26 =	sadd.s32 $0x200, s25  }
0x187: {  	[hbm4b:s26+s3] =	stream.linear.scatter [tilespmem:s17], [sflag:$0x3], $0x1000, $0x38;
	[tilespmem:$0x1F400] =	vst v63  }
0x188: {  	s29 =	sadd.s32 $0x400, s25  }
0x189: {  	[hbm4b:s29+s3] =	stream.linear.scatter [tilespmem:s18], [sflag:$0x3], $0x1000, $0x38;
	[tilespmem:$0x1F400] =	vst v63  }
0x18a: {  	s30 =	sadd.s32 $0x600, s25  }
0x18b: {  	[hbm4b:s30+s3] =	stream.linear.scatter [tilespmem:s19], [sflag:$0x3], $0x1000, $0x38;
	[tilespmem:$0x1F400] =	vst v63  }
0x18c: {  	s25 =	sadd.s32 $0x800, s25  }
0x18d: {  	[hbm4b:s25+s3] =	stream.linear.scatter [tilespmem:s20], [sflag:$0x3], $0x1000, $0x38;
	[tilespmem:$0x1F400] =	vst v63  }
0x18e: {  	_ =	swait.ge [sflag:s13], $0x1000  }
0x18f: {  	[sflag:s13] =	ssyncset.done $0x0  }
0x190: {  	[sflag:s13] =	ssyncadd.s32 $0xFFFFF000  }
0x191: {  	_ =	swait.ge [sflag:s13], $0x1000  }
0x192: {  	[sflag:s13] =	ssyncset.done $0x0  }
0x193: {  	[sflag:s13] =	ssyncadd.s32 $0xFFFFF000  }
0x194: {  	_ =	swait.ge [sflag:s13], $0x1000  }
0x195: {  	[sflag:s13] =	ssyncset.done $0x0  }
0x196: {  	[sflag:s13] =	ssyncadd.s32 $0xFFFFF000  }
0x197: {  	_ =	swait.ge [sflag:s13], $0x1000  }
0x198: {  	[sflag:s13] =	ssyncset.done $0x0  }
0x199: {  	[sflag:s13] =	ssyncadd.s32 $0xFFFFF000  }
0x19a: {  	s28 =	simm.s32 $0x1400;
	_ =	swait.ge [sflag:s13], $0x1000  }
0x19b: {  	s26 =	sadd.s32 $0x5000, s15;
	s25 =	simm.s32 $0xA00;
	[sflag:s13] =	ssyncset.done $0x0  }
.LBB2_2:
0x19c: {  	p0 =	sne.s32 s28, $0x2800;
	s29 =	sadd.s32 $0xFFFFC000, s26;
	[sflag:s13] =	ssyncadd.s32 $0xFFFFF000  }
0x19d: {  	[tilespmem:s11], [sflag:$0x3] =	stream.linear.gather [spmem:s29], $0x1000, $0x38;
	[tilespmem:$0x1F400] =	vst v63  }
0x19e: {  	s30 =	smov.u32 s28;
	s28 =	sadd.s32 $0xA00, s28;
	s29 =	sadd.s32 $0xFFFFD000, s26  }
0x19f: {  	[tilespmem:s17], [sflag:$0x3] =	stream.linear.gather [spmem:s29], $0x1000, $0x38;
	[tilespmem:$0x1F400] =	vst v63  }
0x1a0: {  	s29 =	sadd.s32 $0xFFFFE000, s26  }
0x1a1: {  	[tilespmem:s18], [sflag:$0x3] =	stream.linear.gather [spmem:s29], $0x1000, $0x38;
	[tilespmem:$0x1F400] =	vst v63  }
0x1a2: {  	s29 =	sadd.s32 $0xFFFFF000, s26  }
0x1a3: {  	[tilespmem:s19], [sflag:$0x3] =	stream.linear.gather [spmem:s29], $0x1000, $0x38;
	[tilespmem:$0x1F400] =	vst v63  }
0x1a4: {  	_ = 	snop  }
0x1a5: {  	[tilespmem:s20], [sflag:$0x3] =	stream.linear.gather [spmem:s26], $0x1000, $0x38;
	[tilespmem:$0x1F400] =	vst v63  }
0x1a6: {  	_ =	swait.ge [sflag:s13], $0x1000  }
0x1a7: {  	[sflag:s13] =	ssyncset.done $0x0  }
0x1a8: {  	[sflag:s13] =	ssyncadd.s32 $0xFFFFF000  }
0x1a9: {  	_ =	swait.ge [sflag:s13], $0x1000  }
0x1aa: {  	[sflag:s13] =	ssyncset.done $0x0  }
0x1ab: {  	[sflag:s13] =	ssyncadd.s32 $0xFFFFF000  }
0x1ac: {  	_ =	swait.ge [sflag:s13], $0x1000  }
0x1ad: {  	[sflag:s13] =	ssyncset.done $0x0  }
0x1ae: {  	[sflag:s13] =	ssyncadd.s32 $0xFFFFF000  }
0x1af: {  	_ =	swait.ge [sflag:s13], $0x1000  }
0x1b0: {  	[sflag:s13] =	ssyncset.done $0x0  }
0x1b1: {  	[sflag:s13] =	ssyncadd.s32 $0xFFFFF000  }
0x1b2: {  	_ =	swait.ge [sflag:s13], $0x1000  }
0x1b3: {  	[sflag:s13] =	ssyncset.done $0x0  }
0x1b4: {  	s29 =	sadd.s32 s25, s24;
	s25 =	smov.u32 s30;
	[sflag:s13] =	ssyncadd.s32 $0xFFFFF000  }
0x1b5: {  	[hbm4b:s29+s3] =	stream.linear.scatter [tilespmem:s11], [sflag:$0x3], $0x1000, $0x38;
	[tilespmem:$0x1F400] =	vst v63  }
0x1b6: {  	s30 =	sadd.s32 $0x200, s29  }
0x1b7: {  	[hbm4b:s30+s3] =	stream.linear.scatter [tilespmem:s17], [sflag:$0x3], $0x1000, $0x38;
	[tilespmem:$0x1F400] =	vst v63  }
0x1b8: {  	s30 =	sadd.s32 $0x400, s29  }
0x1b9: {  	[hbm4b:s30+s3] =	stream.linear.scatter [tilespmem:s18], [sflag:$0x3], $0x1000, $0x38;
	[tilespmem:$0x1F400] =	vst v63  }
0x1ba: {  	s30 =	sadd.s32 $0x600, s29  }
0x1bb: {  	[hbm4b:s30+s3] =	stream.linear.scatter [tilespmem:s19], [sflag:$0x3], $0x1000, $0x38;
	[tilespmem:$0x1F400] =	vst v63  }
0x1bc: {  	s29 =	sadd.s32 $0x800, s29  }
0x1bd: {  	[hbm4b:s29+s3] =	stream.linear.scatter [tilespmem:s20], [sflag:$0x3], $0x1000, $0x38;
	[tilespmem:$0x1F400] =	vst v63  }
0x1be: {  	_ =	swait.ge [sflag:s13], $0x1000  }
0x1bf: {  	[sflag:s13] =	ssyncset.done $0x0  }
0x1c0: {  	[sflag:s13] =	ssyncadd.s32 $0xFFFFF000  }
0x1c1: {  	_ =	swait.ge [sflag:s13], $0x1000  }
0x1c2: {  	[sflag:s13] =	ssyncset.done $0x0  }
0x1c3: {  	[sflag:s13] =	ssyncadd.s32 $0xFFFFF000  }
0x1c4: {  	_ =	swait.ge [sflag:s13], $0x1000  }
0x1c5: {  	[sflag:s13] =	ssyncset.done $0x0  }
0x1c6: {  	[sflag:s13] =	ssyncadd.s32 $0xFFFFF000  }
.Ltmp0:
0x1c7: {  	_ =	swait.ge [sflag:s13], $0x1000;
	(pc) =	sbr.rel @p0 .LBB2_2-.Ltmp0, $4  }
0x1c8: {  	[sflag:s13] =	ssyncset.done $0x0  }
0x1c9: {  	[sflag:s13] =	ssyncadd.s32 $0xFFFFF000  }
0x1ca: {  	_ =	swait.ge [sflag:s13], $0x1000  }
0x1cb: {  	s26 =	sadd.s32 $0x5000, s26;
	[sflag:s13] =	ssyncset.done $0x0  }
0x1cc: {  	s28 =	sadd.s32 $0xFFFFC000, s26;
	[sflag:s13] =	ssyncadd.s32 $0xFFFFF000  }
0x1cd: {  	[tilespmem:s11], [sflag:$0x3] =	stream.linear.gather [spmem:s28], $0x1000, $0x38;
	[tilespmem:$0x1F400] =	vst v63  }
0x1ce: {  	s30 =	sadd.s32 $0xFFFFD000, s26  }
0x1cf: {  	[tilespmem:s17], [sflag:$0x3] =	stream.linear.gather [spmem:s30], $0x1000, $0x38;
	[tilespmem:$0x1F400] =	vst v63  }
0x1d0: {  	s29 =	sadd.s32 $0xFFFFE000, s26  }
0x1d1: {  	[tilespmem:s18], [sflag:$0x3] =	stream.linear.gather [spmem:s29], $0x1000, $0x38;
	[tilespmem:$0x1F400] =	vst v63  }
0x1d2: {  	s30 =	sadd.s32 $0xFFFFF000, s26  }
0x1d3: {  	[tilespmem:s19], [sflag:$0x3] =	stream.linear.gather [spmem:s30], $0x1000, $0x38;
	[tilespmem:$0x1F400] =	vst v63  }
0x1d4: {  	_ = 	snop  }
0x1d5: {  	[tilespmem:s20], [sflag:$0x3] =	stream.linear.gather [spmem:s26], $0x1000, $0x38;
	[tilespmem:$0x1F400] =	vst v63  }
0x1d6: {  	_ =	swait.ge [sflag:s13], $0x1000  }
0x1d7: {  	[sflag:s13] =	ssyncset.done $0x0  }
0x1d8: {  	[sflag:s13] =	ssyncadd.s32 $0xFFFFF000  }
0x1d9: {  	_ =	swait.ge [sflag:s13], $0x1000  }
0x1da: {  	[sflag:s13] =	ssyncset.done $0x0  }
0x1db: {  	[sflag:s13] =	ssyncadd.s32 $0xFFFFF000  }
0x1dc: {  	_ =	swait.ge [sflag:s13], $0x1000  }
0x1dd: {  	[sflag:s13] =	ssyncset.done $0x0  }
0x1de: {  	[sflag:s13] =	ssyncadd.s32 $0xFFFFF000  }
0x1df: {  	_ =	swait.ge [sflag:s13], $0x1000  }
0x1e0: {  	[sflag:s13] =	ssyncset.done $0x0  }
0x1e1: {  	[sflag:s13] =	ssyncadd.s32 $0xFFFFF000  }
0x1e2: {  	_ =	swait.ge [sflag:s13], $0x1000  }
0x1e3: {  	[sflag:s13] =	ssyncset.done $0x0  }
0x1e4: {  	s25 =	sadd.s32 s25, s24;
	[sflag:s13] =	ssyncadd.s32 $0xFFFFF000  }
0x1e5: {  	[hbm4b:s25+s3] =	stream.linear.scatter [tilespmem:s11], [sflag:$0x3], $0x1000, $0x38;
	[tilespmem:$0x1F400] =	vst v63  }
0x1e6: {  	s29 =	sadd.s32 $0x200, s25  }
0x1e7: {  	[hbm4b:s29+s3] =	stream.linear.scatter [tilespmem:s17], [sflag:$0x3], $0x1000, $0x38;
	[tilespmem:$0x1F400] =	vst v63  }
0x1e8: {  	s30 =	sadd.s32 $0x400, s25  }
0x1e9: {  	[hbm4b:s30+s3] =	stream.linear.scatter [tilespmem:s18], [sflag:$0x3], $0x1000, $0x38;
	[tilespmem:$0x1F400] =	vst v63  }
0x1ea: {  	s28 =	sadd.s32 $0x600, s25  }
0x1eb: {  	[hbm4b:s28+s3] =	stream.linear.scatter [tilespmem:s19], [sflag:$0x3], $0x1000, $0x38;
	[tilespmem:$0x1F400] =	vst v63  }
0x1ec: {  	s25 =	sadd.s32 $0x800, s25  }
0x1ed: {  	[hbm4b:s25+s3] =	stream.linear.scatter [tilespmem:s20], [sflag:$0x3], $0x1000, $0x38;
	[tilespmem:$0x1F400] =	vst v63  }
0x1ee: {  	_ =	swait.ge [sflag:s13], $0x1000  }
0x1ef: {  	[sflag:s13] =	ssyncset.done $0x0  }
0x1f0: {  	[sflag:s13] =	ssyncadd.s32 $0xFFFFF000  }
0x1f1: {  	_ =	swait.ge [sflag:s13], $0x1000  }
0x1f2: {  	[sflag:s13] =	ssyncset.done $0x0  }
0x1f3: {  	[sflag:s13] =	ssyncadd.s32 $0xFFFFF000  }
0x1f4: {  	_ =	swait.ge [sflag:s13], $0x1000  }
0x1f5: {  	[sflag:s13] =	ssyncset.done $0x0  }
0x1f6: {  	[sflag:s13] =	ssyncadd.s32 $0xFFFFF000  }
0x1f7: {  	_ =	swait.ge [sflag:s13], $0x1000  }
0x1f8: {  	[sflag:s13] =	ssyncset.done $0x0  }
0x1f9: {  	[sflag:s13] =	ssyncadd.s32 $0xFFFFF000  }
0x1fa: {  	_ =	swait.ge [sflag:s13], $0x1000  }
0x1fb: {  	[sflag:s13] =	ssyncset.done $0x0  }
0x1fc: {  	[sflag:s13] =	ssyncadd.s32 $0xFFFFF000  }
0x1fd: {  	[tilespmem:s11], [sflag:$0x4] =	stream.linear.gather [spmem:s7], $0x1000, $0x38;
	[tilespmem:$0x1F400] =	vst v63  }
0x1fe: {  	_ =	swait.ge [sflag:s12], $0x1000  }
0x1ff: {  	[sflag:s12] =	ssyncset.done $0x0  }
0x200: {  	s29 =	rddreg [dreg:$0x6];
	[sflag:s12] =	ssyncadd.s32 $0xFFFFF000  }
0x201: {  	[hbm4b:s29+s3] =	stream.linear.scatter [tilespmem:s11], [sflag:$0x4], $0x1000, $0x38;
	[tilespmem:$0x1F400] =	vst v63  }
0x202: {  	_ =	swait.ge [sflag:s12], $0x1000  }
0x203: {  	s23 =	sadd.s32 $0x1, s23;
	s30 =	rddreg [dreg:$0x7]  }
0x204: {  	p0 =	sne.s32 s23, s30  }
.Ltmp1:
0x205: {  	_ = 	snop;
	(pc) =	sbr.rel @p0 .LBB2_1-.Ltmp1, $3  }
0x206: {  	_ =	sdelay $0x1  }
0x207: {  	[sflag:s12] =	ssyncset.done $0x0  }
0x208: {  	[sflag:s12] =	ssyncadd.s32 $0xFFFFF000  }
0x209: {  	_ =	sfence.sel $0x180000  }
0x20a: {  	[bflag:$0x0] =	sbarrier.arrive $0xFFFF  }
0x20b: {  	_ =	strace $0x9000004A  }
0x20c: {  	s0 =	stileid.u32;
	[bflag:$0x2] =	sbarrier.arrive $0xFFFF  }
0x20d: {  	p0 =	sne.s32 s0, $0x0;
	s0 =	rddreg [dreg:$0x2]  }
0x20e: {  	s0 =	sadd.s32 @!p0 $0x100000, s0  }
0x20f: {  	[sflag:s0] =	ssyncadd.tile.s32 @!p0 $0x1;
	_ =	shalt  }
.Lfunc_end2:
_tile_overlayer_lowered:
.L_overlay_start_2:
0x210: {  	(tag) =	ssettag $0x2  }
0x211: {  	s0 =	rddreg [dreg:$0x0];
	s2 =	stileid.u32  }
0x212: {  	s1 =	rddreg [dreg:$0x1];
	p0 =	sne.s32 s2, $0x0  }
0x213: {  	s3 =	rddreg [dreg:$0x2];
	[bflag:$0x3] =	sbarrier.arrive $0xFFFF;
	s2 =	simm.s32 @!p0 $0x1C04  }
0x214: {  	[timem:s3], [sflag:s2] =	dma.local @!p0 [hbm:s0], s1  }
0x215: {  	s0 =	simm.s32 @!p0 $0x4  }
0x216: {  	_ =	swait.ge @!p0 [sflag:s0], s1  }
0x217: {  	s1 =	ssub.s32 @!p0 $0x0, s1;
	[sflag:s0] =	ssyncset.done @!p0 $0x0  }
0x218: {  	[sflag:s0] =	ssyncadd.s32 @!p0 s1  }
0x219: {  	[bflag:$0x3] =	sbarrier.arrive $0xFFFF  }
0x21a: {  	_ =	shalt  }

// kernel: kernel.8.cloned.1.call-start
scs
__scs_entry_jumppad:
0x0: {  	(pc) =	sbr.rel $0x88, $3  }
0x1: {  	(tag) =	ssettag $0x0;
	lr =	simm.s32 $0x1  }
0x2: {  	[smem:$0x3F8C] =	sst lr;
	_ =	strace $0xD0000000  }
0x3: {  	_ = 	snop  }
0x4: {  	_ = 	snop  }
0x5: {  	_ = 	snop  }
0x6: {  	_ = 	snop  }
0x7: {  	_ = 	snop  }
__scs_overlays_trampoline_lowered:
0x8: {  	[smem:$0x3F9B] =	sst s0  }
0x9: {  	[smem:$0x3F9C] =	sst s1  }
0xa: {  	[smem:$0x3F9D] =	sst s2  }
0xb: {  	[smem:$0x3F9E] =	sst s3  }
0xc: {  	[smem:$0x3F9F] =	sst s4  }
0xd: {  	[smem:$0x3FA0] =	sst s5  }
0xe: {  	[smem:$0x3FA1] =	sst s6  }
0xf: {  	[smem:$0x3FA2] =	sst s7  }
0x10: {  	[smem:$0x3FA3] =	sst s8  }
0x11: {  	[smem:$0x3FA4] =	sst s9;
	s0 =	simm.s32 @!p0 $0x0  }
0x12: {  	s1 =	sld [smem:$0x3F8A];
	s0 =	simm.s32 @p0 $0x1  }
0x13: {  	[smem:$0x3FA5] =	sst s0;
	s0 =	simm.s32 @!p1 $0x0  }
0x14: {  	s2 =	sld [smem:$0x3F89];
	s0 =	simm.s32 @p1 $0x1  }
0x15: {  	[smem:$0x3FA6] =	sst s0;
	s0 =	simm.s32 @!p2 $0x0  }
0x16: {  	s3 =	sld [smem:$0x3FDB];
	s0 =	simm.s32 @p2 $0x1  }
0x17: {  	s4 =	simm.s32 $0x1BF5;
	[smem:$0x3FA8] =	sst s0  }
0x18: {  	s0 =	sld [smem:$0x3F8B];
	_ =	swait.ge [sflag:s4], $0x0  }
0x19: {  	s7 =	sld [smem:$0x3F8C]  }
0x1a: {  	s8 =	sadd.s32 $0xFFFFE003, lr  }
0x1b: {  	s9 =	sadd.s32 $0xFFFFFEF7, lr;
	s5 =	simm.s32 $0xFFFFFFFF;
	p2 =	slt.u32 s8, $0xFFFFF086  }
0x1c: {  	p1 =	slt.u32 s9, $0xF7A;
	s5 =	simm.s32 @!p2 $0x0  }
0x1d: {  	s5 =	simm.s32 @p1 $0x1;
	p0 =	seq.s32 s7, s2  }
0x1e: {  	s7 =	smul.u32 @!p0 $0xF7A, s2;
	p2 =	seq.s32 @!p0 s5, $0x0  }
0x1f: {  	s9 =	smul.u32 $0xF7A, s1;
	s8 =	simm.s32 @!p0 $0x1BF5;
	p2 =	por !p2, p0  }
0x20: {  	[sflag:s8] =	ssyncset.s32 @!p0 $0xFFFFF086;
	s6 =	sadd.s32 @!p0 s3, s7;
	s7 =	simm.s32 @!p0 $0x108  }
0x21: {  	s3 =	sadd.s32 s3, s9;
	s6 =	sadd.s32 @!p0 $0x88, s6;
	s7 =	simm.s32 @p2 $0x1082  }
0x22: {  	[simem:s7], [sflag:s8] =	dma.local @!p0 [hbm:s6], $0xF7A  }
0x23: {  	s9 =	sor.u32 $0xD0000000, s2;
	s6 =	simm.s32 $0x108;
	_ =	swait.ge @!p0 [sflag:s8], $0x0  }
0x24: {  	s3 =	sadd.s32 $0x88, s3;
	s6 =	simm.s32 @!p1 $0x1082;
	[sflag:s4] =	ssyncset.s32 $0xFFFFF086  }
0x25: {  	[simem:s6], [sflag:s4] =	dma.local [hbm:s3], $0xF7A  }
0x26: {  	[smem:$0x3F8C] =	sst s1;
	(tag) =	ssettag s2;
	_ =	strace s9  }
0x27: {  	s1 =	sld [smem:$0x3F9C]  }
0x28: {  	s2 =	sld [smem:$0x3F9D]  }
0x29: {  	s4 =	sld [smem:$0x3F9F]  }
0x2a: {  	p0 =	seq.s32 s5, $0x0;
	s5 =	sld [smem:$0x3FA0]  }
0x2b: {  	s6 =	sld [smem:$0x3FA1]  }
0x2c: {  	s7 =	sld [smem:$0x3FA2]  }
0x2d: {  	s3 =	simm.s32 $0x108;
	s8 =	sld [smem:$0x3FA3]  }
0x2e: {  	s3 =	simm.s32 @!p0 $0x1082;
	s9 =	sld [smem:$0x3FA4]  }
0x2f: {  	lr =	sadd.s32 s0, s3;
	s0 =	sld [smem:$0x3F9B]  }
0x30: {  	s3 =	sld [smem:$0x3F9E]  }
0x31: {  	[smem:$0x3FA7] =	sst s10  }
0x32: {  	s10 =	sld [smem:$0x3FA5];
	_ =	sdelay $0x3  }
0x33: {  	p0 =	seq.s32 s10, $0x1;
	s10 =	sld [smem:$0x3FA7];
	_ =	sdelay $0x3  }
0x34: {  	[smem:$0x3FA7] =	sst s10  }
0x35: {  	s10 =	sld [smem:$0x3FA6];
	_ =	sdelay $0x3  }
0x36: {  	p1 =	seq.s32 s10, $0x1;
	s10 =	sld [smem:$0x3FA7];
	_ =	sdelay $0x3  }
0x37: {  	[smem:$0x3FA7] =	sst s10  }
0x38: {  	s10 =	sld [smem:$0x3FA8]  }
0x39: {  	_ = 	snop;
	(pc) =	sbr.ind lr, $3  }
0x3a: {  	_ = 	snop  }
0x3b: {  	_ = 	snop  }
0x3c: {  	p2 =	seq.s32 s10, $0x1;
	s10 =	sld [smem:$0x3FA7]  }
0x3d: {  	_ =	shalt  }
0x3e: {  	_ =	shalt  }
0x3f: {  	_ =	shalt  }
0x40: {  	_ =	shalt  }
0x41: {  	_ =	shalt  }
0x42: {  	_ =	shalt  }
0x43: {  	_ =	shalt  }
0x44: {  	_ =	shalt  }
0x45: {  	_ =	shalt  }
0x46: {  	_ =	shalt  }
0x47: {  	_ =	shalt  }
0x48: {  	_ =	shalt  }
0x49: {  	_ =	shalt  }
0x4a: {  	_ =	shalt  }
0x4b: {  	_ =	shalt  }
0x4c: {  	_ =	shalt  }
0x4d: {  	_ =	shalt  }
0x4e: {  	_ =	shalt  }
0x4f: {  	_ =	shalt  }
0x50: {  	_ =	shalt  }
0x51: {  	_ =	shalt  }
0x52: {  	_ =	shalt  }
0x53: {  	_ =	shalt  }
0x54: {  	_ =	shalt  }
0x55: {  	_ =	shalt  }
0x56: {  	_ =	shalt  }
0x57: {  	_ =	shalt  }
0x58: {  	_ =	shalt  }
0x59: {  	_ =	shalt  }
0x5a: {  	_ =	shalt  }
0x5b: {  	_ =	shalt  }
0x5c: {  	_ =	shalt  }
0x5d: {  	_ =	shalt  }
0x5e: {  	_ =	shalt  }
0x5f: {  	_ =	shalt  }
0x60: {  	_ =	shalt  }
0x61: {  	_ =	shalt  }
0x62: {  	_ =	shalt  }
0x63: {  	_ =	shalt  }
0x64: {  	_ =	shalt  }
0x65: {  	_ =	shalt  }
0x66: {  	_ =	shalt  }
0x67: {  	_ =	shalt  }
0x68: {  	_ =	shalt  }
0x69: {  	_ =	shalt  }
0x6a: {  	_ =	shalt  }
0x6b: {  	_ =	shalt  }
0x6c: {  	_ =	shalt  }
0x6d: {  	_ =	shalt  }
0x6e: {  	_ =	shalt  }
0x6f: {  	_ =	shalt  }
0x70: {  	_ =	shalt  }
0x71: {  	_ =	shalt  }
0x72: {  	_ =	shalt  }
0x73: {  	_ =	shalt  }
0x74: {  	_ =	shalt  }
0x75: {  	_ =	shalt  }
0x76: {  	_ =	shalt  }
0x77: {  	_ =	shalt  }
0x78: {  	_ =	shalt  }
0x79: {  	_ =	shalt  }
0x7a: {  	_ =	shalt  }
0x7b: {  	_ =	shalt  }
0x7c: {  	_ =	shalt  }
0x7d: {  	_ =	shalt  }
0x7e: {  	_ =	shalt  }
0x7f: {  	_ =	shalt  }
0x80: {  	_ =	shalt  }
0x81: {  	_ =	shalt  }
0x82: {  	_ =	shalt  }
0x83: {  	_ =	shalt  }
0x84: {  	_ =	shalt  }
0x85: {  	_ =	shalt  }
0x86: {  	_ =	shalt  }
0x87: {  	_ =	shalt  }
.Lfunc_end0:
.L_simem_size_0:
called_computation_lowered:
.L_overlay_start_0:
0x88: {  	s2 =	sld [smem:$0x3FD9]  }
0x89: {  	s3 =	sld [smem:$0x3FFE];
	_ =	sdelay $0x1  }
0x8a: {  	s1 =	srdreg.scid  }
0x8b: {  	s0 =	sand.u32 $0x1, s1  }
0x8c: {  	s16 =	sshll.u32 s0, $0xA;
	s2 =	sadd.s32 s3, s2  }
0x8d: {  	s2 =	sadd.s32 s2, s16  }
0x8e: {  	[smem:$0x3FB3] =	sst s2  }
0x8f: {  	_ = 	snop  }
0x90: {  	(tm) =	ssettm $0x1  }
0x91: {  	s17 =	sld [smem:$0x3FFB];
	_ =	sdelay $0x3  }
0x92: {  	_ =	strace s17  }
0x93: {  	s2 =	sld [smem:$0x3FFC];
	_ =	sdelay $0x3  }
0x94: {  	_ =	strace s2  }
0x95: {  	s2 =	sld [smem:$0x3FFD];
	_ =	sdelay $0x3  }
0x96: {  	_ =	strace s2  }
0x97: {  	_ =	strace $0x8FFFFFFF  }
0x98: {  	s18 =	sld [smem:$0x3FDB];
	_ =	sdelay $0x1  }
0x99: {  	s19 =	simm.s32 $_scs_section_size  }
0x9a: {  	s4 =	simm.s32 $_size__tile_overlayer_lowered;
	s5 =	simm.s32 $_tile_overlayer_lowered  }
0x9b: {  	s22 =	simm.s32 $0x1BFF;
	s21 =	sshll.u32 s5, $0x1;
	s2 =	sadd.s32 s19, s18  }
0x9c: {  	s6 =	simm.s32 $0x0;
	s20 =	sshll.u32 s4, $0x1;
	s4 =	sadd.s32 s21, s2  }
0x9d: {  	[timem:s6], [sflag:s22] =	dma.local [hbm:s4], s20  }
0x9e: {  	_ =	swait.ge [sflag:s22], s20  }
0x9f: {  	s3 =	ssub.s32 $0x0, s20;
	[sflag:s22] =	ssyncset.done $0x0  }
0xa0: {  	[sflag:s22] =	ssyncadd.s32 s3;
	_ =	sdelay $0x1  }
0xa1: {  	s23 =	simm.s32 $0x1B8B  }
0xa2: {  	_ =	swait.ge [sflag:s23], $0x1  }
0xa3: {  	[sflag:s23] =	ssyncset.done $0x0  }
0xa4: {  	s25 =	simm.s32 $0x1B8E;
	s24 =	sld [smem:$0x3FFE];
	[sflag:s23] =	ssyncadd.s32 $0xFFFFFFFF  }
0xa5: {  	s26 =	simm.s32 $execute0_lowered;
	[smem:$0x3FD2] =	sst s25  }
0xa6: {  	s4 =	sshll.u32 s26, $0x1;
	_ =	strace $0x80000046;
	[dreg:$0x1] =	wrdreg $0xFFFFFFFF  }
0xa7: {  	s28 =	simm.s32 $_size_execute0_lowered;
	s2 =	sadd.s32 s2, s4;
	[dreg:$0x0] =	wrdreg $0x0  }
0xa8: {  	s4 =	sshll.u32 s28, $0x1;
	[dreg:$0x2] =	wrdreg s2  }
0xa9: {  	[dreg:$0x3] =	wrdreg s4  }
0xaa: {  	[dreg:$0x4] =	wrdreg $0xC0  }
0xab: {  	_ =	task [dreg:s6], $0x5FFFF  }
0xac: {  	[dreg:$0x1] =	wrdreg $0xFFFFFFFF  }
0xad: {  	[dreg:$0x0] =	wrdreg $0x60  }
0xae: {  	[dreg:$0x2] =	wrdreg s24  }
0xaf: {  	[dreg:$0x3] =	wrdreg $0x64000  }
0xb0: {  	[dreg:$0x4] =	wrdreg $0x9  }
0xb1: {  	_ =	task.clear_ibuf [dreg:s6], $0x5FFFF;
	_ =	strace $0x90000046  }
0xb2: {  	s29 =	simm.s32 $0x9;
	_ =	strace $0x80000048  }
0xb3: {  	_ =	swait.ge [sflag:s29], $0x1  }
0xb4: {  	[sflag:s29] =	ssyncadd.s32 $0xFFFFFFFF  }
0xb5: {  	_ =	strace $0x90000048  }
0xb6: {  	_ =	sfence  }
0xb7: {  	s30 =	sld [smem:$0x0];
	_ =	sdelay $0x2  }
0xb8: {  	s31 =	sshll.u32 s1, $0xD;
	s1 =	sshrl.u32 s1, $0x2  }
0xb9: {  	s3 =	sand.u32 $0x4000, s31;
	s1 =	sadd.s32 s1, s30  }
0xba: {  	s0 =	sor.u32 s3, s0;
	s1 =	sshll.u32 s1, $0x11  }
0xbb: {  	s0 =	sor.u32 s1, s0  }
0xbc: {  	s0 =	sadd.s32 $0x8F2B, s0  }
0xbd: {  	[sflag:s0] =	ssyncadd.remote.s32 $0x1  }
0xbe: {  	_ =	sfence.sel $0xFFFF  }
0xbf: {  	[dreg:$0x0] =	wrdreg $0xFFFFFFFF;
	(pc) =	sbr.abs _section_cstart, $3  }
0xc0: {  	[dreg:$0x1] =	wrdreg $0xFFFFFFFF  }
0xc1: {  	_ =	task.clear_ibuf [dreg:s6], $0x2FFFF;
	_ =	strace $0x9FFFFFFF  }
0xc2: {  	(tm) =	ssettm $0x7FFFFFFF  }
0xc3: {  	_ =	shalt  }
tec
execute0_lowered:
.L_overlay_start_1:
0x0: {  	(tag) =	ssettag $0x1  }
0x1: {  	s0 =	rddreg [dreg:$0x0];
	s11 =	stileid.u32  }
0x2: {  	s1 =	srdreg.scid;
	s4 =	smul.u32 $0x14, s11  }
0x3: {  	s2 =	rddreg [dreg:$0x1];
	s3 =	simm.s32 $0x0;
	s6 =	smul.u32 $0xC80, s11  }
0x4: {  	s1 =	sand.u32 $0x1, s1;
	[smem:$0x7FF] =	sst s3;
	s26 =	smul.u32 $0x64000, s11  }
0x5: {  	s9 =	sadd.s32 $0xF8400, s0;
	s21 =	smul.u32 $0x3200, s11;
	p0 =	seq.s32 s1, $0x0  }
0x6: {  	_ =	strace $0x80000047;
	s28 =	ssub.s32 $0x2, s1;
	s5 =	sadd.s32 $0x140, s4  }
0x7: {  	s7 =	smul.u32 $0xC800, s1;
	s10 =	sshrl.u32 s28, $0x1;
	s5 =	smov.u32 @p0 s4  }
0x8: {  	[dreg:$0x3] =	wrdreg s9;
	s9 =	ssub.s32 s28, s10;
	s4 =	sshll.u32 s5, $0x4  }
0x9: {  	s7 =	sadd.s32 s6, s7;
	s12 =	smax.u32 s9, $0x1;
	s8 =	sadd.s32 s4, s0  }
0xa: {  	s5 =	sshrl.u32 s26, $0x2;
	[dreg:$0x7] =	wrdreg s12;
	s30 =	sadd.s32 $0xC6400, s8  }
0xb: {  	s6 =	sadd.s32 s5, s2;
	s8 =	sadd.s32 $0xDF400, s8;
	[dreg:$0x4] =	wrdreg s30  }
0xc: {  	s11 =	simm.s32 $0x1400;
	s13 =	sadd.s32 $0x1000, s6;
	[dreg:$0x5] =	wrdreg s8  }
0xd: {  	s1 =	smul.u32 $0x32000, s1;
	s14 =	sadd.s32 $0x2000, s6;
	[dreg:$0x8] =	wrdreg s13  }
0xe: {  	s29 =	sshll.u32 s7, $0x2;
	s15 =	sadd.s32 $0x3000, s6;
	[dreg:$0x9] =	wrdreg s14  }
0xf: {  	s4 =	sadd.s32 $0x3D3800, s0;
	s16 =	sadd.s32 $0x5000, s6;
	[dreg:$0xa] =	wrdreg s15  }
0x10: {  	s0 =	sadd.s32 $0xF8600, s0;
	s17 =	sadd.s32 $0x6000, s6;
	[dreg:$0xb] =	wrdreg s16  }
0x11: {  	s12 =	simm.s32 $0x4;
	s18 =	sadd.s32 $0x7000, s6;
	[dreg:$0xc] =	wrdreg s17  }
0x12: {  	s7 =	sadd.s32 $0x19000, s6;
	s19 =	sadd.s32 $0x8000, s6;
	[dreg:$0xd] =	wrdreg s18  }
0x13: {  	s5 =	sadd.s32 s29, s0;
	s20 =	sadd.s32 $0x9000, s6;
	[dreg:$0xe] =	wrdreg s19  }
0x14: {  	s22 =	sadd.s32 $0xA000, s6;
	s23 =	sadd.s32 $0xB000, s6;
	[dreg:$0xf] =	wrdreg s20  }
0x15: {  	s0 =	sadd.s32 s1, s0;
	s24 =	sadd.s32 $0xC000, s6;
	[dreg:$0x10] =	wrdreg s22  }
0x16: {  	s25 =	sadd.s32 $0xD000, s6;
	s26 =	sadd.s32 $0xE000, s6;
	[dreg:$0x11] =	wrdreg s23  }
0x17: {  	s28 =	sadd.s32 $0xF000, s6;
	s29 =	sadd.s32 $0x10000, s6;
	[dreg:$0x12] =	wrdreg s24  }
0x18: {  	s31 =	sadd.s32 $0x12000, s6;
	s1 =	sadd.s32 $0x13000, s6;
	[dreg:$0x13] =	wrdreg s25  }
0x19: {  	s9 =	sadd.s32 $0x17000, s6;
	s10 =	sadd.s32 $0x18000, s6;
	[dreg:$0x14] =	wrdreg s26  }
0x1a: {  	s5 =	sadd.s32 $0x3200, s5;
	s15 =	sadd.s32 $0x4000, s6;
	[dreg:$0x15] =	wrdreg s28  }
0x1b: {  	s24 =	sadd.s32 s21, s0;
	[dreg:$0x16] =	wrdreg s29;
	s30 =	sadd.s32 $0x11000, s6  }
0x1c: {  	s0 =	sadd.s32 $0x14000, s6;
	s8 =	sadd.s32 $0x16000, s6;
	s13 =	simm.s32 $0x3  }
0x1d: {  	s14 =	simm.s32 $0xA00;
	s16 =	simm.s32 $0x80;
	s17 =	simm.s32 $0x2400  }
0x1e: {  	s18 =	simm.s32 $0x3400;
	s19 =	simm.s32 $0x4400;
	s20 =	simm.s32 $0x5400  }
0x1f: {  	s21 =	simm.s32 $0x1;
	s22 =	simm.s32 $0x2;
	[dreg:$0x6] =	wrdreg s5  }
0x20: {  	s23 =	simm.s32 $0x0;
	[dreg:$0x17] =	wrdreg s30;
	s5 =	sadd.s32 $0x15000, s6  }
.LBB2_1:
0x21: {  	s25 =	rddreg [dreg:$0x3]  }
0x22: {  	[tilespmem:s11], [sflag:$0x4] =	stream.linear.gather [hbm4b:s25+s3], $0x1000, $0x38;
	[tilespmem:$0x1F400] =	vst v63  }
0x23: {  	_ =	swait.ge [sflag:s12], $0x1000  }
0x24: {  	[sflag:s12] =	ssyncset.done $0x0  }
0x25: {  	[sflag:s12] =	ssyncadd.s32 $0xFFFFF000  }
0x26: {  	[spmem:s6] =	stream.linear.scatter [tilespmem:s11], [sflag:$0x3], $0x1000, $0x38;
	[tilespmem:$0x1F400] =	vst v63  }
0x27: {  	s30 =	rddreg [dreg:$0x8]  }
0x28: {  	[spmem:s30] =	stream.linear.scatter [tilespmem:s11], [sflag:$0x3], $0x1000, $0x38;
	[tilespmem:$0x1F400] =	vst v63  }
0x29: {  	s26 =	rddreg [dreg:$0x9]  }
0x2a: {  	[spmem:s26] =	stream.linear.scatter [tilespmem:s11], [sflag:$0x3], $0x1000, $0x38;
	[tilespmem:$0x1F400] =	vst v63  }
0x2b: {  	s29 =	rddreg [dreg:$0xa]  }
0x2c: {  	[spmem:s29] =	stream.linear.scatter [tilespmem:s11], [sflag:$0x3], $0x1000, $0x38;
	[tilespmem:$0x1F400] =	vst v63  }
0x2d: {  	_ = 	snop  }
0x2e: {  	[spmem:s15] =	stream.linear.scatter [tilespmem:s11], [sflag:$0x3], $0x1000, $0x38;
	[tilespmem:$0x1F400] =	vst v63  }
0x2f: {  	_ =	swait.ge [sflag:s13], $0x1000  }
0x30: {  	[sflag:s13] =	ssyncset.done $0x0  }
0x31: {  	[sflag:s13] =	ssyncadd.s32 $0xFFFFF000  }
0x32: {  	_ =	swait.ge [sflag:s13], $0x1000  }
0x33: {  	[sflag:s13] =	ssyncset.done $0x0  }
0x34: {  	[sflag:s13] =	ssyncadd.s32 $0xFFFFF000  }
0x35: {  	_ =	swait.ge [sflag:s13], $0x1000  }
0x36: {  	[sflag:s13] =	ssyncset.done $0x0  }
0x37: {  	[sflag:s13] =	ssyncadd.s32 $0xFFFFF000  }
0x38: {  	_ =	swait.ge [sflag:s13], $0x1000  }
0x39: {  	[sflag:s13] =	ssyncset.done $0x0  }
0x3a: {  	[sflag:s13] =	ssyncadd.s32 $0xFFFFF000  }
0x3b: {  	_ =	swait.ge [sflag:s13], $0x1000  }
0x3c: {  	[sflag:s13] =	ssyncset.done $0x0  }
0x3d: {  	s30 =	rddreg [dreg:$0xb];
	[sflag:s13] =	ssyncadd.s32 $0xFFFFF000  }
0x3e: {  	[spmem:s30] =	stream.linear.scatter [tilespmem:s11], [sflag:$0x3], $0x1000, $0x38;
	[tilespmem:$0x1F400] =	vst v63  }
0x3f: {  	s26 =	rddreg [dreg:$0xc]  }
0x40: {  	[spmem:s26] =	stream.linear.scatter [tilespmem:s11], [sflag:$0x3], $0x1000, $0x38;
	[tilespmem:$0x1F400] =	vst v63  }
0x41: {  	s29 =	rddreg [dreg:$0xd]  }
0x42: {  	[spmem:s29] =	stream.linear.scatter [tilespmem:s11], [sflag:$0x3], $0x1000, $0x38;
	[tilespmem:$0x1F400] =	vst v63  }
0x43: {  	s30 =	rddreg [dreg:$0xe]  }
0x44: {  	[spmem:s30] =	stream.linear.scatter [tilespmem:s11], [sflag:$0x3], $0x1000, $0x38;
	[tilespmem:$0x1F400] =	vst v63  }
0x45: {  	s26 =	rddreg [dreg:$0xf]  }
0x46: {  	[spmem:s26] =	stream.linear.scatter [tilespmem:s11], [sflag:$0x3], $0x1000, $0x38;
	[tilespmem:$0x1F400] =	vst v63  }
0x47: {  	_ =	swait.ge [sflag:s13], $0x1000  }
0x48: {  	[sflag:s13] =	ssyncset.done $0x0  }
0x49: {  	[sflag:s13] =	ssyncadd.s32 $0xFFFFF000  }
0x4a: {  	_ =	swait.ge [sflag:s13], $0x1000  }
0x4b: {  	[sflag:s13] =	ssyncset.done $0x0  }
0x4c: {  	[sflag:s13] =	ssyncadd.s32 $0xFFFFF000  }
0x4d: {  	_ =	swait.ge [sflag:s13], $0x1000  }
0x4e: {  	[sflag:s13] =	ssyncset.done $0x0  }
0x4f: {  	[sflag:s13] =	ssyncadd.s32 $0xFFFFF000  }
0x50: {  	_ =	swait.ge [sflag:s13], $0x1000  }
0x51: {  	[sflag:s13] =	ssyncset.done $0x0  }
0x52: {  	[sflag:s13] =	ssyncadd.s32 $0xFFFFF000  }
0x53: {  	_ =	swait.ge [sflag:s13], $0x1000  }
0x54: {  	[sflag:s13] =	ssyncset.done $0x0  }
0x55: {  	s29 =	rddreg [dreg:$0x10];
	[sflag:s13] =	ssyncadd.s32 $0xFFFFF000  }
0x56: {  	[spmem:s29] =	stream.linear.scatter [tilespmem:s11], [sflag:$0x3], $0x1000, $0x38;
	[tilespmem:$0x1F400] =	vst v63  }
0x57: {  	s30 =	rddreg [dreg:$0x11]  }
0x58: {  	[spmem:s30] =	stream.linear.scatter [tilespmem:s11], [sflag:$0x3], $0x1000, $0x38;
	[tilespmem:$0x1F400] =	vst v63  }
0x59: {  	s26 =	rddreg [dreg:$0x12]  }
0x5a: {  	[spmem:s26] =	stream.linear.scatter [tilespmem:s11], [sflag:$0x3], $0x1000, $0x38;
	[tilespmem:$0x1F400] =	vst v63  }
0x5b: {  	s29 =	rddreg [dreg:$0x13]  }
0x5c: {  	[spmem:s29] =	stream.linear.scatter [tilespmem:s11], [sflag:$0x3], $0x1000, $0x38;
	[tilespmem:$0x1F400] =	vst v63  }
0x5d: {  	s30 =	rddreg [dreg:$0x14]  }
0x5e: {  	[spmem:s30] =	stream.linear.scatter [tilespmem:s11], [sflag:$0x3], $0x1000, $0x38;
	[tilespmem:$0x1F400] =	vst v63  }
0x5f: {  	_ =	swait.ge [sflag:s13], $0x1000  }
0x60: {  	[sflag:s13] =	ssyncset.done $0x0  }
0x61: {  	[sflag:s13] =	ssyncadd.s32 $0xFFFFF000  }
0x62: {  	_ =	swait.ge [sflag:s13], $0x1000  }
0x63: {  	[sflag:s13] =	ssyncset.done $0x0  }
0x64: {  	[sflag:s13] =	ssyncadd.s32 $0xFFFFF000  }
0x65: {  	_ =	swait.ge [sflag:s13], $0x1000  }
0x66: {  	[sflag:s13] =	ssyncset.done $0x0  }
0x67: {  	[sflag:s13] =	ssyncadd.s32 $0xFFFFF000  }
0x68: {  	_ =	swait.ge [sflag:s13], $0x1000  }
0x69: {  	[sflag:s13] =	ssyncset.done $0x0  }
0x6a: {  	[sflag:s13] =	ssyncadd.s32 $0xFFFFF000  }
0x6b: {  	_ =	swait.ge [sflag:s13], $0x1000  }
0x6c: {  	[sflag:s13] =	ssyncset.done $0x0  }
0x6d: {  	s26 =	rddreg [dreg:$0x15];
	[sflag:s13] =	ssyncadd.s32 $0xFFFFF000  }
0x6e: {  	[spmem:s26] =	stream.linear.scatter [tilespmem:s11], [sflag:$0x3], $0x1000, $0x38;
	[tilespmem:$0x1F400] =	vst v63  }
0x6f: {  	s29 =	rddreg [dreg:$0x16]  }
0x70: {  	[spmem:s29] =	stream.linear.scatter [tilespmem:s11], [sflag:$0x3], $0x1000, $0x38;
	[tilespmem:$0x1F400] =	vst v63  }
0x71: {  	s30 =	rddreg [dreg:$0x17]  }
0x72: {  	[spmem:s30] =	stream.linear.scatter [tilespmem:s11], [sflag:$0x3], $0x1000, $0x38;
	[tilespmem:$0x1F400] =	vst v63  }
0x73: {  	_ = 	snop  }
0x74: {  	[spmem:s31] =	stream.linear.scatter [tilespmem:s11], [sflag:$0x3], $0x1000, $0x38;
	[tilespmem:$0x1F400] =	vst v63  }
0x75: {  	_ = 	snop  }
0x76: {  	[spmem:s1] =	stream.linear.scatter [tilespmem:s11], [sflag:$0x3], $0x1000, $0x38;
	[tilespmem:$0x1F400] =	vst v63  }
0x77: {  	_ =	swait.ge [sflag:s13], $0x1000  }
0x78: {  	[sflag:s13] =	ssyncset.done $0x0  }
0x79: {  	[sflag:s13] =	ssyncadd.s32 $0xFFFFF000  }
0x7a: {  	_ =	swait.ge [sflag:s13], $0x1000  }
0x7b: {  	[sflag:s13] =	ssyncset.done $0x0  }
0x7c: {  	[sflag:s13] =	ssyncadd.s32 $0xFFFFF000  }
0x7d: {  	_ =	swait.ge [sflag:s13], $0x1000  }
0x7e: {  	[sflag:s13] =	ssyncset.done $0x0  }
0x7f: {  	[sflag:s13] =	ssyncadd.s32 $0xFFFFF000  }
0x80: {  	_ =	swait.ge [sflag:s13], $0x1000  }
0x81: {  	[sflag:s13] =	ssyncset.done $0x0  }
0x82: {  	[sflag:s13] =	ssyncadd.s32 $0xFFFFF000  }
0x83: {  	_ =	swait.ge [sflag:s13], $0x1000  }
0x84: {  	[sflag:s13] =	ssyncset.done $0x0  }
0x85: {  	[sflag:s13] =	ssyncadd.s32 $0xFFFFF000  }
0x86: {  	[spmem:s0] =	stream.linear.scatter [tilespmem:s11], [sflag:$0x3], $0x1000, $0x38;
	[tilespmem:$0x1F400] =	vst v63  }
0x87: {  	_ = 	snop  }
0x88: {  	[spmem:s5] =	stream.linear.scatter [tilespmem:s11], [sflag:$0x3], $0x1000, $0x38;
	[tilespmem:$0x1F400] =	vst v63  }
0x89: {  	_ = 	snop  }
0x8a: {  	[spmem:s8] =	stream.linear.scatter [tilespmem:s11], [sflag:$0x3], $0x1000, $0x38;
	[tilespmem:$0x1F400] =	vst v63  }
0x8b: {  	_ = 	snop  }
0x8c: {  	[spmem:s9] =	stream.linear.scatter [tilespmem:s11], [sflag:$0x3], $0x1000, $0x38;
	[tilespmem:$0x1F400] =	vst v63  }
0x8d: {  	_ = 	snop  }
0x8e: {  	[spmem:s10] =	stream.linear.scatter [tilespmem:s11], [sflag:$0x3], $0x1000, $0x38;
	[tilespmem:$0x1F400] =	vst v63  }
0x8f: {  	_ =	swait.ge [sflag:s13], $0x1000  }
0x90: {  	[sflag:s13] =	ssyncset.done $0x0  }
0x91: {  	[sflag:s13] =	ssyncadd.s32 $0xFFFFF000  }
0x92: {  	_ =	swait.ge [sflag:s13], $0x1000  }
0x93: {  	[sflag:s13] =	ssyncset.done $0x0  }
0x94: {  	[sflag:s13] =	ssyncadd.s32 $0xFFFFF000  }
0x95: {  	_ =	swait.ge [sflag:s13], $0x1000  }
0x96: {  	[sflag:s13] =	ssyncset.done $0x0  }
0x97: {  	[sflag:s13] =	ssyncadd.s32 $0xFFFFF000  }
0x98: {  	_ =	swait.ge [sflag:s13], $0x1000  }
0x99: {  	[sflag:s13] =	ssyncset.done $0x0  }
0x9a: {  	[sflag:s13] =	ssyncadd.s32 $0xFFFFF000  }
0x9b: {  	_ =	swait.ge [sflag:s13], $0x1000  }
0x9c: {  	[sflag:s13] =	ssyncset.done $0x0  }
0x9d: {  	[sflag:s13] =	ssyncadd.s32 $0xFFFFF000  }
0x9e: {  	[spmem:s7] =	stream.linear.scatter [tilespmem:s11], [sflag:$0x4], $0x1000, $0x38;
	[tilespmem:$0x1F400] =	vst v63  }
0x9f: {  	_ =	swait.ge [sflag:s12], $0x1000  }
0xa0: {  	[sflag:s12] =	ssyncset.done $0x0  }
0xa1: {  	[sflag:s12] =	ssyncadd.s32 $0xFFFFF000  }
0xa2: {  	[bflag:$0x0] =	sbarrier.arrive $0xFFFF  }
0xa3: {  	s26 =	rddreg [dreg:$0x4]  }
0xa4: {  	[tilespmem:s3], [sflag:$0x4] =	stream.linear.gather [hbm4b:s26+s3], $0xA00, $0x38;
	[tilespmem:$0x1F400] =	vst v63  }
0xa5: {  	_ =	swait.ge [sflag:s12], $0xA00  }
0xa6: {  	[sflag:s12] =	ssyncset.done $0x0  }
0xa7: {  	s29 =	rddreg [dreg:$0x5];
	[sflag:s12] =	ssyncadd.s32 $0xFFFFF600  }
0xa8: {  	[tilespmem:s14], [sflag:$0x4] =	stream.linear.gather [hbm4b:s29+s3], $0xA00, $0x38;
	[tilespmem:$0x1F400] =	vst v63  }
0xa9: {  	_ =	swait.ge [sflag:s12], $0xA00  }
0xaa: {  	[sflag:s12] =	ssyncset.done $0x0  }
0xab: {  	[sflag:s12] =	ssyncadd.s32 $0xFFFFF600  }
0xac: {  	[tilespmem:s11], [sflag:$0x1] =	stream.indirect.gather [hbm4b:s4+s16], $0x20, s3, s16, $0xb8;
	[tilespmem:$0x1F400] =	vst v63  }
0xad: {  	_ = 	snop  }
0xae: {  	[tilespmem:s17], [sflag:$0x1] =	stream.indirect.gather [hbm4b:s4+s16], $0x20, s16, s16, $0xb8;
	[tilespmem:$0x1F400] =	vst v63  }
0xaf: {  	s30 =	simm.s32 $0x100  }
0xb0: {  	[tilespmem:s18], [sflag:$0x1] =	stream.indirect.gather [hbm4b:s4+s16], $0x20, s30, s16, $0xb8;
	[tilespmem:$0x1F400] =	vst v63  }
0xb1: {  	s26 =	simm.s32 $0x180  }
0xb2: {  	[tilespmem:s19], [sflag:$0x1] =	stream.indirect.gather [hbm4b:s4+s16], $0x20, s26, s16, $0xb8;
	[tilespmem:$0x1F400] =	vst v63  }
0xb3: {  	s29 =	simm.s32 $0x200  }
0xb4: {  	[tilespmem:s20], [sflag:$0x1] =	stream.indirect.gather [hbm4b:s4+s16], $0x20, s29, s16, $0xb8;
	[tilespmem:$0x1F400] =	vst v63  }
0xb5: {  	_ =	swait.ge [sflag:s21], $0x1000  }
0xb6: {  	[sflag:s21] =	ssyncset.done $0x0  }
0xb7: {  	[sflag:s21] =	ssyncadd.s32 $0xFFFFF000  }
0xb8: {  	_ =	swait.ge [sflag:s21], $0x1000  }
0xb9: {  	[sflag:s21] =	ssyncset.done $0x0  }
0xba: {  	[sflag:s21] =	ssyncadd.s32 $0xFFFFF000  }
0xbb: {  	_ =	swait.ge [sflag:s21], $0x1000  }
0xbc: {  	[sflag:s21] =	ssyncset.done $0x0  }
0xbd: {  	[sflag:s21] =	ssyncadd.s32 $0xFFFFF000  }
0xbe: {  	_ =	swait.ge [sflag:s21], $0x1000  }
0xbf: {  	[sflag:s21] =	ssyncset.done $0x0  }
0xc0: {  	[sflag:s21] =	ssyncadd.s32 $0xFFFFF000  }
0xc1: {  	_ =	swait.ge [sflag:s21], $0x1000  }
0xc2: {  	[sflag:s21] =	ssyncset.done $0x0  }
0xc3: {  	[sflag:s21] =	ssyncadd.s32 $0xFFFFF000  }
0xc4: {  	[spmem:s2] =	stream.indirect.scatter.add.f32 [tilespmem:s11], [sflag:$0x2], $0x20, s14, s16, $0xb8;
	[tilespmem:$0x1F400] =	vst v63  }
0xc5: {  	s30 =	simm.s32 $0xA80  }
0xc6: {  	[spmem:s2] =	stream.indirect.scatter.add.f32 [tilespmem:s17], [sflag:$0x2], $0x20, s30, s16, $0xb8;
	[tilespmem:$0x1F400] =	vst v63  }
0xc7: {  	s26 =	simm.s32 $0xB00  }
0xc8: {  	[spmem:s2] =	stream.indirect.scatter.add.f32 [tilespmem:s18], [sflag:$0x2], $0x20, s26, s16, $0xb8;
	[tilespmem:$0x1F400] =	vst v63  }
0xc9: {  	s29 =	simm.s32 $0xB80  }
0xca: {  	[spmem:s2] =	stream.indirect.scatter.add.f32 [tilespmem:s19], [sflag:$0x2], $0x20, s29, s16, $0xb8;
	[tilespmem:$0x1F400] =	vst v63  }
0xcb: {  	s30 =	simm.s32 $0xC00  }
0xcc: {  	[spmem:s2] =	stream.indirect.scatter.add.f32 [tilespmem:s20], [sflag:$0x2], $0x20, s30, s16, $0xb8;
	[tilespmem:$0x1F400] =	vst v63  }
0xcd: {  	_ =	swait.ge [sflag:s22], $0x1000  }
0xce: {  	[sflag:s22] =	ssyncset.done $0x0  }
0xcf: {  	[sflag:s22] =	ssyncadd.s32 $0xFFFFF000  }
0xd0: {  	_ =	swait.ge [sflag:s22], $0x1000  }
0xd1: {  	[sflag:s22] =	ssyncset.done $0x0  }
0xd2: {  	[sflag:s22] =	ssyncadd.s32 $0xFFFFF000  }
0xd3: {  	_ =	swait.ge [sflag:s22], $0x1000  }
0xd4: {  	[sflag:s22] =	ssyncset.done $0x0  }
0xd5: {  	[sflag:s22] =	ssyncadd.s32 $0xFFFFF000  }
0xd6: {  	_ =	swait.ge [sflag:s22], $0x1000  }
0xd7: {  	[sflag:s22] =	ssyncset.done $0x0  }
0xd8: {  	[sflag:s22] =	ssyncadd.s32 $0xFFFFF000  }
0xd9: {  	_ =	swait.ge [sflag:s22], $0x1000  }
0xda: {  	[sflag:s22] =	ssyncset.done $0x0  }
0xdb: {  	s26 =	simm.s32 $0x280;
	[sflag:s22] =	ssyncadd.s32 $0xFFFFF000  }
0xdc: {  	[tilespmem:s11], [sflag:$0x1] =	stream.indirect.gather [hbm4b:s4+s16], $0x20, s26, s16, $0xb8;
	[tilespmem:$0x1F400] =	vst v63  }
0xdd: {  	s29 =	simm.s32 $0x300  }
0xde: {  	[tilespmem:s17], [sflag:$0x1] =	stream.indirect.gather [hbm4b:s4+s16], $0x20, s29, s16, $0xb8;
	[tilespmem:$0x1F400] =	vst v63  }
0xdf: {  	s30 =	simm.s32 $0x380  }
0xe0: {  	[tilespmem:s18], [sflag:$0x1] =	stream.indirect.gather [hbm4b:s4+s16], $0x20, s30, s16, $0xb8;
	[tilespmem:$0x1F400] =	vst v63  }
0xe1: {  	s26 =	simm.s32 $0x400  }
0xe2: {  	[tilespmem:s19], [sflag:$0x1] =	stream.indirect.gather [hbm4b:s4+s16], $0x20, s26, s16, $0xb8;
	[tilespmem:$0x1F400] =	vst v63  }
0xe3: {  	s29 =	simm.s32 $0x480  }
0xe4: {  	[tilespmem:s20], [sflag:$0x1] =	stream.indirect.gather [hbm4b:s4+s16], $0x20, s29, s16, $0xb8;
	[tilespmem:$0x1F400] =	vst v63  }
0xe5: {  	_ =	swait.ge [sflag:s21], $0x1000  }
0xe6: {  	[sflag:s21] =	ssyncset.done $0x0  }
0xe7: {  	[sflag:s21] =	ssyncadd.s32 $0xFFFFF000  }
0xe8: {  	_ =	swait.ge [sflag:s21], $0x1000  }
0xe9: {  	[sflag:s21] =	ssyncset.done $0x0  }
0xea: {  	[sflag:s21] =	ssyncadd.s32 $0xFFFFF000  }
0xeb: {  	_ =	swait.ge [sflag:s21], $0x1000  }
0xec: {  	[sflag:s21] =	ssyncset.done $0x0  }
0xed: {  	[sflag:s21] =	ssyncadd.s32 $0xFFFFF000  }
0xee: {  	_ =	swait.ge [sflag:s21], $0x1000  }
0xef: {  	[sflag:s21] =	ssyncset.done $0x0  }
0xf0: {  	[sflag:s21] =	ssyncadd.s32 $0xFFFFF000  }
0xf1: {  	_ =	swait.ge [sflag:s21], $0x1000  }
0xf2: {  	[sflag:s21] =	ssyncset.done $0x0  }
0xf3: {  	s30 =	simm.s32 $0xC80;
	[sflag:s21] =	ssyncadd.s32 $0xFFFFF000  }
0xf4: {  	[spmem:s2] =	stream.indirect.scatter.add.f32 [tilespmem:s11], [sflag:$0x2], $0x20, s30, s16, $0xb8;
	[tilespmem:$0x1F400] =	vst v63  }
0xf5: {  	s26 =	simm.s32 $0xD00  }
0xf6: {  	[spmem:s2] =	stream.indirect.scatter.add.f32 [tilespmem:s17], [sflag:$0x2], $0x20, s26, s16, $0xb8;
	[tilespmem:$0x1F400] =	vst v63  }
0xf7: {  	s29 =	simm.s32 $0xD80  }
0xf8: {  	[spmem:s2] =	stream.indirect.scatter.add.f32 [tilespmem:s18], [sflag:$0x2], $0x20, s29, s16, $0xb8;
	[tilespmem:$0x1F400] =	vst v63  }
0xf9: {  	s30 =	simm.s32 $0xE00  }
0xfa: {  	[spmem:s2] =	stream.indirect.scatter.add.f32 [tilespmem:s19], [sflag:$0x2], $0x20, s30, s16, $0xb8;
	[tilespmem:$0x1F400] =	vst v63  }
0xfb: {  	s26 =	simm.s32 $0xE80  }
0xfc: {  	[spmem:s2] =	stream.indirect.scatter.add.f32 [tilespmem:s20], [sflag:$0x2], $0x20, s26, s16, $0xb8;
	[tilespmem:$0x1F400] =	vst v63  }
0xfd: {  	_ =	swait.ge [sflag:s22], $0x1000  }
0xfe: {  	[sflag:s22] =	ssyncset.done $0x0  }
0xff: {  	[sflag:s22] =	ssyncadd.s32 $0xFFFFF000  }
0x100: {  	_ =	swait.ge [sflag:s22], $0x1000  }
0x101: {  	[sflag:s22] =	ssyncset.done $0x0  }
0x102: {  	[sflag:s22] =	ssyncadd.s32 $0xFFFFF000  }
0x103: {  	_ =	swait.ge [sflag:s22], $0x1000  }
0x104: {  	[sflag:s22] =	ssyncset.done $0x0  }
0x105: {  	[sflag:s22] =	ssyncadd.s32 $0xFFFFF000  }
0x106: {  	_ =	swait.ge [sflag:s22], $0x1000  }
0x107: {  	[sflag:s22] =	ssyncset.done $0x0  }
0x108: {  	[sflag:s22] =	ssyncadd.s32 $0xFFFFF000  }
0x109: {  	_ =	swait.ge [sflag:s22], $0x1000  }
0x10a: {  	[sflag:s22] =	ssyncset.done $0x0  }
0x10b: {  	s29 =	simm.s32 $0x500;
	[sflag:s22] =	ssyncadd.s32 $0xFFFFF000  }
0x10c: {  	[tilespmem:s11], [sflag:$0x1] =	stream.indirect.gather [hbm4b:s4+s16], $0x20, s29, s16, $0xb8;
	[tilespmem:$0x1F400] =	vst v63  }
0x10d: {  	s30 =	simm.s32 $0x580  }
0x10e: {  	[tilespmem:s17], [sflag:$0x1] =	stream.indirect.gather [hbm4b:s4+s16], $0x20, s30, s16, $0xb8;
	[tilespmem:$0x1F400] =	vst v63  }
0x10f: {  	s26 =	simm.s32 $0x600  }
0x110: {  	[tilespmem:s18], [sflag:$0x1] =	stream.indirect.gather [hbm4b:s4+s16], $0x20, s26, s16, $0xb8;
	[tilespmem:$0x1F400] =	vst v63  }
0x111: {  	s29 =	simm.s32 $0x680  }
0x112: {  	[tilespmem:s19], [sflag:$0x1] =	stream.indirect.gather [hbm4b:s4+s16], $0x20, s29, s16, $0xb8;
	[tilespmem:$0x1F400] =	vst v63  }
0x113: {  	s30 =	simm.s32 $0x700  }
0x114: {  	[tilespmem:s20], [sflag:$0x1] =	stream.indirect.gather [hbm4b:s4+s16], $0x20, s30, s16, $0xb8;
	[tilespmem:$0x1F400] =	vst v63  }
0x115: {  	_ =	swait.ge [sflag:s21], $0x1000  }
0x116: {  	[sflag:s21] =	ssyncset.done $0x0  }
0x117: {  	[sflag:s21] =	ssyncadd.s32 $0xFFFFF000  }
0x118: {  	_ =	swait.ge [sflag:s21], $0x1000  }
0x119: {  	[sflag:s21] =	ssyncset.done $0x0  }
0x11a: {  	[sflag:s21] =	ssyncadd.s32 $0xFFFFF000  }
0x11b: {  	_ =	swait.ge [sflag:s21], $0x1000  }
0x11c: {  	[sflag:s21] =	ssyncset.done $0x0  }
0x11d: {  	[sflag:s21] =	ssyncadd.s32 $0xFFFFF000  }
0x11e: {  	_ =	swait.ge [sflag:s21], $0x1000  }
0x11f: {  	[sflag:s21] =	ssyncset.done $0x0  }
0x120: {  	[sflag:s21] =	ssyncadd.s32 $0xFFFFF000  }
0x121: {  	_ =	swait.ge [sflag:s21], $0x1000  }
0x122: {  	[sflag:s21] =	ssyncset.done $0x0  }
0x123: {  	s26 =	simm.s32 $0xF00;
	[sflag:s21] =	ssyncadd.s32 $0xFFFFF000  }
0x124: {  	[spmem:s2] =	stream.indirect.scatter.add.f32 [tilespmem:s11], [sflag:$0x2], $0x20, s26, s16, $0xb8;
	[tilespmem:$0x1F400] =	vst v63  }
0x125: {  	s29 =	simm.s32 $0xF80  }
0x126: {  	[spmem:s2] =	stream.indirect.scatter.add.f32 [tilespmem:s17], [sflag:$0x2], $0x20, s29, s16, $0xb8;
	[tilespmem:$0x1F400] =	vst v63  }
0x127: {  	s30 =	simm.s32 $0x1000  }
0x128: {  	[spmem:s2] =	stream.indirect.scatter.add.f32 [tilespmem:s18], [sflag:$0x2], $0x20, s30, s16, $0xb8;
	[tilespmem:$0x1F400] =	vst v63  }
0x129: {  	s26 =	simm.s32 $0x1080  }
0x12a: {  	[spmem:s2] =	stream.indirect.scatter.add.f32 [tilespmem:s19], [sflag:$0x2], $0x20, s26, s16, $0xb8;
	[tilespmem:$0x1F400] =	vst v63  }
0x12b: {  	s29 =	simm.s32 $0x1100  }
0x12c: {  	[spmem:s2] =	stream.indirect.scatter.add.f32 [tilespmem:s20], [sflag:$0x2], $0x20, s29, s16, $0xb8;
	[tilespmem:$0x1F400] =	vst v63  }
0x12d: {  	_ =	swait.ge [sflag:s22], $0x1000  }
0x12e: {  	[sflag:s22] =	ssyncset.done $0x0  }
0x12f: {  	[sflag:s22] =	ssyncadd.s32 $0xFFFFF000  }
0x130: {  	_ =	swait.ge [sflag:s22], $0x1000  }
0x131: {  	[sflag:s22] =	ssyncset.done $0x0  }
0x132: {  	[sflag:s22] =	ssyncadd.s32 $0xFFFFF000  }
0x133: {  	_ =	swait.ge [sflag:s22], $0x1000  }
0x134: {  	[sflag:s22] =	ssyncset.done $0x0  }
0x135: {  	[sflag:s22] =	ssyncadd.s32 $0xFFFFF000  }
0x136: {  	_ =	swait.ge [sflag:s22], $0x1000  }
0x137: {  	[sflag:s22] =	ssyncset.done $0x0  }
0x138: {  	[sflag:s22] =	ssyncadd.s32 $0xFFFFF000  }
0x139: {  	_ =	swait.ge [sflag:s22], $0x1000  }
0x13a: {  	[sflag:s22] =	ssyncset.done $0x0  }
0x13b: {  	s30 =	simm.s32 $0x780;
	[sflag:s22] =	ssyncadd.s32 $0xFFFFF000  }
0x13c: {  	[tilespmem:s11], [sflag:$0x1] =	stream.indirect.gather [hbm4b:s4+s16], $0x20, s30, s16, $0xb8;
	[tilespmem:$0x1F400] =	vst v63  }
0x13d: {  	s26 =	simm.s32 $0x800  }
0x13e: {  	[tilespmem:s17], [sflag:$0x1] =	stream.indirect.gather [hbm4b:s4+s16], $0x20, s26, s16, $0xb8;
	[tilespmem:$0x1F400] =	vst v63  }
0x13f: {  	s29 =	simm.s32 $0x880  }
0x140: {  	[tilespmem:s18], [sflag:$0x1] =	stream.indirect.gather [hbm4b:s4+s16], $0x20, s29, s16, $0xb8;
	[tilespmem:$0x1F400] =	vst v63  }
0x141: {  	s30 =	simm.s32 $0x900  }
0x142: {  	[tilespmem:s19], [sflag:$0x1] =	stream.indirect.gather [hbm4b:s4+s16], $0x20, s30, s16, $0xb8;
	[tilespmem:$0x1F400] =	vst v63  }
0x143: {  	s26 =	simm.s32 $0x980  }
0x144: {  	[tilespmem:s20], [sflag:$0x1] =	stream.indirect.gather [hbm4b:s4+s16], $0x20, s26, s16, $0xb8;
	[tilespmem:$0x1F400] =	vst v63  }
0x145: {  	_ =	swait.ge [sflag:s21], $0x1000  }
0x146: {  	[sflag:s21] =	ssyncset.done $0x0  }
0x147: {  	[sflag:s21] =	ssyncadd.s32 $0xFFFFF000  }
0x148: {  	_ =	swait.ge [sflag:s21], $0x1000  }
0x149: {  	[sflag:s21] =	ssyncset.done $0x0  }
0x14a: {  	[sflag:s21] =	ssyncadd.s32 $0xFFFFF000  }
0x14b: {  	_ =	swait.ge [sflag:s21], $0x1000  }
0x14c: {  	[sflag:s21] =	ssyncset.done $0x0  }
0x14d: {  	[sflag:s21] =	ssyncadd.s32 $0xFFFFF000  }
0x14e: {  	_ =	swait.ge [sflag:s21], $0x1000  }
0x14f: {  	[sflag:s21] =	ssyncset.done $0x0  }
0x150: {  	[sflag:s21] =	ssyncadd.s32 $0xFFFFF000  }
0x151: {  	_ =	swait.ge [sflag:s21], $0x1000  }
0x152: {  	[sflag:s21] =	ssyncset.done $0x0  }
0x153: {  	s29 =	simm.s32 $0x1180;
	[sflag:s21] =	ssyncadd.s32 $0xFFFFF000  }
0x154: {  	[spmem:s2] =	stream.indirect.scatter.add.f32 [tilespmem:s11], [sflag:$0x2], $0x20, s29, s16, $0xb8;
	[tilespmem:$0x1F400] =	vst v63  }
0x155: {  	s30 =	simm.s32 $0x1200  }
0x156: {  	[spmem:s2] =	stream.indirect.scatter.add.f32 [tilespmem:s17], [sflag:$0x2], $0x20, s30, s16, $0xb8;
	[tilespmem:$0x1F400] =	vst v63  }
0x157: {  	s26 =	simm.s32 $0x1280  }
0x158: {  	[spmem:s2] =	stream.indirect.scatter.add.f32 [tilespmem:s18], [sflag:$0x2], $0x20, s26, s16, $0xb8;
	[tilespmem:$0x1F400] =	vst v63  }
0x159: {  	s29 =	simm.s32 $0x1300  }
0x15a: {  	[spmem:s2] =	stream.indirect.scatter.add.f32 [tilespmem:s19], [sflag:$0x2], $0x20, s29, s16, $0xb8;
	[tilespmem:$0x1F400] =	vst v63  }
0x15b: {  	s30 =	simm.s32 $0x1380  }
0x15c: {  	[spmem:s2] =	stream.indirect.scatter.add.f32 [tilespmem:s20], [sflag:$0x2], $0x20, s30, s16, $0xb8;
	[tilespmem:$0x1F400] =	vst v63  }
0x15d: {  	_ =	swait.ge [sflag:s22], $0x1000  }
0x15e: {  	[sflag:s22] =	ssyncset.done $0x0  }
0x15f: {  	[sflag:s22] =	ssyncadd.s32 $0xFFFFF000  }
0x160: {  	_ =	swait.ge [sflag:s22], $0x1000  }
0x161: {  	[sflag:s22] =	ssyncset.done $0x0  }
0x162: {  	[sflag:s22] =	ssyncadd.s32 $0xFFFFF000  }
0x163: {  	_ =	swait.ge [sflag:s22], $0x1000  }
0x164: {  	[sflag:s22] =	ssyncset.done $0x0  }
0x165: {  	[sflag:s22] =	ssyncadd.s32 $0xFFFFF000  }
0x166: {  	_ =	swait.ge [sflag:s22], $0x1000  }
0x167: {  	[sflag:s22] =	ssyncset.done $0x0  }
0x168: {  	[sflag:s22] =	ssyncadd.s32 $0xFFFFF000  }
0x169: {  	_ =	swait.ge [sflag:s22], $0x1000  }
0x16a: {  	[sflag:s22] =	ssyncset.done $0x0  }
0x16b: {  	[sflag:s22] =	ssyncadd.s32 $0xFFFFF000  }
0x16c: {  	s26 =	sadd.s32 $0xFFFFC000, s15;
	[bflag:$0x0] =	sbarrier.arrive $0xFFFF  }
0x16d: {  	[tilespmem:s11], [sflag:$0x3] =	stream.linear.gather [spmem:s26], $0x1000, $0x38;
	[tilespmem:$0x1F400] =	vst v63  }
0x16e: {  	s29 =	sadd.s32 $0xFFFFD000, s15  }
0x16f: {  	[tilespmem:s17], [sflag:$0x3] =	stream.linear.gather [spmem:s29], $0x1000, $0x38;
	[tilespmem:$0x1F400] =	vst v63  }
0x170: {  	s30 =	sadd.s32 $0xFFFFE000, s15  }
0x171: {  	[tilespmem:s18], [sflag:$0x3] =	stream.linear.gather [spmem:s30], $0x1000, $0x38;
	[tilespmem:$0x1F400] =	vst v63  }
0x172: {  	s26 =	sadd.s32 $0xFFFFF000, s15  }
0x173: {  	[tilespmem:s19], [sflag:$0x3] =	stream.linear.gather [spmem:s26], $0x1000, $0x38;
	[tilespmem:$0x1F400] =	vst v63  }
0x174: {  	_ = 	snop  }
0x175: {  	[tilespmem:s20], [sflag:$0x3] =	stream.linear.gather [spmem:s15], $0x1000, $0x38;
	[tilespmem:$0x1F400] =	vst v63  }
0x176: {  	_ =	swait.ge [sflag:s13], $0x1000  }
0x177: {  	[sflag:s13] =	ssyncset.done $0x0  }
0x178: {  	[sflag:s13] =	ssyncadd.s32 $0xFFFFF000  }
0x179: {  	_ =	swait.ge [sflag:s13], $0x1000  }
0x17a: {  	[sflag:s13] =	ssyncset.done $0x0  }
0x17b: {  	[sflag:s13] =	ssyncadd.s32 $0xFFFFF000  }
0x17c: {  	_ =	swait.ge [sflag:s13], $0x1000  }
0x17d: {  	[sflag:s13] =	ssyncset.done $0x0  }
0x17e: {  	[sflag:s13] =	ssyncadd.s32 $0xFFFFF000  }
0x17f: {  	_ =	swait.ge [sflag:s13], $0x1000  }
0x180: {  	[sflag:s13] =	ssyncset.done $0x0  }
0x181: {  	[sflag:s13] =	ssyncadd.s32 $0xFFFFF000  }
0x182: {  	_ =	swait.ge [sflag:s13], $0x1000  }
0x183: {  	[sflag:s13] =	ssyncset.done $0x0  }
0x184: {  	s25 =	sadd.s32 $0x0, s24;
	[sflag:s13] =	ssyncadd.s32 $0xFFFFF000  }
0x185: {  	[hbm4b:s25+s3] =	stream.linear.scatter [tilespmem:s11], [sflag:$0x3], $0x1000, $0x38;
	[tilespmem:$0x1F400] =	vst v63  }
0x186: {  	s26 =	sadd.s32 $0x200, s25  }
0x187: {  	[hbm4b:s26+s3] =	stream.linear.scatter [tilespmem:s17], [sflag:$0x3], $0x1000, $0x38;
	[tilespmem:$0x1F400] =	vst v63  }
0x188: {  	s29 =	sadd.s32 $0x400, s25  }
0x189: {  	[hbm4b:s29+s3] =	stream.linear.scatter [tilespmem:s18], [sflag:$0x3], $0x1000, $0x38;
	[tilespmem:$0x1F400] =	vst v63  }
0x18a: {  	s30 =	sadd.s32 $0x600, s25  }
0x18b: {  	[hbm4b:s30+s3] =	stream.linear.scatter [tilespmem:s19], [sflag:$0x3], $0x1000, $0x38;
	[tilespmem:$0x1F400] =	vst v63  }
0x18c: {  	s25 =	sadd.s32 $0x800, s25  }
0x18d: {  	[hbm4b:s25+s3] =	stream.linear.scatter [tilespmem:s20], [sflag:$0x3], $0x1000, $0x38;
	[tilespmem:$0x1F400] =	vst v63  }
0x18e: {  	_ =	swait.ge [sflag:s13], $0x1000  }
0x18f: {  	[sflag:s13] =	ssyncset.done $0x0  }
0x190: {  	[sflag:s13] =	ssyncadd.s32 $0xFFFFF000  }
0x191: {  	_ =	swait.ge [sflag:s13], $0x1000  }
0x192: {  	[sflag:s13] =	ssyncset.done $0x0  }
0x193: {  	[sflag:s13] =	ssyncadd.s32 $0xFFFFF000  }
0x194: {  	_ =	swait.ge [sflag:s13], $0x1000  }
0x195: {  	[sflag:s13] =	ssyncset.done $0x0  }
0x196: {  	[sflag:s13] =	ssyncadd.s32 $0xFFFFF000  }
0x197: {  	_ =	swait.ge [sflag:s13], $0x1000  }
0x198: {  	[sflag:s13] =	ssyncset.done $0x0  }
0x199: {  	[sflag:s13] =	ssyncadd.s32 $0xFFFFF000  }
0x19a: {  	s28 =	simm.s32 $0x1400;
	_ =	swait.ge [sflag:s13], $0x1000  }
0x19b: {  	s26 =	sadd.s32 $0x5000, s15;
	s25 =	simm.s32 $0xA00;
	[sflag:s13] =	ssyncset.done $0x0  }
.LBB2_2:
0x19c: {  	p0 =	sne.s32 s28, $0x2800;
	s29 =	sadd.s32 $0xFFFFC000, s26;
	[sflag:s13] =	ssyncadd.s32 $0xFFFFF000  }
0x19d: {  	[tilespmem:s11], [sflag:$0x3] =	stream.linear.gather [spmem:s29], $0x1000, $0x38;
	[tilespmem:$0x1F400] =	vst v63  }
0x19e: {  	s30 =	smov.u32 s28;
	s28 =	sadd.s32 $0xA00, s28;
	s29 =	sadd.s32 $0xFFFFD000, s26  }
0x19f: {  	[tilespmem:s17], [sflag:$0x3] =	stream.linear.gather [spmem:s29], $0x1000, $0x38;
	[tilespmem:$0x1F400] =	vst v63  }
0x1a0: {  	s29 =	sadd.s32 $0xFFFFE000, s26  }
0x1a1: {  	[tilespmem:s18], [sflag:$0x3] =	stream.linear.gather [spmem:s29], $0x1000, $0x38;
	[tilespmem:$0x1F400] =	vst v63  }
0x1a2: {  	s29 =	sadd.s32 $0xFFFFF000, s26  }
0x1a3: {  	[tilespmem:s19], [sflag:$0x3] =	stream.linear.gather [spmem:s29], $0x1000, $0x38;
	[tilespmem:$0x1F400] =	vst v63  }
0x1a4: {  	_ = 	snop  }
0x1a5: {  	[tilespmem:s20], [sflag:$0x3] =	stream.linear.gather [spmem:s26], $0x1000, $0x38;
	[tilespmem:$0x1F400] =	vst v63  }
0x1a6: {  	_ =	swait.ge [sflag:s13], $0x1000  }
0x1a7: {  	[sflag:s13] =	ssyncset.done $0x0  }
0x1a8: {  	[sflag:s13] =	ssyncadd.s32 $0xFFFFF000  }
0x1a9: {  	_ =	swait.ge [sflag:s13], $0x1000  }
0x1aa: {  	[sflag:s13] =	ssyncset.done $0x0  }
0x1ab: {  	[sflag:s13] =	ssyncadd.s32 $0xFFFFF000  }
0x1ac: {  	_ =	swait.ge [sflag:s13], $0x1000  }
0x1ad: {  	[sflag:s13] =	ssyncset.done $0x0  }
0x1ae: {  	[sflag:s13] =	ssyncadd.s32 $0xFFFFF000  }
0x1af: {  	_ =	swait.ge [sflag:s13], $0x1000  }
0x1b0: {  	[sflag:s13] =	ssyncset.done $0x0  }
0x1b1: {  	[sflag:s13] =	ssyncadd.s32 $0xFFFFF000  }
0x1b2: {  	_ =	swait.ge [sflag:s13], $0x1000  }
0x1b3: {  	[sflag:s13] =	ssyncset.done $0x0  }
0x1b4: {  	s29 =	sadd.s32 s25, s24;
	s25 =	smov.u32 s30;
	[sflag:s13] =	ssyncadd.s32 $0xFFFFF000  }
0x1b5: {  	[hbm4b:s29+s3] =	stream.linear.scatter [tilespmem:s11], [sflag:$0x3], $0x1000, $0x38;
	[tilespmem:$0x1F400] =	vst v63  }
0x1b6: {  	s30 =	sadd.s32 $0x200, s29  }
0x1b7: {  	[hbm4b:s30+s3] =	stream.linear.scatter [tilespmem:s17], [sflag:$0x3], $0x1000, $0x38;
	[tilespmem:$0x1F400] =	vst v63  }
0x1b8: {  	s30 =	sadd.s32 $0x400, s29  }
0x1b9: {  	[hbm4b:s30+s3] =	stream.linear.scatter [tilespmem:s18], [sflag:$0x3], $0x1000, $0x38;
	[tilespmem:$0x1F400] =	vst v63  }
0x1ba: {  	s30 =	sadd.s32 $0x600, s29  }
0x1bb: {  	[hbm4b:s30+s3] =	stream.linear.scatter [tilespmem:s19], [sflag:$0x3], $0x1000, $0x38;
	[tilespmem:$0x1F400] =	vst v63  }
0x1bc: {  	s29 =	sadd.s32 $0x800, s29  }
0x1bd: {  	[hbm4b:s29+s3] =	stream.linear.scatter [tilespmem:s20], [sflag:$0x3], $0x1000, $0x38;
	[tilespmem:$0x1F400] =	vst v63  }
0x1be: {  	_ =	swait.ge [sflag:s13], $0x1000  }
0x1bf: {  	[sflag:s13] =	ssyncset.done $0x0  }
0x1c0: {  	[sflag:s13] =	ssyncadd.s32 $0xFFFFF000  }
0x1c1: {  	_ =	swait.ge [sflag:s13], $0x1000  }
0x1c2: {  	[sflag:s13] =	ssyncset.done $0x0  }
0x1c3: {  	[sflag:s13] =	ssyncadd.s32 $0xFFFFF000  }
0x1c4: {  	_ =	swait.ge [sflag:s13], $0x1000  }
0x1c5: {  	[sflag:s13] =	ssyncset.done $0x0  }
0x1c6: {  	[sflag:s13] =	ssyncadd.s32 $0xFFFFF000  }
.Ltmp0:
0x1c7: {  	_ =	swait.ge [sflag:s13], $0x1000;
	(pc) =	sbr.rel @p0 .LBB2_2-.Ltmp0, $4  }
0x1c8: {  	[sflag:s13] =	ssyncset.done $0x0  }
0x1c9: {  	[sflag:s13] =	ssyncadd.s32 $0xFFFFF000  }
0x1ca: {  	_ =	swait.ge [sflag:s13], $0x1000  }
0x1cb: {  	s26 =	sadd.s32 $0x5000, s26;
	[sflag:s13] =	ssyncset.done $0x0  }
0x1cc: {  	s28 =	sadd.s32 $0xFFFFC000, s26;
	[sflag:s13] =	ssyncadd.s32 $0xFFFFF000  }
0x1cd: {  	[tilespmem:s11], [sflag:$0x3] =	stream.linear.gather [spmem:s28], $0x1000, $0x38;
	[tilespmem:$0x1F400] =	vst v63  }
0x1ce: {  	s30 =	sadd.s32 $0xFFFFD000, s26  }
0x1cf: {  	[tilespmem:s17], [sflag:$0x3] =	stream.linear.gather [spmem:s30], $0x1000, $0x38;
	[tilespmem:$0x1F400] =	vst v63  }
0x1d0: {  	s29 =	sadd.s32 $0xFFFFE000, s26  }
0x1d1: {  	[tilespmem:s18], [sflag:$0x3] =	stream.linear.gather [spmem:s29], $0x1000, $0x38;
	[tilespmem:$0x1F400] =	vst v63  }
0x1d2: {  	s30 =	sadd.s32 $0xFFFFF000, s26  }
0x1d3: {  	[tilespmem:s19], [sflag:$0x3] =	stream.linear.gather [spmem:s30], $0x1000, $0x38;
	[tilespmem:$0x1F400] =	vst v63  }
0x1d4: {  	_ = 	snop  }
0x1d5: {  	[tilespmem:s20], [sflag:$0x3] =	stream.linear.gather [spmem:s26], $0x1000, $0x38;
	[tilespmem:$0x1F400] =	vst v63  }
0x1d6: {  	_ =	swait.ge [sflag:s13], $0x1000  }
0x1d7: {  	[sflag:s13] =	ssyncset.done $0x0  }
0x1d8: {  	[sflag:s13] =	ssyncadd.s32 $0xFFFFF000  }
0x1d9: {  	_ =	swait.ge [sflag:s13], $0x1000  }
0x1da: {  	[sflag:s13] =	ssyncset.done $0x0  }
0x1db: {  	[sflag:s13] =	ssyncadd.s32 $0xFFFFF000  }
0x1dc: {  	_ =	swait.ge [sflag:s13], $0x1000  }
0x1dd: {  	[sflag:s13] =	ssyncset.done $0x0  }
0x1de: {  	[sflag:s13] =	ssyncadd.s32 $0xFFFFF000  }
0x1df: {  	_ =	swait.ge [sflag:s13], $0x1000  }
0x1e0: {  	[sflag:s13] =	ssyncset.done $0x0  }
0x1e1: {  	[sflag:s13] =	ssyncadd.s32 $0xFFFFF000  }
0x1e2: {  	_ =	swait.ge [sflag:s13], $0x1000  }
0x1e3: {  	[sflag:s13] =	ssyncset.done $0x0  }
0x1e4: {  	s25 =	sadd.s32 s25, s24;
	[sflag:s13] =	ssyncadd.s32 $0xFFFFF000  }
0x1e5: {  	[hbm4b:s25+s3] =	stream.linear.scatter [tilespmem:s11], [sflag:$0x3], $0x1000, $0x38;
	[tilespmem:$0x1F400] =	vst v63  }
0x1e6: {  	s29 =	sadd.s32 $0x200, s25  }
0x1e7: {  	[hbm4b:s29+s3] =	stream.linear.scatter [tilespmem:s17], [sflag:$0x3], $0x1000, $0x38;
	[tilespmem:$0x1F400] =	vst v63  }
0x1e8: {  	s30 =	sadd.s32 $0x400, s25  }
0x1e9: {  	[hbm4b:s30+s3] =	stream.linear.scatter [tilespmem:s18], [sflag:$0x3], $0x1000, $0x38;
	[tilespmem:$0x1F400] =	vst v63  }
0x1ea: {  	s28 =	sadd.s32 $0x600, s25  }
0x1eb: {  	[hbm4b:s28+s3] =	stream.linear.scatter [tilespmem:s19], [sflag:$0x3], $0x1000, $0x38;
	[tilespmem:$0x1F400] =	vst v63  }
0x1ec: {  	s25 =	sadd.s32 $0x800, s25  }
0x1ed: {  	[hbm4b:s25+s3] =	stream.linear.scatter [tilespmem:s20], [sflag:$0x3], $0x1000, $0x38;
	[tilespmem:$0x1F400] =	vst v63  }
0x1ee: {  	_ =	swait.ge [sflag:s13], $0x1000  }
0x1ef: {  	[sflag:s13] =	ssyncset.done $0x0  }
0x1f0: {  	[sflag:s13] =	ssyncadd.s32 $0xFFFFF000  }
0x1f1: {  	_ =	swait.ge [sflag:s13], $0x1000  }
0x1f2: {  	[sflag:s13] =	ssyncset.done $0x0  }
0x1f3: {  	[sflag:s13] =	ssyncadd.s32 $0xFFFFF000  }
0x1f4: {  	_ =	swait.ge [sflag:s13], $0x1000  }
0x1f5: {  	[sflag:s13] =	ssyncset.done $0x0  }
0x1f6: {  	[sflag:s13] =	ssyncadd.s32 $0xFFFFF000  }
0x1f7: {  	_ =	swait.ge [sflag:s13], $0x1000  }
0x1f8: {  	[sflag:s13] =	ssyncset.done $0x0  }
0x1f9: {  	[sflag:s13] =	ssyncadd.s32 $0xFFFFF000  }
0x1fa: {  	_ =	swait.ge [sflag:s13], $0x1000  }
0x1fb: {  	[sflag:s13] =	ssyncset.done $0x0  }
0x1fc: {  	[sflag:s13] =	ssyncadd.s32 $0xFFFFF000  }
0x1fd: {  	[tilespmem:s11], [sflag:$0x4] =	stream.linear.gather [spmem:s7], $0x1000, $0x38;
	[tilespmem:$0x1F400] =	vst v63  }
0x1fe: {  	_ =	swait.ge [sflag:s12], $0x1000  }
0x1ff: {  	[sflag:s12] =	ssyncset.done $0x0  }
0x200: {  	s29 =	rddreg [dreg:$0x6];
	[sflag:s12] =	ssyncadd.s32 $0xFFFFF000  }
0x201: {  	[hbm4b:s29+s3] =	stream.linear.scatter [tilespmem:s11], [sflag:$0x4], $0x1000, $0x38;
	[tilespmem:$0x1F400] =	vst v63  }
0x202: {  	_ =	swait.ge [sflag:s12], $0x1000  }
0x203: {  	s23 =	sadd.s32 $0x1, s23;
	s30 =	rddreg [dreg:$0x7]  }
0x204: {  	p0 =	sne.s32 s23, s30  }
.Ltmp1:
0x205: {  	_ = 	snop;
	(pc) =	sbr.rel @p0 .LBB2_1-.Ltmp1, $3  }
0x206: {  	_ =	sdelay $0x1  }
0x207: {  	[sflag:s12] =	ssyncset.done $0x0  }
0x208: {  	[sflag:s12] =	ssyncadd.s32 $0xFFFFF000  }
0x209: {  	_ =	sfence.sel $0x180000  }
0x20a: {  	[bflag:$0x0] =	sbarrier.arrive $0xFFFF  }
0x20b: {  	_ =	strace $0x90000047  }
0x20c: {  	s0 =	stileid.u32;
	[bflag:$0x2] =	sbarrier.arrive $0xFFFF  }
0x20d: {  	p0 =	sne.s32 s0, $0x0;
	s0 =	rddreg [dreg:$0x2]  }
0x20e: {  	s0 =	sadd.s32 @!p0 $0x100000, s0  }
0x20f: {  	[sflag:s0] =	ssyncadd.tile.s32 @!p0 $0x1;
	_ =	shalt  }
.Lfunc_end2:
_tile_overlayer_lowered:
.L_overlay_start_2:
0x210: {  	(tag) =	ssettag $0x2  }
0x211: {  	s0 =	rddreg [dreg:$0x0];
	s2 =	stileid.u32  }
0x212: {  	s1 =	rddreg [dreg:$0x1];
	p0 =	sne.s32 s2, $0x0  }
0x213: {  	s3 =	rddreg [dreg:$0x2];
	[bflag:$0x3] =	sbarrier.arrive $0xFFFF;
	s2 =	simm.s32 @!p0 $0x1C04  }
0x214: {  	[timem:s3], [sflag:s2] =	dma.local @!p0 [hbm:s0], s1  }
0x215: {  	s0 =	simm.s32 @!p0 $0x4  }
0x216: {  	_ =	swait.ge @!p0 [sflag:s0], s1  }
0x217: {  	s1 =	ssub.s32 @!p0 $0x0, s1;
	[sflag:s0] =	ssyncset.done @!p0 $0x0  }
0x218: {  	[sflag:s0] =	ssyncadd.s32 @!p0 s1  }
0x219: {  	[bflag:$0x3] =	sbarrier.arrive $0xFFFF  }
0x21a: {  	_ =	shalt  }

</sc_bundles>
